<compile_context>
chip_gen: v7x
topology: tpu7x:2x2x1
jax: 0.10.2.dev20260603
libtpu: 0.0.44.dev20260713+nightly
codegen_flags: <defaults>
</compile_context>

<pallas_src>
import functools

import jax
import jax.numpy as jnp
from jax import lax
from jax.experimental import pallas as pl
from jax.experimental.pallas import tpu as pltpu
from jax.experimental.pallas import tpu_sc as plsc

N = 10000
NG = 64
NGT = 2 * NG
DIN = 128
DH = 64
DE = 32
E = 320000

NPAD = 10240
NSUB = 16
RSUBP = NPAD // NSUB
DGW = 16
C = 128
W = 32
NCH = ((-(-E // (NSUB * C)) + W - 1) // W) * W
NWIN = NCH // W
EPP = NSUB * C * NCH

RB = 1280
GPG = NPAD // RB
GRID = 2 * GPG

_SC_PARAMS = pltpu.CompilerParams(use_tc_tiling_on_sc=False)


def _sc_mesh():
    return plsc.VectorSubcoreMesh(core_axis_name="c", subcore_axis_name="s",
                                  num_cores=2, num_subcores=NSUB)

_HI = jax.lax.Precision.HIGHEST


def _mm(a, b):
    return jax.lax.dot_general(a, b, (((1,), (0,)), ((), ())),
                               precision=_HI,
                               preferred_element_type=jnp.float32)


def _bspec(d):
    return pl.BlockSpec((1, RB, d), lambda i: (i // GPG, i % GPG, 0))



def _deg_call(dst_w, zeros_pg, ones_c):

    @functools.partial(
        pl.kernel,
        out_type=jax.ShapeDtypeStruct((2, NPAD, DGW), jnp.float32),
        mesh=_sc_mesh(),
        compiler_params=_SC_PARAMS,
        scratch_types=[
            pltpu.VMEM((NCH, C), jnp.int32),
            pltpu.VMEM((C, DGW), jnp.float32),
            pltpu.SemaphoreType.DMA,
            pltpu.VMEM_SHARED((NPAD, DGW), jnp.float32),
        ],
    )
    def deg_kernel(dst_hbm, zero_hbm, one_hbm, out_hbm, idx_v, ones_v, ssem,
                   acc_sh):
        cid = lax.axis_index("c")
        sid = lax.axis_index("s")
        r0 = sid * RSUBP
        pltpu.sync_copy(zero_hbm.at[pl.ds(r0, RSUBP)],
                        acc_sh.at[pl.ds(r0, RSUBP)])
        pltpu.sync_copy(one_hbm, ones_v)
        pltpu.sync_copy(dst_hbm.at[cid, sid], idx_v)
        plsc.subcore_barrier()

        @pl.loop(0, NCH)
        def _(j):
            pltpu.async_copy(ones_v, acc_sh.at[idx_v.at[j]], ssem, add=True)

            @pl.when(j >= 8)
            def _():
                pltpu.make_async_copy(ones_v, acc_sh.at[idx_v.at[0]],
                                      ssem).wait()

        @pl.loop(0, 8)
        def _(j):
            pltpu.make_async_copy(ones_v, acc_sh.at[idx_v.at[0]], ssem).wait()

        plsc.subcore_barrier()
        pltpu.sync_copy(acc_sh.at[pl.ds(r0, RSUBP)],
                        out_hbm.at[cid, pl.ds(r0, RSUBP)])

    return deg_kernel(dst_w, zeros_pg, ones_c)


def _edge_call(hp, src_w, dst_w, d):

    @functools.partial(
        pl.kernel,
        out_type=jax.ShapeDtypeStruct((2, NPAD, d), jnp.float32),
        mesh=_sc_mesh(),
        compiler_params=_SC_PARAMS,
        scratch_types=[
            pltpu.VMEM((NCH, C), jnp.int32),
            pltpu.VMEM((NCH, C), jnp.int32),
            pltpu.VMEM((C, d), jnp.float32),
            pltpu.VMEM((C, d), jnp.float32),
            pltpu.VMEM((C, d), jnp.float32),
            pltpu.VMEM((C, d), jnp.float32),
            pltpu.VMEM((C, d), jnp.float32),
            pltpu.SemaphoreType.DMA,
            pltpu.SemaphoreType.DMA,
            pltpu.SemaphoreType.DMA,
            pltpu.SemaphoreType.DMA,
            pltpu.SemaphoreType.DMA,
            pltpu.SemaphoreType.DMA,
            pltpu.SemaphoreType.DMA,
            pltpu.SemaphoreType.DMA,
            pltpu.SemaphoreType.DMA,
            pltpu.SemaphoreType.DMA,
            pltpu.SemaphoreType.DMA,
            pltpu.VMEM_SHARED((NPAD, d), jnp.float32),
        ],
    )
    def edge_kernel(hp_hbm, src_hbm, dst_hbm, out_hbm,
                    srcI, dstI, buf0, buf1, buf2, buf3, buf4,
                    gs0, gs1, gs2, gs3, gs4, ss0, ss1, ss2, ss3, ss4,
                    isem, acc_sh):
        cid = lax.axis_index("c")
        sid = lax.axis_index("s")
        r0 = sid * RSUBP
        hp_g = hp_hbm.at[cid]
        bufs = (buf0, buf1, buf2, buf3, buf4)
        gsems = (gs0, gs1, gs2, gs3, gs4)
        ssems = (ss0, ss1, ss2, ss3, ss4)

        def fire_g(c, s):
            pltpu.async_copy(hp_g.at[srcI.at[c]], bufs[s], gsems[s])

        def wait_g(s):
            pltpu.make_async_copy(hp_g.at[srcI.at[0]], bufs[s],
                                  gsems[s]).wait()

        def fire_s(c, s):
            pltpu.async_copy(bufs[s], acc_sh.at[dstI.at[c]], ssems[s],
                             add=True)

        def wait_s(s):
            pltpu.make_async_copy(bufs[s], acc_sh.at[dstI.at[0]],
                                  ssems[s]).wait()

        pltpu.async_copy(src_hbm.at[cid, sid], srcI, isem)
        pltpu.async_copy(dst_hbm.at[cid, sid], dstI, isem)
        pltpu.sync_copy(hp_g.at[pl.ds(r0, RSUBP)], acc_sh.at[pl.ds(r0, RSUBP)])
        pltpu.make_async_copy(src_hbm.at[cid, sid], srcI, isem).wait()
        pltpu.make_async_copy(src_hbm.at[cid, sid], dstI, isem).wait()
        plsc.subcore_barrier()

        fire_g(0, 0)
        fire_g(1, 1)
        fire_g(2, 2)

        @pl.loop(0, NCH, step=5)
        def _(c):
            for s in range(5):
                nc = c + s + 3
                ns = (s + 3) % 5

                @pl.when(nc < NCH)
                def _():
                    @pl.when(nc >= 5)
                    def _():
                        wait_s(ns)

                    fire_g(nc, ns)

                wait_g(s)
                fire_s(c + s, s)

        for s in range(5):
            wait_s(s)

        plsc.subcore_barrier()
        pltpu.sync_copy(acc_sh.at[pl.ds(r0, RSUBP)],
                        out_hbm.at[cid, pl.ds(r0, RSUBP)])

    return edge_kernel(hp, src_w, dst_w)



def _mm1_body(x_ref, w_ref, mm_ref):
    mm_ref[0] = _mm(x_ref[0], w_ref[...])


def _mm1(xst, w1):
    return pl.pallas_call(
        _mm1_body,
        grid=(GRID,),
        in_specs=[
            _bspec(DIN),
            pl.BlockSpec((DIN, DH), lambda i: (0, 0)),
        ],
        out_specs=_bspec(DH),
        out_shape=jax.ShapeDtypeStruct((2, NPAD, DH), jnp.float32),
    )(xst, w1)


def _scale_body(mm_ref, degp_ref, hp_ref, dinv_ref):
    deg = degp_ref[0] + 1.0
    dinv = jax.lax.rsqrt(deg)
    hp_ref[0] = mm_ref[0] * dinv
    dinv_ref[0] = dinv


def _scale(mm1, degp):
    return pl.pallas_call(
        _scale_body,
        grid=(GRID,),
        in_specs=[_bspec(DH), _bspec(1)],
        out_specs=[_bspec(DH), _bspec(1)],
        out_shape=[
            jax.ShapeDtypeStruct((2, NPAD, DH), jnp.float32),
            jax.ShapeDtypeStruct((2, NPAD, 1), jnp.float32),
        ],
    )(mm1, degp)


def _mid_body(part_ref, dinv_ref, b_ref, w_ref, out_ref):
    dinv = dinv_ref[0]
    a = jnp.maximum(dinv * part_ref[0] + b_ref[...], 0.0)
    out_ref[0] = _mm(a, w_ref[...]) * dinv


def _mid_layer(part, dinv, b_row, w, d_in, d_out):
    return pl.pallas_call(
        _mid_body,
        grid=(GRID,),
        in_specs=[
            _bspec(d_in),
            _bspec(1),
            pl.BlockSpec((1, d_in), lambda i: (0, 0)),
            pl.BlockSpec((d_in, d_out), lambda i: (0, 0)),
        ],
        out_specs=_bspec(d_out),
        out_shape=jax.ShapeDtypeStruct((2, NPAD, d_out), jnp.float32),
    )(part, dinv, b_row, w)


def _pool_body(part_ref, dinv_ref, b_ref, batch_ref, sums_ref, cnts_ref):
    i = pl.program_id(0)

    @pl.when(i == 0)
    def _():
        sums_ref[...] = jnp.zeros_like(sums_ref)
        cnts_ref[...] = jnp.zeros_like(cnts_ref)

    h = dinv_ref[0] * part_ref[0] + b_ref[...]
    gid = jax.lax.broadcasted_iota(jnp.int32, (1, NGT), 1)
    oh = (batch_ref[0] == gid).astype(jnp.float32)
    sums_ref[...] += jax.lax.dot_general(
        oh, h, (((0,), (0,)), ((), ())),
        precision=_HI, preferred_element_type=jnp.float32)
    cnts_ref[...] += jnp.sum(oh, axis=0)[:, None]


def _pool_layer(part, dinv, b_row, batch_st):
    return pl.pallas_call(
        _pool_body,
        grid=(GRID,),
        in_specs=[
            _bspec(DE),
            _bspec(1),
            pl.BlockSpec((1, DE), lambda i: (0, 0)),
            _bspec(1),
        ],
        out_specs=[
            pl.BlockSpec((NGT, DE), lambda i: (0, 0)),
            pl.BlockSpec((NGT, 1), lambda i: (0, 0)),
        ],
        out_shape=[
            jax.ShapeDtypeStruct((NGT, DE), jnp.float32),
            jax.ShapeDtypeStruct((NGT, 1), jnp.float32),
        ],
    )(part, dinv, b_row, batch_st)


def _head_body(sums_ref, cnts_ref, comp_ref, wc_ref, bc_ref,
               wa_ref, wb_ref, wcf_ref, bf1_ref, wf2_ref, bf2_ref,
               wf3_ref, bf3_ref, out_ref):
    emb = sums_ref[...] / jnp.maximum(cnts_ref[...], 1.0)
    e1 = emb[:NG]
    e2 = emb[NG:]
    cf = jnp.maximum(_mm(comp_ref[...], wc_ref[...]) + bc_ref[...], 0.0)
    z = _mm(e1, wa_ref[...]) + _mm(e2, wb_ref[...]) + _mm(cf, wcf_ref[...])
    z = jnp.maximum(z + bf1_ref[...], 0.0)
    z = jnp.maximum(_mm(z, wf2_ref[...]) + bf2_ref[...], 0.0)
    z = _mm(z, wf3_ref[...]) + bf3_ref[...]
    out_ref[...] = jax.nn.sigmoid(z)


def _head(sums, cnts, comp, wc, bc, wa, wb, wcf, bf1, wf2, bf2, wf3, bf3):
    return pl.pallas_call(
        _head_body,
        out_shape=jax.ShapeDtypeStruct((NG, 1), jnp.float32),
    )(sums, cnts, comp, wc, bc, wa, wb, wcf, bf1, wf2, bf2, wf3, bf3)



def kernel(x1, x2, comp_features, edge_index1, edge_index2, batch1, batch2,
           W1, b1, W2, b2, W3, b3, Wc, bc, Wf1, bf1, Wf2, bf2, Wf3, bf3):
    f32 = jnp.float32
    i32 = jnp.int32

    epad = N + (jnp.arange(EPP - E, dtype=i32) % (NPAD - N))

    def prep(e):
        return jnp.concatenate([e, epad]).reshape(NSUB, NCH, C)

    src_w = jnp.stack([prep(edge_index1[0]), prep(edge_index2[0])])
    dst_w = jnp.stack([prep(edge_index1[1]), prep(edge_index2[1])])

    zeros_pg = jnp.zeros((NPAD, DGW), f32)
    ones_c = jnp.ones((C, DGW), f32)
    degp = _deg_call(dst_w, zeros_pg, ones_c)[:, :, :1]

    zrows = jnp.zeros((NPAD - N, DIN), f32)
    xst = jnp.stack([jnp.concatenate([x1, zrows]),
                     jnp.concatenate([x2, zrows])])
    mm1 = _mm1(xst, W1)

    bpad = jnp.full((NPAD - N,), NGT + 7, i32)
    batch_st = jnp.stack([jnp.concatenate([batch1, bpad]),
                          jnp.concatenate([batch2 + NG, bpad])])
    batch_st = batch_st.reshape(2, NPAD, 1)

    hp1, dinv = _scale(mm1, degp)
    p1 = _edge_call(hp1, src_w, dst_w, DH)
    hp2 = _mid_layer(p1, dinv, b1.reshape(1, DH), W2, DH, DH)
    p2 = _edge_call(hp2, src_w, dst_w, DH)
    hp3 = _mid_layer(p2, dinv, b2.reshape(1, DH), W3, DH, DE)
    p3 = _edge_call(hp3, src_w, dst_w, DE)
    sums, cnts = _pool_layer(p3, dinv, b3.reshape(1, DE), batch_st)

    return _head(sums, cnts, comp_features,
                 Wc, bc.reshape(1, 16),
                 Wf1[:DE], Wf1[DE:2 * DE], Wf1[2 * DE:],
                 bf1.reshape(1, DH), Wf2, bf2.reshape(1, 32),
                 Wf3, bf3.reshape(1, 1))

# --- scband reference (transcript-rebuilt; emitter-appended) ---
"""Pipeline reference for scband-siamese-gnn-4750233830189 (READ-ONLY COPY).

The authoritative reference and input builder live on the scoring server;
editing this copy changes nothing except your own understanding.
"""

import jax, jax.numpy as jnp
import numpy as np

N = 10000
E = 320000
DIN = 128
DH = 64
DE = 32
NG = 64


def setup_inputs(seed: int = 0) -> dict:
    key = jax.random.key(seed)
    ks = jax.random.split(key, 24)
    inp = {}
    inp["x1"] = jax.random.normal(ks[0], (N, DIN), dtype=jnp.float32)
    inp["x2"] = jax.random.normal(ks[1], (N, DIN), dtype=jnp.float32)
    inp["comp_features"] = jax.random.normal(ks[2], (NG, 5), dtype=jnp.float32)
    inp["edge_index1"] = jax.random.randint(ks[3], (2, E), 0, N, dtype=jnp.int32)
    inp["edge_index2"] = jax.random.randint(ks[4], (2, E), 0, N, dtype=jnp.int32)
    inp["batch1"] = jnp.sort(jax.random.randint(ks[5], (N,), 0, NG, dtype=jnp.int32))
    inp["batch2"] = jnp.sort(jax.random.randint(ks[6], (N,), 0, NG, dtype=jnp.int32))
    # shared (Siamese) GCN encoder weights
    inp["W1"] = jax.random.normal(ks[7], (DIN, DH), dtype=jnp.float32) * 0.05
    inp["b1"] = jnp.zeros((DH,), dtype=jnp.float32)
    inp["W2"] = jax.random.normal(ks[8], (DH, DH), dtype=jnp.float32) * 0.05
    inp["b2"] = jnp.zeros((DH,), dtype=jnp.float32)
    inp["W3"] = jax.random.normal(ks[9], (DH, DE), dtype=jnp.float32) * 0.05
    inp["b3"] = jnp.zeros((DE,), dtype=jnp.float32)
    # comparison feature fc (5 -> 16)
    inp["Wc"] = jax.random.normal(ks[10], (5, 16), dtype=jnp.float32) * 0.1
    inp["bc"] = jnp.zeros((16,), dtype=jnp.float32)
    # head: combined_dim = 32*2 + 16 = 80
    inp["Wf1"] = jax.random.normal(ks[11], (DE * 2 + 16, DH), dtype=jnp.float32) * 0.05
    inp["bf1"] = jnp.zeros((DH,), dtype=jnp.float32)
    inp["Wf2"] = jax.random.normal(ks[12], (DH, 32), dtype=jnp.float32) * 0.05
    inp["bf2"] = jnp.zeros((32,), dtype=jnp.float32)
    inp["Wf3"] = jax.random.normal(ks[13], (32, 1), dtype=jnp.float32) * 0.05
    inp["bf3"] = jnp.zeros((1,), dtype=jnp.float32)
    return inp


def _gcn_conv(x, edge_index, W, b):
    # GCNConv: add self-loops, symmetric degree normalization, scatter-add aggregation
    n = x.shape[0]
    loop = jnp.arange(n, dtype=edge_index.dtype)
    src = jnp.concatenate([edge_index[0], loop])
    dst = jnp.concatenate([edge_index[1], loop])
    deg = jnp.zeros((n,), x.dtype).at[dst].add(1.0)
    dinv = jax.lax.rsqrt(jnp.maximum(deg, 1.0))
    norm = dinv[src] * dinv[dst]
    h = x @ W
    msg = h[src] * norm[:, None]
    out = jnp.zeros((n, W.shape[1]), x.dtype).at[dst].add(msg)
    return out + b


def _global_mean_pool(h, batch):
    s = jax.ops.segment_sum(h, batch, num_segments=NG)
    c = jax.ops.segment_sum(jnp.ones((h.shape[0],), h.dtype), batch, num_segments=NG)
    return s / jnp.maximum(c, 1.0)[:, None]


def _encoder(x, edge_index, batch, W1, b1, W2, b2, W3, b3):
    h = jax.nn.relu(_gcn_conv(x, edge_index, W1, b1))
    # dropout p=0.1 is identity in eval mode
    h = jax.nn.relu(_gcn_conv(h, edge_index, W2, b2))
    h = _gcn_conv(h, edge_index, W3, b3)
    return _global_mean_pool(h, batch)


def reference(x1, x2, comp_features, edge_index1, edge_index2, batch1, batch2,
              W1, b1, W2, b2, W3, b3, Wc, bc, Wf1, bf1, Wf2, bf2, Wf3, bf3):
    emb1 = _encoder(x1, edge_index1, batch1, W1, b1, W2, b2, W3, b3)
    emb2 = _encoder(x2, edge_index2, batch2, W1, b1, W2, b2, W3, b3)
    comp = jax.nn.relu(comp_features @ Wc + bc)
    z = jnp.concatenate([emb1, emb2, comp], axis=1)
    z = jax.nn.relu(z @ Wf1 + bf1)
    z = jax.nn.relu(z @ Wf2 + bf2)
    z = z @ Wf3 + bf3
    return jax.nn.sigmoid(z)

if __name__ == "__main__":
    import jax
    _d = setup_inputs()
    print(jax.jit(kernel)(*tuple(_d.values())))

</pallas_src>

<mosaic_0001>
#map = affine_map<(d0, d1) -> (0, 0, 0)>
#map1 = affine_map<(d0, d1) -> (0, 0, 0, 0)>
module attributes {stable_mosaic.version = 14 : i64} {
  func.func @edge_kernel(%arg0: i32, %arg1: i32, %arg2: memref<2x10240x64xf32, #tpu.memory_space<hbm>>, %arg3: memref<2x16x160x128xi32, #tpu.memory_space<hbm>>, %arg4: memref<2x16x160x128xi32, #tpu.memory_space<hbm>>, %arg5: memref<2x10240x64xf32, #tpu.memory_space<hbm>>, %arg6: memref<160x128xi32, #tpu.memory_space<vmem>>, %arg7: memref<160x128xi32, #tpu.memory_space<vmem>>, %arg8: memref<128x64xf32, #tpu.memory_space<vmem>>, %arg9: memref<128x64xf32, #tpu.memory_space<vmem>>, %arg10: memref<128x64xf32, #tpu.memory_space<vmem>>, %arg11: memref<128x64xf32, #tpu.memory_space<vmem>>, %arg12: memref<128x64xf32, #tpu.memory_space<vmem>>, %arg13: memref<!tpu.dma_semaphore, #tpu.memory_space<semaphore_mem>>, %arg14: memref<!tpu.dma_semaphore, #tpu.memory_space<semaphore_mem>>, %arg15: memref<!tpu.dma_semaphore, #tpu.memory_space<semaphore_mem>>, %arg16: memref<!tpu.dma_semaphore, #tpu.memory_space<semaphore_mem>>, %arg17: memref<!tpu.dma_semaphore, #tpu.memory_space<semaphore_mem>>, %arg18: memref<!tpu.dma_semaphore, #tpu.memory_space<semaphore_mem>>, %arg19: memref<!tpu.dma_semaphore, #tpu.memory_space<semaphore_mem>>, %arg20: memref<!tpu.dma_semaphore, #tpu.memory_space<semaphore_mem>>, %arg21: memref<!tpu.dma_semaphore, #tpu.memory_space<semaphore_mem>>, %arg22: memref<!tpu.dma_semaphore, #tpu.memory_space<semaphore_mem>>, %arg23: memref<!tpu.dma_semaphore, #tpu.memory_space<semaphore_mem>>, %arg24: memref<10240x64xf32, #tpu.memory_space<vmem_shared>>) attributes {dimension_semantics = [#tpu.dimension_semantics<core_parallel>, #tpu.dimension_semantics<subcore_parallel>], iteration_bounds = array<i64: 2, 16>, scalar_prefetch = 0 : i64, scratch_operands = 19 : i64, tpu.core_type = #tpu.core_type<sc_vector_subcore>, window_params = [{transform_indices = #map}, {transform_indices = #map1}, {transform_indices = #map1}, {transform_indices = #map}]} {
    %mul3A = arith.constant 640 : i32
    %mul3A_0 = arith.muli %arg1, %mul3A : i32
    %dma_start3A = arith.constant 0 : i32
    %dma_start3A_1 = arith.constant 0 : i32
    %dma_start3A_2 = tpu.memref_slice %arg3[%arg0, %arg1, %dma_start3A, %dma_start3A_1] : memref<2x16x160x128xi32, #tpu.memory_space<hbm>> -> memref<1x1x160x128xi32, #tpu.memory_space<hbm>>
    %dma_start3A_3 = tpu.memref_squeeze %dma_start3A_2 : memref<1x1x160x128xi32, #tpu.memory_space<hbm>> -> memref<160x128xi32, #tpu.memory_space<hbm>>
    %dma_start3A_4 = arith.constant 0 : i32
    %dma_start3A_5 = arith.constant 0 : i32
    %dma_start3A_6 = tpu.memref_slice %arg3[%arg0, %arg1, %dma_start3A_4, %dma_start3A_5] : memref<2x16x160x128xi32, #tpu.memory_space<hbm>> -> memref<1x1x160x128xi32, #tpu.memory_space<hbm>>
    %dma_start3A_7 = tpu.memref_squeeze %dma_start3A_6 : memref<1x1x160x128xi32, #tpu.memory_space<hbm>> -> memref<160x128xi32, #tpu.memory_space<hbm>>
    tpu.enqueue_dma source(%dma_start3A_7 : memref<160x128xi32, #tpu.memory_space<hbm>>) target(%arg6 : memref<160x128xi32, #tpu.memory_space<vmem>>) target_semaphore(%arg23 : memref<!tpu.dma_semaphore, #tpu.memory_space<semaphore_mem>>)
    %dma_start3A_8 = arith.constant 0 : i32
    %dma_start3A_9 = arith.constant 0 : i32
    %dma_start3A_10 = tpu.memref_slice %arg4[%arg0, %arg1, %dma_start3A_8, %dma_start3A_9] : memref<2x16x160x128xi32, #tpu.memory_space<hbm>> -> memref<1x1x160x128xi32, #tpu.memory_space<hbm>>
    %dma_start3A_11 = tpu.memref_squeeze %dma_start3A_10 : memref<1x1x160x128xi32, #tpu.memory_space<hbm>> -> memref<160x128xi32, #tpu.memory_space<hbm>>
    %dma_start3A_12 = arith.constant 0 : i32
    %dma_start3A_13 = arith.constant 0 : i32
    %dma_start3A_14 = tpu.memref_slice %arg4[%arg0, %arg1, %dma_start3A_12, %dma_start3A_13] : memref<2x16x160x128xi32, #tpu.memory_space<hbm>> -> memref<1x1x160x128xi32, #tpu.memory_space<hbm>>
    %dma_start3A_15 = tpu.memref_squeeze %dma_start3A_14 : memref<1x1x160x128xi32, #tpu.memory_space<hbm>> -> memref<160x128xi32, #tpu.memory_space<hbm>>
    tpu.enqueue_dma source(%dma_start3A_15 : memref<160x128xi32, #tpu.memory_space<hbm>>) target(%arg7 : memref<160x128xi32, #tpu.memory_space<vmem>>) target_semaphore(%arg23 : memref<!tpu.dma_semaphore, #tpu.memory_space<semaphore_mem>>)
    "tpu.region"() ({
      %run_scoped3A = tpu.sem_alloc : memref<!tpu.dma_semaphore, #tpu.memory_space<semaphore_mem>>
      %dma_start3A_104 = arith.constant 0 : i32
      %dma_start3A_105 = tpu.memref_slice %arg24[%mul3A_0, %dma_start3A_104] : memref<10240x64xf32, #tpu.memory_space<vmem_shared>> -> memref<640x64xf32, #tpu.memory_space<vmem_shared>>
      %dma_start3A_106 = arith.constant 0 : i32
      %dma_start3A_107 = arith.constant 0 : i32
      %dma_start3A_108 = tpu.memref_slice %arg2[%arg0, %dma_start3A_106, %dma_start3A_107] : memref<2x10240x64xf32, #tpu.memory_space<hbm>> -> memref<1x10240x64xf32, #tpu.memory_space<hbm>>
      %dma_start3A_109 = tpu.memref_squeeze %dma_start3A_108 : memref<1x10240x64xf32, #tpu.memory_space<hbm>> -> memref<10240x64xf32, #tpu.memory_space<hbm>>
      %dma_start3A_110 = arith.constant 0 : i32
      %dma_start3A_111 = tpu.memref_slice %dma_start3A_109[%mul3A_0, %dma_start3A_110] : memref<10240x64xf32, #tpu.memory_space<hbm>> -> memref<640x64xf32, #tpu.memory_space<hbm>>
      tpu.enqueue_dma source(%dma_start3A_111 : memref<640x64xf32, #tpu.memory_space<hbm>>) target(%dma_start3A_105 : memref<640x64xf32, #tpu.memory_space<vmem_shared>>) target_semaphore(%run_scoped3A : memref<!tpu.dma_semaphore, #tpu.memory_space<semaphore_mem>>)
      %dma_wait3A_112 = arith.constant 0 : i32
      %dma_wait3A_113 = tpu.memref_slice %arg24[%mul3A_0, %dma_wait3A_112] : memref<10240x64xf32, #tpu.memory_space<vmem_shared>> -> memref<640x64xf32, #tpu.memory_space<vmem_shared>>
      %dma_wait3A_114 = arith.constant 0 : i32
      %dma_wait3A_115 = arith.constant 0 : i32
      %dma_wait3A_116 = tpu.memref_slice %arg2[%arg0, %dma_wait3A_114, %dma_wait3A_115] : memref<2x10240x64xf32, #tpu.memory_space<hbm>> -> memref<1x10240x64xf32, #tpu.memory_space<hbm>>
      %dma_wait3A_117 = tpu.memref_squeeze %dma_wait3A_116 : memref<1x10240x64xf32, #tpu.memory_space<hbm>> -> memref<10240x64xf32, #tpu.memory_space<hbm>>
      %dma_wait3A_118 = arith.constant 0 : i32
      %dma_wait3A_119 = tpu.memref_slice %dma_wait3A_117[%mul3A_0, %dma_wait3A_118] : memref<10240x64xf32, #tpu.memory_space<hbm>> -> memref<640x64xf32, #tpu.memory_space<hbm>>
      tpu.wait_dma2 semaphore(%run_scoped3A : memref<!tpu.dma_semaphore, #tpu.memory_space<semaphore_mem>>) src(%dma_wait3A_119 : memref<640x64xf32, #tpu.memory_space<hbm>>) dst(%dma_wait3A_113 : memref<640x64xf32, #tpu.memory_space<vmem_shared>>)
      tpu.yield
    }) : () -> ()
    %dma_wait3A = arith.constant 0 : i32
    %dma_wait3A_16 = arith.constant 0 : i32
    %dma_wait3A_17 = tpu.memref_slice %arg3[%arg0, %arg1, %dma_wait3A, %dma_wait3A_16] : memref<2x16x160x128xi32, #tpu.memory_space<hbm>> -> memref<1x1x160x128xi32, #tpu.memory_space<hbm>>
    %dma_wait3A_18 = tpu.memref_squeeze %dma_wait3A_17 : memref<1x1x160x128xi32, #tpu.memory_space<hbm>> -> memref<160x128xi32, #tpu.memory_space<hbm>>
    %dma_wait3A_19 = arith.constant 0 : i32
    %dma_wait3A_20 = arith.constant 0 : i32
    %dma_wait3A_21 = tpu.memref_slice %arg3[%arg0, %arg1, %dma_wait3A_19, %dma_wait3A_20] : memref<2x16x160x128xi32, #tpu.memory_space<hbm>> -> memref<1x1x160x128xi32, #tpu.memory_space<hbm>>
    %dma_wait3A_22 = tpu.memref_squeeze %dma_wait3A_21 : memref<1x1x160x128xi32, #tpu.memory_space<hbm>> -> memref<160x128xi32, #tpu.memory_space<hbm>>
    tpu.wait_dma2 semaphore(%arg23 : memref<!tpu.dma_semaphore, #tpu.memory_space<semaphore_mem>>) src(%dma_wait3A_22 : memref<160x128xi32, #tpu.memory_space<hbm>>) dst(%arg6 : memref<160x128xi32, #tpu.memory_space<vmem>>)
    %dma_wait3A_23 = arith.constant 0 : i32
    %dma_wait3A_24 = arith.constant 0 : i32
    %dma_wait3A_25 = tpu.memref_slice %arg3[%arg0, %arg1, %dma_wait3A_23, %dma_wait3A_24] : memref<2x16x160x128xi32, #tpu.memory_space<hbm>> -> memref<1x1x160x128xi32, #tpu.memory_space<hbm>>
    %dma_wait3A_26 = tpu.memref_squeeze %dma_wait3A_25 : memref<1x1x160x128xi32, #tpu.memory_space<hbm>> -> memref<160x128xi32, #tpu.memory_space<hbm>>
    %dma_wait3A_27 = arith.constant 0 : i32
    %dma_wait3A_28 = arith.constant 0 : i32
    %dma_wait3A_29 = tpu.memref_slice %arg3[%arg0, %arg1, %dma_wait3A_27, %dma_wait3A_28] : memref<2x16x160x128xi32, #tpu.memory_space<hbm>> -> memref<1x1x160x128xi32, #tpu.memory_space<hbm>>
    %dma_wait3A_30 = tpu.memref_squeeze %dma_wait3A_29 : memref<1x1x160x128xi32, #tpu.memory_space<hbm>> -> memref<160x128xi32, #tpu.memory_space<hbm>>
    tpu.wait_dma2 semaphore(%arg23 : memref<!tpu.dma_semaphore, #tpu.memory_space<semaphore_mem>>) src(%dma_wait3A_30 : memref<160x128xi32, #tpu.memory_space<hbm>>) dst(%arg7 : memref<160x128xi32, #tpu.memory_space<vmem>>)
    %barrier3A = arith.constant 0 : index
    tpu.barrier barrier_id(%barrier3A)
    %dma_start3A_31 = arith.constant 0 : i32
    %dma_start3A_32 = arith.constant 0 : i32
    %dma_start3A_33 = tpu.memref_slice %arg6[%dma_start3A_31, %dma_start3A_32] : memref<160x128xi32, #tpu.memory_space<vmem>> -> memref<1x128xi32, #tpu.memory_space<vmem>>
    %dma_start3A_34 = tpu.memref_squeeze %dma_start3A_33 : memref<1x128xi32, #tpu.memory_space<vmem>> -> memref<128xi32, #tpu.memory_space<vmem>>
    %dma_start3A_35 = arith.constant 0 : i32
    %dma_start3A_36 = arith.constant 0 : i32
    %dma_start3A_37 = tpu.memref_slice %arg2[%arg0, %dma_start3A_35, %dma_start3A_36] : memref<2x10240x64xf32, #tpu.memory_space<hbm>> -> memref<1x10240x64xf32, #tpu.memory_space<hbm>>
    %dma_start3A_38 = tpu.memref_squeeze %dma_start3A_37 : memref<1x10240x64xf32, #tpu.memory_space<hbm>> -> memref<10240x64xf32, #tpu.memory_space<hbm>>
    %dma_start3A_39 = arith.constant 0 : i32
    %dma_start3A_40 = arith.constant 0 : i32
    %dma_start3A_41 = tpu.memref_slice %dma_start3A_38[%dma_start3A_39, %dma_start3A_40] : memref<10240x64xf32, #tpu.memory_space<hbm>> -> memref<10240x64xf32, #tpu.memory_space<hbm>>
    tpu.enqueue_indirect_dma source(%dma_start3A_41 : memref<10240x64xf32, #tpu.memory_space<hbm>>) target(%arg8 : memref<128x64xf32, #tpu.memory_space<vmem>>) offsets(%dma_start3A_34 : memref<128xi32, #tpu.memory_space<vmem>>) semaphore(%arg13 : memref<!tpu.dma_semaphore, #tpu.memory_space<semaphore_mem>>)
    %dma_start3A_42 = arith.constant 1 : i32
    %dma_start3A_43 = arith.constant 0 : i32
    %dma_start3A_44 = tpu.memref_slice %arg6[%dma_start3A_42, %dma_start3A_43] : memref<160x128xi32, #tpu.memory_space<vmem>> -> memref<1x128xi32, #tpu.memory_space<vmem>>
    %dma_start3A_45 = tpu.memref_squeeze %dma_start3A_44 : memref<1x128xi32, #tpu.memory_space<vmem>> -> memref<128xi32, #tpu.memory_space<vmem>>
    %dma_start3A_46 = arith.constant 0 : i32
    %dma_start3A_47 = arith.constant 0 : i32
    %dma_start3A_48 = tpu.memref_slice %arg2[%arg0, %dma_start3A_46, %dma_start3A_47] : memref<2x10240x64xf32, #tpu.memory_space<hbm>> -> memref<1x10240x64xf32, #tpu.memory_space<hbm>>
    %dma_start3A_49 = tpu.memref_squeeze %dma_start3A_48 : memref<1x10240x64xf32, #tpu.memory_space<hbm>> -> memref<10240x64xf32, #tpu.memory_space<hbm>>
    %dma_start3A_50 = arith.constant 0 : i32
    %dma_start3A_51 = arith.constant 0 : i32
    %dma_start3A_52 = tpu.memref_slice %dma_start3A_49[%dma_start3A_50, %dma_start3A_51] : memref<10240x64xf32, #tpu.memory_space<hbm>> -> memref<10240x64xf32, #tpu.memory_space<hbm>>
    tpu.enqueue_indirect_dma source(%dma_start3A_52 : memref<10240x64xf32, #tpu.memory_space<hbm>>) target(%arg9 : memref<128x64xf32, #tpu.memory_space<vmem>>) offsets(%dma_start3A_45 : memref<128xi32, #tpu.memory_space<vmem>>) semaphore(%arg14 : memref<!tpu.dma_semaphore, #tpu.memory_space<semaphore_mem>>)
    %dma_start3A_53 = arith.constant 2 : i32
    %dma_start3A_54 = arith.constant 0 : i32
    %dma_start3A_55 = tpu.memref_slice %arg6[%dma_start3A_53, %dma_start3A_54] : memref<160x128xi32, #tpu.memory_space<vmem>> -> memref<1x128xi32, #tpu.memory_space<vmem>>
    %dma_start3A_56 = tpu.memref_squeeze %dma_start3A_55 : memref<1x128xi32, #tpu.memory_space<vmem>> -> memref<128xi32, #tpu.memory_space<vmem>>
    %dma_start3A_57 = arith.constant 0 : i32
    %dma_start3A_58 = arith.constant 0 : i32
    %dma_start3A_59 = tpu.memref_slice %arg2[%arg0, %dma_start3A_57, %dma_start3A_58] : memref<2x10240x64xf32, #tpu.memory_space<hbm>> -> memref<1x10240x64xf32, #tpu.memory_space<hbm>>
    %dma_start3A_60 = tpu.memref_squeeze %dma_start3A_59 : memref<1x10240x64xf32, #tpu.memory_space<hbm>> -> memref<10240x64xf32, #tpu.memory_space<hbm>>
    %dma_start3A_61 = arith.constant 0 : i32
    %dma_start3A_62 = arith.constant 0 : i32
    %dma_start3A_63 = tpu.memref_slice %dma_start3A_60[%dma_start3A_61, %dma_start3A_62] : memref<10240x64xf32, #tpu.memory_space<hbm>> -> memref<10240x64xf32, #tpu.memory_space<hbm>>
    tpu.enqueue_indirect_dma source(%dma_start3A_63 : memref<10240x64xf32, #tpu.memory_space<hbm>>) target(%arg10 : memref<128x64xf32, #tpu.memory_space<vmem>>) offsets(%dma_start3A_56 : memref<128xi32, #tpu.memory_space<vmem>>) semaphore(%arg15 : memref<!tpu.dma_semaphore, #tpu.memory_space<semaphore_mem>>)
    %scan3A = arith.constant 0 : i32
    %scan3A_64 = arith.constant 32 : i32
    %scan3A_65 = arith.addi %scan3A, %scan3A_64 : i32
    %scan3A_66 = arith.constant 1 : i32
    scf.for %scan3A_104 = %scan3A to %scan3A_65 step %scan3A_66  : i32 {
      %mul3A_105 = arith.constant 5 : i32
      %mul3A_106 = arith.muli %scan3A_104, %mul3A_105 : i32
      %add3A = arith.constant 0 : i32
      %add3A_107 = arith.addi %add3A, %mul3A_106 : i32
      %add3A_108 = arith.constant 0 : i32
      %add3A_109 = arith.addi %add3A_107, %add3A_108 : i32
      %add3A_110 = arith.constant 3 : i32
      %add3A_111 = arith.addi %add3A_109, %add3A_110 : i32
      %lt3A = arith.constant 160 : i32
      %lt3A_112 = arith.cmpi slt, %add3A_111, %lt3A : i32
      %convert_element_type3A = arith.extui %lt3A_112 : i1 to i32
      %cond3A = arith.constant 0 : i32
      %cond3A_113 = arith.cmpi ne, %convert_element_type3A, %cond3A : i32
      scf.if %cond3A_113 {
        %ge3A = arith.constant 5 : i32
        %ge3A_245 = arith.cmpi sge, %add3A_111, %ge3A : i32
        %convert_element_type3A_246 = arith.extui %ge3A_245 : i1 to i32
        %cond3A_247 = arith.constant 0 : i32
        %cond3A_248 = arith.cmpi ne, %convert_element_type3A_246, %cond3A_247 : i32
        scf.if %cond3A_248 {
          %dma_wait3A_259 = arith.constant 0 : i32
          %dma_wait3A_260 = arith.constant 0 : i32
          %dma_wait3A_261 = tpu.memref_slice %arg7[%dma_wait3A_259, %dma_wait3A_260] : memref<160x128xi32, #tpu.memory_space<vmem>> -> memref<1x128xi32, #tpu.memory_space<vmem>>
          %dma_wait3A_262 = tpu.memref_squeeze %dma_wait3A_261 : memref<1x128xi32, #tpu.memory_space<vmem>> -> memref<128xi32, #tpu.memory_space<vmem>>
          %dma_wait3A_263 = arith.constant 0 : i32
          %dma_wait3A_264 = arith.constant 0 : i32
          %dma_wait3A_265 = tpu.memref_slice %arg24[%dma_wait3A_263, %dma_wait3A_264] : memref<10240x64xf32, #tpu.memory_space<vmem_shared>> -> memref<10240x64xf32, #tpu.memory_space<vmem_shared>>
          tpu.wait_indirect_dma semaphore(%arg21 : memref<!tpu.dma_semaphore, #tpu.memory_space<semaphore_mem>>) src(%arg11 : memref<128x64xf32, #tpu.memory_space<vmem>>) dst(%dma_wait3A_265 : memref<10240x64xf32, #tpu.memory_space<vmem_shared>>)
        } else {
        }
        %dma_start3A_249 = arith.constant 0 : i32
        %dma_start3A_250 = tpu.memref_slice %arg6[%add3A_111, %dma_start3A_249] : memref<160x128xi32, #tpu.memory_space<vmem>> -> memref<1x128xi32, #tpu.memory_space<vmem>>
        %dma_start3A_251 = tpu.memref_squeeze %dma_start3A_250 : memref<1x128xi32, #tpu.memory_space<vmem>> -> memref<128xi32, #tpu.memory_space<vmem>>
        %dma_start3A_252 = arith.constant 0 : i32
        %dma_start3A_253 = arith.constant 0 : i32
        %dma_start3A_254 = tpu.memref_slice %arg2[%arg0, %dma_start3A_252, %dma_start3A_253] : memref<2x10240x64xf32, #tpu.memory_space<hbm>> -> memref<1x10240x64xf32, #tpu.memory_space<hbm>>
        %dma_start3A_255 = tpu.memref_squeeze %dma_start3A_254 : memref<1x10240x64xf32, #tpu.memory_space<hbm>> -> memref<10240x64xf32, #tpu.memory_space<hbm>>
        %dma_start3A_256 = arith.constant 0 : i32
        %dma_start3A_257 = arith.constant 0 : i32
        %dma_start3A_258 = tpu.memref_slice %dma_start3A_255[%dma_start3A_256, %dma_start3A_257] : memref<10240x64xf32, #tpu.memory_space<hbm>> -> memref<10240x64xf32, #tpu.memory_space<hbm>>
        tpu.enqueue_indirect_dma source(%dma_start3A_258 : memref<10240x64xf32, #tpu.memory_space<hbm>>) target(%arg11 : memref<128x64xf32, #tpu.memory_space<vmem>>) offsets(%dma_start3A_251 : memref<128xi32, #tpu.memory_space<vmem>>) semaphore(%arg16 : memref<!tpu.dma_semaphore, #tpu.memory_space<semaphore_mem>>)
      } else {
      }
      %dma_wait3A_114 = arith.constant 0 : i32
      %dma_wait3A_115 = arith.constant 0 : i32
      %dma_wait3A_116 = tpu.memref_slice %arg6[%dma_wait3A_114, %dma_wait3A_115] : memref<160x128xi32, #tpu.memory_space<vmem>> -> memref<1x128xi32, #tpu.memory_space<vmem>>
      %dma_wait3A_117 = tpu.memref_squeeze %dma_wait3A_116 : memref<1x128xi32, #tpu.memory_space<vmem>> -> memref<128xi32, #tpu.memory_space<vmem>>
      %dma_wait3A_118 = arith.constant 0 : i32
      %dma_wait3A_119 = arith.constant 0 : i32
      %dma_wait3A_120 = tpu.memref_slice %arg2[%arg0, %dma_wait3A_118, %dma_wait3A_119] : memref<2x10240x64xf32, #tpu.memory_space<hbm>> -> memref<1x10240x64xf32, #tpu.memory_space<hbm>>
      %dma_wait3A_121 = tpu.memref_squeeze %dma_wait3A_120 : memref<1x10240x64xf32, #tpu.memory_space<hbm>> -> memref<10240x64xf32, #tpu.memory_space<hbm>>
      %dma_wait3A_122 = arith.constant 0 : i32
      %dma_wait3A_123 = arith.constant 0 : i32
      %dma_wait3A_124 = tpu.memref_slice %dma_wait3A_121[%dma_wait3A_122, %dma_wait3A_123] : memref<10240x64xf32, #tpu.memory_space<hbm>> -> memref<10240x64xf32, #tpu.memory_space<hbm>>
      tpu.wait_indirect_dma semaphore(%arg13 : memref<!tpu.dma_semaphore, #tpu.memory_space<semaphore_mem>>) src(%dma_wait3A_124 : memref<10240x64xf32, #tpu.memory_space<hbm>>) dst(%arg8 : memref<128x64xf32, #tpu.memory_space<vmem>>)
      %add3A_125 = arith.constant 0 : i32
      %add3A_126 = arith.addi %add3A_107, %add3A_125 : i32
      %dma_start3A_127 = arith.constant 0 : i32
      %dma_start3A_128 = tpu.memref_slice %arg7[%add3A_126, %dma_start3A_127] : memref<160x128xi32, #tpu.memory_space<vmem>> -> memref<1x128xi32, #tpu.memory_space<vmem>>
      %dma_start3A_129 = tpu.memref_squeeze %dma_start3A_128 : memref<1x128xi32, #tpu.memory_space<vmem>> -> memref<128xi32, #tpu.memory_space<vmem>>
      %dma_start3A_130 = arith.constant 0 : i32
      %dma_start3A_131 = arith.constant 0 : i32
      %dma_start3A_132 = tpu.memref_slice %arg24[%dma_start3A_130, %dma_start3A_131] : memref<10240x64xf32, #tpu.memory_space<vmem_shared>> -> memref<10240x64xf32, #tpu.memory_space<vmem_shared>>
      tpu.enqueue_indirect_dma source(%arg8 : memref<128x64xf32, #tpu.memory_space<vmem>>) target(%dma_start3A_132 : memref<10240x64xf32, #tpu.memory_space<vmem_shared>>) offsets(%dma_start3A_129 : memref<128xi32, #tpu.memory_space<vmem>>) semaphore(%arg18 : memref<!tpu.dma_semaphore, #tpu.memory_space<semaphore_mem>>) {add = true}
      %add3A_133 = arith.constant 1 : i32
      %add3A_134 = arith.addi %add3A_107, %add3A_133 : i32
      %add3A_135 = arith.constant 3 : i32
      %add3A_136 = arith.addi %add3A_134, %add3A_135 : i32
      %lt3A_137 = arith.constant 160 : i32
      %lt3A_138 = arith.cmpi slt, %add3A_136, %lt3A_137 : i32
      %convert_element_type3A_139 = arith.extui %lt3A_138 : i1 to i32
      %cond3A_140 = arith.constant 0 : i32
      %cond3A_141 = arith.cmpi ne, %convert_element_type3A_139, %cond3A_140 : i32
      scf.if %cond3A_141 {
        %ge3A = arith.constant 5 : i32
        %ge3A_245 = arith.cmpi sge, %add3A_136, %ge3A : i32
        %convert_element_type3A_246 = arith.extui %ge3A_245 : i1 to i32
        %cond3A_247 = arith.constant 0 : i32
        %cond3A_248 = arith.cmpi ne, %convert_element_type3A_246, %cond3A_247 : i32
        scf.if %cond3A_248 {
          %dma_wait3A_259 = arith.constant 0 : i32
          %dma_wait3A_260 = arith.constant 0 : i32
          %dma_wait3A_261 = tpu.memref_slice %arg7[%dma_wait3A_259, %dma_wait3A_260] : memref<160x128xi32, #tpu.memory_space<vmem>> -> memref<1x128xi32, #tpu.memory_space<vmem>>
          %dma_wait3A_262 = tpu.memref_squeeze %dma_wait3A_261 : memref<1x128xi32, #tpu.memory_space<vmem>> -> memref<128xi32, #tpu.memory_space<vmem>>
          %dma_wait3A_263 = arith.constant 0 : i32
          %dma_wait3A_264 = arith.constant 0 : i32
          %dma_wait3A_265 = tpu.memref_slice %arg24[%dma_wait3A_263, %dma_wait3A_264] : memref<10240x64xf32, #tpu.memory_space<vmem_shared>> -> memref<10240x64xf32, #tpu.memory_space<vmem_shared>>
          tpu.wait_indirect_dma semaphore(%arg22 : memref<!tpu.dma_semaphore, #tpu.memory_space<semaphore_mem>>) src(%arg12 : memref<128x64xf32, #tpu.memory_space<vmem>>) dst(%dma_wait3A_265 : memref<10240x64xf32, #tpu.memory_space<vmem_shared>>)
        } else {
        }
        %dma_start3A_249 = arith.constant 0 : i32
        %dma_start3A_250 = tpu.memref_slice %arg6[%add3A_136, %dma_start3A_249] : memref<160x128xi32, #tpu.memory_space<vmem>> -> memref<1x128xi32, #tpu.memory_space<vmem>>
        %dma_start3A_251 = tpu.memref_squeeze %dma_start3A_250 : memref<1x128xi32, #tpu.memory_space<vmem>> -> memref<128xi32, #tpu.memory_space<vmem>>
        %dma_start3A_252 = arith.constant 0 : i32
        %dma_start3A_253 = arith.constant 0 : i32
        %dma_start3A_254 = tpu.memref_slice %arg2[%arg0, %dma_start3A_252, %dma_start3A_253] : memref<2x10240x64xf32, #tpu.memory_space<hbm>> -> memref<1x10240x64xf32, #tpu.memory_space<hbm>>
        %dma_start3A_255 = tpu.memref_squeeze %dma_start3A_254 : memref<1x10240x64xf32, #tpu.memory_space<hbm>> -> memref<10240x64xf32, #tpu.memory_space<hbm>>
        %dma_start3A_256 = arith.constant 0 : i32
        %dma_start3A_257 = arith.constant 0 : i32
        %dma_start3A_258 = tpu.memref_slice %dma_start3A_255[%dma_start3A_256, %dma_start3A_257] : memref<10240x64xf32, #tpu.memory_space<hbm>> -> memref<10240x64xf32, #tpu.memory_space<hbm>>
        tpu.enqueue_indirect_dma source(%dma_start3A_258 : memref<10240x64xf32, #tpu.memory_space<hbm>>) target(%arg12 : memref<128x64xf32, #tpu.memory_space<vmem>>) offsets(%dma_start3A_251 : memref<128xi32, #tpu.memory_space<vmem>>) semaphore(%arg17 : memref<!tpu.dma_semaphore, #tpu.memory_space<semaphore_mem>>)
      } else {
      }
      %dma_wait3A_142 = arith.constant 0 : i32
      %dma_wait3A_143 = arith.constant 0 : i32
      %dma_wait3A_144 = tpu.memref_slice %arg6[%dma_wait3A_142, %dma_wait3A_143] : memref<160x128xi32, #tpu.memory_space<vmem>> -> memref<1x128xi32, #tpu.memory_space<vmem>>
      %dma_wait3A_145 = tpu.memref_squeeze %dma_wait3A_144 : memref<1x128xi32, #tpu.memory_space<vmem>> -> memref<128xi32, #tpu.memory_space<vmem>>
      %dma_wait3A_146 = arith.constant 0 : i32
      %dma_wait3A_147 = arith.constant 0 : i32
      %dma_wait3A_148 = tpu.memref_slice %arg2[%arg0, %dma_wait3A_146, %dma_wait3A_147] : memref<2x10240x64xf32, #tpu.memory_space<hbm>> -> memref<1x10240x64xf32, #tpu.memory_space<hbm>>
      %dma_wait3A_149 = tpu.memref_squeeze %dma_wait3A_148 : memref<1x10240x64xf32, #tpu.memory_space<hbm>> -> memref<10240x64xf32, #tpu.memory_space<hbm>>
      %dma_wait3A_150 = arith.constant 0 : i32
      %dma_wait3A_151 = arith.constant 0 : i32
      %dma_wait3A_152 = tpu.memref_slice %dma_wait3A_149[%dma_wait3A_150, %dma_wait3A_151] : memref<10240x64xf32, #tpu.memory_space<hbm>> -> memref<10240x64xf32, #tpu.memory_space<hbm>>
      tpu.wait_indirect_dma semaphore(%arg14 : memref<!tpu.dma_semaphore, #tpu.memory_space<semaphore_mem>>) src(%dma_wait3A_152 : memref<10240x64xf32, #tpu.memory_space<hbm>>) dst(%arg9 : memref<128x64xf32, #tpu.memory_space<vmem>>)
      %add3A_153 = arith.constant 1 : i32
      %add3A_154 = arith.addi %add3A_107, %add3A_153 : i32
      %dma_start3A_155 = arith.constant 0 : i32
      %dma_start3A_156 = tpu.memref_slice %arg7[%add3A_154, %dma_start3A_155] : memref<160x128xi32, #tpu.memory_space<vmem>> -> memref<1x128xi32, #tpu.memory_space<vmem>>
      %dma_start3A_157 = tpu.memref_squeeze %dma_start3A_156 : memref<1x128xi32, #tpu.memory_space<vmem>> -> memref<128xi32, #tpu.memory_space<vmem>>
      %dma_start3A_158 = arith.constant 0 : i32
      %dma_start3A_159 = arith.constant 0 : i32
      %dma_start3A_160 = tpu.memref_slice %arg24[%dma_start3A_158, %dma_start3A_159] : memref<10240x64xf32, #tpu.memory_space<vmem_shared>> -> memref<10240x64xf32, #tpu.memory_space<vmem_shared>>
      tpu.enqueue_indirect_dma source(%arg9 : memref<128x64xf32, #tpu.memory_space<vmem>>) target(%dma_start3A_160 : memref<10240x64xf32, #tpu.memory_space<vmem_shared>>) offsets(%dma_start3A_157 : memref<128xi32, #tpu.memory_space<vmem>>) semaphore(%arg19 : memref<!tpu.dma_semaphore, #tpu.memory_space<semaphore_mem>>) {add = true}
      %add3A_161 = arith.constant 2 : i32
      %add3A_162 = arith.addi %add3A_107, %add3A_161 : i32
      %add3A_163 = arith.constant 3 : i32
      %add3A_164 = arith.addi %add3A_162, %add3A_163 : i32
      %lt3A_165 = arith.constant 160 : i32
      %lt3A_166 = arith.cmpi slt, %add3A_164, %lt3A_165 : i32
      %convert_element_type3A_167 = arith.extui %lt3A_166 : i1 to i32
      %cond3A_168 = arith.constant 0 : i32
      %cond3A_169 = arith.cmpi ne, %convert_element_type3A_167, %cond3A_168 : i32
      scf.if %cond3A_169 {
        %ge3A = arith.constant 5 : i32
        %ge3A_245 = arith.cmpi sge, %add3A_164, %ge3A : i32
        %convert_element_type3A_246 = arith.extui %ge3A_245 : i1 to i32
        %cond3A_247 = arith.constant 0 : i32
        %cond3A_248 = arith.cmpi ne, %convert_element_type3A_246, %cond3A_247 : i32
        scf.if %cond3A_248 {
          %dma_wait3A_259 = arith.constant 0 : i32
          %dma_wait3A_260 = arith.constant 0 : i32
          %dma_wait3A_261 = tpu.memref_slice %arg7[%dma_wait3A_259, %dma_wait3A_260] : memref<160x128xi32, #tpu.memory_space<vmem>> -> memref<1x128xi32, #tpu.memory_space<vmem>>
          %dma_wait3A_262 = tpu.memref_squeeze %dma_wait3A_261 : memref<1x128xi32, #tpu.memory_space<vmem>> -> memref<128xi32, #tpu.memory_space<vmem>>
          %dma_wait3A_263 = arith.constant 0 : i32
          %dma_wait3A_264 = arith.constant 0 : i32
          %dma_wait3A_265 = tpu.memref_slice %arg24[%dma_wait3A_263, %dma_wait3A_264] : memref<10240x64xf32, #tpu.memory_space<vmem_shared>> -> memref<10240x64xf32, #tpu.memory_space<vmem_shared>>
          tpu.wait_indirect_dma semaphore(%arg18 : memref<!tpu.dma_semaphore, #tpu.memory_space<semaphore_mem>>) src(%arg8 : memref<128x64xf32, #tpu.memory_space<vmem>>) dst(%dma_wait3A_265 : memref<10240x64xf32, #tpu.memory_space<vmem_shared>>)
        } else {
        }
        %dma_start3A_249 = arith.constant 0 : i32
        %dma_start3A_250 = tpu.memref_slice %arg6[%add3A_164, %dma_start3A_249] : memref<160x128xi32, #tpu.memory_space<vmem>> -> memref<1x128xi32, #tpu.memory_space<vmem>>
        %dma_start3A_251 = tpu.memref_squeeze %dma_start3A_250 : memref<1x128xi32, #tpu.memory_space<vmem>> -> memref<128xi32, #tpu.memory_space<vmem>>
        %dma_start3A_252 = arith.constant 0 : i32
        %dma_start3A_253 = arith.constant 0 : i32
        %dma_start3A_254 = tpu.memref_slice %arg2[%arg0, %dma_start3A_252, %dma_start3A_253] : memref<2x10240x64xf32, #tpu.memory_space<hbm>> -> memref<1x10240x64xf32, #tpu.memory_space<hbm>>
        %dma_start3A_255 = tpu.memref_squeeze %dma_start3A_254 : memref<1x10240x64xf32, #tpu.memory_space<hbm>> -> memref<10240x64xf32, #tpu.memory_space<hbm>>
        %dma_start3A_256 = arith.constant 0 : i32
        %dma_start3A_257 = arith.constant 0 : i32
        %dma_start3A_258 = tpu.memref_slice %dma_start3A_255[%dma_start3A_256, %dma_start3A_257] : memref<10240x64xf32, #tpu.memory_space<hbm>> -> memref<10240x64xf32, #tpu.memory_space<hbm>>
        tpu.enqueue_indirect_dma source(%dma_start3A_258 : memref<10240x64xf32, #tpu.memory_space<hbm>>) target(%arg8 : memref<128x64xf32, #tpu.memory_space<vmem>>) offsets(%dma_start3A_251 : memref<128xi32, #tpu.memory_space<vmem>>) semaphore(%arg13 : memref<!tpu.dma_semaphore, #tpu.memory_space<semaphore_mem>>)
      } else {
      }
      %dma_wait3A_170 = arith.constant 0 : i32
      %dma_wait3A_171 = arith.constant 0 : i32
      %dma_wait3A_172 = tpu.memref_slice %arg6[%dma_wait3A_170, %dma_wait3A_171] : memref<160x128xi32, #tpu.memory_space<vmem>> -> memref<1x128xi32, #tpu.memory_space<vmem>>
      %dma_wait3A_173 = tpu.memref_squeeze %dma_wait3A_172 : memref<1x128xi32, #tpu.memory_space<vmem>> -> memref<128xi32, #tpu.memory_space<vmem>>
      %dma_wait3A_174 = arith.constant 0 : i32
      %dma_wait3A_175 = arith.constant 0 : i32
      %dma_wait3A_176 = tpu.memref_slice %arg2[%arg0, %dma_wait3A_174, %dma_wait3A_175] : memref<2x10240x64xf32, #tpu.memory_space<hbm>> -> memref<1x10240x64xf32, #tpu.memory_space<hbm>>
      %dma_wait3A_177 = tpu.memref_squeeze %dma_wait3A_176 : memref<1x10240x64xf32, #tpu.memory_space<hbm>> -> memref<10240x64xf32, #tpu.memory_space<hbm>>
      %dma_wait3A_178 = arith.constant 0 : i32
      %dma_wait3A_179 = arith.constant 0 : i32
      %dma_wait3A_180 = tpu.memref_slice %dma_wait3A_177[%dma_wait3A_178, %dma_wait3A_179] : memref<10240x64xf32, #tpu.memory_space<hbm>> -> memref<10240x64xf32, #tpu.memory_space<hbm>>
      tpu.wait_indirect_dma semaphore(%arg15 : memref<!tpu.dma_semaphore, #tpu.memory_space<semaphore_mem>>) src(%dma_wait3A_180 : memref<10240x64xf32, #tpu.memory_space<hbm>>) dst(%arg10 : memref<128x64xf32, #tpu.memory_space<vmem>>)
      %add3A_181 = arith.constant 2 : i32
      %add3A_182 = arith.addi %add3A_107, %add3A_181 : i32
      %dma_start3A_183 = arith.constant 0 : i32
      %dma_start3A_184 = tpu.memref_slice %arg7[%add3A_182, %dma_start3A_183] : memref<160x128xi32, #tpu.memory_space<vmem>> -> memref<1x128xi32, #tpu.memory_space<vmem>>
      %dma_start3A_185 = tpu.memref_squeeze %dma_start3A_184 : memref<1x128xi32, #tpu.memory_space<vmem>> -> memref<128xi32, #tpu.memory_space<vmem>>
      %dma_start3A_186 = arith.constant 0 : i32
      %dma_start3A_187 = arith.constant 0 : i32
      %dma_start3A_188 = tpu.memref_slice %arg24[%dma_start3A_186, %dma_start3A_187] : memref<10240x64xf32, #tpu.memory_space<vmem_shared>> -> memref<10240x64xf32, #tpu.memory_space<vmem_shared>>
      tpu.enqueue_indirect_dma source(%arg10 : memref<128x64xf32, #tpu.memory_space<vmem>>) target(%dma_start3A_188 : memref<10240x64xf32, #tpu.memory_space<vmem_shared>>) offsets(%dma_start3A_185 : memref<128xi32, #tpu.memory_space<vmem>>) semaphore(%arg20 : memref<!tpu.dma_semaphore, #tpu.memory_space<semaphore_mem>>) {add = true}
      %add3A_189 = arith.constant 3 : i32
      %add3A_190 = arith.addi %add3A_107, %add3A_189 : i32
      %add3A_191 = arith.constant 3 : i32
      %add3A_192 = arith.addi %add3A_190, %add3A_191 : i32
      %lt3A_193 = arith.constant 160 : i32
      %lt3A_194 = arith.cmpi slt, %add3A_192, %lt3A_193 : i32
      %convert_element_type3A_195 = arith.extui %lt3A_194 : i1 to i32
      %cond3A_196 = arith.constant 0 : i32
      %cond3A_197 = arith.cmpi ne, %convert_element_type3A_195, %cond3A_196 : i32
      scf.if %cond3A_197 {
        %ge3A = arith.constant 5 : i32
        %ge3A_245 = arith.cmpi sge, %add3A_192, %ge3A : i32
        %convert_element_type3A_246 = arith.extui %ge3A_245 : i1 to i32
        %cond3A_247 = arith.constant 0 : i32
        %cond3A_248 = arith.cmpi ne, %convert_element_type3A_246, %cond3A_247 : i32
        scf.if %cond3A_248 {
          %dma_wait3A_259 = arith.constant 0 : i32
          %dma_wait3A_260 = arith.constant 0 : i32
          %dma_wait3A_261 = tpu.memref_slice %arg7[%dma_wait3A_259, %dma_wait3A_260] : memref<160x128xi32, #tpu.memory_space<vmem>> -> memref<1x128xi32, #tpu.memory_space<vmem>>
          %dma_wait3A_262 = tpu.memref_squeeze %dma_wait3A_261 : memref<1x128xi32, #tpu.memory_space<vmem>> -> memref<128xi32, #tpu.memory_space<vmem>>
          %dma_wait3A_263 = arith.constant 0 : i32
          %dma_wait3A_264 = arith.constant 0 : i32
          %dma_wait3A_265 = tpu.memref_slice %arg24[%dma_wait3A_263, %dma_wait3A_264] : memref<10240x64xf32, #tpu.memory_space<vmem_shared>> -> memref<10240x64xf32, #tpu.memory_space<vmem_shared>>
          tpu.wait_indirect_dma semaphore(%arg19 : memref<!tpu.dma_semaphore, #tpu.memory_space<semaphore_mem>>) src(%arg9 : memref<128x64xf32, #tpu.memory_space<vmem>>) dst(%dma_wait3A_265 : memref<10240x64xf32, #tpu.memory_space<vmem_shared>>)
        } else {
        }
        %dma_start3A_249 = arith.constant 0 : i32
        %dma_start3A_250 = tpu.memref_slice %arg6[%add3A_192, %dma_start3A_249] : memref<160x128xi32, #tpu.memory_space<vmem>> -> memref<1x128xi32, #tpu.memory_space<vmem>>
        %dma_start3A_251 = tpu.memref_squeeze %dma_start3A_250 : memref<1x128xi32, #tpu.memory_space<vmem>> -> memref<128xi32, #tpu.memory_space<vmem>>
        %dma_start3A_252 = arith.constant 0 : i32
        %dma_start3A_253 = arith.constant 0 : i32
        %dma_start3A_254 = tpu.memref_slice %arg2[%arg0, %dma_start3A_252, %dma_start3A_253] : memref<2x10240x64xf32, #tpu.memory_space<hbm>> -> memref<1x10240x64xf32, #tpu.memory_space<hbm>>
        %dma_start3A_255 = tpu.memref_squeeze %dma_start3A_254 : memref<1x10240x64xf32, #tpu.memory_space<hbm>> -> memref<10240x64xf32, #tpu.memory_space<hbm>>
        %dma_start3A_256 = arith.constant 0 : i32
        %dma_start3A_257 = arith.constant 0 : i32
        %dma_start3A_258 = tpu.memref_slice %dma_start3A_255[%dma_start3A_256, %dma_start3A_257] : memref<10240x64xf32, #tpu.memory_space<hbm>> -> memref<10240x64xf32, #tpu.memory_space<hbm>>
        tpu.enqueue_indirect_dma source(%dma_start3A_258 : memref<10240x64xf32, #tpu.memory_space<hbm>>) target(%arg9 : memref<128x64xf32, #tpu.memory_space<vmem>>) offsets(%dma_start3A_251 : memref<128xi32, #tpu.memory_space<vmem>>) semaphore(%arg14 : memref<!tpu.dma_semaphore, #tpu.memory_space<semaphore_mem>>)
      } else {
      }
      %dma_wait3A_198 = arith.constant 0 : i32
      %dma_wait3A_199 = arith.constant 0 : i32
      %dma_wait3A_200 = tpu.memref_slice %arg6[%dma_wait3A_198, %dma_wait3A_199] : memref<160x128xi32, #tpu.memory_space<vmem>> -> memref<1x128xi32, #tpu.memory_space<vmem>>
      %dma_wait3A_201 = tpu.memref_squeeze %dma_wait3A_200 : memref<1x128xi32, #tpu.memory_space<vmem>> -> memref<128xi32, #tpu.memory_space<vmem>>
      %dma_wait3A_202 = arith.constant 0 : i32
      %dma_wait3A_203 = arith.constant 0 : i32
      %dma_wait3A_204 = tpu.memref_slice %arg2[%arg0, %dma_wait3A_202, %dma_wait3A_203] : memref<2x10240x64xf32, #tpu.memory_space<hbm>> -> memref<1x10240x64xf32, #tpu.memory_space<hbm>>
      %dma_wait3A_205 = tpu.memref_squeeze %dma_wait3A_204 : memref<1x10240x64xf32, #tpu.memory_space<hbm>> -> memref<10240x64xf32, #tpu.memory_space<hbm>>
      %dma_wait3A_206 = arith.constant 0 : i32
      %dma_wait3A_207 = arith.constant 0 : i32
      %dma_wait3A_208 = tpu.memref_slice %dma_wait3A_205[%dma_wait3A_206, %dma_wait3A_207] : memref<10240x64xf32, #tpu.memory_space<hbm>> -> memref<10240x64xf32, #tpu.memory_space<hbm>>
      tpu.wait_indirect_dma semaphore(%arg16 : memref<!tpu.dma_semaphore, #tpu.memory_space<semaphore_mem>>) src(%dma_wait3A_208 : memref<10240x64xf32, #tpu.memory_space<hbm>>) dst(%arg11 : memref<128x64xf32, #tpu.memory_space<vmem>>)
      %add3A_209 = arith.constant 3 : i32
      %add3A_210 = arith.addi %add3A_107, %add3A_209 : i32
      %dma_start3A_211 = arith.constant 0 : i32
      %dma_start3A_212 = tpu.memref_slice %arg7[%add3A_210, %dma_start3A_211] : memref<160x128xi32, #tpu.memory_space<vmem>> -> memref<1x128xi32, #tpu.memory_space<vmem>>
      %dma_start3A_213 = tpu.memref_squeeze %dma_start3A_212 : memref<1x128xi32, #tpu.memory_space<vmem>> -> memref<128xi32, #tpu.memory_space<vmem>>
      %dma_start3A_214 = arith.constant 0 : i32
      %dma_start3A_215 = arith.constant 0 : i32
      %dma_start3A_216 = tpu.memref_slice %arg24[%dma_start3A_214, %dma_start3A_215] : memref<10240x64xf32, #tpu.memory_space<vmem_shared>> -> memref<10240x64xf32, #tpu.memory_space<vmem_shared>>
      tpu.enqueue_indirect_dma source(%arg11 : memref<128x64xf32, #tpu.memory_space<vmem>>) target(%dma_start3A_216 : memref<10240x64xf32, #tpu.memory_space<vmem_shared>>) offsets(%dma_start3A_213 : memref<128xi32, #tpu.memory_space<vmem>>) semaphore(%arg21 : memref<!tpu.dma_semaphore, #tpu.memory_space<semaphore_mem>>) {add = true}
      %add3A_217 = arith.constant 4 : i32
      %add3A_218 = arith.addi %add3A_107, %add3A_217 : i32
      %add3A_219 = arith.constant 3 : i32
      %add3A_220 = arith.addi %add3A_218, %add3A_219 : i32
      %lt3A_221 = arith.constant 160 : i32
      %lt3A_222 = arith.cmpi slt, %add3A_220, %lt3A_221 : i32
      %convert_element_type3A_223 = arith.extui %lt3A_222 : i1 to i32
      %cond3A_224 = arith.constant 0 : i32
      %cond3A_225 = arith.cmpi ne, %convert_element_type3A_223, %cond3A_224 : i32
      scf.if %cond3A_225 {
        %ge3A = arith.constant 5 : i32
        %ge3A_245 = arith.cmpi sge, %add3A_220, %ge3A : i32
        %convert_element_type3A_246 = arith.extui %ge3A_245 : i1 to i32
        %cond3A_247 = arith.constant 0 : i32
        %cond3A_248 = arith.cmpi ne, %convert_element_type3A_246, %cond3A_247 : i32
        scf.if %cond3A_248 {
          %dma_wait3A_259 = arith.constant 0 : i32
          %dma_wait3A_260 = arith.constant 0 : i32
          %dma_wait3A_261 = tpu.memref_slice %arg7[%dma_wait3A_259, %dma_wait3A_260] : memref<160x128xi32, #tpu.memory_space<vmem>> -> memref<1x128xi32, #tpu.memory_space<vmem>>
          %dma_wait3A_262 = tpu.memref_squeeze %dma_wait3A_261 : memref<1x128xi32, #tpu.memory_space<vmem>> -> memref<128xi32, #tpu.memory_space<vmem>>
          %dma_wait3A_263 = arith.constant 0 : i32
          %dma_wait3A_264 = arith.constant 0 : i32
          %dma_wait3A_265 = tpu.memref_slice %arg24[%dma_wait3A_263, %dma_wait3A_264] : memref<10240x64xf32, #tpu.memory_space<vmem_shared>> -> memref<10240x64xf32, #tpu.memory_space<vmem_shared>>
          tpu.wait_indirect_dma semaphore(%arg20 : memref<!tpu.dma_semaphore, #tpu.memory_space<semaphore_mem>>) src(%arg10 : memref<128x64xf32, #tpu.memory_space<vmem>>) dst(%dma_wait3A_265 : memref<10240x64xf32, #tpu.memory_space<vmem_shared>>)
        } else {
        }
        %dma_start3A_249 = arith.constant 0 : i32
        %dma_start3A_250 = tpu.memref_slice %arg6[%add3A_220, %dma_start3A_249] : memref<160x128xi32, #tpu.memory_space<vmem>> -> memref<1x128xi32, #tpu.memory_space<vmem>>
        %dma_start3A_251 = tpu.memref_squeeze %dma_start3A_250 : memref<1x128xi32, #tpu.memory_space<vmem>> -> memref<128xi32, #tpu.memory_space<vmem>>
        %dma_start3A_252 = arith.constant 0 : i32
        %dma_start3A_253 = arith.constant 0 : i32
        %dma_start3A_254 = tpu.memref_slice %arg2[%arg0, %dma_start3A_252, %dma_start3A_253] : memref<2x10240x64xf32, #tpu.memory_space<hbm>> -> memref<1x10240x64xf32, #tpu.memory_space<hbm>>
        %dma_start3A_255 = tpu.memref_squeeze %dma_start3A_254 : memref<1x10240x64xf32, #tpu.memory_space<hbm>> -> memref<10240x64xf32, #tpu.memory_space<hbm>>
        %dma_start3A_256 = arith.constant 0 : i32
        %dma_start3A_257 = arith.constant 0 : i32
        %dma_start3A_258 = tpu.memref_slice %dma_start3A_255[%dma_start3A_256, %dma_start3A_257] : memref<10240x64xf32, #tpu.memory_space<hbm>> -> memref<10240x64xf32, #tpu.memory_space<hbm>>
        tpu.enqueue_indirect_dma source(%dma_start3A_258 : memref<10240x64xf32, #tpu.memory_space<hbm>>) target(%arg10 : memref<128x64xf32, #tpu.memory_space<vmem>>) offsets(%dma_start3A_251 : memref<128xi32, #tpu.memory_space<vmem>>) semaphore(%arg15 : memref<!tpu.dma_semaphore, #tpu.memory_space<semaphore_mem>>)
      } else {
      }
      %dma_wait3A_226 = arith.constant 0 : i32
      %dma_wait3A_227 = arith.constant 0 : i32
      %dma_wait3A_228 = tpu.memref_slice %arg6[%dma_wait3A_226, %dma_wait3A_227] : memref<160x128xi32, #tpu.memory_space<vmem>> -> memref<1x128xi32, #tpu.memory_space<vmem>>
      %dma_wait3A_229 = tpu.memref_squeeze %dma_wait3A_228 : memref<1x128xi32, #tpu.memory_space<vmem>> -> memref<128xi32, #tpu.memory_space<vmem>>
      %dma_wait3A_230 = arith.constant 0 : i32
      %dma_wait3A_231 = arith.constant 0 : i32
      %dma_wait3A_232 = tpu.memref_slice %arg2[%arg0, %dma_wait3A_230, %dma_wait3A_231] : memref<2x10240x64xf32, #tpu.memory_space<hbm>> -> memref<1x10240x64xf32, #tpu.memory_space<hbm>>
      %dma_wait3A_233 = tpu.memref_squeeze %dma_wait3A_232 : memref<1x10240x64xf32, #tpu.memory_space<hbm>> -> memref<10240x64xf32, #tpu.memory_space<hbm>>
      %dma_wait3A_234 = arith.constant 0 : i32
      %dma_wait3A_235 = arith.constant 0 : i32
      %dma_wait3A_236 = tpu.memref_slice %dma_wait3A_233[%dma_wait3A_234, %dma_wait3A_235] : memref<10240x64xf32, #tpu.memory_space<hbm>> -> memref<10240x64xf32, #tpu.memory_space<hbm>>
      tpu.wait_indirect_dma semaphore(%arg17 : memref<!tpu.dma_semaphore, #tpu.memory_space<semaphore_mem>>) src(%dma_wait3A_236 : memref<10240x64xf32, #tpu.memory_space<hbm>>) dst(%arg12 : memref<128x64xf32, #tpu.memory_space<vmem>>)
      %add3A_237 = arith.constant 4 : i32
      %add3A_238 = arith.addi %add3A_107, %add3A_237 : i32
      %dma_start3A_239 = arith.constant 0 : i32
      %dma_start3A_240 = tpu.memref_slice %arg7[%add3A_238, %dma_start3A_239] : memref<160x128xi32, #tpu.memory_space<vmem>> -> memref<1x128xi32, #tpu.memory_space<vmem>>
      %dma_start3A_241 = tpu.memref_squeeze %dma_start3A_240 : memref<1x128xi32, #tpu.memory_space<vmem>> -> memref<128xi32, #tpu.memory_space<vmem>>
      %dma_start3A_242 = arith.constant 0 : i32
      %dma_start3A_243 = arith.constant 0 : i32
      %dma_start3A_244 = tpu.memref_slice %arg24[%dma_start3A_242, %dma_start3A_243] : memref<10240x64xf32, #tpu.memory_space<vmem_shared>> -> memref<10240x64xf32, #tpu.memory_space<vmem_shared>>
      tpu.enqueue_indirect_dma source(%arg12 : memref<128x64xf32, #tpu.memory_space<vmem>>) target(%dma_start3A_244 : memref<10240x64xf32, #tpu.memory_space<vmem_shared>>) offsets(%dma_start3A_241 : memref<128xi32, #tpu.memory_space<vmem>>) semaphore(%arg22 : memref<!tpu.dma_semaphore, #tpu.memory_space<semaphore_mem>>) {add = true}
    }
    %scan3A_67 = arith.constant 32 : i32
    %dma_wait3A_68 = arith.constant 0 : i32
    %dma_wait3A_69 = arith.constant 0 : i32
    %dma_wait3A_70 = tpu.memref_slice %arg7[%dma_wait3A_68, %dma_wait3A_69] : memref<160x128xi32, #tpu.memory_space<vmem>> -> memref<1x128xi32, #tpu.memory_space<vmem>>
    %dma_wait3A_71 = tpu.memref_squeeze %dma_wait3A_70 : memref<1x128xi32, #tpu.memory_space<vmem>> -> memref<128xi32, #tpu.memory_space<vmem>>
    %dma_wait3A_72 = arith.constant 0 : i32
    %dma_wait3A_73 = arith.constant 0 : i32
    %dma_wait3A_74 = tpu.memref_slice %arg24[%dma_wait3A_72, %dma_wait3A_73] : memref<10240x64xf32, #tpu.memory_space<vmem_shared>> -> memref<10240x64xf32, #tpu.memory_space<vmem_shared>>
    tpu.wait_indirect_dma semaphore(%arg18 : memref<!tpu.dma_semaphore, #tpu.memory_space<semaphore_mem>>) src(%arg8 : memref<128x64xf32, #tpu.memory_space<vmem>>) dst(%dma_wait3A_74 : memref<10240x64xf32, #tpu.memory_space<vmem_shared>>)
    %dma_wait3A_75 = arith.constant 0 : i32
    %dma_wait3A_76 = arith.constant 0 : i32
    %dma_wait3A_77 = tpu.memref_slice %arg7[%dma_wait3A_75, %dma_wait3A_76] : memref<160x128xi32, #tpu.memory_space<vmem>> -> memref<1x128xi32, #tpu.memory_space<vmem>>
    %dma_wait3A_78 = tpu.memref_squeeze %dma_wait3A_77 : memref<1x128xi32, #tpu.memory_space<vmem>> -> memref<128xi32, #tpu.memory_space<vmem>>
    %dma_wait3A_79 = arith.constant 0 : i32
    %dma_wait3A_80 = arith.constant 0 : i32
    %dma_wait3A_81 = tpu.memref_slice %arg24[%dma_wait3A_79, %dma_wait3A_80] : memref<10240x64xf32, #tpu.memory_space<vmem_shared>> -> memref<10240x64xf32, #tpu.memory_space<vmem_shared>>
    tpu.wait_indirect_dma semaphore(%arg19 : memref<!tpu.dma_semaphore, #tpu.memory_space<semaphore_mem>>) src(%arg9 : memref<128x64xf32, #tpu.memory_space<vmem>>) dst(%dma_wait3A_81 : memref<10240x64xf32, #tpu.memory_space<vmem_shared>>)
    %dma_wait3A_82 = arith.constant 0 : i32
    %dma_wait3A_83 = arith.constant 0 : i32
    %dma_wait3A_84 = tpu.memref_slice %arg7[%dma_wait3A_82, %dma_wait3A_83] : memref<160x128xi32, #tpu.memory_space<vmem>> -> memref<1x128xi32, #tpu.memory_space<vmem>>
    %dma_wait3A_85 = tpu.memref_squeeze %dma_wait3A_84 : memref<1x128xi32, #tpu.memory_space<vmem>> -> memref<128xi32, #tpu.memory_space<vmem>>
    %dma_wait3A_86 = arith.constant 0 : i32
    %dma_wait3A_87 = arith.constant 0 : i32
    %dma_wait3A_88 = tpu.memref_slice %arg24[%dma_wait3A_86, %dma_wait3A_87] : memref<10240x64xf32, #tpu.memory_space<vmem_shared>> -> memref<10240x64xf32, #tpu.memory_space<vmem_shared>>
    tpu.wait_indirect_dma semaphore(%arg20 : memref<!tpu.dma_semaphore, #tpu.memory_space<semaphore_mem>>) src(%arg10 : memref<128x64xf32, #tpu.memory_space<vmem>>) dst(%dma_wait3A_88 : memref<10240x64xf32, #tpu.memory_space<vmem_shared>>)
    %dma_wait3A_89 = arith.constant 0 : i32
    %dma_wait3A_90 = arith.constant 0 : i32
    %dma_wait3A_91 = tpu.memref_slice %arg7[%dma_wait3A_89, %dma_wait3A_90] : memref<160x128xi32, #tpu.memory_space<vmem>> -> memref<1x128xi32, #tpu.memory_space<vmem>>
    %dma_wait3A_92 = tpu.memref_squeeze %dma_wait3A_91 : memref<1x128xi32, #tpu.memory_space<vmem>> -> memref<128xi32, #tpu.memory_space<vmem>>
    %dma_wait3A_93 = arith.constant 0 : i32
    %dma_wait3A_94 = arith.constant 0 : i32
    %dma_wait3A_95 = tpu.memref_slice %arg24[%dma_wait3A_93, %dma_wait3A_94] : memref<10240x64xf32, #tpu.memory_space<vmem_shared>> -> memref<10240x64xf32, #tpu.memory_space<vmem_shared>>
    tpu.wait_indirect_dma semaphore(%arg21 : memref<!tpu.dma_semaphore, #tpu.memory_space<semaphore_mem>>) src(%arg11 : memref<128x64xf32, #tpu.memory_space<vmem>>) dst(%dma_wait3A_95 : memref<10240x64xf32, #tpu.memory_space<vmem_shared>>)
    %dma_wait3A_96 = arith.constant 0 : i32
    %dma_wait3A_97 = arith.constant 0 : i32
    %dma_wait3A_98 = tpu.memref_slice %arg7[%dma_wait3A_96, %dma_wait3A_97] : memref<160x128xi32, #tpu.memory_space<vmem>> -> memref<1x128xi32, #tpu.memory_space<vmem>>
    %dma_wait3A_99 = tpu.memref_squeeze %dma_wait3A_98 : memref<1x128xi32, #tpu.memory_space<vmem>> -> memref<128xi32, #tpu.memory_space<vmem>>
    %dma_wait3A_100 = arith.constant 0 : i32
    %dma_wait3A_101 = arith.constant 0 : i32
    %dma_wait3A_102 = tpu.memref_slice %arg24[%dma_wait3A_100, %dma_wait3A_101] : memref<10240x64xf32, #tpu.memory_space<vmem_shared>> -> memref<10240x64xf32, #tpu.memory_space<vmem_shared>>
    tpu.wait_indirect_dma semaphore(%arg22 : memref<!tpu.dma_semaphore, #tpu.memory_space<semaphore_mem>>) src(%arg12 : memref<128x64xf32, #tpu.memory_space<vmem>>) dst(%dma_wait3A_102 : memref<10240x64xf32, #tpu.memory_space<vmem_shared>>)
    %barrier3A_103 = arith.constant 0 : index
    tpu.barrier barrier_id(%barrier3A_103)
    "tpu.region"() ({
      %run_scoped3A = tpu.sem_alloc : memref<!tpu.dma_semaphore, #tpu.memory_space<semaphore_mem>>
      %dma_start3A_104 = arith.constant 0 : i32
      %dma_start3A_105 = tpu.memref_slice %arg5[%arg0, %mul3A_0, %dma_start3A_104] : memref<2x10240x64xf32, #tpu.memory_space<hbm>> -> memref<1x640x64xf32, #tpu.memory_space<hbm>>
      %dma_start3A_106 = tpu.memref_squeeze %dma_start3A_105 : memref<1x640x64xf32, #tpu.memory_space<hbm>> -> memref<640x64xf32, #tpu.memory_space<hbm>>
      %dma_start3A_107 = arith.constant 0 : i32
      %dma_start3A_108 = tpu.memref_slice %arg24[%mul3A_0, %dma_start3A_107] : memref<10240x64xf32, #tpu.memory_space<vmem_shared>> -> memref<640x64xf32, #tpu.memory_space<vmem_shared>>
      tpu.enqueue_dma source(%dma_start3A_108 : memref<640x64xf32, #tpu.memory_space<vmem_shared>>) target(%dma_start3A_106 : memref<640x64xf32, #tpu.memory_space<hbm>>) target_semaphore(%run_scoped3A : memref<!tpu.dma_semaphore, #tpu.memory_space<semaphore_mem>>)
      %dma_wait3A_109 = arith.constant 0 : i32
      %dma_wait3A_110 = tpu.memref_slice %arg5[%arg0, %mul3A_0, %dma_wait3A_109] : memref<2x10240x64xf32, #tpu.memory_space<hbm>> -> memref<1x640x64xf32, #tpu.memory_space<hbm>>
      %dma_wait3A_111 = tpu.memref_squeeze %dma_wait3A_110 : memref<1x640x64xf32, #tpu.memory_space<hbm>> -> memref<640x64xf32, #tpu.memory_space<hbm>>
      %dma_wait3A_112 = arith.constant 0 : i32
      %dma_wait3A_113 = tpu.memref_slice %arg24[%mul3A_0, %dma_wait3A_112] : memref<10240x64xf32, #tpu.memory_space<vmem_shared>> -> memref<640x64xf32, #tpu.memory_space<vmem_shared>>
      tpu.wait_dma2 semaphore(%run_scoped3A : memref<!tpu.dma_semaphore, #tpu.memory_space<semaphore_mem>>) src(%dma_wait3A_113 : memref<640x64xf32, #tpu.memory_space<vmem_shared>>) dst(%dma_wait3A_111 : memref<640x64xf32, #tpu.memory_space<hbm>>)
      tpu.yield
    }) : () -> ()
    return
  }
}

#map = affine_map<(d0, d1) -> (0, 0, 0, 0)>
#map1 = affine_map<(d0, d1) -> (0, 0)>
#map2 = affine_map<(d0, d1) -> (0, 0, 0)>
module attributes {stable_mosaic.version = 14 : i64} {
  func.func @deg_kernel(%arg0: i32, %arg1: i32, %arg2: memref<2x16x160x128xi32, #tpu.memory_space<hbm>>, %arg3: memref<10240x16xf32, #tpu.memory_space<hbm>>, %arg4: memref<128x16xf32, #tpu.memory_space<hbm>>, %arg5: memref<2x10240x16xf32, #tpu.memory_space<hbm>>, %arg6: memref<160x128xi32, #tpu.memory_space<vmem>>, %arg7: memref<128x16xf32, #tpu.memory_space<vmem>>, %arg8: memref<!tpu.dma_semaphore, #tpu.memory_space<semaphore_mem>>, %arg9: memref<10240x16xf32, #tpu.memory_space<vmem_shared>>) attributes {dimension_semantics = [#tpu.dimension_semantics<core_parallel>, #tpu.dimension_semantics<subcore_parallel>], iteration_bounds = array<i64: 2, 16>, scalar_prefetch = 0 : i64, scratch_operands = 4 : i64, tpu.core_type = #tpu.core_type<sc_vector_subcore>, window_params = [{transform_indices = #map}, {transform_indices = #map1}, {transform_indices = #map1}, {transform_indices = #map2}]} {
    %mul3A = arith.constant 640 : i32
    %mul3A_0 = arith.muli %arg1, %mul3A : i32
    "tpu.region"() ({
      %run_scoped3A = tpu.sem_alloc : memref<!tpu.dma_semaphore, #tpu.memory_space<semaphore_mem>>
      %dma_start3A = arith.constant 0 : i32
      %dma_start3A_11 = tpu.memref_slice %arg9[%mul3A_0, %dma_start3A] : memref<10240x16xf32, #tpu.memory_space<vmem_shared>> -> memref<640x16xf32, #tpu.memory_space<vmem_shared>>
      %dma_start3A_12 = arith.constant 0 : i32
      %dma_start3A_13 = tpu.memref_slice %arg3[%mul3A_0, %dma_start3A_12] : memref<10240x16xf32, #tpu.memory_space<hbm>> -> memref<640x16xf32, #tpu.memory_space<hbm>>
      tpu.enqueue_dma source(%dma_start3A_13 : memref<640x16xf32, #tpu.memory_space<hbm>>) target(%dma_start3A_11 : memref<640x16xf32, #tpu.memory_space<vmem_shared>>) target_semaphore(%run_scoped3A : memref<!tpu.dma_semaphore, #tpu.memory_space<semaphore_mem>>)
      %dma_wait3A = arith.constant 0 : i32
      %dma_wait3A_14 = tpu.memref_slice %arg9[%mul3A_0, %dma_wait3A] : memref<10240x16xf32, #tpu.memory_space<vmem_shared>> -> memref<640x16xf32, #tpu.memory_space<vmem_shared>>
      %dma_wait3A_15 = arith.constant 0 : i32
      %dma_wait3A_16 = tpu.memref_slice %arg3[%mul3A_0, %dma_wait3A_15] : memref<10240x16xf32, #tpu.memory_space<hbm>> -> memref<640x16xf32, #tpu.memory_space<hbm>>
      tpu.wait_dma2 semaphore(%run_scoped3A : memref<!tpu.dma_semaphore, #tpu.memory_space<semaphore_mem>>) src(%dma_wait3A_16 : memref<640x16xf32, #tpu.memory_space<hbm>>) dst(%dma_wait3A_14 : memref<640x16xf32, #tpu.memory_space<vmem_shared>>)
      tpu.yield
    }) : () -> ()
    "tpu.region"() ({
      %run_scoped3A = tpu.sem_alloc : memref<!tpu.dma_semaphore, #tpu.memory_space<semaphore_mem>>
      tpu.enqueue_dma source(%arg4 : memref<128x16xf32, #tpu.memory_space<hbm>>) target(%arg7 : memref<128x16xf32, #tpu.memory_space<vmem>>) target_semaphore(%run_scoped3A : memref<!tpu.dma_semaphore, #tpu.memory_space<semaphore_mem>>)
      tpu.wait_dma2 semaphore(%run_scoped3A : memref<!tpu.dma_semaphore, #tpu.memory_space<semaphore_mem>>) src(%arg4 : memref<128x16xf32, #tpu.memory_space<hbm>>) dst(%arg7 : memref<128x16xf32, #tpu.memory_space<vmem>>)
      tpu.yield
    }) : () -> ()
    "tpu.region"() ({
      %run_scoped3A = tpu.sem_alloc : memref<!tpu.dma_semaphore, #tpu.memory_space<semaphore_mem>>
      %dma_start3A = arith.constant 0 : i32
      %dma_start3A_11 = arith.constant 0 : i32
      %dma_start3A_12 = tpu.memref_slice %arg2[%arg0, %arg1, %dma_start3A, %dma_start3A_11] : memref<2x16x160x128xi32, #tpu.memory_space<hbm>> -> memref<1x1x160x128xi32, #tpu.memory_space<hbm>>
      %dma_start3A_13 = tpu.memref_squeeze %dma_start3A_12 : memref<1x1x160x128xi32, #tpu.memory_space<hbm>> -> memref<160x128xi32, #tpu.memory_space<hbm>>
      %dma_start3A_14 = arith.constant 0 : i32
      %dma_start3A_15 = arith.constant 0 : i32
      %dma_start3A_16 = tpu.memref_slice %arg2[%arg0, %arg1, %dma_start3A_14, %dma_start3A_15] : memref<2x16x160x128xi32, #tpu.memory_space<hbm>> -> memref<1x1x160x128xi32, #tpu.memory_space<hbm>>
      %dma_start3A_17 = tpu.memref_squeeze %dma_start3A_16 : memref<1x1x160x128xi32, #tpu.memory_space<hbm>> -> memref<160x128xi32, #tpu.memory_space<hbm>>
      tpu.enqueue_dma source(%dma_start3A_17 : memref<160x128xi32, #tpu.memory_space<hbm>>) target(%arg6 : memref<160x128xi32, #tpu.memory_space<vmem>>) target_semaphore(%run_scoped3A : memref<!tpu.dma_semaphore, #tpu.memory_space<semaphore_mem>>)
      %dma_wait3A = arith.constant 0 : i32
      %dma_wait3A_18 = arith.constant 0 : i32
      %dma_wait3A_19 = tpu.memref_slice %arg2[%arg0, %arg1, %dma_wait3A, %dma_wait3A_18] : memref<2x16x160x128xi32, #tpu.memory_space<hbm>> -> memref<1x1x160x128xi32, #tpu.memory_space<hbm>>
      %dma_wait3A_20 = tpu.memref_squeeze %dma_wait3A_19 : memref<1x1x160x128xi32, #tpu.memory_space<hbm>> -> memref<160x128xi32, #tpu.memory_space<hbm>>
      %dma_wait3A_21 = arith.constant 0 : i32
      %dma_wait3A_22 = arith.constant 0 : i32
      %dma_wait3A_23 = tpu.memref_slice %arg2[%arg0, %arg1, %dma_wait3A_21, %dma_wait3A_22] : memref<2x16x160x128xi32, #tpu.memory_space<hbm>> -> memref<1x1x160x128xi32, #tpu.memory_space<hbm>>
      %dma_wait3A_24 = tpu.memref_squeeze %dma_wait3A_23 : memref<1x1x160x128xi32, #tpu.memory_space<hbm>> -> memref<160x128xi32, #tpu.memory_space<hbm>>
      tpu.wait_dma2 semaphore(%run_scoped3A : memref<!tpu.dma_semaphore, #tpu.memory_space<semaphore_mem>>) src(%dma_wait3A_24 : memref<160x128xi32, #tpu.memory_space<hbm>>) dst(%arg6 : memref<160x128xi32, #tpu.memory_space<vmem>>)
      tpu.yield
    }) : () -> ()
    %barrier3A = arith.constant 0 : index
    tpu.barrier barrier_id(%barrier3A)
    %scan3A = arith.constant 0 : i32
    %scan3A_1 = arith.constant 160 : i32
    %scan3A_2 = arith.addi %scan3A, %scan3A_1 : i32
    %scan3A_3 = arith.constant 1 : i32
    scf.for %scan3A_11 = %scan3A to %scan3A_2 step %scan3A_3  : i32 {
      %mul3A_12 = arith.constant 1 : i32
      %mul3A_13 = arith.muli %scan3A_11, %mul3A_12 : i32
      %add3A = arith.constant 0 : i32
      %add3A_14 = arith.addi %add3A, %mul3A_13 : i32
      %dma_start3A = arith.constant 0 : i32
      %dma_start3A_15 = tpu.memref_slice %arg6[%add3A_14, %dma_start3A] : memref<160x128xi32, #tpu.memory_space<vmem>> -> memref<1x128xi32, #tpu.memory_space<vmem>>
      %dma_start3A_16 = tpu.memref_squeeze %dma_start3A_15 : memref<1x128xi32, #tpu.memory_space<vmem>> -> memref<128xi32, #tpu.memory_space<vmem>>
      %dma_start3A_17 = arith.constant 0 : i32
      %dma_start3A_18 = arith.constant 0 : i32
      %dma_start3A_19 = tpu.memref_slice %arg9[%dma_start3A_17, %dma_start3A_18] : memref<10240x16xf32, #tpu.memory_space<vmem_shared>> -> memref<10240x16xf32, #tpu.memory_space<vmem_shared>>
      tpu.enqueue_indirect_dma source(%arg7 : memref<128x16xf32, #tpu.memory_space<vmem>>) target(%dma_start3A_19 : memref<10240x16xf32, #tpu.memory_space<vmem_shared>>) offsets(%dma_start3A_16 : memref<128xi32, #tpu.memory_space<vmem>>) semaphore(%arg8 : memref<!tpu.dma_semaphore, #tpu.memory_space<semaphore_mem>>) {add = true}
      %ge3A = arith.constant 8 : i32
      %ge3A_20 = arith.cmpi sge, %add3A_14, %ge3A : i32
      %convert_element_type3A = arith.extui %ge3A_20 : i1 to i32
      %cond3A = arith.constant 0 : i32
      %cond3A_21 = arith.cmpi ne, %convert_element_type3A, %cond3A : i32
      scf.if %cond3A_21 {
        %dma_wait3A = arith.constant 0 : i32
        %dma_wait3A_22 = arith.constant 0 : i32
        %dma_wait3A_23 = tpu.memref_slice %arg6[%dma_wait3A, %dma_wait3A_22] : memref<160x128xi32, #tpu.memory_space<vmem>> -> memref<1x128xi32, #tpu.memory_space<vmem>>
        %dma_wait3A_24 = tpu.memref_squeeze %dma_wait3A_23 : memref<1x128xi32, #tpu.memory_space<vmem>> -> memref<128xi32, #tpu.memory_space<vmem>>
        %dma_wait3A_25 = arith.constant 0 : i32
        %dma_wait3A_26 = arith.constant 0 : i32
        %dma_wait3A_27 = tpu.memref_slice %arg9[%dma_wait3A_25, %dma_wait3A_26] : memref<10240x16xf32, #tpu.memory_space<vmem_shared>> -> memref<10240x16xf32, #tpu.memory_space<vmem_shared>>
        tpu.wait_indirect_dma semaphore(%arg8 : memref<!tpu.dma_semaphore, #tpu.memory_space<semaphore_mem>>) src(%arg7 : memref<128x16xf32, #tpu.memory_space<vmem>>) dst(%dma_wait3A_27 : memref<10240x16xf32, #tpu.memory_space<vmem_shared>>)
      } else {
      }
    }
    %scan3A_4 = arith.constant 160 : i32
    %scan3A_5 = arith.constant 0 : i32
    %scan3A_6 = arith.constant 8 : i32
    %scan3A_7 = arith.addi %scan3A_5, %scan3A_6 : i32
    %scan3A_8 = arith.constant 1 : i32
    scf.for %scan3A_11 = %scan3A_5 to %scan3A_7 step %scan3A_8  : i32 {
      %mul3A_12 = arith.constant 1 : i32
      %mul3A_13 = arith.muli %scan3A_11, %mul3A_12 : i32
      %add3A = arith.constant 0 : i32
      %add3A_14 = arith.addi %add3A, %mul3A_13 : i32
      %dma_wait3A = arith.constant 0 : i32
      %dma_wait3A_15 = arith.constant 0 : i32
      %dma_wait3A_16 = tpu.memref_slice %arg6[%dma_wait3A, %dma_wait3A_15] : memref<160x128xi32, #tpu.memory_space<vmem>> -> memref<1x128xi32, #tpu.memory_space<vmem>>
      %dma_wait3A_17 = tpu.memref_squeeze %dma_wait3A_16 : memref<1x128xi32, #tpu.memory_space<vmem>> -> memref<128xi32, #tpu.memory_space<vmem>>
      %dma_wait3A_18 = arith.constant 0 : i32
      %dma_wait3A_19 = arith.constant 0 : i32
      %dma_wait3A_20 = tpu.memref_slice %arg9[%dma_wait3A_18, %dma_wait3A_19] : memref<10240x16xf32, #tpu.memory_space<vmem_shared>> -> memref<10240x16xf32, #tpu.memory_space<vmem_shared>>
      tpu.wait_indirect_dma semaphore(%arg8 : memref<!tpu.dma_semaphore, #tpu.memory_space<semaphore_mem>>) src(%arg7 : memref<128x16xf32, #tpu.memory_space<vmem>>) dst(%dma_wait3A_20 : memref<10240x16xf32, #tpu.memory_space<vmem_shared>>)
    }
    %scan3A_9 = arith.constant 8 : i32
    %barrier3A_10 = arith.constant 0 : index
    tpu.barrier barrier_id(%barrier3A_10)
    "tpu.region"() ({
      %run_scoped3A = tpu.sem_alloc : memref<!tpu.dma_semaphore, #tpu.memory_space<semaphore_mem>>
      %dma_start3A = arith.constant 0 : i32
      %dma_start3A_11 = tpu.memref_slice %arg5[%arg0, %mul3A_0, %dma_start3A] : memref<2x10240x16xf32, #tpu.memory_space<hbm>> -> memref<1x640x16xf32, #tpu.memory_space<hbm>>
      %dma_start3A_12 = tpu.memref_squeeze %dma_start3A_11 : memref<1x640x16xf32, #tpu.memory_space<hbm>> -> memref<640x16xf32, #tpu.memory_space<hbm>>
      %dma_start3A_13 = arith.constant 0 : i32
      %dma_start3A_14 = tpu.memref_slice %arg9[%mul3A_0, %dma_start3A_13] : memref<10240x16xf32, #tpu.memory_space<vmem_shared>> -> memref<640x16xf32, #tpu.memory_space<vmem_shared>>
      tpu.enqueue_dma source(%dma_start3A_14 : memref<640x16xf32, #tpu.memory_space<vmem_shared>>) target(%dma_start3A_12 : memref<640x16xf32, #tpu.memory_space<hbm>>) target_semaphore(%run_scoped3A : memref<!tpu.dma_semaphore, #tpu.memory_space<semaphore_mem>>)
      %dma_wait3A = arith.constant 0 : i32
      %dma_wait3A_15 = tpu.memref_slice %arg5[%arg0, %mul3A_0, %dma_wait3A] : memref<2x10240x16xf32, #tpu.memory_space<hbm>> -> memref<1x640x16xf32, #tpu.memory_space<hbm>>
      %dma_wait3A_16 = tpu.memref_squeeze %dma_wait3A_15 : memref<1x640x16xf32, #tpu.memory_space<hbm>> -> memref<640x16xf32, #tpu.memory_space<hbm>>
      %dma_wait3A_17 = arith.constant 0 : i32
      %dma_wait3A_18 = tpu.memref_slice %arg9[%mul3A_0, %dma_wait3A_17] : memref<10240x16xf32, #tpu.memory_space<vmem_shared>> -> memref<640x16xf32, #tpu.memory_space<vmem_shared>>
      tpu.wait_dma2 semaphore(%run_scoped3A : memref<!tpu.dma_semaphore, #tpu.memory_space<semaphore_mem>>) src(%dma_wait3A_18 : memref<640x16xf32, #tpu.memory_space<vmem_shared>>) dst(%dma_wait3A_16 : memref<640x16xf32, #tpu.memory_space<hbm>>)
      tpu.yield
    }) : () -> ()
    return
  }
}

#map = affine_map<(d0, d1) -> (0, 0, 0)>
#map1 = affine_map<(d0, d1) -> (0, 0, 0, 0)>
module attributes {stable_mosaic.version = 14 : i64} {
  func.func @edge_kernel(%arg0: i32, %arg1: i32, %arg2: memref<2x10240x32xf32, #tpu.memory_space<hbm>>, %arg3: memref<2x16x160x128xi32, #tpu.memory_space<hbm>>, %arg4: memref<2x16x160x128xi32, #tpu.memory_space<hbm>>, %arg5: memref<2x10240x32xf32, #tpu.memory_space<hbm>>, %arg6: memref<160x128xi32, #tpu.memory_space<vmem>>, %arg7: memref<160x128xi32, #tpu.memory_space<vmem>>, %arg8: memref<128x32xf32, #tpu.memory_space<vmem>>, %arg9: memref<128x32xf32, #tpu.memory_space<vmem>>, %arg10: memref<128x32xf32, #tpu.memory_space<vmem>>, %arg11: memref<128x32xf32, #tpu.memory_space<vmem>>, %arg12: memref<128x32xf32, #tpu.memory_space<vmem>>, %arg13: memref<!tpu.dma_semaphore, #tpu.memory_space<semaphore_mem>>, %arg14: memref<!tpu.dma_semaphore, #tpu.memory_space<semaphore_mem>>, %arg15: memref<!tpu.dma_semaphore, #tpu.memory_space<semaphore_mem>>, %arg16: memref<!tpu.dma_semaphore, #tpu.memory_space<semaphore_mem>>, %arg17: memref<!tpu.dma_semaphore, #tpu.memory_space<semaphore_mem>>, %arg18: memref<!tpu.dma_semaphore, #tpu.memory_space<semaphore_mem>>, %arg19: memref<!tpu.dma_semaphore, #tpu.memory_space<semaphore_mem>>, %arg20: memref<!tpu.dma_semaphore, #tpu.memory_space<semaphore_mem>>, %arg21: memref<!tpu.dma_semaphore, #tpu.memory_space<semaphore_mem>>, %arg22: memref<!tpu.dma_semaphore, #tpu.memory_space<semaphore_mem>>, %arg23: memref<!tpu.dma_semaphore, #tpu.memory_space<semaphore_mem>>, %arg24: memref<10240x32xf32, #tpu.memory_space<vmem_shared>>) attributes {dimension_semantics = [#tpu.dimension_semantics<core_parallel>, #tpu.dimension_semantics<subcore_parallel>], iteration_bounds = array<i64: 2, 16>, scalar_prefetch = 0 : i64, scratch_operands = 19 : i64, tpu.core_type = #tpu.core_type<sc_vector_subcore>, window_params = [{transform_indices = #map}, {transform_indices = #map1}, {transform_indices = #map1}, {transform_indices = #map}]} {
    %mul3A = arith.constant 640 : i32
    %mul3A_0 = arith.muli %arg1, %mul3A : i32
    %dma_start3A = arith.constant 0 : i32
    %dma_start3A_1 = arith.constant 0 : i32
    %dma_start3A_2 = tpu.memref_slice %arg3[%arg0, %arg1, %dma_start3A, %dma_start3A_1] : memref<2x16x160x128xi32, #tpu.memory_space<hbm>> -> memref<1x1x160x128xi32, #tpu.memory_space<hbm>>
    %dma_start3A_3 = tpu.memref_squeeze %dma_start3A_2 : memref<1x1x160x128xi32, #tpu.memory_space<hbm>> -> memref<160x128xi32, #tpu.memory_space<hbm>>
    %dma_start3A_4 = arith.constant 0 : i32
    %dma_start3A_5 = arith.constant 0 : i32
    %dma_start3A_6 = tpu.memref_slice %arg3[%arg0, %arg1, %dma_start3A_4, %dma_start3A_5] : memref<2x16x160x128xi32, #tpu.memory_space<hbm>> -> memref<1x1x160x128xi32, #tpu.memory_space<hbm>>
    %dma_start3A_7 = tpu.memref_squeeze %dma_start3A_6 : memref<1x1x160x128xi32, #tpu.memory_space<hbm>> -> memref<160x128xi32, #tpu.memory_space<hbm>>
    tpu.enqueue_dma source(%dma_start3A_7 : memref<160x128xi32, #tpu.memory_space<hbm>>) target(%arg6 : memref<160x128xi32, #tpu.memory_space<vmem>>) target_semaphore(%arg23 : memref<!tpu.dma_semaphore, #tpu.memory_space<semaphore_mem>>)
    %dma_start3A_8 = arith.constant 0 : i32
    %dma_start3A_9 = arith.constant 0 : i32
    %dma_start3A_10 = tpu.memref_slice %arg4[%arg0, %arg1, %dma_start3A_8, %dma_start3A_9] : memref<2x16x160x128xi32, #tpu.memory_space<hbm>> -> memref<1x1x160x128xi32, #tpu.memory_space<hbm>>
    %dma_start3A_11 = tpu.memref_squeeze %dma_start3A_10 : memref<1x1x160x128xi32, #tpu.memory_space<hbm>> -> memref<160x128xi32, #tpu.memory_space<hbm>>
    %dma_start3A_12 = arith.constant 0 : i32
    %dma_start3A_13 = arith.constant 0 : i32
    %dma_start3A_14 = tpu.memref_slice %arg4[%arg0, %arg1, %dma_start3A_12, %dma_start3A_13] : memref<2x16x160x128xi32, #tpu.memory_space<hbm>> -> memref<1x1x160x128xi32, #tpu.memory_space<hbm>>
    %dma_start3A_15 = tpu.memref_squeeze %dma_start3A_14 : memref<1x1x160x128xi32, #tpu.memory_space<hbm>> -> memref<160x128xi32, #tpu.memory_space<hbm>>
    tpu.enqueue_dma source(%dma_start3A_15 : memref<160x128xi32, #tpu.memory_space<hbm>>) target(%arg7 : memref<160x128xi32, #tpu.memory_space<vmem>>) target_semaphore(%arg23 : memref<!tpu.dma_semaphore, #tpu.memory_space<semaphore_mem>>)
    "tpu.region"() ({
      %run_scoped3A = tpu.sem_alloc : memref<!tpu.dma_semaphore, #tpu.memory_space<semaphore_mem>>
      %dma_start3A_104 = arith.constant 0 : i32
      %dma_start3A_105 = tpu.memref_slice %arg24[%mul3A_0, %dma_start3A_104] : memref<10240x32xf32, #tpu.memory_space<vmem_shared>> -> memref<640x32xf32, #tpu.memory_space<vmem_shared>>
      %dma_start3A_106 = arith.constant 0 : i32
      %dma_start3A_107 = arith.constant 0 : i32
      %dma_start3A_108 = tpu.memref_slice %arg2[%arg0, %dma_start3A_106, %dma_start3A_107] : memref<2x10240x32xf32, #tpu.memory_space<hbm>> -> memref<1x10240x32xf32, #tpu.memory_space<hbm>>
      %dma_start3A_109 = tpu.memref_squeeze %dma_start3A_108 : memref<1x10240x32xf32, #tpu.memory_space<hbm>> -> memref<10240x32xf32, #tpu.memory_space<hbm>>
      %dma_start3A_110 = arith.constant 0 : i32
      %dma_start3A_111 = tpu.memref_slice %dma_start3A_109[%mul3A_0, %dma_start3A_110] : memref<10240x32xf32, #tpu.memory_space<hbm>> -> memref<640x32xf32, #tpu.memory_space<hbm>>
      tpu.enqueue_dma source(%dma_start3A_111 : memref<640x32xf32, #tpu.memory_space<hbm>>) target(%dma_start3A_105 : memref<640x32xf32, #tpu.memory_space<vmem_shared>>) target_semaphore(%run_scoped3A : memref<!tpu.dma_semaphore, #tpu.memory_space<semaphore_mem>>)
      %dma_wait3A_112 = arith.constant 0 : i32
      %dma_wait3A_113 = tpu.memref_slice %arg24[%mul3A_0, %dma_wait3A_112] : memref<10240x32xf32, #tpu.memory_space<vmem_shared>> -> memref<640x32xf32, #tpu.memory_space<vmem_shared>>
      %dma_wait3A_114 = arith.constant 0 : i32
      %dma_wait3A_115 = arith.constant 0 : i32
      %dma_wait3A_116 = tpu.memref_slice %arg2[%arg0, %dma_wait3A_114, %dma_wait3A_115] : memref<2x10240x32xf32, #tpu.memory_space<hbm>> -> memref<1x10240x32xf32, #tpu.memory_space<hbm>>
      %dma_wait3A_117 = tpu.memref_squeeze %dma_wait3A_116 : memref<1x10240x32xf32, #tpu.memory_space<hbm>> -> memref<10240x32xf32, #tpu.memory_space<hbm>>
      %dma_wait3A_118 = arith.constant 0 : i32
      %dma_wait3A_119 = tpu.memref_slice %dma_wait3A_117[%mul3A_0, %dma_wait3A_118] : memref<10240x32xf32, #tpu.memory_space<hbm>> -> memref<640x32xf32, #tpu.memory_space<hbm>>
      tpu.wait_dma2 semaphore(%run_scoped3A : memref<!tpu.dma_semaphore, #tpu.memory_space<semaphore_mem>>) src(%dma_wait3A_119 : memref<640x32xf32, #tpu.memory_space<hbm>>) dst(%dma_wait3A_113 : memref<640x32xf32, #tpu.memory_space<vmem_shared>>)
      tpu.yield
    }) : () -> ()
    %dma_wait3A = arith.constant 0 : i32
    %dma_wait3A_16 = arith.constant 0 : i32
    %dma_wait3A_17 = tpu.memref_slice %arg3[%arg0, %arg1, %dma_wait3A, %dma_wait3A_16] : memref<2x16x160x128xi32, #tpu.memory_space<hbm>> -> memref<1x1x160x128xi32, #tpu.memory_space<hbm>>
    %dma_wait3A_18 = tpu.memref_squeeze %dma_wait3A_17 : memref<1x1x160x128xi32, #tpu.memory_space<hbm>> -> memref<160x128xi32, #tpu.memory_space<hbm>>
    %dma_wait3A_19 = arith.constant 0 : i32
    %dma_wait3A_20 = arith.constant 0 : i32
    %dma_wait3A_21 = tpu.memref_slice %arg3[%arg0, %arg1, %dma_wait3A_19, %dma_wait3A_20] : memref<2x16x160x128xi32, #tpu.memory_space<hbm>> -> memref<1x1x160x128xi32, #tpu.memory_space<hbm>>
    %dma_wait3A_22 = tpu.memref_squeeze %dma_wait3A_21 : memref<1x1x160x128xi32, #tpu.memory_space<hbm>> -> memref<160x128xi32, #tpu.memory_space<hbm>>
    tpu.wait_dma2 semaphore(%arg23 : memref<!tpu.dma_semaphore, #tpu.memory_space<semaphore_mem>>) src(%dma_wait3A_22 : memref<160x128xi32, #tpu.memory_space<hbm>>) dst(%arg6 : memref<160x128xi32, #tpu.memory_space<vmem>>)
    %dma_wait3A_23 = arith.constant 0 : i32
    %dma_wait3A_24 = arith.constant 0 : i32
    %dma_wait3A_25 = tpu.memref_slice %arg3[%arg0, %arg1, %dma_wait3A_23, %dma_wait3A_24] : memref<2x16x160x128xi32, #tpu.memory_space<hbm>> -> memref<1x1x160x128xi32, #tpu.memory_space<hbm>>
    %dma_wait3A_26 = tpu.memref_squeeze %dma_wait3A_25 : memref<1x1x160x128xi32, #tpu.memory_space<hbm>> -> memref<160x128xi32, #tpu.memory_space<hbm>>
    %dma_wait3A_27 = arith.constant 0 : i32
    %dma_wait3A_28 = arith.constant 0 : i32
    %dma_wait3A_29 = tpu.memref_slice %arg3[%arg0, %arg1, %dma_wait3A_27, %dma_wait3A_28] : memref<2x16x160x128xi32, #tpu.memory_space<hbm>> -> memref<1x1x160x128xi32, #tpu.memory_space<hbm>>
    %dma_wait3A_30 = tpu.memref_squeeze %dma_wait3A_29 : memref<1x1x160x128xi32, #tpu.memory_space<hbm>> -> memref<160x128xi32, #tpu.memory_space<hbm>>
    tpu.wait_dma2 semaphore(%arg23 : memref<!tpu.dma_semaphore, #tpu.memory_space<semaphore_mem>>) src(%dma_wait3A_30 : memref<160x128xi32, #tpu.memory_space<hbm>>) dst(%arg7 : memref<160x128xi32, #tpu.memory_space<vmem>>)
    %barrier3A = arith.constant 0 : index
    tpu.barrier barrier_id(%barrier3A)
    %dma_start3A_31 = arith.constant 0 : i32
    %dma_start3A_32 = arith.constant 0 : i32
    %dma_start3A_33 = tpu.memref_slice %arg6[%dma_start3A_31, %dma_start3A_32] : memref<160x128xi32, #tpu.memory_space<vmem>> -> memref<1x128xi32, #tpu.memory_space<vmem>>
    %dma_start3A_34 = tpu.memref_squeeze %dma_start3A_33 : memref<1x128xi32, #tpu.memory_space<vmem>> -> memref<128xi32, #tpu.memory_space<vmem>>
    %dma_start3A_35 = arith.constant 0 : i32
    %dma_start3A_36 = arith.constant 0 : i32
    %dma_start3A_37 = tpu.memref_slice %arg2[%arg0, %dma_start3A_35, %dma_start3A_36] : memref<2x10240x32xf32, #tpu.memory_space<hbm>> -> memref<1x10240x32xf32, #tpu.memory_space<hbm>>
    %dma_start3A_38 = tpu.memref_squeeze %dma_start3A_37 : memref<1x10240x32xf32, #tpu.memory_space<hbm>> -> memref<10240x32xf32, #tpu.memory_space<hbm>>
    %dma_start3A_39 = arith.constant 0 : i32
    %dma_start3A_40 = arith.constant 0 : i32
    %dma_start3A_41 = tpu.memref_slice %dma_start3A_38[%dma_start3A_39, %dma_start3A_40] : memref<10240x32xf32, #tpu.memory_space<hbm>> -> memref<10240x32xf32, #tpu.memory_space<hbm>>
    tpu.enqueue_indirect_dma source(%dma_start3A_41 : memref<10240x32xf32, #tpu.memory_space<hbm>>) target(%arg8 : memref<128x32xf32, #tpu.memory_space<vmem>>) offsets(%dma_start3A_34 : memref<128xi32, #tpu.memory_space<vmem>>) semaphore(%arg13 : memref<!tpu.dma_semaphore, #tpu.memory_space<semaphore_mem>>)
    %dma_start3A_42 = arith.constant 1 : i32
    %dma_start3A_43 = arith.constant 0 : i32
    %dma_start3A_44 = tpu.memref_slice %arg6[%dma_start3A_42, %dma_start3A_43] : memref<160x128xi32, #tpu.memory_space<vmem>> -> memref<1x128xi32, #tpu.memory_space<vmem>>
    %dma_start3A_45 = tpu.memref_squeeze %dma_start3A_44 : memref<1x128xi32, #tpu.memory_space<vmem>> -> memref<128xi32, #tpu.memory_space<vmem>>
    %dma_start3A_46 = arith.constant 0 : i32
    %dma_start3A_47 = arith.constant 0 : i32
    %dma_start3A_48 = tpu.memref_slice %arg2[%arg0, %dma_start3A_46, %dma_start3A_47] : memref<2x10240x32xf32, #tpu.memory_space<hbm>> -> memref<1x10240x32xf32, #tpu.memory_space<hbm>>
    %dma_start3A_49 = tpu.memref_squeeze %dma_start3A_48 : memref<1x10240x32xf32, #tpu.memory_space<hbm>> -> memref<10240x32xf32, #tpu.memory_space<hbm>>
    %dma_start3A_50 = arith.constant 0 : i32
    %dma_start3A_51 = arith.constant 0 : i32
    %dma_start3A_52 = tpu.memref_slice %dma_start3A_49[%dma_start3A_50, %dma_start3A_51] : memref<10240x32xf32, #tpu.memory_space<hbm>> -> memref<10240x32xf32, #tpu.memory_space<hbm>>
    tpu.enqueue_indirect_dma source(%dma_start3A_52 : memref<10240x32xf32, #tpu.memory_space<hbm>>) target(%arg9 : memref<128x32xf32, #tpu.memory_space<vmem>>) offsets(%dma_start3A_45 : memref<128xi32, #tpu.memory_space<vmem>>) semaphore(%arg14 : memref<!tpu.dma_semaphore, #tpu.memory_space<semaphore_mem>>)
    %dma_start3A_53 = arith.constant 2 : i32
    %dma_start3A_54 = arith.constant 0 : i32
    %dma_start3A_55 = tpu.memref_slice %arg6[%dma_start3A_53, %dma_start3A_54] : memref<160x128xi32, #tpu.memory_space<vmem>> -> memref<1x128xi32, #tpu.memory_space<vmem>>
    %dma_start3A_56 = tpu.memref_squeeze %dma_start3A_55 : memref<1x128xi32, #tpu.memory_space<vmem>> -> memref<128xi32, #tpu.memory_space<vmem>>
    %dma_start3A_57 = arith.constant 0 : i32
    %dma_start3A_58 = arith.constant 0 : i32
    %dma_start3A_59 = tpu.memref_slice %arg2[%arg0, %dma_start3A_57, %dma_start3A_58] : memref<2x10240x32xf32, #tpu.memory_space<hbm>> -> memref<1x10240x32xf32, #tpu.memory_space<hbm>>
    %dma_start3A_60 = tpu.memref_squeeze %dma_start3A_59 : memref<1x10240x32xf32, #tpu.memory_space<hbm>> -> memref<10240x32xf32, #tpu.memory_space<hbm>>
    %dma_start3A_61 = arith.constant 0 : i32
    %dma_start3A_62 = arith.constant 0 : i32
    %dma_start3A_63 = tpu.memref_slice %dma_start3A_60[%dma_start3A_61, %dma_start3A_62] : memref<10240x32xf32, #tpu.memory_space<hbm>> -> memref<10240x32xf32, #tpu.memory_space<hbm>>
    tpu.enqueue_indirect_dma source(%dma_start3A_63 : memref<10240x32xf32, #tpu.memory_space<hbm>>) target(%arg10 : memref<128x32xf32, #tpu.memory_space<vmem>>) offsets(%dma_start3A_56 : memref<128xi32, #tpu.memory_space<vmem>>) semaphore(%arg15 : memref<!tpu.dma_semaphore, #tpu.memory_space<semaphore_mem>>)
    %scan3A = arith.constant 0 : i32
    %scan3A_64 = arith.constant 32 : i32
    %scan3A_65 = arith.addi %scan3A, %scan3A_64 : i32
    %scan3A_66 = arith.constant 1 : i32
    scf.for %scan3A_104 = %scan3A to %scan3A_65 step %scan3A_66  : i32 {
      %mul3A_105 = arith.constant 5 : i32
      %mul3A_106 = arith.muli %scan3A_104, %mul3A_105 : i32
      %add3A = arith.constant 0 : i32
      %add3A_107 = arith.addi %add3A, %mul3A_106 : i32
      %add3A_108 = arith.constant 0 : i32
      %add3A_109 = arith.addi %add3A_107, %add3A_108 : i32
      %add3A_110 = arith.constant 3 : i32
      %add3A_111 = arith.addi %add3A_109, %add3A_110 : i32
      %lt3A = arith.constant 160 : i32
      %lt3A_112 = arith.cmpi slt, %add3A_111, %lt3A : i32
      %convert_element_type3A = arith.extui %lt3A_112 : i1 to i32
      %cond3A = arith.constant 0 : i32
      %cond3A_113 = arith.cmpi ne, %convert_element_type3A, %cond3A : i32
      scf.if %cond3A_113 {
        %ge3A = arith.constant 5 : i32
        %ge3A_245 = arith.cmpi sge, %add3A_111, %ge3A : i32
        %convert_element_type3A_246 = arith.extui %ge3A_245 : i1 to i32
        %cond3A_247 = arith.constant 0 : i32
        %cond3A_248 = arith.cmpi ne, %convert_element_type3A_246, %cond3A_247 : i32
        scf.if %cond3A_248 {
          %dma_wait3A_259 = arith.constant 0 : i32
          %dma_wait3A_260 = arith.constant 0 : i32
          %dma_wait3A_261 = tpu.memref_slice %arg7[%dma_wait3A_259, %dma_wait3A_260] : memref<160x128xi32, #tpu.memory_space<vmem>> -> memref<1x128xi32, #tpu.memory_space<vmem>>
          %dma_wait3A_262 = tpu.memref_squeeze %dma_wait3A_261 : memref<1x128xi32, #tpu.memory_space<vmem>> -> memref<128xi32, #tpu.memory_space<vmem>>
          %dma_wait3A_263 = arith.constant 0 : i32
          %dma_wait3A_264 = arith.constant 0 : i32
          %dma_wait3A_265 = tpu.memref_slice %arg24[%dma_wait3A_263, %dma_wait3A_264] : memref<10240x32xf32, #tpu.memory_space<vmem_shared>> -> memref<10240x32xf32, #tpu.memory_space<vmem_shared>>
          tpu.wait_indirect_dma semaphore(%arg21 : memref<!tpu.dma_semaphore, #tpu.memory_space<semaphore_mem>>) src(%arg11 : memref<128x32xf32, #tpu.memory_space<vmem>>) dst(%dma_wait3A_265 : memref<10240x32xf32, #tpu.memory_space<vmem_shared>>)
        } else {
        }
        %dma_start3A_249 = arith.constant 0 : i32
        %dma_start3A_250 = tpu.memref_slice %arg6[%add3A_111, %dma_start3A_249] : memref<160x128xi32, #tpu.memory_space<vmem>> -> memref<1x128xi32, #tpu.memory_space<vmem>>
        %dma_start3A_251 = tpu.memref_squeeze %dma_start3A_250 : memref<1x128xi32, #tpu.memory_space<vmem>> -> memref<128xi32, #tpu.memory_space<vmem>>
        %dma_start3A_252 = arith.constant 0 : i32
        %dma_start3A_253 = arith.constant 0 : i32
        %dma_start3A_254 = tpu.memref_slice %arg2[%arg0, %dma_start3A_252, %dma_start3A_253] : memref<2x10240x32xf32, #tpu.memory_space<hbm>> -> memref<1x10240x32xf32, #tpu.memory_space<hbm>>
        %dma_start3A_255 = tpu.memref_squeeze %dma_start3A_254 : memref<1x10240x32xf32, #tpu.memory_space<hbm>> -> memref<10240x32xf32, #tpu.memory_space<hbm>>
        %dma_start3A_256 = arith.constant 0 : i32
        %dma_start3A_257 = arith.constant 0 : i32
        %dma_start3A_258 = tpu.memref_slice %dma_start3A_255[%dma_start3A_256, %dma_start3A_257] : memref<10240x32xf32, #tpu.memory_space<hbm>> -> memref<10240x32xf32, #tpu.memory_space<hbm>>
        tpu.enqueue_indirect_dma source(%dma_start3A_258 : memref<10240x32xf32, #tpu.memory_space<hbm>>) target(%arg11 : memref<128x32xf32, #tpu.memory_space<vmem>>) offsets(%dma_start3A_251 : memref<128xi32, #tpu.memory_space<vmem>>) semaphore(%arg16 : memref<!tpu.dma_semaphore, #tpu.memory_space<semaphore_mem>>)
      } else {
      }
      %dma_wait3A_114 = arith.constant 0 : i32
      %dma_wait3A_115 = arith.constant 0 : i32
      %dma_wait3A_116 = tpu.memref_slice %arg6[%dma_wait3A_114, %dma_wait3A_115] : memref<160x128xi32, #tpu.memory_space<vmem>> -> memref<1x128xi32, #tpu.memory_space<vmem>>
      %dma_wait3A_117 = tpu.memref_squeeze %dma_wait3A_116 : memref<1x128xi32, #tpu.memory_space<vmem>> -> memref<128xi32, #tpu.memory_space<vmem>>
      %dma_wait3A_118 = arith.constant 0 : i32
      %dma_wait3A_119 = arith.constant 0 : i32
      %dma_wait3A_120 = tpu.memref_slice %arg2[%arg0, %dma_wait3A_118, %dma_wait3A_119] : memref<2x10240x32xf32, #tpu.memory_space<hbm>> -> memref<1x10240x32xf32, #tpu.memory_space<hbm>>
      %dma_wait3A_121 = tpu.memref_squeeze %dma_wait3A_120 : memref<1x10240x32xf32, #tpu.memory_space<hbm>> -> memref<10240x32xf32, #tpu.memory_space<hbm>>
      %dma_wait3A_122 = arith.constant 0 : i32
      %dma_wait3A_123 = arith.constant 0 : i32
      %dma_wait3A_124 = tpu.memref_slice %dma_wait3A_121[%dma_wait3A_122, %dma_wait3A_123] : memref<10240x32xf32, #tpu.memory_space<hbm>> -> memref<10240x32xf32, #tpu.memory_space<hbm>>
      tpu.wait_indirect_dma semaphore(%arg13 : memref<!tpu.dma_semaphore, #tpu.memory_space<semaphore_mem>>) src(%dma_wait3A_124 : memref<10240x32xf32, #tpu.memory_space<hbm>>) dst(%arg8 : memref<128x32xf32, #tpu.memory_space<vmem>>)
      %add3A_125 = arith.constant 0 : i32
      %add3A_126 = arith.addi %add3A_107, %add3A_125 : i32
      %dma_start3A_127 = arith.constant 0 : i32
      %dma_start3A_128 = tpu.memref_slice %arg7[%add3A_126, %dma_start3A_127] : memref<160x128xi32, #tpu.memory_space<vmem>> -> memref<1x128xi32, #tpu.memory_space<vmem>>
      %dma_start3A_129 = tpu.memref_squeeze %dma_start3A_128 : memref<1x128xi32, #tpu.memory_space<vmem>> -> memref<128xi32, #tpu.memory_space<vmem>>
      %dma_start3A_130 = arith.constant 0 : i32
      %dma_start3A_131 = arith.constant 0 : i32
      %dma_start3A_132 = tpu.memref_slice %arg24[%dma_start3A_130, %dma_start3A_131] : memref<10240x32xf32, #tpu.memory_space<vmem_shared>> -> memref<10240x32xf32, #tpu.memory_space<vmem_shared>>
      tpu.enqueue_indirect_dma source(%arg8 : memref<128x32xf32, #tpu.memory_space<vmem>>) target(%dma_start3A_132 : memref<10240x32xf32, #tpu.memory_space<vmem_shared>>) offsets(%dma_start3A_129 : memref<128xi32, #tpu.memory_space<vmem>>) semaphore(%arg18 : memref<!tpu.dma_semaphore, #tpu.memory_space<semaphore_mem>>) {add = true}
      %add3A_133 = arith.constant 1 : i32
      %add3A_134 = arith.addi %add3A_107, %add3A_133 : i32
      %add3A_135 = arith.constant 3 : i32
      %add3A_136 = arith.addi %add3A_134, %add3A_135 : i32
      %lt3A_137 = arith.constant 160 : i32
      %lt3A_138 = arith.cmpi slt, %add3A_136, %lt3A_137 : i32
      %convert_element_type3A_139 = arith.extui %lt3A_138 : i1 to i32
      %cond3A_140 = arith.constant 0 : i32
      %cond3A_141 = arith.cmpi ne, %convert_element_type3A_139, %cond3A_140 : i32
      scf.if %cond3A_141 {
        %ge3A = arith.constant 5 : i32
        %ge3A_245 = arith.cmpi sge, %add3A_136, %ge3A : i32
        %convert_element_type3A_246 = arith.extui %ge3A_245 : i1 to i32
        %cond3A_247 = arith.constant 0 : i32
        %cond3A_248 = arith.cmpi ne, %convert_element_type3A_246, %cond3A_247 : i32
        scf.if %cond3A_248 {
          %dma_wait3A_259 = arith.constant 0 : i32
          %dma_wait3A_260 = arith.constant 0 : i32
          %dma_wait3A_261 = tpu.memref_slice %arg7[%dma_wait3A_259, %dma_wait3A_260] : memref<160x128xi32, #tpu.memory_space<vmem>> -> memref<1x128xi32, #tpu.memory_space<vmem>>
          %dma_wait3A_262 = tpu.memref_squeeze %dma_wait3A_261 : memref<1x128xi32, #tpu.memory_space<vmem>> -> memref<128xi32, #tpu.memory_space<vmem>>
          %dma_wait3A_263 = arith.constant 0 : i32
          %dma_wait3A_264 = arith.constant 0 : i32
          %dma_wait3A_265 = tpu.memref_slice %arg24[%dma_wait3A_263, %dma_wait3A_264] : memref<10240x32xf32, #tpu.memory_space<vmem_shared>> -> memref<10240x32xf32, #tpu.memory_space<vmem_shared>>
          tpu.wait_indirect_dma semaphore(%arg22 : memref<!tpu.dma_semaphore, #tpu.memory_space<semaphore_mem>>) src(%arg12 : memref<128x32xf32, #tpu.memory_space<vmem>>) dst(%dma_wait3A_265 : memref<10240x32xf32, #tpu.memory_space<vmem_shared>>)
        } else {
        }
        %dma_start3A_249 = arith.constant 0 : i32
        %dma_start3A_250 = tpu.memref_slice %arg6[%add3A_136, %dma_start3A_249] : memref<160x128xi32, #tpu.memory_space<vmem>> -> memref<1x128xi32, #tpu.memory_space<vmem>>
        %dma_start3A_251 = tpu.memref_squeeze %dma_start3A_250 : memref<1x128xi32, #tpu.memory_space<vmem>> -> memref<128xi32, #tpu.memory_space<vmem>>
        %dma_start3A_252 = arith.constant 0 : i32
        %dma_start3A_253 = arith.constant 0 : i32
        %dma_start3A_254 = tpu.memref_slice %arg2[%arg0, %dma_start3A_252, %dma_start3A_253] : memref<2x10240x32xf32, #tpu.memory_space<hbm>> -> memref<1x10240x32xf32, #tpu.memory_space<hbm>>
        %dma_start3A_255 = tpu.memref_squeeze %dma_start3A_254 : memref<1x10240x32xf32, #tpu.memory_space<hbm>> -> memref<10240x32xf32, #tpu.memory_space<hbm>>
        %dma_start3A_256 = arith.constant 0 : i32
        %dma_start3A_257 = arith.constant 0 : i32
        %dma_start3A_258 = tpu.memref_slice %dma_start3A_255[%dma_start3A_256, %dma_start3A_257] : memref<10240x32xf32, #tpu.memory_space<hbm>> -> memref<10240x32xf32, #tpu.memory_space<hbm>>
        tpu.enqueue_indirect_dma source(%dma_start3A_258 : memref<10240x32xf32, #tpu.memory_space<hbm>>) target(%arg12 : memref<128x32xf32, #tpu.memory_space<vmem>>) offsets(%dma_start3A_251 : memref<128xi32, #tpu.memory_space<vmem>>) semaphore(%arg17 : memref<!tpu.dma_semaphore, #tpu.memory_space<semaphore_mem>>)
      } else {
      }
      %dma_wait3A_142 = arith.constant 0 : i32
      %dma_wait3A_143 = arith.constant 0 : i32
      %dma_wait3A_144 = tpu.memref_slice %arg6[%dma_wait3A_142, %dma_wait3A_143] : memref<160x128xi32, #tpu.memory_space<vmem>> -> memref<1x128xi32, #tpu.memory_space<vmem>>
      %dma_wait3A_145 = tpu.memref_squeeze %dma_wait3A_144 : memref<1x128xi32, #tpu.memory_space<vmem>> -> memref<128xi32, #tpu.memory_space<vmem>>
      %dma_wait3A_146 = arith.constant 0 : i32
      %dma_wait3A_147 = arith.constant 0 : i32
      %dma_wait3A_148 = tpu.memref_slice %arg2[%arg0, %dma_wait3A_146, %dma_wait3A_147] : memref<2x10240x32xf32, #tpu.memory_space<hbm>> -> memref<1x10240x32xf32, #tpu.memory_space<hbm>>
      %dma_wait3A_149 = tpu.memref_squeeze %dma_wait3A_148 : memref<1x10240x32xf32, #tpu.memory_space<hbm>> -> memref<10240x32xf32, #tpu.memory_space<hbm>>
      %dma_wait3A_150 = arith.constant 0 : i32
      %dma_wait3A_151 = arith.constant 0 : i32
      %dma_wait3A_152 = tpu.memref_slice %dma_wait3A_149[%dma_wait3A_150, %dma_wait3A_151] : memref<10240x32xf32, #tpu.memory_space<hbm>> -> memref<10240x32xf32, #tpu.memory_space<hbm>>
      tpu.wait_indirect_dma semaphore(%arg14 : memref<!tpu.dma_semaphore, #tpu.memory_space<semaphore_mem>>) src(%dma_wait3A_152 : memref<10240x32xf32, #tpu.memory_space<hbm>>) dst(%arg9 : memref<128x32xf32, #tpu.memory_space<vmem>>)
      %add3A_153 = arith.constant 1 : i32
      %add3A_154 = arith.addi %add3A_107, %add3A_153 : i32
      %dma_start3A_155 = arith.constant 0 : i32
      %dma_start3A_156 = tpu.memref_slice %arg7[%add3A_154, %dma_start3A_155] : memref<160x128xi32, #tpu.memory_space<vmem>> -> memref<1x128xi32, #tpu.memory_space<vmem>>
      %dma_start3A_157 = tpu.memref_squeeze %dma_start3A_156 : memref<1x128xi32, #tpu.memory_space<vmem>> -> memref<128xi32, #tpu.memory_space<vmem>>
      %dma_start3A_158 = arith.constant 0 : i32
      %dma_start3A_159 = arith.constant 0 : i32
      %dma_start3A_160 = tpu.memref_slice %arg24[%dma_start3A_158, %dma_start3A_159] : memref<10240x32xf32, #tpu.memory_space<vmem_shared>> -> memref<10240x32xf32, #tpu.memory_space<vmem_shared>>
      tpu.enqueue_indirect_dma source(%arg9 : memref<128x32xf32, #tpu.memory_space<vmem>>) target(%dma_start3A_160 : memref<10240x32xf32, #tpu.memory_space<vmem_shared>>) offsets(%dma_start3A_157 : memref<128xi32, #tpu.memory_space<vmem>>) semaphore(%arg19 : memref<!tpu.dma_semaphore, #tpu.memory_space<semaphore_mem>>) {add = true}
      %add3A_161 = arith.constant 2 : i32
      %add3A_162 = arith.addi %add3A_107, %add3A_161 : i32
      %add3A_163 = arith.constant 3 : i32
      %add3A_164 = arith.addi %add3A_162, %add3A_163 : i32
      %lt3A_165 = arith.constant 160 : i32
      %lt3A_166 = arith.cmpi slt, %add3A_164, %lt3A_165 : i32
      %convert_element_type3A_167 = arith.extui %lt3A_166 : i1 to i32
      %cond3A_168 = arith.constant 0 : i32
      %cond3A_169 = arith.cmpi ne, %convert_element_type3A_167, %cond3A_168 : i32
      scf.if %cond3A_169 {
        %ge3A = arith.constant 5 : i32
        %ge3A_245 = arith.cmpi sge, %add3A_164, %ge3A : i32
        %convert_element_type3A_246 = arith.extui %ge3A_245 : i1 to i32
        %cond3A_247 = arith.constant 0 : i32
        %cond3A_248 = arith.cmpi ne, %convert_element_type3A_246, %cond3A_247 : i32
        scf.if %cond3A_248 {
          %dma_wait3A_259 = arith.constant 0 : i32
          %dma_wait3A_260 = arith.constant 0 : i32
          %dma_wait3A_261 = tpu.memref_slice %arg7[%dma_wait3A_259, %dma_wait3A_260] : memref<160x128xi32, #tpu.memory_space<vmem>> -> memref<1x128xi32, #tpu.memory_space<vmem>>
          %dma_wait3A_262 = tpu.memref_squeeze %dma_wait3A_261 : memref<1x128xi32, #tpu.memory_space<vmem>> -> memref<128xi32, #tpu.memory_space<vmem>>
          %dma_wait3A_263 = arith.constant 0 : i32
          %dma_wait3A_264 = arith.constant 0 : i32
          %dma_wait3A_265 = tpu.memref_slice %arg24[%dma_wait3A_263, %dma_wait3A_264] : memref<10240x32xf32, #tpu.memory_space<vmem_shared>> -> memref<10240x32xf32, #tpu.memory_space<vmem_shared>>
          tpu.wait_indirect_dma semaphore(%arg18 : memref<!tpu.dma_semaphore, #tpu.memory_space<semaphore_mem>>) src(%arg8 : memref<128x32xf32, #tpu.memory_space<vmem>>) dst(%dma_wait3A_265 : memref<10240x32xf32, #tpu.memory_space<vmem_shared>>)
        } else {
        }
        %dma_start3A_249 = arith.constant 0 : i32
        %dma_start3A_250 = tpu.memref_slice %arg6[%add3A_164, %dma_start3A_249] : memref<160x128xi32, #tpu.memory_space<vmem>> -> memref<1x128xi32, #tpu.memory_space<vmem>>
        %dma_start3A_251 = tpu.memref_squeeze %dma_start3A_250 : memref<1x128xi32, #tpu.memory_space<vmem>> -> memref<128xi32, #tpu.memory_space<vmem>>
        %dma_start3A_252 = arith.constant 0 : i32
        %dma_start3A_253 = arith.constant 0 : i32
        %dma_start3A_254 = tpu.memref_slice %arg2[%arg0, %dma_start3A_252, %dma_start3A_253] : memref<2x10240x32xf32, #tpu.memory_space<hbm>> -> memref<1x10240x32xf32, #tpu.memory_space<hbm>>
        %dma_start3A_255 = tpu.memref_squeeze %dma_start3A_254 : memref<1x10240x32xf32, #tpu.memory_space<hbm>> -> memref<10240x32xf32, #tpu.memory_space<hbm>>
        %dma_start3A_256 = arith.constant 0 : i32
        %dma_start3A_257 = arith.constant 0 : i32
        %dma_start3A_258 = tpu.memref_slice %dma_start3A_255[%dma_start3A_256, %dma_start3A_257] : memref<10240x32xf32, #tpu.memory_space<hbm>> -> memref<10240x32xf32, #tpu.memory_space<hbm>>
        tpu.enqueue_indirect_dma source(%dma_start3A_258 : memref<10240x32xf32, #tpu.memory_space<hbm>>) target(%arg8 : memref<128x32xf32, #tpu.memory_space<vmem>>) offsets(%dma_start3A_251 : memref<128xi32, #tpu.memory_space<vmem>>) semaphore(%arg13 : memref<!tpu.dma_semaphore, #tpu.memory_space<semaphore_mem>>)
      } else {
      }
      %dma_wait3A_170 = arith.constant 0 : i32
      %dma_wait3A_171 = arith.constant 0 : i32
      %dma_wait3A_172 = tpu.memref_slice %arg6[%dma_wait3A_170, %dma_wait3A_171] : memref<160x128xi32, #tpu.memory_space<vmem>> -> memref<1x128xi32, #tpu.memory_space<vmem>>
      %dma_wait3A_173 = tpu.memref_squeeze %dma_wait3A_172 : memref<1x128xi32, #tpu.memory_space<vmem>> -> memref<128xi32, #tpu.memory_space<vmem>>
      %dma_wait3A_174 = arith.constant 0 : i32
      %dma_wait3A_175 = arith.constant 0 : i32
      %dma_wait3A_176 = tpu.memref_slice %arg2[%arg0, %dma_wait3A_174, %dma_wait3A_175] : memref<2x10240x32xf32, #tpu.memory_space<hbm>> -> memref<1x10240x32xf32, #tpu.memory_space<hbm>>
      %dma_wait3A_177 = tpu.memref_squeeze %dma_wait3A_176 : memref<1x10240x32xf32, #tpu.memory_space<hbm>> -> memref<10240x32xf32, #tpu.memory_space<hbm>>
      %dma_wait3A_178 = arith.constant 0 : i32
      %dma_wait3A_179 = arith.constant 0 : i32
      %dma_wait3A_180 = tpu.memref_slice %dma_wait3A_177[%dma_wait3A_178, %dma_wait3A_179] : memref<10240x32xf32, #tpu.memory_space<hbm>> -> memref<10240x32xf32, #tpu.memory_space<hbm>>
      tpu.wait_indirect_dma semaphore(%arg15 : memref<!tpu.dma_semaphore, #tpu.memory_space<semaphore_mem>>) src(%dma_wait3A_180 : memref<10240x32xf32, #tpu.memory_space<hbm>>) dst(%arg10 : memref<128x32xf32, #tpu.memory_space<vmem>>)
      %add3A_181 = arith.constant 2 : i32
      %add3A_182 = arith.addi %add3A_107, %add3A_181 : i32
      %dma_start3A_183 = arith.constant 0 : i32
      %dma_start3A_184 = tpu.memref_slice %arg7[%add3A_182, %dma_start3A_183] : memref<160x128xi32, #tpu.memory_space<vmem>> -> memref<1x128xi32, #tpu.memory_space<vmem>>
      %dma_start3A_185 = tpu.memref_squeeze %dma_start3A_184 : memref<1x128xi32, #tpu.memory_space<vmem>> -> memref<128xi32, #tpu.memory_space<vmem>>
      %dma_start3A_186 = arith.constant 0 : i32
      %dma_start3A_187 = arith.constant 0 : i32
      %dma_start3A_188 = tpu.memref_slice %arg24[%dma_start3A_186, %dma_start3A_187] : memref<10240x32xf32, #tpu.memory_space<vmem_shared>> -> memref<10240x32xf32, #tpu.memory_space<vmem_shared>>
      tpu.enqueue_indirect_dma source(%arg10 : memref<128x32xf32, #tpu.memory_space<vmem>>) target(%dma_start3A_188 : memref<10240x32xf32, #tpu.memory_space<vmem_shared>>) offsets(%dma_start3A_185 : memref<128xi32, #tpu.memory_space<vmem>>) semaphore(%arg20 : memref<!tpu.dma_semaphore, #tpu.memory_space<semaphore_mem>>) {add = true}
      %add3A_189 = arith.constant 3 : i32
      %add3A_190 = arith.addi %add3A_107, %add3A_189 : i32
      %add3A_191 = arith.constant 3 : i32
      %add3A_192 = arith.addi %add3A_190, %add3A_191 : i32
      %lt3A_193 = arith.constant 160 : i32
      %lt3A_194 = arith.cmpi slt, %add3A_192, %lt3A_193 : i32
      %convert_element_type3A_195 = arith.extui %lt3A_194 : i1 to i32
      %cond3A_196 = arith.constant 0 : i32
      %cond3A_197 = arith.cmpi ne, %convert_element_type3A_195, %cond3A_196 : i32
      scf.if %cond3A_197 {
        %ge3A = arith.constant 5 : i32
        %ge3A_245 = arith.cmpi sge, %add3A_192, %ge3A : i32
        %convert_element_type3A_246 = arith.extui %ge3A_245 : i1 to i32
        %cond3A_247 = arith.constant 0 : i32
        %cond3A_248 = arith.cmpi ne, %convert_element_type3A_246, %cond3A_247 : i32
        scf.if %cond3A_248 {
          %dma_wait3A_259 = arith.constant 0 : i32
          %dma_wait3A_260 = arith.constant 0 : i32
          %dma_wait3A_261 = tpu.memref_slice %arg7[%dma_wait3A_259, %dma_wait3A_260] : memref<160x128xi32, #tpu.memory_space<vmem>> -> memref<1x128xi32, #tpu.memory_space<vmem>>
          %dma_wait3A_262 = tpu.memref_squeeze %dma_wait3A_261 : memref<1x128xi32, #tpu.memory_space<vmem>> -> memref<128xi32, #tpu.memory_space<vmem>>
          %dma_wait3A_263 = arith.constant 0 : i32
          %dma_wait3A_264 = arith.constant 0 : i32
          %dma_wait3A_265 = tpu.memref_slice %arg24[%dma_wait3A_263, %dma_wait3A_264] : memref<10240x32xf32, #tpu.memory_space<vmem_shared>> -> memref<10240x32xf32, #tpu.memory_space<vmem_shared>>
          tpu.wait_indirect_dma semaphore(%arg19 : memref<!tpu.dma_semaphore, #tpu.memory_space<semaphore_mem>>) src(%arg9 : memref<128x32xf32, #tpu.memory_space<vmem>>) dst(%dma_wait3A_265 : memref<10240x32xf32, #tpu.memory_space<vmem_shared>>)
        } else {
        }
        %dma_start3A_249 = arith.constant 0 : i32
        %dma_start3A_250 = tpu.memref_slice %arg6[%add3A_192, %dma_start3A_249] : memref<160x128xi32, #tpu.memory_space<vmem>> -> memref<1x128xi32, #tpu.memory_space<vmem>>
        %dma_start3A_251 = tpu.memref_squeeze %dma_start3A_250 : memref<1x128xi32, #tpu.memory_space<vmem>> -> memref<128xi32, #tpu.memory_space<vmem>>
        %dma_start3A_252 = arith.constant 0 : i32
        %dma_start3A_253 = arith.constant 0 : i32
        %dma_start3A_254 = tpu.memref_slice %arg2[%arg0, %dma_start3A_252, %dma_start3A_253] : memref<2x10240x32xf32, #tpu.memory_space<hbm>> -> memref<1x10240x32xf32, #tpu.memory_space<hbm>>
        %dma_start3A_255 = tpu.memref_squeeze %dma_start3A_254 : memref<1x10240x32xf32, #tpu.memory_space<hbm>> -> memref<10240x32xf32, #tpu.memory_space<hbm>>
        %dma_start3A_256 = arith.constant 0 : i32
        %dma_start3A_257 = arith.constant 0 : i32
        %dma_start3A_258 = tpu.memref_slice %dma_start3A_255[%dma_start3A_256, %dma_start3A_257] : memref<10240x32xf32, #tpu.memory_space<hbm>> -> memref<10240x32xf32, #tpu.memory_space<hbm>>
        tpu.enqueue_indirect_dma source(%dma_start3A_258 : memref<10240x32xf32, #tpu.memory_space<hbm>>) target(%arg9 : memref<128x32xf32, #tpu.memory_space<vmem>>) offsets(%dma_start3A_251 : memref<128xi32, #tpu.memory_space<vmem>>) semaphore(%arg14 : memref<!tpu.dma_semaphore, #tpu.memory_space<semaphore_mem>>)
      } else {
      }
      %dma_wait3A_198 = arith.constant 0 : i32
      %dma_wait3A_199 = arith.constant 0 : i32
      %dma_wait3A_200 = tpu.memref_slice %arg6[%dma_wait3A_198, %dma_wait3A_199] : memref<160x128xi32, #tpu.memory_space<vmem>> -> memref<1x128xi32, #tpu.memory_space<vmem>>
      %dma_wait3A_201 = tpu.memref_squeeze %dma_wait3A_200 : memref<1x128xi32, #tpu.memory_space<vmem>> -> memref<128xi32, #tpu.memory_space<vmem>>
      %dma_wait3A_202 = arith.constant 0 : i32
      %dma_wait3A_203 = arith.constant 0 : i32
      %dma_wait3A_204 = tpu.memref_slice %arg2[%arg0, %dma_wait3A_202, %dma_wait3A_203] : memref<2x10240x32xf32, #tpu.memory_space<hbm>> -> memref<1x10240x32xf32, #tpu.memory_space<hbm>>
      %dma_wait3A_205 = tpu.memref_squeeze %dma_wait3A_204 : memref<1x10240x32xf32, #tpu.memory_space<hbm>> -> memref<10240x32xf32, #tpu.memory_space<hbm>>
      %dma_wait3A_206 = arith.constant 0 : i32
      %dma_wait3A_207 = arith.constant 0 : i32
      %dma_wait3A_208 = tpu.memref_slice %dma_wait3A_205[%dma_wait3A_206, %dma_wait3A_207] : memref<10240x32xf32, #tpu.memory_space<hbm>> -> memref<10240x32xf32, #tpu.memory_space<hbm>>
      tpu.wait_indirect_dma semaphore(%arg16 : memref<!tpu.dma_semaphore, #tpu.memory_space<semaphore_mem>>) src(%dma_wait3A_208 : memref<10240x32xf32, #tpu.memory_space<hbm>>) dst(%arg11 : memref<128x32xf32, #tpu.memory_space<vmem>>)
      %add3A_209 = arith.constant 3 : i32
      %add3A_210 = arith.addi %add3A_107, %add3A_209 : i32
      %dma_start3A_211 = arith.constant 0 : i32
      %dma_start3A_212 = tpu.memref_slice %arg7[%add3A_210, %dma_start3A_211] : memref<160x128xi32, #tpu.memory_space<vmem>> -> memref<1x128xi32, #tpu.memory_space<vmem>>
      %dma_start3A_213 = tpu.memref_squeeze %dma_start3A_212 : memref<1x128xi32, #tpu.memory_space<vmem>> -> memref<128xi32, #tpu.memory_space<vmem>>
      %dma_start3A_214 = arith.constant 0 : i32
      %dma_start3A_215 = arith.constant 0 : i32
      %dma_start3A_216 = tpu.memref_slice %arg24[%dma_start3A_214, %dma_start3A_215] : memref<10240x32xf32, #tpu.memory_space<vmem_shared>> -> memref<10240x32xf32, #tpu.memory_space<vmem_shared>>
      tpu.enqueue_indirect_dma source(%arg11 : memref<128x32xf32, #tpu.memory_space<vmem>>) target(%dma_start3A_216 : memref<10240x32xf32, #tpu.memory_space<vmem_shared>>) offsets(%dma_start3A_213 : memref<128xi32, #tpu.memory_space<vmem>>) semaphore(%arg21 : memref<!tpu.dma_semaphore, #tpu.memory_space<semaphore_mem>>) {add = true}
      %add3A_217 = arith.constant 4 : i32
      %add3A_218 = arith.addi %add3A_107, %add3A_217 : i32
      %add3A_219 = arith.constant 3 : i32
      %add3A_220 = arith.addi %add3A_218, %add3A_219 : i32
      %lt3A_221 = arith.constant 160 : i32
      %lt3A_222 = arith.cmpi slt, %add3A_220, %lt3A_221 : i32
      %convert_element_type3A_223 = arith.extui %lt3A_222 : i1 to i32
      %cond3A_224 = arith.constant 0 : i32
      %cond3A_225 = arith.cmpi ne, %convert_element_type3A_223, %cond3A_224 : i32
      scf.if %cond3A_225 {
        %ge3A = arith.constant 5 : i32
        %ge3A_245 = arith.cmpi sge, %add3A_220, %ge3A : i32
        %convert_element_type3A_246 = arith.extui %ge3A_245 : i1 to i32
        %cond3A_247 = arith.constant 0 : i32
        %cond3A_248 = arith.cmpi ne, %convert_element_type3A_246, %cond3A_247 : i32
        scf.if %cond3A_248 {
          %dma_wait3A_259 = arith.constant 0 : i32
          %dma_wait3A_260 = arith.constant 0 : i32
          %dma_wait3A_261 = tpu.memref_slice %arg7[%dma_wait3A_259, %dma_wait3A_260] : memref<160x128xi32, #tpu.memory_space<vmem>> -> memref<1x128xi32, #tpu.memory_space<vmem>>
          %dma_wait3A_262 = tpu.memref_squeeze %dma_wait3A_261 : memref<1x128xi32, #tpu.memory_space<vmem>> -> memref<128xi32, #tpu.memory_space<vmem>>
          %dma_wait3A_263 = arith.constant 0 : i32
          %dma_wait3A_264 = arith.constant 0 : i32
          %dma_wait3A_265 = tpu.memref_slice %arg24[%dma_wait3A_263, %dma_wait3A_264] : memref<10240x32xf32, #tpu.memory_space<vmem_shared>> -> memref<10240x32xf32, #tpu.memory_space<vmem_shared>>
          tpu.wait_indirect_dma semaphore(%arg20 : memref<!tpu.dma_semaphore, #tpu.memory_space<semaphore_mem>>) src(%arg10 : memref<128x32xf32, #tpu.memory_space<vmem>>) dst(%dma_wait3A_265 : memref<10240x32xf32, #tpu.memory_space<vmem_shared>>)
        } else {
        }
        %dma_start3A_249 = arith.constant 0 : i32
        %dma_start3A_250 = tpu.memref_slice %arg6[%add3A_220, %dma_start3A_249] : memref<160x128xi32, #tpu.memory_space<vmem>> -> memref<1x128xi32, #tpu.memory_space<vmem>>
        %dma_start3A_251 = tpu.memref_squeeze %dma_start3A_250 : memref<1x128xi32, #tpu.memory_space<vmem>> -> memref<128xi32, #tpu.memory_space<vmem>>
        %dma_start3A_252 = arith.constant 0 : i32
        %dma_start3A_253 = arith.constant 0 : i32
        %dma_start3A_254 = tpu.memref_slice %arg2[%arg0, %dma_start3A_252, %dma_start3A_253] : memref<2x10240x32xf32, #tpu.memory_space<hbm>> -> memref<1x10240x32xf32, #tpu.memory_space<hbm>>
        %dma_start3A_255 = tpu.memref_squeeze %dma_start3A_254 : memref<1x10240x32xf32, #tpu.memory_space<hbm>> -> memref<10240x32xf32, #tpu.memory_space<hbm>>
        %dma_start3A_256 = arith.constant 0 : i32
        %dma_start3A_257 = arith.constant 0 : i32
        %dma_start3A_258 = tpu.memref_slice %dma_start3A_255[%dma_start3A_256, %dma_start3A_257] : memref<10240x32xf32, #tpu.memory_space<hbm>> -> memref<10240x32xf32, #tpu.memory_space<hbm>>
        tpu.enqueue_indirect_dma source(%dma_start3A_258 : memref<10240x32xf32, #tpu.memory_space<hbm>>) target(%arg10 : memref<128x32xf32, #tpu.memory_space<vmem>>) offsets(%dma_start3A_251 : memref<128xi32, #tpu.memory_space<vmem>>) semaphore(%arg15 : memref<!tpu.dma_semaphore, #tpu.memory_space<semaphore_mem>>)
      } else {
      }
      %dma_wait3A_226 = arith.constant 0 : i32
      %dma_wait3A_227 = arith.constant 0 : i32
      %dma_wait3A_228 = tpu.memref_slice %arg6[%dma_wait3A_226, %dma_wait3A_227] : memref<160x128xi32, #tpu.memory_space<vmem>> -> memref<1x128xi32, #tpu.memory_space<vmem>>
      %dma_wait3A_229 = tpu.memref_squeeze %dma_wait3A_228 : memref<1x128xi32, #tpu.memory_space<vmem>> -> memref<128xi32, #tpu.memory_space<vmem>>
      %dma_wait3A_230 = arith.constant 0 : i32
      %dma_wait3A_231 = arith.constant 0 : i32
      %dma_wait3A_232 = tpu.memref_slice %arg2[%arg0, %dma_wait3A_230, %dma_wait3A_231] : memref<2x10240x32xf32, #tpu.memory_space<hbm>> -> memref<1x10240x32xf32, #tpu.memory_space<hbm>>
      %dma_wait3A_233 = tpu.memref_squeeze %dma_wait3A_232 : memref<1x10240x32xf32, #tpu.memory_space<hbm>> -> memref<10240x32xf32, #tpu.memory_space<hbm>>
      %dma_wait3A_234 = arith.constant 0 : i32
      %dma_wait3A_235 = arith.constant 0 : i32
      %dma_wait3A_236 = tpu.memref_slice %dma_wait3A_233[%dma_wait3A_234, %dma_wait3A_235] : memref<10240x32xf32, #tpu.memory_space<hbm>> -> memref<10240x32xf32, #tpu.memory_space<hbm>>
      tpu.wait_indirect_dma semaphore(%arg17 : memref<!tpu.dma_semaphore, #tpu.memory_space<semaphore_mem>>) src(%dma_wait3A_236 : memref<10240x32xf32, #tpu.memory_space<hbm>>) dst(%arg12 : memref<128x32xf32, #tpu.memory_space<vmem>>)
      %add3A_237 = arith.constant 4 : i32
      %add3A_238 = arith.addi %add3A_107, %add3A_237 : i32
      %dma_start3A_239 = arith.constant 0 : i32
      %dma_start3A_240 = tpu.memref_slice %arg7[%add3A_238, %dma_start3A_239] : memref<160x128xi32, #tpu.memory_space<vmem>> -> memref<1x128xi32, #tpu.memory_space<vmem>>
      %dma_start3A_241 = tpu.memref_squeeze %dma_start3A_240 : memref<1x128xi32, #tpu.memory_space<vmem>> -> memref<128xi32, #tpu.memory_space<vmem>>
      %dma_start3A_242 = arith.constant 0 : i32
      %dma_start3A_243 = arith.constant 0 : i32
      %dma_start3A_244 = tpu.memref_slice %arg24[%dma_start3A_242, %dma_start3A_243] : memref<10240x32xf32, #tpu.memory_space<vmem_shared>> -> memref<10240x32xf32, #tpu.memory_space<vmem_shared>>
      tpu.enqueue_indirect_dma source(%arg12 : memref<128x32xf32, #tpu.memory_space<vmem>>) target(%dma_start3A_244 : memref<10240x32xf32, #tpu.memory_space<vmem_shared>>) offsets(%dma_start3A_241 : memref<128xi32, #tpu.memory_space<vmem>>) semaphore(%arg22 : memref<!tpu.dma_semaphore, #tpu.memory_space<semaphore_mem>>) {add = true}
    }
    %scan3A_67 = arith.constant 32 : i32
    %dma_wait3A_68 = arith.constant 0 : i32
    %dma_wait3A_69 = arith.constant 0 : i32
    %dma_wait3A_70 = tpu.memref_slice %arg7[%dma_wait3A_68, %dma_wait3A_69] : memref<160x128xi32, #tpu.memory_space<vmem>> -> memref<1x128xi32, #tpu.memory_space<vmem>>
    %dma_wait3A_71 = tpu.memref_squeeze %dma_wait3A_70 : memref<1x128xi32, #tpu.memory_space<vmem>> -> memref<128xi32, #tpu.memory_space<vmem>>
    %dma_wait3A_72 = arith.constant 0 : i32
    %dma_wait3A_73 = arith.constant 0 : i32
    %dma_wait3A_74 = tpu.memref_slice %arg24[%dma_wait3A_72, %dma_wait3A_73] : memref<10240x32xf32, #tpu.memory_space<vmem_shared>> -> memref<10240x32xf32, #tpu.memory_space<vmem_shared>>
    tpu.wait_indirect_dma semaphore(%arg18 : memref<!tpu.dma_semaphore, #tpu.memory_space<semaphore_mem>>) src(%arg8 : memref<128x32xf32, #tpu.memory_space<vmem>>) dst(%dma_wait3A_74 : memref<10240x32xf32, #tpu.memory_space<vmem_shared>>)
    %dma_wait3A_75 = arith.constant 0 : i32
    %dma_wait3A_76 = arith.constant 0 : i32
    %dma_wait3A_77 = tpu.memref_slice %arg7[%dma_wait3A_75, %dma_wait3A_76] : memref<160x128xi32, #tpu.memory_space<vmem>> -> memref<1x128xi32, #tpu.memory_space<vmem>>
    %dma_wait3A_78 = tpu.memref_squeeze %dma_wait3A_77 : memref<1x128xi32, #tpu.memory_space<vmem>> -> memref<128xi32, #tpu.memory_space<vmem>>
    %dma_wait3A_79 = arith.constant 0 : i32
    %dma_wait3A_80 = arith.constant 0 : i32
    %dma_wait3A_81 = tpu.memref_slice %arg24[%dma_wait3A_79, %dma_wait3A_80] : memref<10240x32xf32, #tpu.memory_space<vmem_shared>> -> memref<10240x32xf32, #tpu.memory_space<vmem_shared>>
    tpu.wait_indirect_dma semaphore(%arg19 : memref<!tpu.dma_semaphore, #tpu.memory_space<semaphore_mem>>) src(%arg9 : memref<128x32xf32, #tpu.memory_space<vmem>>) dst(%dma_wait3A_81 : memref<10240x32xf32, #tpu.memory_space<vmem_shared>>)
    %dma_wait3A_82 = arith.constant 0 : i32
    %dma_wait3A_83 = arith.constant 0 : i32
    %dma_wait3A_84 = tpu.memref_slice %arg7[%dma_wait3A_82, %dma_wait3A_83] : memref<160x128xi32, #tpu.memory_space<vmem>> -> memref<1x128xi32, #tpu.memory_space<vmem>>
    %dma_wait3A_85 = tpu.memref_squeeze %dma_wait3A_84 : memref<1x128xi32, #tpu.memory_space<vmem>> -> memref<128xi32, #tpu.memory_space<vmem>>
    %dma_wait3A_86 = arith.constant 0 : i32
    %dma_wait3A_87 = arith.constant 0 : i32
    %dma_wait3A_88 = tpu.memref_slice %arg24[%dma_wait3A_86, %dma_wait3A_87] : memref<10240x32xf32, #tpu.memory_space<vmem_shared>> -> memref<10240x32xf32, #tpu.memory_space<vmem_shared>>
    tpu.wait_indirect_dma semaphore(%arg20 : memref<!tpu.dma_semaphore, #tpu.memory_space<semaphore_mem>>) src(%arg10 : memref<128x32xf32, #tpu.memory_space<vmem>>) dst(%dma_wait3A_88 : memref<10240x32xf32, #tpu.memory_space<vmem_shared>>)
    %dma_wait3A_89 = arith.constant 0 : i32
    %dma_wait3A_90 = arith.constant 0 : i32
    %dma_wait3A_91 = tpu.memref_slice %arg7[%dma_wait3A_89, %dma_wait3A_90] : memref<160x128xi32, #tpu.memory_space<vmem>> -> memref<1x128xi32, #tpu.memory_space<vmem>>
    %dma_wait3A_92 = tpu.memref_squeeze %dma_wait3A_91 : memref<1x128xi32, #tpu.memory_space<vmem>> -> memref<128xi32, #tpu.memory_space<vmem>>
    %dma_wait3A_93 = arith.constant 0 : i32
    %dma_wait3A_94 = arith.constant 0 : i32
    %dma_wait3A_95 = tpu.memref_slice %arg24[%dma_wait3A_93, %dma_wait3A_94] : memref<10240x32xf32, #tpu.memory_space<vmem_shared>> -> memref<10240x32xf32, #tpu.memory_space<vmem_shared>>
    tpu.wait_indirect_dma semaphore(%arg21 : memref<!tpu.dma_semaphore, #tpu.memory_space<semaphore_mem>>) src(%arg11 : memref<128x32xf32, #tpu.memory_space<vmem>>) dst(%dma_wait3A_95 : memref<10240x32xf32, #tpu.memory_space<vmem_shared>>)
    %dma_wait3A_96 = arith.constant 0 : i32
    %dma_wait3A_97 = arith.constant 0 : i32
    %dma_wait3A_98 = tpu.memref_slice %arg7[%dma_wait3A_96, %dma_wait3A_97] : memref<160x128xi32, #tpu.memory_space<vmem>> -> memref<1x128xi32, #tpu.memory_space<vmem>>
    %dma_wait3A_99 = tpu.memref_squeeze %dma_wait3A_98 : memref<1x128xi32, #tpu.memory_space<vmem>> -> memref<128xi32, #tpu.memory_space<vmem>>
    %dma_wait3A_100 = arith.constant 0 : i32
    %dma_wait3A_101 = arith.constant 0 : i32
    %dma_wait3A_102 = tpu.memref_slice %arg24[%dma_wait3A_100, %dma_wait3A_101] : memref<10240x32xf32, #tpu.memory_space<vmem_shared>> -> memref<10240x32xf32, #tpu.memory_space<vmem_shared>>
    tpu.wait_indirect_dma semaphore(%arg22 : memref<!tpu.dma_semaphore, #tpu.memory_space<semaphore_mem>>) src(%arg12 : memref<128x32xf32, #tpu.memory_space<vmem>>) dst(%dma_wait3A_102 : memref<10240x32xf32, #tpu.memory_space<vmem_shared>>)
    %barrier3A_103 = arith.constant 0 : index
    tpu.barrier barrier_id(%barrier3A_103)
    "tpu.region"() ({
      %run_scoped3A = tpu.sem_alloc : memref<!tpu.dma_semaphore, #tpu.memory_space<semaphore_mem>>
      %dma_start3A_104 = arith.constant 0 : i32
      %dma_start3A_105 = tpu.memref_slice %arg5[%arg0, %mul3A_0, %dma_start3A_104] : memref<2x10240x32xf32, #tpu.memory_space<hbm>> -> memref<1x640x32xf32, #tpu.memory_space<hbm>>
      %dma_start3A_106 = tpu.memref_squeeze %dma_start3A_105 : memref<1x640x32xf32, #tpu.memory_space<hbm>> -> memref<640x32xf32, #tpu.memory_space<hbm>>
      %dma_start3A_107 = arith.constant 0 : i32
      %dma_start3A_108 = tpu.memref_slice %arg24[%mul3A_0, %dma_start3A_107] : memref<10240x32xf32, #tpu.memory_space<vmem_shared>> -> memref<640x32xf32, #tpu.memory_space<vmem_shared>>
      tpu.enqueue_dma source(%dma_start3A_108 : memref<640x32xf32, #tpu.memory_space<vmem_shared>>) target(%dma_start3A_106 : memref<640x32xf32, #tpu.memory_space<hbm>>) target_semaphore(%run_scoped3A : memref<!tpu.dma_semaphore, #tpu.memory_space<semaphore_mem>>)
      %dma_wait3A_109 = arith.constant 0 : i32
      %dma_wait3A_110 = tpu.memref_slice %arg5[%arg0, %mul3A_0, %dma_wait3A_109] : memref<2x10240x32xf32, #tpu.memory_space<hbm>> -> memref<1x640x32xf32, #tpu.memory_space<hbm>>
      %dma_wait3A_111 = tpu.memref_squeeze %dma_wait3A_110 : memref<1x640x32xf32, #tpu.memory_space<hbm>> -> memref<640x32xf32, #tpu.memory_space<hbm>>
      %dma_wait3A_112 = arith.constant 0 : i32
      %dma_wait3A_113 = tpu.memref_slice %arg24[%mul3A_0, %dma_wait3A_112] : memref<10240x32xf32, #tpu.memory_space<vmem_shared>> -> memref<640x32xf32, #tpu.memory_space<vmem_shared>>
      tpu.wait_dma2 semaphore(%run_scoped3A : memref<!tpu.dma_semaphore, #tpu.memory_space<semaphore_mem>>) src(%dma_wait3A_113 : memref<640x32xf32, #tpu.memory_space<vmem_shared>>) dst(%dma_wait3A_111 : memref<640x32xf32, #tpu.memory_space<hbm>>)
      tpu.yield
    }) : () -> ()
    return
  }
}

#map = affine_map<(d0, d1) -> (0, 0, 0)>
#map1 = affine_map<(d0, d1) -> (0, 0, 0, 0)>
module attributes {stable_mosaic.version = 14 : i64} {
  func.func @edge_kernel(%arg0: i32, %arg1: i32, %arg2: memref<2x10240x64xf32, #tpu.memory_space<hbm>>, %arg3: memref<2x16x160x128xi32, #tpu.memory_space<hbm>>, %arg4: memref<2x16x160x128xi32, #tpu.memory_space<hbm>>, %arg5: memref<2x10240x64xf32, #tpu.memory_space<hbm>>, %arg6: memref<160x128xi32, #tpu.memory_space<vmem>>, %arg7: memref<160x128xi32, #tpu.memory_space<vmem>>, %arg8: memref<128x64xf32, #tpu.memory_space<vmem>>, %arg9: memref<128x64xf32, #tpu.memory_space<vmem>>, %arg10: memref<128x64xf32, #tpu.memory_space<vmem>>, %arg11: memref<128x64xf32, #tpu.memory_space<vmem>>, %arg12: memref<128x64xf32, #tpu.memory_space<vmem>>, %arg13: memref<!tpu.dma_semaphore, #tpu.memory_space<semaphore_mem>>, %arg14: memref<!tpu.dma_semaphore, #tpu.memory_space<semaphore_mem>>, %arg15: memref<!tpu.dma_semaphore, #tpu.memory_space<semaphore_mem>>, %arg16: memref<!tpu.dma_semaphore, #tpu.memory_space<semaphore_mem>>, %arg17: memref<!tpu.dma_semaphore, #tpu.memory_space<semaphore_mem>>, %arg18: memref<!tpu.dma_semaphore, #tpu.memory_space<semaphore_mem>>, %arg19: memref<!tpu.dma_semaphore, #tpu.memory_space<semaphore_mem>>, %arg20: memref<!tpu.dma_semaphore, #tpu.memory_space<semaphore_mem>>, %arg21: memref<!tpu.dma_semaphore, #tpu.memory_space<semaphore_mem>>, %arg22: memref<!tpu.dma_semaphore, #tpu.memory_space<semaphore_mem>>, %arg23: memref<!tpu.dma_semaphore, #tpu.memory_space<semaphore_mem>>, %arg24: memref<10240x64xf32, #tpu.memory_space<vmem_shared>>) attributes {dimension_semantics = [#tpu.dimension_semantics<core_parallel>, #tpu.dimension_semantics<subcore_parallel>], iteration_bounds = array<i64: 2, 16>, scalar_prefetch = 0 : i64, scratch_operands = 19 : i64, tpu.core_type = #tpu.core_type<sc_vector_subcore>, window_params = [{transform_indices = #map}, {transform_indices = #map1}, {transform_indices = #map1}, {transform_indices = #map}]} {
    %mul3A = arith.constant 640 : i32
    %mul3A_0 = arith.muli %arg1, %mul3A : i32
    %dma_start3A = arith.constant 0 : i32
    %dma_start3A_1 = arith.constant 0 : i32
    %dma_start3A_2 = tpu.memref_slice %arg3[%arg0, %arg1, %dma_start3A, %dma_start3A_1] : memref<2x16x160x128xi32, #tpu.memory_space<hbm>> -> memref<1x1x160x128xi32, #tpu.memory_space<hbm>>
    %dma_start3A_3 = tpu.memref_squeeze %dma_start3A_2 : memref<1x1x160x128xi32, #tpu.memory_space<hbm>> -> memref<160x128xi32, #tpu.memory_space<hbm>>
    %dma_start3A_4 = arith.constant 0 : i32
    %dma_start3A_5 = arith.constant 0 : i32
    %dma_start3A_6 = tpu.memref_slice %arg3[%arg0, %arg1, %dma_start3A_4, %dma_start3A_5] : memref<2x16x160x128xi32, #tpu.memory_space<hbm>> -> memref<1x1x160x128xi32, #tpu.memory_space<hbm>>
    %dma_start3A_7 = tpu.memref_squeeze %dma_start3A_6 : memref<1x1x160x128xi32, #tpu.memory_space<hbm>> -> memref<160x128xi32, #tpu.memory_space<hbm>>
    tpu.enqueue_dma source(%dma_start3A_7 : memref<160x128xi32, #tpu.memory_space<hbm>>) target(%arg6 : memref<160x128xi32, #tpu.memory_space<vmem>>) target_semaphore(%arg23 : memref<!tpu.dma_semaphore, #tpu.memory_space<semaphore_mem>>)
    %dma_start3A_8 = arith.constant 0 : i32
    %dma_start3A_9 = arith.constant 0 : i32
    %dma_start3A_10 = tpu.memref_slice %arg4[%arg0, %arg1, %dma_start3A_8, %dma_start3A_9] : memref<2x16x160x128xi32, #tpu.memory_space<hbm>> -> memref<1x1x160x128xi32, #tpu.memory_space<hbm>>
    %dma_start3A_11 = tpu.memref_squeeze %dma_start3A_10 : memref<1x1x160x128xi32, #tpu.memory_space<hbm>> -> memref<160x128xi32, #tpu.memory_space<hbm>>
    %dma_start3A_12 = arith.constant 0 : i32
    %dma_start3A_13 = arith.constant 0 : i32
    %dma_start3A_14 = tpu.memref_slice %arg4[%arg0, %arg1, %dma_start3A_12, %dma_start3A_13] : memref<2x16x160x128xi32, #tpu.memory_space<hbm>> -> memref<1x1x160x128xi32, #tpu.memory_space<hbm>>
    %dma_start3A_15 = tpu.memref_squeeze %dma_start3A_14 : memref<1x1x160x128xi32, #tpu.memory_space<hbm>> -> memref<160x128xi32, #tpu.memory_space<hbm>>
    tpu.enqueue_dma source(%dma_start3A_15 : memref<160x128xi32, #tpu.memory_space<hbm>>) target(%arg7 : memref<160x128xi32, #tpu.memory_space<vmem>>) target_semaphore(%arg23 : memref<!tpu.dma_semaphore, #tpu.memory_space<semaphore_mem>>)
    "tpu.region"() ({
      %run_scoped3A = tpu.sem_alloc : memref<!tpu.dma_semaphore, #tpu.memory_space<semaphore_mem>>
      %dma_start3A_104 = arith.constant 0 : i32
      %dma_start3A_105 = tpu.memref_slice %arg24[%mul3A_0, %dma_start3A_104] : memref<10240x64xf32, #tpu.memory_space<vmem_shared>> -> memref<640x64xf32, #tpu.memory_space<vmem_shared>>
      %dma_start3A_106 = arith.constant 0 : i32
      %dma_start3A_107 = arith.constant 0 : i32
      %dma_start3A_108 = tpu.memref_slice %arg2[%arg0, %dma_start3A_106, %dma_start3A_107] : memref<2x10240x64xf32, #tpu.memory_space<hbm>> -> memref<1x10240x64xf32, #tpu.memory_space<hbm>>
      %dma_start3A_109 = tpu.memref_squeeze %dma_start3A_108 : memref<1x10240x64xf32, #tpu.memory_space<hbm>> -> memref<10240x64xf32, #tpu.memory_space<hbm>>
      %dma_start3A_110 = arith.constant 0 : i32
      %dma_start3A_111 = tpu.memref_slice %dma_start3A_109[%mul3A_0, %dma_start3A_110] : memref<10240x64xf32, #tpu.memory_space<hbm>> -> memref<640x64xf32, #tpu.memory_space<hbm>>
      tpu.enqueue_dma source(%dma_start3A_111 : memref<640x64xf32, #tpu.memory_space<hbm>>) target(%dma_start3A_105 : memref<640x64xf32, #tpu.memory_space<vmem_shared>>) target_semaphore(%run_scoped3A : memref<!tpu.dma_semaphore, #tpu.memory_space<semaphore_mem>>)
      %dma_wait3A_112 = arith.constant 0 : i32
      %dma_wait3A_113 = tpu.memref_slice %arg24[%mul3A_0, %dma_wait3A_112] : memref<10240x64xf32, #tpu.memory_space<vmem_shared>> -> memref<640x64xf32, #tpu.memory_space<vmem_shared>>
      %dma_wait3A_114 = arith.constant 0 : i32
      %dma_wait3A_115 = arith.constant 0 : i32
      %dma_wait3A_116 = tpu.memref_slice %arg2[%arg0, %dma_wait3A_114, %dma_wait3A_115] : memref<2x10240x64xf32, #tpu.memory_space<hbm>> -> memref<1x10240x64xf32, #tpu.memory_space<hbm>>
      %dma_wait3A_117 = tpu.memref_squeeze %dma_wait3A_116 : memref<1x10240x64xf32, #tpu.memory_space<hbm>> -> memref<10240x64xf32, #tpu.memory_space<hbm>>
      %dma_wait3A_118 = arith.constant 0 : i32
      %dma_wait3A_119 = tpu.memref_slice %dma_wait3A_117[%mul3A_0, %dma_wait3A_118] : memref<10240x64xf32, #tpu.memory_space<hbm>> -> memref<640x64xf32, #tpu.memory_space<hbm>>
      tpu.wait_dma2 semaphore(%run_scoped3A : memref<!tpu.dma_semaphore, #tpu.memory_space<semaphore_mem>>) src(%dma_wait3A_119 : memref<640x64xf32, #tpu.memory_space<hbm>>) dst(%dma_wait3A_113 : memref<640x64xf32, #tpu.memory_space<vmem_shared>>)
      tpu.yield
    }) : () -> ()
    %dma_wait3A = arith.constant 0 : i32
    %dma_wait3A_16 = arith.constant 0 : i32
    %dma_wait3A_17 = tpu.memref_slice %arg3[%arg0, %arg1, %dma_wait3A, %dma_wait3A_16] : memref<2x16x160x128xi32, #tpu.memory_space<hbm>> -> memref<1x1x160x128xi32, #tpu.memory_space<hbm>>
    %dma_wait3A_18 = tpu.memref_squeeze %dma_wait3A_17 : memref<1x1x160x128xi32, #tpu.memory_space<hbm>> -> memref<160x128xi32, #tpu.memory_space<hbm>>
    %dma_wait3A_19 = arith.constant 0 : i32
    %dma_wait3A_20 = arith.constant 0 : i32
    %dma_wait3A_21 = tpu.memref_slice %arg3[%arg0, %arg1, %dma_wait3A_19, %dma_wait3A_20] : memref<2x16x160x128xi32, #tpu.memory_space<hbm>> -> memref<1x1x160x128xi32, #tpu.memory_space<hbm>>
    %dma_wait3A_22 = tpu.memref_squeeze %dma_wait3A_21 : memref<1x1x160x128xi32, #tpu.memory_space<hbm>> -> memref<160x128xi32, #tpu.memory_space<hbm>>
    tpu.wait_dma2 semaphore(%arg23 : memref<!tpu.dma_semaphore, #tpu.memory_space<semaphore_mem>>) src(%dma_wait3A_22 : memref<160x128xi32, #tpu.memory_space<hbm>>) dst(%arg6 : memref<160x128xi32, #tpu.memory_space<vmem>>)
    %dma_wait3A_23 = arith.constant 0 : i32
    %dma_wait3A_24 = arith.constant 0 : i32
    %dma_wait3A_25 = tpu.memref_slice %arg3[%arg0, %arg1, %dma_wait3A_23, %dma_wait3A_24] : memref<2x16x160x128xi32, #tpu.memory_space<hbm>> -> memref<1x1x160x128xi32, #tpu.memory_space<hbm>>
    %dma_wait3A_26 = tpu.memref_squeeze %dma_wait3A_25 : memref<1x1x160x128xi32, #tpu.memory_space<hbm>> -> memref<160x128xi32, #tpu.memory_space<hbm>>
    %dma_wait3A_27 = arith.constant 0 : i32
    %dma_wait3A_28 = arith.constant 0 : i32
    %dma_wait3A_29 = tpu.memref_slice %arg3[%arg0, %arg1, %dma_wait3A_27, %dma_wait3A_28] : memref<2x16x160x128xi32, #tpu.memory_space<hbm>> -> memref<1x1x160x128xi32, #tpu.memory_space<hbm>>
    %dma_wait3A_30 = tpu.memref_squeeze %dma_wait3A_29 : memref<1x1x160x128xi32, #tpu.memory_space<hbm>> -> memref<160x128xi32, #tpu.memory_space<hbm>>
    tpu.wait_dma2 semaphore(%arg23 : memref<!tpu.dma_semaphore, #tpu.memory_space<semaphore_mem>>) src(%dma_wait3A_30 : memref<160x128xi32, #tpu.memory_space<hbm>>) dst(%arg7 : memref<160x128xi32, #tpu.memory_space<vmem>>)
    %barrier3A = arith.constant 0 : index
    tpu.barrier barrier_id(%barrier3A)
    %dma_start3A_31 = arith.constant 0 : i32
    %dma_start3A_32 = arith.constant 0 : i32
    %dma_start3A_33 = tpu.memref_slice %arg6[%dma_start3A_31, %dma_start3A_32] : memref<160x128xi32, #tpu.memory_space<vmem>> -> memref<1x128xi32, #tpu.memory_space<vmem>>
    %dma_start3A_34 = tpu.memref_squeeze %dma_start3A_33 : memref<1x128xi32, #tpu.memory_space<vmem>> -> memref<128xi32, #tpu.memory_space<vmem>>
    %dma_start3A_35 = arith.constant 0 : i32
    %dma_start3A_36 = arith.constant 0 : i32
    %dma_start3A_37 = tpu.memref_slice %arg2[%arg0, %dma_start3A_35, %dma_start3A_36] : memref<2x10240x64xf32, #tpu.memory_space<hbm>> -> memref<1x10240x64xf32, #tpu.memory_space<hbm>>
    %dma_start3A_38 = tpu.memref_squeeze %dma_start3A_37 : memref<1x10240x64xf32, #tpu.memory_space<hbm>> -> memref<10240x64xf32, #tpu.memory_space<hbm>>
    %dma_start3A_39 = arith.constant 0 : i32
    %dma_start3A_40 = arith.constant 0 : i32
    %dma_start3A_41 = tpu.memref_slice %dma_start3A_38[%dma_start3A_39, %dma_start3A_40] : memref<10240x64xf32, #tpu.memory_space<hbm>> -> memref<10240x64xf32, #tpu.memory_space<hbm>>
    tpu.enqueue_indirect_dma source(%dma_start3A_41 : memref<10240x64xf32, #tpu.memory_space<hbm>>) target(%arg8 : memref<128x64xf32, #tpu.memory_space<vmem>>) offsets(%dma_start3A_34 : memref<128xi32, #tpu.memory_space<vmem>>) semaphore(%arg13 : memref<!tpu.dma_semaphore, #tpu.memory_space<semaphore_mem>>)
    %dma_start3A_42 = arith.constant 1 : i32
    %dma_start3A_43 = arith.constant 0 : i32
    %dma_start3A_44 = tpu.memref_slice %arg6[%dma_start3A_42, %dma_start3A_43] : memref<160x128xi32, #tpu.memory_space<vmem>> -> memref<1x128xi32, #tpu.memory_space<vmem>>
    %dma_start3A_45 = tpu.memref_squeeze %dma_start3A_44 : memref<1x128xi32, #tpu.memory_space<vmem>> -> memref<128xi32, #tpu.memory_space<vmem>>
    %dma_start3A_46 = arith.constant 0 : i32
    %dma_start3A_47 = arith.constant 0 : i32
    %dma_start3A_48 = tpu.memref_slice %arg2[%arg0, %dma_start3A_46, %dma_start3A_47] : memref<2x10240x64xf32, #tpu.memory_space<hbm>> -> memref<1x10240x64xf32, #tpu.memory_space<hbm>>
    %dma_start3A_49 = tpu.memref_squeeze %dma_start3A_48 : memref<1x10240x64xf32, #tpu.memory_space<hbm>> -> memref<10240x64xf32, #tpu.memory_space<hbm>>
    %dma_start3A_50 = arith.constant 0 : i32
    %dma_start3A_51 = arith.constant 0 : i32
    %dma_start3A_52 = tpu.memref_slice %dma_start3A_49[%dma_start3A_50, %dma_start3A_51] : memref<10240x64xf32, #tpu.memory_space<hbm>> -> memref<10240x64xf32, #tpu.memory_space<hbm>>
    tpu.enqueue_indirect_dma source(%dma_start3A_52 : memref<10240x64xf32, #tpu.memory_space<hbm>>) target(%arg9 : memref<128x64xf32, #tpu.memory_space<vmem>>) offsets(%dma_start3A_45 : memref<128xi32, #tpu.memory_space<vmem>>) semaphore(%arg14 : memref<!tpu.dma_semaphore, #tpu.memory_space<semaphore_mem>>)
    %dma_start3A_53 = arith.constant 2 : i32
    %dma_start3A_54 = arith.constant 0 : i32
    %dma_start3A_55 = tpu.memref_slice %arg6[%dma_start3A_53, %dma_start3A_54] : memref<160x128xi32, #tpu.memory_space<vmem>> -> memref<1x128xi32, #tpu.memory_space<vmem>>
    %dma_start3A_56 = tpu.memref_squeeze %dma_start3A_55 : memref<1x128xi32, #tpu.memory_space<vmem>> -> memref<128xi32, #tpu.memory_space<vmem>>
    %dma_start3A_57 = arith.constant 0 : i32
    %dma_start3A_58 = arith.constant 0 : i32
    %dma_start3A_59 = tpu.memref_slice %arg2[%arg0, %dma_start3A_57, %dma_start3A_58] : memref<2x10240x64xf32, #tpu.memory_space<hbm>> -> memref<1x10240x64xf32, #tpu.memory_space<hbm>>
    %dma_start3A_60 = tpu.memref_squeeze %dma_start3A_59 : memref<1x10240x64xf32, #tpu.memory_space<hbm>> -> memref<10240x64xf32, #tpu.memory_space<hbm>>
    %dma_start3A_61 = arith.constant 0 : i32
    %dma_start3A_62 = arith.constant 0 : i32
    %dma_start3A_63 = tpu.memref_slice %dma_start3A_60[%dma_start3A_61, %dma_start3A_62] : memref<10240x64xf32, #tpu.memory_space<hbm>> -> memref<10240x64xf32, #tpu.memory_space<hbm>>
    tpu.enqueue_indirect_dma source(%dma_start3A_63 : memref<10240x64xf32, #tpu.memory_space<hbm>>) target(%arg10 : memref<128x64xf32, #tpu.memory_space<vmem>>) offsets(%dma_start3A_56 : memref<128xi32, #tpu.memory_space<vmem>>) semaphore(%arg15 : memref<!tpu.dma_semaphore, #tpu.memory_space<semaphore_mem>>)
    %scan3A = arith.constant 0 : i32
    %scan3A_64 = arith.constant 32 : i32
    %scan3A_65 = arith.addi %scan3A, %scan3A_64 : i32
    %scan3A_66 = arith.constant 1 : i32
    scf.for %scan3A_104 = %scan3A to %scan3A_65 step %scan3A_66  : i32 {
      %mul3A_105 = arith.constant 5 : i32
      %mul3A_106 = arith.muli %scan3A_104, %mul3A_105 : i32
      %add3A = arith.constant 0 : i32
      %add3A_107 = arith.addi %add3A, %mul3A_106 : i32
      %add3A_108 = arith.constant 0 : i32
      %add3A_109 = arith.addi %add3A_107, %add3A_108 : i32
      %add3A_110 = arith.constant 3 : i32
      %add3A_111 = arith.addi %add3A_109, %add3A_110 : i32
      %lt3A = arith.constant 160 : i32
      %lt3A_112 = arith.cmpi slt, %add3A_111, %lt3A : i32
      %convert_element_type3A = arith.extui %lt3A_112 : i1 to i32
      %cond3A = arith.constant 0 : i32
      %cond3A_113 = arith.cmpi ne, %convert_element_type3A, %cond3A : i32
      scf.if %cond3A_113 {
        %ge3A = arith.constant 5 : i32
        %ge3A_245 = arith.cmpi sge, %add3A_111, %ge3A : i32
        %convert_element_type3A_246 = arith.extui %ge3A_245 : i1 to i32
        %cond3A_247 = arith.constant 0 : i32
        %cond3A_248 = arith.cmpi ne, %convert_element_type3A_246, %cond3A_247 : i32
        scf.if %cond3A_248 {
          %dma_wait3A_259 = arith.constant 0 : i32
          %dma_wait3A_260 = arith.constant 0 : i32
          %dma_wait3A_261 = tpu.memref_slice %arg7[%dma_wait3A_259, %dma_wait3A_260] : memref<160x128xi32, #tpu.memory_space<vmem>> -> memref<1x128xi32, #tpu.memory_space<vmem>>
          %dma_wait3A_262 = tpu.memref_squeeze %dma_wait3A_261 : memref<1x128xi32, #tpu.memory_space<vmem>> -> memref<128xi32, #tpu.memory_space<vmem>>
          %dma_wait3A_263 = arith.constant 0 : i32
          %dma_wait3A_264 = arith.constant 0 : i32
          %dma_wait3A_265 = tpu.memref_slice %arg24[%dma_wait3A_263, %dma_wait3A_264] : memref<10240x64xf32, #tpu.memory_space<vmem_shared>> -> memref<10240x64xf32, #tpu.memory_space<vmem_shared>>
          tpu.wait_indirect_dma semaphore(%arg21 : memref<!tpu.dma_semaphore, #tpu.memory_space<semaphore_mem>>) src(%arg11 : memref<128x64xf32, #tpu.memory_space<vmem>>) dst(%dma_wait3A_265 : memref<10240x64xf32, #tpu.memory_space<vmem_shared>>)
        } else {
        }
        %dma_start3A_249 = arith.constant 0 : i32
        %dma_start3A_250 = tpu.memref_slice %arg6[%add3A_111, %dma_start3A_249] : memref<160x128xi32, #tpu.memory_space<vmem>> -> memref<1x128xi32, #tpu.memory_space<vmem>>
        %dma_start3A_251 = tpu.memref_squeeze %dma_start3A_250 : memref<1x128xi32, #tpu.memory_space<vmem>> -> memref<128xi32, #tpu.memory_space<vmem>>
        %dma_start3A_252 = arith.constant 0 : i32
        %dma_start3A_253 = arith.constant 0 : i32
        %dma_start3A_254 = tpu.memref_slice %arg2[%arg0, %dma_start3A_252, %dma_start3A_253] : memref<2x10240x64xf32, #tpu.memory_space<hbm>> -> memref<1x10240x64xf32, #tpu.memory_space<hbm>>
        %dma_start3A_255 = tpu.memref_squeeze %dma_start3A_254 : memref<1x10240x64xf32, #tpu.memory_space<hbm>> -> memref<10240x64xf32, #tpu.memory_space<hbm>>
        %dma_start3A_256 = arith.constant 0 : i32
        %dma_start3A_257 = arith.constant 0 : i32
        %dma_start3A_258 = tpu.memref_slice %dma_start3A_255[%dma_start3A_256, %dma_start3A_257] : memref<10240x64xf32, #tpu.memory_space<hbm>> -> memref<10240x64xf32, #tpu.memory_space<hbm>>
        tpu.enqueue_indirect_dma source(%dma_start3A_258 : memref<10240x64xf32, #tpu.memory_space<hbm>>) target(%arg11 : memref<128x64xf32, #tpu.memory_space<vmem>>) offsets(%dma_start3A_251 : memref<128xi32, #tpu.memory_space<vmem>>) semaphore(%arg16 : memref<!tpu.dma_semaphore, #tpu.memory_space<semaphore_mem>>)
      } else {
      }
      %dma_wait3A_114 = arith.constant 0 : i32
      %dma_wait3A_115 = arith.constant 0 : i32
      %dma_wait3A_116 = tpu.memref_slice %arg6[%dma_wait3A_114, %dma_wait3A_115] : memref<160x128xi32, #tpu.memory_space<vmem>> -> memref<1x128xi32, #tpu.memory_space<vmem>>
      %dma_wait3A_117 = tpu.memref_squeeze %dma_wait3A_116 : memref<1x128xi32, #tpu.memory_space<vmem>> -> memref<128xi32, #tpu.memory_space<vmem>>
      %dma_wait3A_118 = arith.constant 0 : i32
      %dma_wait3A_119 = arith.constant 0 : i32
      %dma_wait3A_120 = tpu.memref_slice %arg2[%arg0, %dma_wait3A_118, %dma_wait3A_119] : memref<2x10240x64xf32, #tpu.memory_space<hbm>> -> memref<1x10240x64xf32, #tpu.memory_space<hbm>>
      %dma_wait3A_121 = tpu.memref_squeeze %dma_wait3A_120 : memref<1x10240x64xf32, #tpu.memory_space<hbm>> -> memref<10240x64xf32, #tpu.memory_space<hbm>>
      %dma_wait3A_122 = arith.constant 0 : i32
      %dma_wait3A_123 = arith.constant 0 : i32
      %dma_wait3A_124 = tpu.memref_slice %dma_wait3A_121[%dma_wait3A_122, %dma_wait3A_123] : memref<10240x64xf32, #tpu.memory_space<hbm>> -> memref<10240x64xf32, #tpu.memory_space<hbm>>
      tpu.wait_indirect_dma semaphore(%arg13 : memref<!tpu.dma_semaphore, #tpu.memory_space<semaphore_mem>>) src(%dma_wait3A_124 : memref<10240x64xf32, #tpu.memory_space<hbm>>) dst(%arg8 : memref<128x64xf32, #tpu.memory_space<vmem>>)
      %add3A_125 = arith.constant 0 : i32
      %add3A_126 = arith.addi %add3A_107, %add3A_125 : i32
      %dma_start3A_127 = arith.constant 0 : i32
      %dma_start3A_128 = tpu.memref_slice %arg7[%add3A_126, %dma_start3A_127] : memref<160x128xi32, #tpu.memory_space<vmem>> -> memref<1x128xi32, #tpu.memory_space<vmem>>
      %dma_start3A_129 = tpu.memref_squeeze %dma_start3A_128 : memref<1x128xi32, #tpu.memory_space<vmem>> -> memref<128xi32, #tpu.memory_space<vmem>>
      %dma_start3A_130 = arith.constant 0 : i32
      %dma_start3A_131 = arith.constant 0 : i32
      %dma_start3A_132 = tpu.memref_slice %arg24[%dma_start3A_130, %dma_start3A_131] : memref<10240x64xf32, #tpu.memory_space<vmem_shared>> -> memref<10240x64xf32, #tpu.memory_space<vmem_shared>>
      tpu.enqueue_indirect_dma source(%arg8 : memref<128x64xf32, #tpu.memory_space<vmem>>) target(%dma_start3A_132 : memref<10240x64xf32, #tpu.memory_space<vmem_shared>>) offsets(%dma_start3A_129 : memref<128xi32, #tpu.memory_space<vmem>>) semaphore(%arg18 : memref<!tpu.dma_semaphore, #tpu.memory_space<semaphore_mem>>) {add = true}
      %add3A_133 = arith.constant 1 : i32
      %add3A_134 = arith.addi %add3A_107, %add3A_133 : i32
      %add3A_135 = arith.constant 3 : i32
      %add3A_136 = arith.addi %add3A_134, %add3A_135 : i32
      %lt3A_137 = arith.constant 160 : i32
      %lt3A_138 = arith.cmpi slt, %add3A_136, %lt3A_137 : i32
      %convert_element_type3A_139 = arith.extui %lt3A_138 : i1 to i32
      %cond3A_140 = arith.constant 0 : i32
      %cond3A_141 = arith.cmpi ne, %convert_element_type3A_139, %cond3A_140 : i32
      scf.if %cond3A_141 {
        %ge3A = arith.constant 5 : i32
        %ge3A_245 = arith.cmpi sge, %add3A_136, %ge3A : i32
        %convert_element_type3A_246 = arith.extui %ge3A_245 : i1 to i32
        %cond3A_247 = arith.constant 0 : i32
        %cond3A_248 = arith.cmpi ne, %convert_element_type3A_246, %cond3A_247 : i32
        scf.if %cond3A_248 {
          %dma_wait3A_259 = arith.constant 0 : i32
          %dma_wait3A_260 = arith.constant 0 : i32
          %dma_wait3A_261 = tpu.memref_slice %arg7[%dma_wait3A_259, %dma_wait3A_260] : memref<160x128xi32, #tpu.memory_space<vmem>> -> memref<1x128xi32, #tpu.memory_space<vmem>>
          %dma_wait3A_262 = tpu.memref_squeeze %dma_wait3A_261 : memref<1x128xi32, #tpu.memory_space<vmem>> -> memref<128xi32, #tpu.memory_space<vmem>>
          %dma_wait3A_263 = arith.constant 0 : i32
          %dma_wait3A_264 = arith.constant 0 : i32
          %dma_wait3A_265 = tpu.memref_slice %arg24[%dma_wait3A_263, %dma_wait3A_264] : memref<10240x64xf32, #tpu.memory_space<vmem_shared>> -> memref<10240x64xf32, #tpu.memory_space<vmem_shared>>
          tpu.wait_indirect_dma semaphore(%arg22 : memref<!tpu.dma_semaphore, #tpu.memory_space<semaphore_mem>>) src(%arg12 : memref<128x64xf32, #tpu.memory_space<vmem>>) dst(%dma_wait3A_265 : memref<10240x64xf32, #tpu.memory_space<vmem_shared>>)
        } else {
        }
        %dma_start3A_249 = arith.constant 0 : i32
        %dma_start3A_250 = tpu.memref_slice %arg6[%add3A_136, %dma_start3A_249] : memref<160x128xi32, #tpu.memory_space<vmem>> -> memref<1x128xi32, #tpu.memory_space<vmem>>
        %dma_start3A_251 = tpu.memref_squeeze %dma_start3A_250 : memref<1x128xi32, #tpu.memory_space<vmem>> -> memref<128xi32, #tpu.memory_space<vmem>>
        %dma_start3A_252 = arith.constant 0 : i32
        %dma_start3A_253 = arith.constant 0 : i32
        %dma_start3A_254 = tpu.memref_slice %arg2[%arg0, %dma_start3A_252, %dma_start3A_253] : memref<2x10240x64xf32, #tpu.memory_space<hbm>> -> memref<1x10240x64xf32, #tpu.memory_space<hbm>>
        %dma_start3A_255 = tpu.memref_squeeze %dma_start3A_254 : memref<1x10240x64xf32, #tpu.memory_space<hbm>> -> memref<10240x64xf32, #tpu.memory_space<hbm>>
        %dma_start3A_256 = arith.constant 0 : i32
        %dma_start3A_257 = arith.constant 0 : i32
        %dma_start3A_258 = tpu.memref_slice %dma_start3A_255[%dma_start3A_256, %dma_start3A_257] : memref<10240x64xf32, #tpu.memory_space<hbm>> -> memref<10240x64xf32, #tpu.memory_space<hbm>>
        tpu.enqueue_indirect_dma source(%dma_start3A_258 : memref<10240x64xf32, #tpu.memory_space<hbm>>) target(%arg12 : memref<128x64xf32, #tpu.memory_space<vmem>>) offsets(%dma_start3A_251 : memref<128xi32, #tpu.memory_space<vmem>>) semaphore(%arg17 : memref<!tpu.dma_semaphore, #tpu.memory_space<semaphore_mem>>)
      } else {
      }
      %dma_wait3A_142 = arith.constant 0 : i32
      %dma_wait3A_143 = arith.constant 0 : i32
      %dma_wait3A_144 = tpu.memref_slice %arg6[%dma_wait3A_142, %dma_wait3A_143] : memref<160x128xi32, #tpu.memory_space<vmem>> -> memref<1x128xi32, #tpu.memory_space<vmem>>
      %dma_wait3A_145 = tpu.memref_squeeze %dma_wait3A_144 : memref<1x128xi32, #tpu.memory_space<vmem>> -> memref<128xi32, #tpu.memory_space<vmem>>
      %dma_wait3A_146 = arith.constant 0 : i32
      %dma_wait3A_147 = arith.constant 0 : i32
      %dma_wait3A_148 = tpu.memref_slice %arg2[%arg0, %dma_wait3A_146, %dma_wait3A_147] : memref<2x10240x64xf32, #tpu.memory_space<hbm>> -> memref<1x10240x64xf32, #tpu.memory_space<hbm>>
      %dma_wait3A_149 = tpu.memref_squeeze %dma_wait3A_148 : memref<1x10240x64xf32, #tpu.memory_space<hbm>> -> memref<10240x64xf32, #tpu.memory_space<hbm>>
      %dma_wait3A_150 = arith.constant 0 : i32
      %dma_wait3A_151 = arith.constant 0 : i32
      %dma_wait3A_152 = tpu.memref_slice %dma_wait3A_149[%dma_wait3A_150, %dma_wait3A_151] : memref<10240x64xf32, #tpu.memory_space<hbm>> -> memref<10240x64xf32, #tpu.memory_space<hbm>>
      tpu.wait_indirect_dma semaphore(%arg14 : memref<!tpu.dma_semaphore, #tpu.memory_space<semaphore_mem>>) src(%dma_wait3A_152 : memref<10240x64xf32, #tpu.memory_space<hbm>>) dst(%arg9 : memref<128x64xf32, #tpu.memory_space<vmem>>)
      %add3A_153 = arith.constant 1 : i32
      %add3A_154 = arith.addi %add3A_107, %add3A_153 : i32
      %dma_start3A_155 = arith.constant 0 : i32
      %dma_start3A_156 = tpu.memref_slice %arg7[%add3A_154, %dma_start3A_155] : memref<160x128xi32, #tpu.memory_space<vmem>> -> memref<1x128xi32, #tpu.memory_space<vmem>>
      %dma_start3A_157 = tpu.memref_squeeze %dma_start3A_156 : memref<1x128xi32, #tpu.memory_space<vmem>> -> memref<128xi32, #tpu.memory_space<vmem>>
      %dma_start3A_158 = arith.constant 0 : i32
      %dma_start3A_159 = arith.constant 0 : i32
      %dma_start3A_160 = tpu.memref_slice %arg24[%dma_start3A_158, %dma_start3A_159] : memref<10240x64xf32, #tpu.memory_space<vmem_shared>> -> memref<10240x64xf32, #tpu.memory_space<vmem_shared>>
      tpu.enqueue_indirect_dma source(%arg9 : memref<128x64xf32, #tpu.memory_space<vmem>>) target(%dma_start3A_160 : memref<10240x64xf32, #tpu.memory_space<vmem_shared>>) offsets(%dma_start3A_157 : memref<128xi32, #tpu.memory_space<vmem>>) semaphore(%arg19 : memref<!tpu.dma_semaphore, #tpu.memory_space<semaphore_mem>>) {add = true}
      %add3A_161 = arith.constant 2 : i32
      %add3A_162 = arith.addi %add3A_107, %add3A_161 : i32
      %add3A_163 = arith.constant 3 : i32
      %add3A_164 = arith.addi %add3A_162, %add3A_163 : i32
      %lt3A_165 = arith.constant 160 : i32
      %lt3A_166 = arith.cmpi slt, %add3A_164, %lt3A_165 : i32
      %convert_element_type3A_167 = arith.extui %lt3A_166 : i1 to i32
      %cond3A_168 = arith.constant 0 : i32
      %cond3A_169 = arith.cmpi ne, %convert_element_type3A_167, %cond3A_168 : i32
      scf.if %cond3A_169 {
        %ge3A = arith.constant 5 : i32
        %ge3A_245 = arith.cmpi sge, %add3A_164, %ge3A : i32
        %convert_element_type3A_246 = arith.extui %ge3A_245 : i1 to i32
        %cond3A_247 = arith.constant 0 : i32
        %cond3A_248 = arith.cmpi ne, %convert_element_type3A_246, %cond3A_247 : i32
        scf.if %cond3A_248 {
          %dma_wait3A_259 = arith.constant 0 : i32
          %dma_wait3A_260 = arith.constant 0 : i32
          %dma_wait3A_261 = tpu.memref_slice %arg7[%dma_wait3A_259, %dma_wait3A_260] : memref<160x128xi32, #tpu.memory_space<vmem>> -> memref<1x128xi32, #tpu.memory_space<vmem>>
          %dma_wait3A_262 = tpu.memref_squeeze %dma_wait3A_261 : memref<1x128xi32, #tpu.memory_space<vmem>> -> memref<128xi32, #tpu.memory_space<vmem>>
          %dma_wait3A_263 = arith.constant 0 : i32
          %dma_wait3A_264 = arith.constant 0 : i32
          %dma_wait3A_265 = tpu.memref_slice %arg24[%dma_wait3A_263, %dma_wait3A_264] : memref<10240x64xf32, #tpu.memory_space<vmem_shared>> -> memref<10240x64xf32, #tpu.memory_space<vmem_shared>>
          tpu.wait_indirect_dma semaphore(%arg18 : memref<!tpu.dma_semaphore, #tpu.memory_space<semaphore_mem>>) src(%arg8 : memref<128x64xf32, #tpu.memory_space<vmem>>) dst(%dma_wait3A_265 : memref<10240x64xf32, #tpu.memory_space<vmem_shared>>)
        } else {
        }
        %dma_start3A_249 = arith.constant 0 : i32
        %dma_start3A_250 = tpu.memref_slice %arg6[%add3A_164, %dma_start3A_249] : memref<160x128xi32, #tpu.memory_space<vmem>> -> memref<1x128xi32, #tpu.memory_space<vmem>>
        %dma_start3A_251 = tpu.memref_squeeze %dma_start3A_250 : memref<1x128xi32, #tpu.memory_space<vmem>> -> memref<128xi32, #tpu.memory_space<vmem>>
        %dma_start3A_252 = arith.constant 0 : i32
        %dma_start3A_253 = arith.constant 0 : i32
        %dma_start3A_254 = tpu.memref_slice %arg2[%arg0, %dma_start3A_252, %dma_start3A_253] : memref<2x10240x64xf32, #tpu.memory_space<hbm>> -> memref<1x10240x64xf32, #tpu.memory_space<hbm>>
        %dma_start3A_255 = tpu.memref_squeeze %dma_start3A_254 : memref<1x10240x64xf32, #tpu.memory_space<hbm>> -> memref<10240x64xf32, #tpu.memory_space<hbm>>
        %dma_start3A_256 = arith.constant 0 : i32
        %dma_start3A_257 = arith.constant 0 : i32
        %dma_start3A_258 = tpu.memref_slice %dma_start3A_255[%dma_start3A_256, %dma_start3A_257] : memref<10240x64xf32, #tpu.memory_space<hbm>> -> memref<10240x64xf32, #tpu.memory_space<hbm>>
        tpu.enqueue_indirect_dma source(%dma_start3A_258 : memref<10240x64xf32, #tpu.memory_space<hbm>>) target(%arg8 : memref<128x64xf32, #tpu.memory_space<vmem>>) offsets(%dma_start3A_251 : memref<128xi32, #tpu.memory_space<vmem>>) semaphore(%arg13 : memref<!tpu.dma_semaphore, #tpu.memory_space<semaphore_mem>>)
      } else {
      }
      %dma_wait3A_170 = arith.constant 0 : i32
      %dma_wait3A_171 = arith.constant 0 : i32
      %dma_wait3A_172 = tpu.memref_slice %arg6[%dma_wait3A_170, %dma_wait3A_171] : memref<160x128xi32, #tpu.memory_space<vmem>> -> memref<1x128xi32, #tpu.memory_space<vmem>>
      %dma_wait3A_173 = tpu.memref_squeeze %dma_wait3A_172 : memref<1x128xi32, #tpu.memory_space<vmem>> -> memref<128xi32, #tpu.memory_space<vmem>>
      %dma_wait3A_174 = arith.constant 0 : i32
      %dma_wait3A_175 = arith.constant 0 : i32
      %dma_wait3A_176 = tpu.memref_slice %arg2[%arg0, %dma_wait3A_174, %dma_wait3A_175] : memref<2x10240x64xf32, #tpu.memory_space<hbm>> -> memref<1x10240x64xf32, #tpu.memory_space<hbm>>
      %dma_wait3A_177 = tpu.memref_squeeze %dma_wait3A_176 : memref<1x10240x64xf32, #tpu.memory_space<hbm>> -> memref<10240x64xf32, #tpu.memory_space<hbm>>
      %dma_wait3A_178 = arith.constant 0 : i32
      %dma_wait3A_179 = arith.constant 0 : i32
      %dma_wait3A_180 = tpu.memref_slice %dma_wait3A_177[%dma_wait3A_178, %dma_wait3A_179] : memref<10240x64xf32, #tpu.memory_space<hbm>> -> memref<10240x64xf32, #tpu.memory_space<hbm>>
      tpu.wait_indirect_dma semaphore(%arg15 : memref<!tpu.dma_semaphore, #tpu.memory_space<semaphore_mem>>) src(%dma_wait3A_180 : memref<10240x64xf32, #tpu.memory_space<hbm>>) dst(%arg10 : memref<128x64xf32, #tpu.memory_space<vmem>>)
      %add3A_181 = arith.constant 2 : i32
      %add3A_182 = arith.addi %add3A_107, %add3A_181 : i32
      %dma_start3A_183 = arith.constant 0 : i32
      %dma_start3A_184 = tpu.memref_slice %arg7[%add3A_182, %dma_start3A_183] : memref<160x128xi32, #tpu.memory_space<vmem>> -> memref<1x128xi32, #tpu.memory_space<vmem>>
      %dma_start3A_185 = tpu.memref_squeeze %dma_start3A_184 : memref<1x128xi32, #tpu.memory_space<vmem>> -> memref<128xi32, #tpu.memory_space<vmem>>
      %dma_start3A_186 = arith.constant 0 : i32
      %dma_start3A_187 = arith.constant 0 : i32
      %dma_start3A_188 = tpu.memref_slice %arg24[%dma_start3A_186, %dma_start3A_187] : memref<10240x64xf32, #tpu.memory_space<vmem_shared>> -> memref<10240x64xf32, #tpu.memory_space<vmem_shared>>
      tpu.enqueue_indirect_dma source(%arg10 : memref<128x64xf32, #tpu.memory_space<vmem>>) target(%dma_start3A_188 : memref<10240x64xf32, #tpu.memory_space<vmem_shared>>) offsets(%dma_start3A_185 : memref<128xi32, #tpu.memory_space<vmem>>) semaphore(%arg20 : memref<!tpu.dma_semaphore, #tpu.memory_space<semaphore_mem>>) {add = true}
      %add3A_189 = arith.constant 3 : i32
      %add3A_190 = arith.addi %add3A_107, %add3A_189 : i32
      %add3A_191 = arith.constant 3 : i32
      %add3A_192 = arith.addi %add3A_190, %add3A_191 : i32
      %lt3A_193 = arith.constant 160 : i32
      %lt3A_194 = arith.cmpi slt, %add3A_192, %lt3A_193 : i32
      %convert_element_type3A_195 = arith.extui %lt3A_194 : i1 to i32
      %cond3A_196 = arith.constant 0 : i32
      %cond3A_197 = arith.cmpi ne, %convert_element_type3A_195, %cond3A_196 : i32
      scf.if %cond3A_197 {
        %ge3A = arith.constant 5 : i32
        %ge3A_245 = arith.cmpi sge, %add3A_192, %ge3A : i32
        %convert_element_type3A_246 = arith.extui %ge3A_245 : i1 to i32
        %cond3A_247 = arith.constant 0 : i32
        %cond3A_248 = arith.cmpi ne, %convert_element_type3A_246, %cond3A_247 : i32
        scf.if %cond3A_248 {
          %dma_wait3A_259 = arith.constant 0 : i32
          %dma_wait3A_260 = arith.constant 0 : i32
          %dma_wait3A_261 = tpu.memref_slice %arg7[%dma_wait3A_259, %dma_wait3A_260] : memref<160x128xi32, #tpu.memory_space<vmem>> -> memref<1x128xi32, #tpu.memory_space<vmem>>
          %dma_wait3A_262 = tpu.memref_squeeze %dma_wait3A_261 : memref<1x128xi32, #tpu.memory_space<vmem>> -> memref<128xi32, #tpu.memory_space<vmem>>
          %dma_wait3A_263 = arith.constant 0 : i32
          %dma_wait3A_264 = arith.constant 0 : i32
          %dma_wait3A_265 = tpu.memref_slice %arg24[%dma_wait3A_263, %dma_wait3A_264] : memref<10240x64xf32, #tpu.memory_space<vmem_shared>> -> memref<10240x64xf32, #tpu.memory_space<vmem_shared>>
          tpu.wait_indirect_dma semaphore(%arg19 : memref<!tpu.dma_semaphore, #tpu.memory_space<semaphore_mem>>) src(%arg9 : memref<128x64xf32, #tpu.memory_space<vmem>>) dst(%dma_wait3A_265 : memref<10240x64xf32, #tpu.memory_space<vmem_shared>>)
        } else {
        }
        %dma_start3A_249 = arith.constant 0 : i32
        %dma_start3A_250 = tpu.memref_slice %arg6[%add3A_192, %dma_start3A_249] : memref<160x128xi32, #tpu.memory_space<vmem>> -> memref<1x128xi32, #tpu.memory_space<vmem>>
        %dma_start3A_251 = tpu.memref_squeeze %dma_start3A_250 : memref<1x128xi32, #tpu.memory_space<vmem>> -> memref<128xi32, #tpu.memory_space<vmem>>
        %dma_start3A_252 = arith.constant 0 : i32
        %dma_start3A_253 = arith.constant 0 : i32
        %dma_start3A_254 = tpu.memref_slice %arg2[%arg0, %dma_start3A_252, %dma_start3A_253] : memref<2x10240x64xf32, #tpu.memory_space<hbm>> -> memref<1x10240x64xf32, #tpu.memory_space<hbm>>
        %dma_start3A_255 = tpu.memref_squeeze %dma_start3A_254 : memref<1x10240x64xf32, #tpu.memory_space<hbm>> -> memref<10240x64xf32, #tpu.memory_space<hbm>>
        %dma_start3A_256 = arith.constant 0 : i32
        %dma_start3A_257 = arith.constant 0 : i32
        %dma_start3A_258 = tpu.memref_slice %dma_start3A_255[%dma_start3A_256, %dma_start3A_257] : memref<10240x64xf32, #tpu.memory_space<hbm>> -> memref<10240x64xf32, #tpu.memory_space<hbm>>
        tpu.enqueue_indirect_dma source(%dma_start3A_258 : memref<10240x64xf32, #tpu.memory_space<hbm>>) target(%arg9 : memref<128x64xf32, #tpu.memory_space<vmem>>) offsets(%dma_start3A_251 : memref<128xi32, #tpu.memory_space<vmem>>) semaphore(%arg14 : memref<!tpu.dma_semaphore, #tpu.memory_space<semaphore_mem>>)
      } else {
      }
      %dma_wait3A_198 = arith.constant 0 : i32
      %dma_wait3A_199 = arith.constant 0 : i32
      %dma_wait3A_200 = tpu.memref_slice %arg6[%dma_wait3A_198, %dma_wait3A_199] : memref<160x128xi32, #tpu.memory_space<vmem>> -> memref<1x128xi32, #tpu.memory_space<vmem>>
      %dma_wait3A_201 = tpu.memref_squeeze %dma_wait3A_200 : memref<1x128xi32, #tpu.memory_space<vmem>> -> memref<128xi32, #tpu.memory_space<vmem>>
      %dma_wait3A_202 = arith.constant 0 : i32
      %dma_wait3A_203 = arith.constant 0 : i32
      %dma_wait3A_204 = tpu.memref_slice %arg2[%arg0, %dma_wait3A_202, %dma_wait3A_203] : memref<2x10240x64xf32, #tpu.memory_space<hbm>> -> memref<1x10240x64xf32, #tpu.memory_space<hbm>>
      %dma_wait3A_205 = tpu.memref_squeeze %dma_wait3A_204 : memref<1x10240x64xf32, #tpu.memory_space<hbm>> -> memref<10240x64xf32, #tpu.memory_space<hbm>>
      %dma_wait3A_206 = arith.constant 0 : i32
      %dma_wait3A_207 = arith.constant 0 : i32
      %dma_wait3A_208 = tpu.memref_slice %dma_wait3A_205[%dma_wait3A_206, %dma_wait3A_207] : memref<10240x64xf32, #tpu.memory_space<hbm>> -> memref<10240x64xf32, #tpu.memory_space<hbm>>
      tpu.wait_indirect_dma semaphore(%arg16 : memref<!tpu.dma_semaphore, #tpu.memory_space<semaphore_mem>>) src(%dma_wait3A_208 : memref<10240x64xf32, #tpu.memory_space<hbm>>) dst(%arg11 : memref<128x64xf32, #tpu.memory_space<vmem>>)
      %add3A_209 = arith.constant 3 : i32
      %add3A_210 = arith.addi %add3A_107, %add3A_209 : i32
      %dma_start3A_211 = arith.constant 0 : i32
      %dma_start3A_212 = tpu.memref_slice %arg7[%add3A_210, %dma_start3A_211] : memref<160x128xi32, #tpu.memory_space<vmem>> -> memref<1x128xi32, #tpu.memory_space<vmem>>
      %dma_start3A_213 = tpu.memref_squeeze %dma_start3A_212 : memref<1x128xi32, #tpu.memory_space<vmem>> -> memref<128xi32, #tpu.memory_space<vmem>>
      %dma_start3A_214 = arith.constant 0 : i32
      %dma_start3A_215 = arith.constant 0 : i32
      %dma_start3A_216 = tpu.memref_slice %arg24[%dma_start3A_214, %dma_start3A_215] : memref<10240x64xf32, #tpu.memory_space<vmem_shared>> -> memref<10240x64xf32, #tpu.memory_space<vmem_shared>>
      tpu.enqueue_indirect_dma source(%arg11 : memref<128x64xf32, #tpu.memory_space<vmem>>) target(%dma_start3A_216 : memref<10240x64xf32, #tpu.memory_space<vmem_shared>>) offsets(%dma_start3A_213 : memref<128xi32, #tpu.memory_space<vmem>>) semaphore(%arg21 : memref<!tpu.dma_semaphore, #tpu.memory_space<semaphore_mem>>) {add = true}
      %add3A_217 = arith.constant 4 : i32
      %add3A_218 = arith.addi %add3A_107, %add3A_217 : i32
      %add3A_219 = arith.constant 3 : i32
      %add3A_220 = arith.addi %add3A_218, %add3A_219 : i32
      %lt3A_221 = arith.constant 160 : i32
      %lt3A_222 = arith.cmpi slt, %add3A_220, %lt3A_221 : i32
      %convert_element_type3A_223 = arith.extui %lt3A_222 : i1 to i32
      %cond3A_224 = arith.constant 0 : i32
      %cond3A_225 = arith.cmpi ne, %convert_element_type3A_223, %cond3A_224 : i32
      scf.if %cond3A_225 {
        %ge3A = arith.constant 5 : i32
        %ge3A_245 = arith.cmpi sge, %add3A_220, %ge3A : i32
        %convert_element_type3A_246 = arith.extui %ge3A_245 : i1 to i32
        %cond3A_247 = arith.constant 0 : i32
        %cond3A_248 = arith.cmpi ne, %convert_element_type3A_246, %cond3A_247 : i32
        scf.if %cond3A_248 {
          %dma_wait3A_259 = arith.constant 0 : i32
          %dma_wait3A_260 = arith.constant 0 : i32
          %dma_wait3A_261 = tpu.memref_slice %arg7[%dma_wait3A_259, %dma_wait3A_260] : memref<160x128xi32, #tpu.memory_space<vmem>> -> memref<1x128xi32, #tpu.memory_space<vmem>>
          %dma_wait3A_262 = tpu.memref_squeeze %dma_wait3A_261 : memref<1x128xi32, #tpu.memory_space<vmem>> -> memref<128xi32, #tpu.memory_space<vmem>>
          %dma_wait3A_263 = arith.constant 0 : i32
          %dma_wait3A_264 = arith.constant 0 : i32
          %dma_wait3A_265 = tpu.memref_slice %arg24[%dma_wait3A_263, %dma_wait3A_264] : memref<10240x64xf32, #tpu.memory_space<vmem_shared>> -> memref<10240x64xf32, #tpu.memory_space<vmem_shared>>
          tpu.wait_indirect_dma semaphore(%arg20 : memref<!tpu.dma_semaphore, #tpu.memory_space<semaphore_mem>>) src(%arg10 : memref<128x64xf32, #tpu.memory_space<vmem>>) dst(%dma_wait3A_265 : memref<10240x64xf32, #tpu.memory_space<vmem_shared>>)
        } else {
        }
        %dma_start3A_249 = arith.constant 0 : i32
        %dma_start3A_250 = tpu.memref_slice %arg6[%add3A_220, %dma_start3A_249] : memref<160x128xi32, #tpu.memory_space<vmem>> -> memref<1x128xi32, #tpu.memory_space<vmem>>
        %dma_start3A_251 = tpu.memref_squeeze %dma_start3A_250 : memref<1x128xi32, #tpu.memory_space<vmem>> -> memref<128xi32, #tpu.memory_space<vmem>>
        %dma_start3A_252 = arith.constant 0 : i32
        %dma_start3A_253 = arith.constant 0 : i32
        %dma_start3A_254 = tpu.memref_slice %arg2[%arg0, %dma_start3A_252, %dma_start3A_253] : memref<2x10240x64xf32, #tpu.memory_space<hbm>> -> memref<1x10240x64xf32, #tpu.memory_space<hbm>>
        %dma_start3A_255 = tpu.memref_squeeze %dma_start3A_254 : memref<1x10240x64xf32, #tpu.memory_space<hbm>> -> memref<10240x64xf32, #tpu.memory_space<hbm>>
        %dma_start3A_256 = arith.constant 0 : i32
        %dma_start3A_257 = arith.constant 0 : i32
        %dma_start3A_258 = tpu.memref_slice %dma_start3A_255[%dma_start3A_256, %dma_start3A_257] : memref<10240x64xf32, #tpu.memory_space<hbm>> -> memref<10240x64xf32, #tpu.memory_space<hbm>>
        tpu.enqueue_indirect_dma source(%dma_start3A_258 : memref<10240x64xf32, #tpu.memory_space<hbm>>) target(%arg10 : memref<128x64xf32, #tpu.memory_space<vmem>>) offsets(%dma_start3A_251 : memref<128xi32, #tpu.memory_space<vmem>>) semaphore(%arg15 : memref<!tpu.dma_semaphore, #tpu.memory_space<semaphore_mem>>)
      } else {
      }
      %dma_wait3A_226 = arith.constant 0 : i32
      %dma_wait3A_227 = arith.constant 0 : i32
      %dma_wait3A_228 = tpu.memref_slice %arg6[%dma_wait3A_226, %dma_wait3A_227] : memref<160x128xi32, #tpu.memory_space<vmem>> -> memref<1x128xi32, #tpu.memory_space<vmem>>
      %dma_wait3A_229 = tpu.memref_squeeze %dma_wait3A_228 : memref<1x128xi32, #tpu.memory_space<vmem>> -> memref<128xi32, #tpu.memory_space<vmem>>
      %dma_wait3A_230 = arith.constant 0 : i32
      %dma_wait3A_231 = arith.constant 0 : i32
      %dma_wait3A_232 = tpu.memref_slice %arg2[%arg0, %dma_wait3A_230, %dma_wait3A_231] : memref<2x10240x64xf32, #tpu.memory_space<hbm>> -> memref<1x10240x64xf32, #tpu.memory_space<hbm>>
      %dma_wait3A_233 = tpu.memref_squeeze %dma_wait3A_232 : memref<1x10240x64xf32, #tpu.memory_space<hbm>> -> memref<10240x64xf32, #tpu.memory_space<hbm>>
      %dma_wait3A_234 = arith.constant 0 : i32
      %dma_wait3A_235 = arith.constant 0 : i32
      %dma_wait3A_236 = tpu.memref_slice %dma_wait3A_233[%dma_wait3A_234, %dma_wait3A_235] : memref<10240x64xf32, #tpu.memory_space<hbm>> -> memref<10240x64xf32, #tpu.memory_space<hbm>>
      tpu.wait_indirect_dma semaphore(%arg17 : memref<!tpu.dma_semaphore, #tpu.memory_space<semaphore_mem>>) src(%dma_wait3A_236 : memref<10240x64xf32, #tpu.memory_space<hbm>>) dst(%arg12 : memref<128x64xf32, #tpu.memory_space<vmem>>)
      %add3A_237 = arith.constant 4 : i32
      %add3A_238 = arith.addi %add3A_107, %add3A_237 : i32
      %dma_start3A_239 = arith.constant 0 : i32
      %dma_start3A_240 = tpu.memref_slice %arg7[%add3A_238, %dma_start3A_239] : memref<160x128xi32, #tpu.memory_space<vmem>> -> memref<1x128xi32, #tpu.memory_space<vmem>>
      %dma_start3A_241 = tpu.memref_squeeze %dma_start3A_240 : memref<1x128xi32, #tpu.memory_space<vmem>> -> memref<128xi32, #tpu.memory_space<vmem>>
      %dma_start3A_242 = arith.constant 0 : i32
      %dma_start3A_243 = arith.constant 0 : i32
      %dma_start3A_244 = tpu.memref_slice %arg24[%dma_start3A_242, %dma_start3A_243] : memref<10240x64xf32, #tpu.memory_space<vmem_shared>> -> memref<10240x64xf32, #tpu.memory_space<vmem_shared>>
      tpu.enqueue_indirect_dma source(%arg12 : memref<128x64xf32, #tpu.memory_space<vmem>>) target(%dma_start3A_244 : memref<10240x64xf32, #tpu.memory_space<vmem_shared>>) offsets(%dma_start3A_241 : memref<128xi32, #tpu.memory_space<vmem>>) semaphore(%arg22 : memref<!tpu.dma_semaphore, #tpu.memory_space<semaphore_mem>>) {add = true}
    }
    %scan3A_67 = arith.constant 32 : i32
    %dma_wait3A_68 = arith.constant 0 : i32
    %dma_wait3A_69 = arith.constant 0 : i32
    %dma_wait3A_70 = tpu.memref_slice %arg7[%dma_wait3A_68, %dma_wait3A_69] : memref<160x128xi32, #tpu.memory_space<vmem>> -> memref<1x128xi32, #tpu.memory_space<vmem>>
    %dma_wait3A_71 = tpu.memref_squeeze %dma_wait3A_70 : memref<1x128xi32, #tpu.memory_space<vmem>> -> memref<128xi32, #tpu.memory_space<vmem>>
    %dma_wait3A_72 = arith.constant 0 : i32
    %dma_wait3A_73 = arith.constant 0 : i32
    %dma_wait3A_74 = tpu.memref_slice %arg24[%dma_wait3A_72, %dma_wait3A_73] : memref<10240x64xf32, #tpu.memory_space<vmem_shared>> -> memref<10240x64xf32, #tpu.memory_space<vmem_shared>>
    tpu.wait_indirect_dma semaphore(%arg18 : memref<!tpu.dma_semaphore, #tpu.memory_space<semaphore_mem>>) src(%arg8 : memref<128x64xf32, #tpu.memory_space<vmem>>) dst(%dma_wait3A_74 : memref<10240x64xf32, #tpu.memory_space<vmem_shared>>)
    %dma_wait3A_75 = arith.constant 0 : i32
    %dma_wait3A_76 = arith.constant 0 : i32
    %dma_wait3A_77 = tpu.memref_slice %arg7[%dma_wait3A_75, %dma_wait3A_76] : memref<160x128xi32, #tpu.memory_space<vmem>> -> memref<1x128xi32, #tpu.memory_space<vmem>>
    %dma_wait3A_78 = tpu.memref_squeeze %dma_wait3A_77 : memref<1x128xi32, #tpu.memory_space<vmem>> -> memref<128xi32, #tpu.memory_space<vmem>>
    %dma_wait3A_79 = arith.constant 0 : i32
    %dma_wait3A_80 = arith.constant 0 : i32
    %dma_wait3A_81 = tpu.memref_slice %arg24[%dma_wait3A_79, %dma_wait3A_80] : memref<10240x64xf32, #tpu.memory_space<vmem_shared>> -> memref<10240x64xf32, #tpu.memory_space<vmem_shared>>
    tpu.wait_indirect_dma semaphore(%arg19 : memref<!tpu.dma_semaphore, #tpu.memory_space<semaphore_mem>>) src(%arg9 : memref<128x64xf32, #tpu.memory_space<vmem>>) dst(%dma_wait3A_81 : memref<10240x64xf32, #tpu.memory_space<vmem_shared>>)
    %dma_wait3A_82 = arith.constant 0 : i32
    %dma_wait3A_83 = arith.constant 0 : i32
    %dma_wait3A_84 = tpu.memref_slice %arg7[%dma_wait3A_82, %dma_wait3A_83] : memref<160x128xi32, #tpu.memory_space<vmem>> -> memref<1x128xi32, #tpu.memory_space<vmem>>
    %dma_wait3A_85 = tpu.memref_squeeze %dma_wait3A_84 : memref<1x128xi32, #tpu.memory_space<vmem>> -> memref<128xi32, #tpu.memory_space<vmem>>
    %dma_wait3A_86 = arith.constant 0 : i32
    %dma_wait3A_87 = arith.constant 0 : i32
    %dma_wait3A_88 = tpu.memref_slice %arg24[%dma_wait3A_86, %dma_wait3A_87] : memref<10240x64xf32, #tpu.memory_space<vmem_shared>> -> memref<10240x64xf32, #tpu.memory_space<vmem_shared>>
    tpu.wait_indirect_dma semaphore(%arg20 : memref<!tpu.dma_semaphore, #tpu.memory_space<semaphore_mem>>) src(%arg10 : memref<128x64xf32, #tpu.memory_space<vmem>>) dst(%dma_wait3A_88 : memref<10240x64xf32, #tpu.memory_space<vmem_shared>>)
    %dma_wait3A_89 = arith.constant 0 : i32
    %dma_wait3A_90 = arith.constant 0 : i32
    %dma_wait3A_91 = tpu.memref_slice %arg7[%dma_wait3A_89, %dma_wait3A_90] : memref<160x128xi32, #tpu.memory_space<vmem>> -> memref<1x128xi32, #tpu.memory_space<vmem>>
    %dma_wait3A_92 = tpu.memref_squeeze %dma_wait3A_91 : memref<1x128xi32, #tpu.memory_space<vmem>> -> memref<128xi32, #tpu.memory_space<vmem>>
    %dma_wait3A_93 = arith.constant 0 : i32
    %dma_wait3A_94 = arith.constant 0 : i32
    %dma_wait3A_95 = tpu.memref_slice %arg24[%dma_wait3A_93, %dma_wait3A_94] : memref<10240x64xf32, #tpu.memory_space<vmem_shared>> -> memref<10240x64xf32, #tpu.memory_space<vmem_shared>>
    tpu.wait_indirect_dma semaphore(%arg21 : memref<!tpu.dma_semaphore, #tpu.memory_space<semaphore_mem>>) src(%arg11 : memref<128x64xf32, #tpu.memory_space<vmem>>) dst(%dma_wait3A_95 : memref<10240x64xf32, #tpu.memory_space<vmem_shared>>)
    %dma_wait3A_96 = arith.constant 0 : i32
    %dma_wait3A_97 = arith.constant 0 : i32
    %dma_wait3A_98 = tpu.memref_slice %arg7[%dma_wait3A_96, %dma_wait3A_97] : memref<160x128xi32, #tpu.memory_space<vmem>> -> memref<1x128xi32, #tpu.memory_space<vmem>>
    %dma_wait3A_99 = tpu.memref_squeeze %dma_wait3A_98 : memref<1x128xi32, #tpu.memory_space<vmem>> -> memref<128xi32, #tpu.memory_space<vmem>>
    %dma_wait3A_100 = arith.constant 0 : i32
    %dma_wait3A_101 = arith.constant 0 : i32
    %dma_wait3A_102 = tpu.memref_slice %arg24[%dma_wait3A_100, %dma_wait3A_101] : memref<10240x64xf32, #tpu.memory_space<vmem_shared>> -> memref<10240x64xf32, #tpu.memory_space<vmem_shared>>
    tpu.wait_indirect_dma semaphore(%arg22 : memref<!tpu.dma_semaphore, #tpu.memory_space<semaphore_mem>>) src(%arg12 : memref<128x64xf32, #tpu.memory_space<vmem>>) dst(%dma_wait3A_102 : memref<10240x64xf32, #tpu.memory_space<vmem_shared>>)
    %barrier3A_103 = arith.constant 0 : index
    tpu.barrier barrier_id(%barrier3A_103)
    "tpu.region"() ({
      %run_scoped3A = tpu.sem_alloc : memref<!tpu.dma_semaphore, #tpu.memory_space<semaphore_mem>>
      %dma_start3A_104 = arith.constant 0 : i32
      %dma_start3A_105 = tpu.memref_slice %arg5[%arg0, %mul3A_0, %dma_start3A_104] : memref<2x10240x64xf32, #tpu.memory_space<hbm>> -> memref<1x640x64xf32, #tpu.memory_space<hbm>>
      %dma_start3A_106 = tpu.memref_squeeze %dma_start3A_105 : memref<1x640x64xf32, #tpu.memory_space<hbm>> -> memref<640x64xf32, #tpu.memory_space<hbm>>
      %dma_start3A_107 = arith.constant 0 : i32
      %dma_start3A_108 = tpu.memref_slice %arg24[%mul3A_0, %dma_start3A_107] : memref<10240x64xf32, #tpu.memory_space<vmem_shared>> -> memref<640x64xf32, #tpu.memory_space<vmem_shared>>
      tpu.enqueue_dma source(%dma_start3A_108 : memref<640x64xf32, #tpu.memory_space<vmem_shared>>) target(%dma_start3A_106 : memref<640x64xf32, #tpu.memory_space<hbm>>) target_semaphore(%run_scoped3A : memref<!tpu.dma_semaphore, #tpu.memory_space<semaphore_mem>>)
      %dma_wait3A_109 = arith.constant 0 : i32
      %dma_wait3A_110 = tpu.memref_slice %arg5[%arg0, %mul3A_0, %dma_wait3A_109] : memref<2x10240x64xf32, #tpu.memory_space<hbm>> -> memref<1x640x64xf32, #tpu.memory_space<hbm>>
      %dma_wait3A_111 = tpu.memref_squeeze %dma_wait3A_110 : memref<1x640x64xf32, #tpu.memory_space<hbm>> -> memref<640x64xf32, #tpu.memory_space<hbm>>
      %dma_wait3A_112 = arith.constant 0 : i32
      %dma_wait3A_113 = tpu.memref_slice %arg24[%mul3A_0, %dma_wait3A_112] : memref<10240x64xf32, #tpu.memory_space<vmem_shared>> -> memref<640x64xf32, #tpu.memory_space<vmem_shared>>
      tpu.wait_dma2 semaphore(%run_scoped3A : memref<!tpu.dma_semaphore, #tpu.memory_space<semaphore_mem>>) src(%dma_wait3A_113 : memref<640x64xf32, #tpu.memory_space<vmem_shared>>) dst(%dma_wait3A_111 : memref<640x64xf32, #tpu.memory_space<hbm>>)
      tpu.yield
    }) : () -> ()
    return
  }
}

module attributes {stable_mosaic.version = 14 : i64} {
  func.func @_mm1_body(%arg0: i32, %arg1: memref<1x1280x128xf32, #tpu.memory_space<vmem>>, %arg2: memref<128x64xf32, #tpu.memory_space<vmem>>, %arg3: memref<1x1280x64xf32, #tpu.memory_space<vmem>>) attributes {dimension_semantics = [#tpu.dimension_semantics<arbitrary>], iteration_bounds = array<i64: 16>, scalar_prefetch = 0 : i64, scratch_operands = 0 : i64, tpu.core_type = #tpu.core_type<tc>, window_params = [{transform_indices = @transform_0, window_bounds = array<i64: 1, 1280, 128>}, {pipeline_mode = #tpu.pipeline_mode<synchronous>, transform_indices = @transform_1, window_bounds = array<i64: 128, 64>}, {transform_indices = @transform_2, window_bounds = array<i64: 1, 1280, 64>}]} {
    %get3A = arith.constant 0 : index
    %get3A_0 = arith.constant 0 : index
    %get3A_1 = arith.constant 0 : index
    %get3A_2 = vector.load %arg1[%get3A, %get3A_0, %get3A_1] : memref<1x1280x128xf32, #tpu.memory_space<vmem>>, vector<1x1280x128xf32>
    %get3A_3 = vector.shape_cast %get3A_2 : vector<1x1280x128xf32> to vector<1280x128xf32>
    %get3A_4 = arith.constant 0 : index
    %get3A_5 = arith.constant 0 : index
    %get3A_6 = vector.load %arg2[%get3A_4, %get3A_5] : memref<128x64xf32, #tpu.memory_space<vmem>>, vector<128x64xf32>
    %dot_general3A = arith.constant dense<0.000000e+00> : vector<1280x64xf32>
    %dot_general3A_7 = tpu.matmul %get3A_3, %get3A_6, %dot_general3A {dimension_numbers = #tpu.dot_dimension_numbers<[1], [0], [0], [1], [0, 0, 1, 1], [], []>, precision = #tpu.contract_precision<fp32>, transpose_lhs_hint = false} : vector<1280x128xf32>, vector<128x64xf32>, vector<1280x64xf32> -> vector<1280x64xf32>
    %swap3A = arith.constant 0 : index
    %swap3A_8 = arith.constant 0 : index
    %swap3A_9 = arith.constant 0 : index
    %swap3A_10 = vector.load %arg3[%swap3A, %swap3A_8, %swap3A_9] : memref<1x1280x64xf32, #tpu.memory_space<vmem>>, vector<1x1280x64xf32>
    %swap3A_11 = vector.shape_cast %swap3A_10 : vector<1x1280x64xf32> to vector<1280x64xf32>
    %swap3A_12 = vector.shape_cast %dot_general3A_7 : vector<1280x64xf32> to vector<1x1280x64xf32>
    tpu.vector_store %arg3[%swap3A, %swap3A_8, %swap3A_9], %swap3A_12 {strides = array<i32>} : memref<1x1280x64xf32, #tpu.memory_space<vmem>>, vector<1x1280x64xf32>,
    return
  }
  func.func @transform_0(%arg0: i32) -> (i32, i32, i32) {
    %jit3A = arith.constant 8 : i32
    %div3A = arith.divsi %arg0, %jit3A : i32
    %sign3A = arith.constant 0 : i32
    %sign3A_0 = arith.cmpi sgt, %arg0, %sign3A : i32
    %sign3A_1 = arith.extui %sign3A_0 : i1 to i32
    %sign3A_2 = arith.constant 0 : i32
    %sign3A_3 = arith.cmpi slt, %arg0, %sign3A_2 : i32
    %sign3A_4 = arith.extui %sign3A_3 : i1 to i32
    %sign3A_5 = arith.subi %sign3A_1, %sign3A_4 : i32
    %sign3A_6 = arith.constant 0 : i32
    %sign3A_7 = arith.cmpi sgt, %jit3A, %sign3A_6 : i32
    %sign3A_8 = arith.extui %sign3A_7 : i1 to i32
    %sign3A_9 = arith.constant 0 : i32
    %sign3A_10 = arith.cmpi slt, %jit3A, %sign3A_9 : i32
    %sign3A_11 = arith.extui %sign3A_10 : i1 to i32
    %sign3A_12 = arith.subi %sign3A_8, %sign3A_11 : i32
    %ne3A = arith.cmpi ne, %sign3A_5, %sign3A_12 : i32
    %rem3A = arith.remsi %arg0, %jit3A : i32
    %ne3A_13 = arith.constant 0 : i32
    %ne3A_14 = arith.cmpi ne, %rem3A, %ne3A_13 : i32
    %and3A = arith.andi %ne3A, %ne3A_14 : i1
    %sub3A = arith.constant 1 : i32
    %sub3A_15 = arith.subi %div3A, %sub3A : i32
    %select_n3A = arith.select %and3A, %sub3A_15, %div3A : i32
    %jit3A_16 = arith.constant 8 : i32
    %eq3A = arith.constant 0 : i32
    %eq3A_17 = arith.cmpi eq, %jit3A_16, %eq3A : i32
    %jit3A_18 = arith.constant 1 : i32
    %select_n3A_19 = arith.select %eq3A_17, %jit3A_18, %jit3A_16 : i32
    %rem3A_20 = arith.remsi %arg0, %select_n3A_19 : i32
    %ne3A_21 = arith.constant 0 : i32
    %ne3A_22 = arith.cmpi ne, %rem3A_20, %ne3A_21 : i32
    %lt3A = arith.constant 0 : i32
    %lt3A_23 = arith.cmpi slt, %rem3A_20, %lt3A : i32
    %lt3A_24 = arith.constant 0 : i32
    %lt3A_25 = arith.cmpi slt, %select_n3A_19, %lt3A_24 : i32
    %ne3A_26 = arith.xori %lt3A_23, %lt3A_25 : i1
    %and3A_27 = arith.andi %ne3A_26, %ne3A_22 : i1
    %add3A = arith.addi %rem3A_20, %select_n3A_19 : i32
    %select_n3A_28 = arith.select %and3A_27, %add3A, %rem3A_20 : i32
    %c0_i32 = arith.constant 0 : i32
    %c0_i32_29 = arith.constant 0 : i32
    return %select_n3A, %select_n3A_28, %c0_i32 : i32, i32, i32
  }
  func.func @transform_1(%arg0: i32) -> (i32, i32) {
    %c0_i32 = arith.constant 0 : i32
    %c0_i32_0 = arith.constant 0 : i32
    %c0_i32_1 = arith.constant 0 : i32
    return %c0_i32, %c0_i32_0 : i32, i32
  }
  func.func @transform_2(%arg0: i32) -> (i32, i32, i32) {
    %jit3A = arith.constant 8 : i32
    %div3A = arith.divsi %arg0, %jit3A : i32
    %sign3A = arith.constant 0 : i32
    %sign3A_0 = arith.cmpi sgt, %arg0, %sign3A : i32
    %sign3A_1 = arith.extui %sign3A_0 : i1 to i32
    %sign3A_2 = arith.constant 0 : i32
    %sign3A_3 = arith.cmpi slt, %arg0, %sign3A_2 : i32
    %sign3A_4 = arith.extui %sign3A_3 : i1 to i32
    %sign3A_5 = arith.subi %sign3A_1, %sign3A_4 : i32
    %sign3A_6 = arith.constant 0 : i32
    %sign3A_7 = arith.cmpi sgt, %jit3A, %sign3A_6 : i32
    %sign3A_8 = arith.extui %sign3A_7 : i1 to i32
    %sign3A_9 = arith.constant 0 : i32
    %sign3A_10 = arith.cmpi slt, %jit3A, %sign3A_9 : i32
    %sign3A_11 = arith.extui %sign3A_10 : i1 to i32
    %sign3A_12 = arith.subi %sign3A_8, %sign3A_11 : i32
    %ne3A = arith.cmpi ne, %sign3A_5, %sign3A_12 : i32
    %rem3A = arith.remsi %arg0, %jit3A : i32
    %ne3A_13 = arith.constant 0 : i32
    %ne3A_14 = arith.cmpi ne, %rem3A, %ne3A_13 : i32
    %and3A = arith.andi %ne3A, %ne3A_14 : i1
    %sub3A = arith.constant 1 : i32
    %sub3A_15 = arith.subi %div3A, %sub3A : i32
    %select_n3A = arith.select %and3A, %sub3A_15, %div3A : i32
    %jit3A_16 = arith.constant 8 : i32
    %eq3A = arith.constant 0 : i32
    %eq3A_17 = arith.cmpi eq, %jit3A_16, %eq3A : i32
    %jit3A_18 = arith.constant 1 : i32
    %select_n3A_19 = arith.select %eq3A_17, %jit3A_18, %jit3A_16 : i32
    %rem3A_20 = arith.remsi %arg0, %select_n3A_19 : i32
    %ne3A_21 = arith.constant 0 : i32
    %ne3A_22 = arith.cmpi ne, %rem3A_20, %ne3A_21 : i32
    %lt3A = arith.constant 0 : i32
    %lt3A_23 = arith.cmpi slt, %rem3A_20, %lt3A : i32
    %lt3A_24 = arith.constant 0 : i32
    %lt3A_25 = arith.cmpi slt, %select_n3A_19, %lt3A_24 : i32
    %ne3A_26 = arith.xori %lt3A_23, %lt3A_25 : i1
    %and3A_27 = arith.andi %ne3A_26, %ne3A_22 : i1
    %add3A = arith.addi %rem3A_20, %select_n3A_19 : i32
    %select_n3A_28 = arith.select %and3A_27, %add3A, %rem3A_20 : i32
    %c0_i32 = arith.constant 0 : i32
    %c0_i32_29 = arith.constant 0 : i32
    return %select_n3A, %select_n3A_28, %c0_i32 : i32, i32, i32
  }
}

module attributes {stable_mosaic.version = 14 : i64} {
  func.func @_scale_body(%arg0: i32, %arg1: memref<1x1280x64xf32, #tpu.memory_space<vmem>>, %arg2: memref<1x1280x1xf32, #tpu.memory_space<vmem>>, %arg3: memref<1x1280x64xf32, #tpu.memory_space<vmem>>, %arg4: memref<1x1280x1xf32, #tpu.memory_space<vmem>>) attributes {dimension_semantics = [#tpu.dimension_semantics<arbitrary>], iteration_bounds = array<i64: 16>, scalar_prefetch = 0 : i64, scratch_operands = 0 : i64, tpu.core_type = #tpu.core_type<tc>, window_params = [{transform_indices = @transform_0, window_bounds = array<i64: 1, 1280, 64>}, {transform_indices = @transform_1, window_bounds = array<i64: 1, 1280, 1>}, {transform_indices = @transform_2, window_bounds = array<i64: 1, 1280, 64>}, {transform_indices = @transform_3, window_bounds = array<i64: 1, 1280, 1>}]} {
    %get3A = arith.constant 0 : index
    %get3A_0 = arith.constant 0 : index
    %get3A_1 = arith.constant 0 : index
    %get3A_2 = vector.load %arg2[%get3A, %get3A_0, %get3A_1] : memref<1x1280x1xf32, #tpu.memory_space<vmem>>, vector<1x1280x1xf32>
    %get3A_3 = vector.shape_cast %get3A_2 : vector<1x1280x1xf32> to vector<1280x1xf32>
    %add3A = arith.constant 1.000000e+00 : f32
    %add3A_4 = vector.broadcast %add3A : f32 to vector<1280x1xf32>
    %add3A_5 = arith.addf %get3A_3, %add3A_4 : vector<1280x1xf32>
    %rsqrt3A = math.rsqrt %add3A_5 : vector<1280x1xf32>
    %get3A_6 = arith.constant 0 : index
    %get3A_7 = arith.constant 0 : index
    %get3A_8 = arith.constant 0 : index
    %get3A_9 = vector.load %arg1[%get3A_6, %get3A_7, %get3A_8] : memref<1x1280x64xf32, #tpu.memory_space<vmem>>, vector<1x1280x64xf32>
    %get3A_10 = vector.shape_cast %get3A_9 : vector<1x1280x64xf32> to vector<1280x64xf32>
    %mul3A = vector.broadcast %rsqrt3A : vector<1280x1xf32> to vector<1280x64xf32>
    %mul3A_11 = arith.mulf %get3A_10, %mul3A : vector<1280x64xf32>
    %swap3A = arith.constant 0 : index
    %swap3A_12 = arith.constant 0 : index
    %swap3A_13 = arith.constant 0 : index
    %swap3A_14 = vector.load %arg3[%swap3A, %swap3A_12, %swap3A_13] : memref<1x1280x64xf32, #tpu.memory_space<vmem>>, vector<1x1280x64xf32>
    %swap3A_15 = vector.shape_cast %swap3A_14 : vector<1x1280x64xf32> to vector<1280x64xf32>
    %swap3A_16 = vector.shape_cast %mul3A_11 : vector<1280x64xf32> to vector<1x1280x64xf32>
    tpu.vector_store %arg3[%swap3A, %swap3A_12, %swap3A_13], %swap3A_16 {strides = array<i32>} : memref<1x1280x64xf32, #tpu.memory_space<vmem>>, vector<1x1280x64xf32>,
    %swap3A_17 = arith.constant 0 : index
    %swap3A_18 = arith.constant 0 : index
    %swap3A_19 = arith.constant 0 : index
    %swap3A_20 = vector.load %arg4[%swap3A_17, %swap3A_18, %swap3A_19] : memref<1x1280x1xf32, #tpu.memory_space<vmem>>, vector<1x1280x1xf32>
    %swap3A_21 = vector.shape_cast %swap3A_20 : vector<1x1280x1xf32> to vector<1280x1xf32>
    %swap3A_22 = vector.shape_cast %rsqrt3A : vector<1280x1xf32> to vector<1x1280x1xf32>
    tpu.vector_store %arg4[%swap3A_17, %swap3A_18, %swap3A_19], %swap3A_22 {strides = array<i32>} : memref<1x1280x1xf32, #tpu.memory_space<vmem>>, vector<1x1280x1xf32>,
    return
  }
  func.func @transform_0(%arg0: i32) -> (i32, i32, i32) {
    %jit3A = arith.constant 8 : i32
    %div3A = arith.divsi %arg0, %jit3A : i32
    %sign3A = arith.constant 0 : i32
    %sign3A_0 = arith.cmpi sgt, %arg0, %sign3A : i32
    %sign3A_1 = arith.extui %sign3A_0 : i1 to i32
    %sign3A_2 = arith.constant 0 : i32
    %sign3A_3 = arith.cmpi slt, %arg0, %sign3A_2 : i32
    %sign3A_4 = arith.extui %sign3A_3 : i1 to i32
    %sign3A_5 = arith.subi %sign3A_1, %sign3A_4 : i32
    %sign3A_6 = arith.constant 0 : i32
    %sign3A_7 = arith.cmpi sgt, %jit3A, %sign3A_6 : i32
    %sign3A_8 = arith.extui %sign3A_7 : i1 to i32
    %sign3A_9 = arith.constant 0 : i32
    %sign3A_10 = arith.cmpi slt, %jit3A, %sign3A_9 : i32
    %sign3A_11 = arith.extui %sign3A_10 : i1 to i32
    %sign3A_12 = arith.subi %sign3A_8, %sign3A_11 : i32
    %ne3A = arith.cmpi ne, %sign3A_5, %sign3A_12 : i32
    %rem3A = arith.remsi %arg0, %jit3A : i32
    %ne3A_13 = arith.constant 0 : i32
    %ne3A_14 = arith.cmpi ne, %rem3A, %ne3A_13 : i32
    %and3A = arith.andi %ne3A, %ne3A_14 : i1
    %sub3A = arith.constant 1 : i32
    %sub3A_15 = arith.subi %div3A, %sub3A : i32
    %select_n3A = arith.select %and3A, %sub3A_15, %div3A : i32
    %jit3A_16 = arith.constant 8 : i32
    %eq3A = arith.constant 0 : i32
    %eq3A_17 = arith.cmpi eq, %jit3A_16, %eq3A : i32
    %jit3A_18 = arith.constant 1 : i32
    %select_n3A_19 = arith.select %eq3A_17, %jit3A_18, %jit3A_16 : i32
    %rem3A_20 = arith.remsi %arg0, %select_n3A_19 : i32
    %ne3A_21 = arith.constant 0 : i32
    %ne3A_22 = arith.cmpi ne, %rem3A_20, %ne3A_21 : i32
    %lt3A = arith.constant 0 : i32
    %lt3A_23 = arith.cmpi slt, %rem3A_20, %lt3A : i32
    %lt3A_24 = arith.constant 0 : i32
    %lt3A_25 = arith.cmpi slt, %select_n3A_19, %lt3A_24 : i32
    %ne3A_26 = arith.xori %lt3A_23, %lt3A_25 : i1
    %and3A_27 = arith.andi %ne3A_26, %ne3A_22 : i1
    %add3A = arith.addi %rem3A_20, %select_n3A_19 : i32
    %select_n3A_28 = arith.select %and3A_27, %add3A, %rem3A_20 : i32
    %c0_i32 = arith.constant 0 : i32
    %c0_i32_29 = arith.constant 0 : i32
    return %select_n3A, %select_n3A_28, %c0_i32 : i32, i32, i32
  }
  func.func @transform_1(%arg0: i32) -> (i32, i32, i32) {
    %jit3A = arith.constant 8 : i32
    %div3A = arith.divsi %arg0, %jit3A : i32
    %sign3A = arith.constant 0 : i32
    %sign3A_0 = arith.cmpi sgt, %arg0, %sign3A : i32
    %sign3A_1 = arith.extui %sign3A_0 : i1 to i32
    %sign3A_2 = arith.constant 0 : i32
    %sign3A_3 = arith.cmpi slt, %arg0, %sign3A_2 : i32
    %sign3A_4 = arith.extui %sign3A_3 : i1 to i32
    %sign3A_5 = arith.subi %sign3A_1, %sign3A_4 : i32
    %sign3A_6 = arith.constant 0 : i32
    %sign3A_7 = arith.cmpi sgt, %jit3A, %sign3A_6 : i32
    %sign3A_8 = arith.extui %sign3A_7 : i1 to i32
    %sign3A_9 = arith.constant 0 : i32
    %sign3A_10 = arith.cmpi slt, %jit3A, %sign3A_9 : i32
    %sign3A_11 = arith.extui %sign3A_10 : i1 to i32
    %sign3A_12 = arith.subi %sign3A_8, %sign3A_11 : i32
    %ne3A = arith.cmpi ne, %sign3A_5, %sign3A_12 : i32
    %rem3A = arith.remsi %arg0, %jit3A : i32
    %ne3A_13 = arith.constant 0 : i32
    %ne3A_14 = arith.cmpi ne, %rem3A, %ne3A_13 : i32
    %and3A = arith.andi %ne3A, %ne3A_14 : i1
    %sub3A = arith.constant 1 : i32
    %sub3A_15 = arith.subi %div3A, %sub3A : i32
    %select_n3A = arith.select %and3A, %sub3A_15, %div3A : i32
    %jit3A_16 = arith.constant 8 : i32
    %eq3A = arith.constant 0 : i32
    %eq3A_17 = arith.cmpi eq, %jit3A_16, %eq3A : i32
    %jit3A_18 = arith.constant 1 : i32
    %select_n3A_19 = arith.select %eq3A_17, %jit3A_18, %jit3A_16 : i32
    %rem3A_20 = arith.remsi %arg0, %select_n3A_19 : i32
    %ne3A_21 = arith.constant 0 : i32
    %ne3A_22 = arith.cmpi ne, %rem3A_20, %ne3A_21 : i32
    %lt3A = arith.constant 0 : i32
    %lt3A_23 = arith.cmpi slt, %rem3A_20, %lt3A : i32
    %lt3A_24 = arith.constant 0 : i32
    %lt3A_25 = arith.cmpi slt, %select_n3A_19, %lt3A_24 : i32
    %ne3A_26 = arith.xori %lt3A_23, %lt3A_25 : i1
    %and3A_27 = arith.andi %ne3A_26, %ne3A_22 : i1
    %add3A = arith.addi %rem3A_20, %select_n3A_19 : i32
    %select_n3A_28 = arith.select %and3A_27, %add3A, %rem3A_20 : i32
    %c0_i32 = arith.constant 0 : i32
    %c0_i32_29 = arith.constant 0 : i32
    return %select_n3A, %select_n3A_28, %c0_i32 : i32, i32, i32
  }
  func.func @transform_2(%arg0: i32) -> (i32, i32, i32) {
    %jit3A = arith.constant 8 : i32
    %div3A = arith.divsi %arg0, %jit3A : i32
    %sign3A = arith.constant 0 : i32
    %sign3A_0 = arith.cmpi sgt, %arg0, %sign3A : i32
    %sign3A_1 = arith.extui %sign3A_0 : i1 to i32
    %sign3A_2 = arith.constant 0 : i32
    %sign3A_3 = arith.cmpi slt, %arg0, %sign3A_2 : i32
    %sign3A_4 = arith.extui %sign3A_3 : i1 to i32
    %sign3A_5 = arith.subi %sign3A_1, %sign3A_4 : i32
    %sign3A_6 = arith.constant 0 : i32
    %sign3A_7 = arith.cmpi sgt, %jit3A, %sign3A_6 : i32
    %sign3A_8 = arith.extui %sign3A_7 : i1 to i32
    %sign3A_9 = arith.constant 0 : i32
    %sign3A_10 = arith.cmpi slt, %jit3A, %sign3A_9 : i32
    %sign3A_11 = arith.extui %sign3A_10 : i1 to i32
    %sign3A_12 = arith.subi %sign3A_8, %sign3A_11 : i32
    %ne3A = arith.cmpi ne, %sign3A_5, %sign3A_12 : i32
    %rem3A = arith.remsi %arg0, %jit3A : i32
    %ne3A_13 = arith.constant 0 : i32
    %ne3A_14 = arith.cmpi ne, %rem3A, %ne3A_13 : i32
    %and3A = arith.andi %ne3A, %ne3A_14 : i1
    %sub3A = arith.constant 1 : i32
    %sub3A_15 = arith.subi %div3A, %sub3A : i32
    %select_n3A = arith.select %and3A, %sub3A_15, %div3A : i32
    %jit3A_16 = arith.constant 8 : i32
    %eq3A = arith.constant 0 : i32
    %eq3A_17 = arith.cmpi eq, %jit3A_16, %eq3A : i32
    %jit3A_18 = arith.constant 1 : i32
    %select_n3A_19 = arith.select %eq3A_17, %jit3A_18, %jit3A_16 : i32
    %rem3A_20 = arith.remsi %arg0, %select_n3A_19 : i32
    %ne3A_21 = arith.constant 0 : i32
    %ne3A_22 = arith.cmpi ne, %rem3A_20, %ne3A_21 : i32
    %lt3A = arith.constant 0 : i32
    %lt3A_23 = arith.cmpi slt, %rem3A_20, %lt3A : i32
    %lt3A_24 = arith.constant 0 : i32
    %lt3A_25 = arith.cmpi slt, %select_n3A_19, %lt3A_24 : i32
    %ne3A_26 = arith.xori %lt3A_23, %lt3A_25 : i1
    %and3A_27 = arith.andi %ne3A_26, %ne3A_22 : i1
    %add3A = arith.addi %rem3A_20, %select_n3A_19 : i32
    %select_n3A_28 = arith.select %and3A_27, %add3A, %rem3A_20 : i32
    %c0_i32 = arith.constant 0 : i32
    %c0_i32_29 = arith.constant 0 : i32
    return %select_n3A, %select_n3A_28, %c0_i32 : i32, i32, i32
  }
  func.func @transform_3(%arg0: i32) -> (i32, i32, i32) {
    %jit3A = arith.constant 8 : i32
    %div3A = arith.divsi %arg0, %jit3A : i32
    %sign3A = arith.constant 0 : i32
    %sign3A_0 = arith.cmpi sgt, %arg0, %sign3A : i32
    %sign3A_1 = arith.extui %sign3A_0 : i1 to i32
    %sign3A_2 = arith.constant 0 : i32
    %sign3A_3 = arith.cmpi slt, %arg0, %sign3A_2 : i32
    %sign3A_4 = arith.extui %sign3A_3 : i1 to i32
    %sign3A_5 = arith.subi %sign3A_1, %sign3A_4 : i32
    %sign3A_6 = arith.constant 0 : i32
    %sign3A_7 = arith.cmpi sgt, %jit3A, %sign3A_6 : i32
    %sign3A_8 = arith.extui %sign3A_7 : i1 to i32
    %sign3A_9 = arith.constant 0 : i32
    %sign3A_10 = arith.cmpi slt, %jit3A, %sign3A_9 : i32
    %sign3A_11 = arith.extui %sign3A_10 : i1 to i32
    %sign3A_12 = arith.subi %sign3A_8, %sign3A_11 : i32
    %ne3A = arith.cmpi ne, %sign3A_5, %sign3A_12 : i32
    %rem3A = arith.remsi %arg0, %jit3A : i32
    %ne3A_13 = arith.constant 0 : i32
    %ne3A_14 = arith.cmpi ne, %rem3A, %ne3A_13 : i32
    %and3A = arith.andi %ne3A, %ne3A_14 : i1
    %sub3A = arith.constant 1 : i32
    %sub3A_15 = arith.subi %div3A, %sub3A : i32
    %select_n3A = arith.select %and3A, %sub3A_15, %div3A : i32
    %jit3A_16 = arith.constant 8 : i32
    %eq3A = arith.constant 0 : i32
    %eq3A_17 = arith.cmpi eq, %jit3A_16, %eq3A : i32
    %jit3A_18 = arith.constant 1 : i32
    %select_n3A_19 = arith.select %eq3A_17, %jit3A_18, %jit3A_16 : i32
    %rem3A_20 = arith.remsi %arg0, %select_n3A_19 : i32
    %ne3A_21 = arith.constant 0 : i32
    %ne3A_22 = arith.cmpi ne, %rem3A_20, %ne3A_21 : i32
    %lt3A = arith.constant 0 : i32
    %lt3A_23 = arith.cmpi slt, %rem3A_20, %lt3A : i32
    %lt3A_24 = arith.constant 0 : i32
    %lt3A_25 = arith.cmpi slt, %select_n3A_19, %lt3A_24 : i32
    %ne3A_26 = arith.xori %lt3A_23, %lt3A_25 : i1
    %and3A_27 = arith.andi %ne3A_26, %ne3A_22 : i1
    %add3A = arith.addi %rem3A_20, %select_n3A_19 : i32
    %select_n3A_28 = arith.select %and3A_27, %add3A, %rem3A_20 : i32
    %c0_i32 = arith.constant 0 : i32
    %c0_i32_29 = arith.constant 0 : i32
    return %select_n3A, %select_n3A_28, %c0_i32 : i32, i32, i32
  }
}

module attributes {stable_mosaic.version = 14 : i64} {
  func.func @_mid_body(%arg0: i32, %arg1: memref<1x1280x64xf32, #tpu.memory_space<vmem>>, %arg2: memref<1x1280x1xf32, #tpu.memory_space<vmem>>, %arg3: memref<1x64xf32, #tpu.memory_space<vmem>>, %arg4: memref<64x64xf32, #tpu.memory_space<vmem>>, %arg5: memref<1x1280x64xf32, #tpu.memory_space<vmem>>) attributes {dimension_semantics = [#tpu.dimension_semantics<arbitrary>], iteration_bounds = array<i64: 16>, scalar_prefetch = 0 : i64, scratch_operands = 0 : i64, tpu.core_type = #tpu.core_type<tc>, window_params = [{transform_indices = @transform_0, window_bounds = array<i64: 1, 1280, 64>}, {transform_indices = @transform_1, window_bounds = array<i64: 1, 1280, 1>}, {pipeline_mode = #tpu.pipeline_mode<synchronous>, transform_indices = @transform_2, window_bounds = array<i64: 1, 64>}, {pipeline_mode = #tpu.pipeline_mode<synchronous>, transform_indices = @transform_3, window_bounds = array<i64: 64, 64>}, {transform_indices = @transform_4, window_bounds = array<i64: 1, 1280, 64>}]} {
    %get3A = arith.constant 0 : index
    %get3A_0 = arith.constant 0 : index
    %get3A_1 = arith.constant 0 : index
    %get3A_2 = vector.load %arg2[%get3A, %get3A_0, %get3A_1] : memref<1x1280x1xf32, #tpu.memory_space<vmem>>, vector<1x1280x1xf32>
    %get3A_3 = vector.shape_cast %get3A_2 : vector<1x1280x1xf32> to vector<1280x1xf32>
    %get3A_4 = arith.constant 0 : index
    %get3A_5 = arith.constant 0 : index
    %get3A_6 = arith.constant 0 : index
    %get3A_7 = vector.load %arg1[%get3A_4, %get3A_5, %get3A_6] : memref<1x1280x64xf32, #tpu.memory_space<vmem>>, vector<1x1280x64xf32>
    %get3A_8 = vector.shape_cast %get3A_7 : vector<1x1280x64xf32> to vector<1280x64xf32>
    %mul3A = vector.broadcast %get3A_3 : vector<1280x1xf32> to vector<1280x64xf32>
    %mul3A_9 = arith.mulf %mul3A, %get3A_8 : vector<1280x64xf32>
    %get3A_10 = arith.constant 0 : index
    %get3A_11 = arith.constant 0 : index
    %get3A_12 = vector.load %arg3[%get3A_10, %get3A_11] : memref<1x64xf32, #tpu.memory_space<vmem>>, vector<1x64xf32>
    %add3A = vector.broadcast %get3A_12 : vector<1x64xf32> to vector<1280x64xf32>
    %add3A_13 = arith.addf %mul3A_9, %add3A : vector<1280x64xf32>
    %max3A = arith.constant 0.000000e+00 : f32
    %max3A_14 = vector.broadcast %max3A : f32 to vector<1280x64xf32>
    %max3A_15 = arith.maximumf %add3A_13, %max3A_14 : vector<1280x64xf32>
    %get3A_16 = arith.constant 0 : index
    %get3A_17 = arith.constant 0 : index
    %get3A_18 = vector.load %arg4[%get3A_16, %get3A_17] : memref<64x64xf32, #tpu.memory_space<vmem>>, vector<64x64xf32>
    %dot_general3A = arith.constant dense<0.000000e+00> : vector<1280x64xf32>
    %dot_general3A_19 = tpu.matmul %max3A_15, %get3A_18, %dot_general3A {dimension_numbers = #tpu.dot_dimension_numbers<[1], [0], [0], [1], [0, 0, 1, 1], [], []>, precision = #tpu.contract_precision<fp32>, transpose_lhs_hint = false} : vector<1280x64xf32>, vector<64x64xf32>, vector<1280x64xf32> -> vector<1280x64xf32>
    %mul3A_20 = vector.broadcast %get3A_3 : vector<1280x1xf32> to vector<1280x64xf32>
    %mul3A_21 = arith.mulf %dot_general3A_19, %mul3A_20 : vector<1280x64xf32>
    %swap3A = arith.constant 0 : index
    %swap3A_22 = arith.constant 0 : index
    %swap3A_23 = arith.constant 0 : index
    %swap3A_24 = vector.load %arg5[%swap3A, %swap3A_22, %swap3A_23] : memref<1x1280x64xf32, #tpu.memory_space<vmem>>, vector<1x1280x64xf32>
    %swap3A_25 = vector.shape_cast %swap3A_24 : vector<1x1280x64xf32> to vector<1280x64xf32>
    %swap3A_26 = vector.shape_cast %mul3A_21 : vector<1280x64xf32> to vector<1x1280x64xf32>
    tpu.vector_store %arg5[%swap3A, %swap3A_22, %swap3A_23], %swap3A_26 {strides = array<i32>} : memref<1x1280x64xf32, #tpu.memory_space<vmem>>, vector<1x1280x64xf32>,
    return
  }
  func.func @transform_0(%arg0: i32) -> (i32, i32, i32) {
    %jit3A = arith.constant 8 : i32
    %div3A = arith.divsi %arg0, %jit3A : i32
    %sign3A = arith.constant 0 : i32
    %sign3A_0 = arith.cmpi sgt, %arg0, %sign3A : i32
    %sign3A_1 = arith.extui %sign3A_0 : i1 to i32
    %sign3A_2 = arith.constant 0 : i32
    %sign3A_3 = arith.cmpi slt, %arg0, %sign3A_2 : i32
    %sign3A_4 = arith.extui %sign3A_3 : i1 to i32
    %sign3A_5 = arith.subi %sign3A_1, %sign3A_4 : i32
    %sign3A_6 = arith.constant 0 : i32
    %sign3A_7 = arith.cmpi sgt, %jit3A, %sign3A_6 : i32
    %sign3A_8 = arith.extui %sign3A_7 : i1 to i32
    %sign3A_9 = arith.constant 0 : i32
    %sign3A_10 = arith.cmpi slt, %jit3A, %sign3A_9 : i32
    %sign3A_11 = arith.extui %sign3A_10 : i1 to i32
    %sign3A_12 = arith.subi %sign3A_8, %sign3A_11 : i32
    %ne3A = arith.cmpi ne, %sign3A_5, %sign3A_12 : i32
    %rem3A = arith.remsi %arg0, %jit3A : i32
    %ne3A_13 = arith.constant 0 : i32
    %ne3A_14 = arith.cmpi ne, %rem3A, %ne3A_13 : i32
    %and3A = arith.andi %ne3A, %ne3A_14 : i1
    %sub3A = arith.constant 1 : i32
    %sub3A_15 = arith.subi %div3A, %sub3A : i32
    %select_n3A = arith.select %and3A, %sub3A_15, %div3A : i32
    %jit3A_16 = arith.constant 8 : i32
    %eq3A = arith.constant 0 : i32
    %eq3A_17 = arith.cmpi eq, %jit3A_16, %eq3A : i32
    %jit3A_18 = arith.constant 1 : i32
    %select_n3A_19 = arith.select %eq3A_17, %jit3A_18, %jit3A_16 : i32
    %rem3A_20 = arith.remsi %arg0, %select_n3A_19 : i32
    %ne3A_21 = arith.constant 0 : i32
    %ne3A_22 = arith.cmpi ne, %rem3A_20, %ne3A_21 : i32
    %lt3A = arith.constant 0 : i32
    %lt3A_23 = arith.cmpi slt, %rem3A_20, %lt3A : i32
    %lt3A_24 = arith.constant 0 : i32
    %lt3A_25 = arith.cmpi slt, %select_n3A_19, %lt3A_24 : i32
    %ne3A_26 = arith.xori %lt3A_23, %lt3A_25 : i1
    %and3A_27 = arith.andi %ne3A_26, %ne3A_22 : i1
    %add3A = arith.addi %rem3A_20, %select_n3A_19 : i32
    %select_n3A_28 = arith.select %and3A_27, %add3A, %rem3A_20 : i32
    %c0_i32 = arith.constant 0 : i32
    %c0_i32_29 = arith.constant 0 : i32
    return %select_n3A, %select_n3A_28, %c0_i32 : i32, i32, i32
  }
  func.func @transform_1(%arg0: i32) -> (i32, i32, i32) {
    %jit3A = arith.constant 8 : i32
    %div3A = arith.divsi %arg0, %jit3A : i32
    %sign3A = arith.constant 0 : i32
    %sign3A_0 = arith.cmpi sgt, %arg0, %sign3A : i32
    %sign3A_1 = arith.extui %sign3A_0 : i1 to i32
    %sign3A_2 = arith.constant 0 : i32
    %sign3A_3 = arith.cmpi slt, %arg0, %sign3A_2 : i32
    %sign3A_4 = arith.extui %sign3A_3 : i1 to i32
    %sign3A_5 = arith.subi %sign3A_1, %sign3A_4 : i32
    %sign3A_6 = arith.constant 0 : i32
    %sign3A_7 = arith.cmpi sgt, %jit3A, %sign3A_6 : i32
    %sign3A_8 = arith.extui %sign3A_7 : i1 to i32
    %sign3A_9 = arith.constant 0 : i32
    %sign3A_10 = arith.cmpi slt, %jit3A, %sign3A_9 : i32
    %sign3A_11 = arith.extui %sign3A_10 : i1 to i32
    %sign3A_12 = arith.subi %sign3A_8, %sign3A_11 : i32
    %ne3A = arith.cmpi ne, %sign3A_5, %sign3A_12 : i32
    %rem3A = arith.remsi %arg0, %jit3A : i32
    %ne3A_13 = arith.constant 0 : i32
    %ne3A_14 = arith.cmpi ne, %rem3A, %ne3A_13 : i32
    %and3A = arith.andi %ne3A, %ne3A_14 : i1
    %sub3A = arith.constant 1 : i32
    %sub3A_15 = arith.subi %div3A, %sub3A : i32
    %select_n3A = arith.select %and3A, %sub3A_15, %div3A : i32
    %jit3A_16 = arith.constant 8 : i32
    %eq3A = arith.constant 0 : i32
    %eq3A_17 = arith.cmpi eq, %jit3A_16, %eq3A : i32
    %jit3A_18 = arith.constant 1 : i32
    %select_n3A_19 = arith.select %eq3A_17, %jit3A_18, %jit3A_16 : i32
    %rem3A_20 = arith.remsi %arg0, %select_n3A_19 : i32
    %ne3A_21 = arith.constant 0 : i32
    %ne3A_22 = arith.cmpi ne, %rem3A_20, %ne3A_21 : i32
    %lt3A = arith.constant 0 : i32
    %lt3A_23 = arith.cmpi slt, %rem3A_20, %lt3A : i32
    %lt3A_24 = arith.constant 0 : i32
    %lt3A_25 = arith.cmpi slt, %select_n3A_19, %lt3A_24 : i32
    %ne3A_26 = arith.xori %lt3A_23, %lt3A_25 : i1
    %and3A_27 = arith.andi %ne3A_26, %ne3A_22 : i1
    %add3A = arith.addi %rem3A_20, %select_n3A_19 : i32
    %select_n3A_28 = arith.select %and3A_27, %add3A, %rem3A_20 : i32
    %c0_i32 = arith.constant 0 : i32
    %c0_i32_29 = arith.constant 0 : i32
    return %select_n3A, %select_n3A_28, %c0_i32 : i32, i32, i32
  }
  func.func @transform_2(%arg0: i32) -> (i32, i32) {
    %c0_i32 = arith.constant 0 : i32
    %c0_i32_0 = arith.constant 0 : i32
    %c0_i32_1 = arith.constant 0 : i32
    return %c0_i32, %c0_i32_0 : i32, i32
  }
  func.func @transform_3(%arg0: i32) -> (i32, i32) {
    %c0_i32 = arith.constant 0 : i32
    %c0_i32_0 = arith.constant 0 : i32
    %c0_i32_1 = arith.constant 0 : i32
    return %c0_i32, %c0_i32_0 : i32, i32
  }
  func.func @transform_4(%arg0: i32) -> (i32, i32, i32) {
    %jit3A = arith.constant 8 : i32
    %div3A = arith.divsi %arg0, %jit3A : i32
    %sign3A = arith.constant 0 : i32
    %sign3A_0 = arith.cmpi sgt, %arg0, %sign3A : i32
    %sign3A_1 = arith.extui %sign3A_0 : i1 to i32
    %sign3A_2 = arith.constant 0 : i32
    %sign3A_3 = arith.cmpi slt, %arg0, %sign3A_2 : i32
    %sign3A_4 = arith.extui %sign3A_3 : i1 to i32
    %sign3A_5 = arith.subi %sign3A_1, %sign3A_4 : i32
    %sign3A_6 = arith.constant 0 : i32
    %sign3A_7 = arith.cmpi sgt, %jit3A, %sign3A_6 : i32
    %sign3A_8 = arith.extui %sign3A_7 : i1 to i32
    %sign3A_9 = arith.constant 0 : i32
    %sign3A_10 = arith.cmpi slt, %jit3A, %sign3A_9 : i32
    %sign3A_11 = arith.extui %sign3A_10 : i1 to i32
    %sign3A_12 = arith.subi %sign3A_8, %sign3A_11 : i32
    %ne3A = arith.cmpi ne, %sign3A_5, %sign3A_12 : i32
    %rem3A = arith.remsi %arg0, %jit3A : i32
    %ne3A_13 = arith.constant 0 : i32
    %ne3A_14 = arith.cmpi ne, %rem3A, %ne3A_13 : i32
    %and3A = arith.andi %ne3A, %ne3A_14 : i1
    %sub3A = arith.constant 1 : i32
    %sub3A_15 = arith.subi %div3A, %sub3A : i32
    %select_n3A = arith.select %and3A, %sub3A_15, %div3A : i32
    %jit3A_16 = arith.constant 8 : i32
    %eq3A = arith.constant 0 : i32
    %eq3A_17 = arith.cmpi eq, %jit3A_16, %eq3A : i32
    %jit3A_18 = arith.constant 1 : i32
    %select_n3A_19 = arith.select %eq3A_17, %jit3A_18, %jit3A_16 : i32
    %rem3A_20 = arith.remsi %arg0, %select_n3A_19 : i32
    %ne3A_21 = arith.constant 0 : i32
    %ne3A_22 = arith.cmpi ne, %rem3A_20, %ne3A_21 : i32
    %lt3A = arith.constant 0 : i32
    %lt3A_23 = arith.cmpi slt, %rem3A_20, %lt3A : i32
    %lt3A_24 = arith.constant 0 : i32
    %lt3A_25 = arith.cmpi slt, %select_n3A_19, %lt3A_24 : i32
    %ne3A_26 = arith.xori %lt3A_23, %lt3A_25 : i1
    %and3A_27 = arith.andi %ne3A_26, %ne3A_22 : i1
    %add3A = arith.addi %rem3A_20, %select_n3A_19 : i32
    %select_n3A_28 = arith.select %and3A_27, %add3A, %rem3A_20 : i32
    %c0_i32 = arith.constant 0 : i32
    %c0_i32_29 = arith.constant 0 : i32
    return %select_n3A, %select_n3A_28, %c0_i32 : i32, i32, i32
  }
}

module attributes {stable_mosaic.version = 14 : i64} {
  func.func @_mid_body(%arg0: i32, %arg1: memref<1x1280x64xf32, #tpu.memory_space<vmem>>, %arg2: memref<1x1280x1xf32, #tpu.memory_space<vmem>>, %arg3: memref<1x64xf32, #tpu.memory_space<vmem>>, %arg4: memref<64x32xf32, #tpu.memory_space<vmem>>, %arg5: memref<1x1280x32xf32, #tpu.memory_space<vmem>>) attributes {dimension_semantics = [#tpu.dimension_semantics<arbitrary>], iteration_bounds = array<i64: 16>, scalar_prefetch = 0 : i64, scratch_operands = 0 : i64, tpu.core_type = #tpu.core_type<tc>, window_params = [{transform_indices = @transform_0, window_bounds = array<i64: 1, 1280, 64>}, {transform_indices = @transform_1, window_bounds = array<i64: 1, 1280, 1>}, {pipeline_mode = #tpu.pipeline_mode<synchronous>, transform_indices = @transform_2, window_bounds = array<i64: 1, 64>}, {pipeline_mode = #tpu.pipeline_mode<synchronous>, transform_indices = @transform_3, window_bounds = array<i64: 64, 32>}, {transform_indices = @transform_4, window_bounds = array<i64: 1, 1280, 32>}]} {
    %get3A = arith.constant 0 : index
    %get3A_0 = arith.constant 0 : index
    %get3A_1 = arith.constant 0 : index
    %get3A_2 = vector.load %arg2[%get3A, %get3A_0, %get3A_1] : memref<1x1280x1xf32, #tpu.memory_space<vmem>>, vector<1x1280x1xf32>
    %get3A_3 = vector.shape_cast %get3A_2 : vector<1x1280x1xf32> to vector<1280x1xf32>
    %get3A_4 = arith.constant 0 : index
    %get3A_5 = arith.constant 0 : index
    %get3A_6 = arith.constant 0 : index
    %get3A_7 = vector.load %arg1[%get3A_4, %get3A_5, %get3A_6] : memref<1x1280x64xf32, #tpu.memory_space<vmem>>, vector<1x1280x64xf32>
    %get3A_8 = vector.shape_cast %get3A_7 : vector<1x1280x64xf32> to vector<1280x64xf32>
    %mul3A = vector.broadcast %get3A_3 : vector<1280x1xf32> to vector<1280x64xf32>
    %mul3A_9 = arith.mulf %mul3A, %get3A_8 : vector<1280x64xf32>
    %get3A_10 = arith.constant 0 : index
    %get3A_11 = arith.constant 0 : index
    %get3A_12 = vector.load %arg3[%get3A_10, %get3A_11] : memref<1x64xf32, #tpu.memory_space<vmem>>, vector<1x64xf32>
    %add3A = vector.broadcast %get3A_12 : vector<1x64xf32> to vector<1280x64xf32>
    %add3A_13 = arith.addf %mul3A_9, %add3A : vector<1280x64xf32>
    %max3A = arith.constant 0.000000e+00 : f32
    %max3A_14 = vector.broadcast %max3A : f32 to vector<1280x64xf32>
    %max3A_15 = arith.maximumf %add3A_13, %max3A_14 : vector<1280x64xf32>
    %get3A_16 = arith.constant 0 : index
    %get3A_17 = arith.constant 0 : index
    %get3A_18 = vector.load %arg4[%get3A_16, %get3A_17] : memref<64x32xf32, #tpu.memory_space<vmem>>, vector<64x32xf32>
    %dot_general3A = arith.constant dense<0.000000e+00> : vector<1280x32xf32>
    %dot_general3A_19 = tpu.matmul %max3A_15, %get3A_18, %dot_general3A {dimension_numbers = #tpu.dot_dimension_numbers<[1], [0], [0], [1], [0, 0, 1, 1], [], []>, precision = #tpu.contract_precision<fp32>, transpose_lhs_hint = false} : vector<1280x64xf32>, vector<64x32xf32>, vector<1280x32xf32> -> vector<1280x32xf32>
    %mul3A_20 = vector.broadcast %get3A_3 : vector<1280x1xf32> to vector<1280x32xf32>
    %mul3A_21 = arith.mulf %dot_general3A_19, %mul3A_20 : vector<1280x32xf32>
    %swap3A = arith.constant 0 : index
    %swap3A_22 = arith.constant 0 : index
    %swap3A_23 = arith.constant 0 : index
    %swap3A_24 = vector.load %arg5[%swap3A, %swap3A_22, %swap3A_23] : memref<1x1280x32xf32, #tpu.memory_space<vmem>>, vector<1x1280x32xf32>
    %swap3A_25 = vector.shape_cast %swap3A_24 : vector<1x1280x32xf32> to vector<1280x32xf32>
    %swap3A_26 = vector.shape_cast %mul3A_21 : vector<1280x32xf32> to vector<1x1280x32xf32>
    tpu.vector_store %arg5[%swap3A, %swap3A_22, %swap3A_23], %swap3A_26 {strides = array<i32>} : memref<1x1280x32xf32, #tpu.memory_space<vmem>>, vector<1x1280x32xf32>,
    return
  }
  func.func @transform_0(%arg0: i32) -> (i32, i32, i32) {
    %jit3A = arith.constant 8 : i32
    %div3A = arith.divsi %arg0, %jit3A : i32
    %sign3A = arith.constant 0 : i32
    %sign3A_0 = arith.cmpi sgt, %arg0, %sign3A : i32
    %sign3A_1 = arith.extui %sign3A_0 : i1 to i32
    %sign3A_2 = arith.constant 0 : i32
    %sign3A_3 = arith.cmpi slt, %arg0, %sign3A_2 : i32
    %sign3A_4 = arith.extui %sign3A_3 : i1 to i32
    %sign3A_5 = arith.subi %sign3A_1, %sign3A_4 : i32
    %sign3A_6 = arith.constant 0 : i32
    %sign3A_7 = arith.cmpi sgt, %jit3A, %sign3A_6 : i32
    %sign3A_8 = arith.extui %sign3A_7 : i1 to i32
    %sign3A_9 = arith.constant 0 : i32
    %sign3A_10 = arith.cmpi slt, %jit3A, %sign3A_9 : i32
    %sign3A_11 = arith.extui %sign3A_10 : i1 to i32
    %sign3A_12 = arith.subi %sign3A_8, %sign3A_11 : i32
    %ne3A = arith.cmpi ne, %sign3A_5, %sign3A_12 : i32
    %rem3A = arith.remsi %arg0, %jit3A : i32
    %ne3A_13 = arith.constant 0 : i32
    %ne3A_14 = arith.cmpi ne, %rem3A, %ne3A_13 : i32
    %and3A = arith.andi %ne3A, %ne3A_14 : i1
    %sub3A = arith.constant 1 : i32
    %sub3A_15 = arith.subi %div3A, %sub3A : i32
    %select_n3A = arith.select %and3A, %sub3A_15, %div3A : i32
    %jit3A_16 = arith.constant 8 : i32
    %eq3A = arith.constant 0 : i32
    %eq3A_17 = arith.cmpi eq, %jit3A_16, %eq3A : i32
    %jit3A_18 = arith.constant 1 : i32
    %select_n3A_19 = arith.select %eq3A_17, %jit3A_18, %jit3A_16 : i32
    %rem3A_20 = arith.remsi %arg0, %select_n3A_19 : i32
    %ne3A_21 = arith.constant 0 : i32
    %ne3A_22 = arith.cmpi ne, %rem3A_20, %ne3A_21 : i32
    %lt3A = arith.constant 0 : i32
    %lt3A_23 = arith.cmpi slt, %rem3A_20, %lt3A : i32
    %lt3A_24 = arith.constant 0 : i32
    %lt3A_25 = arith.cmpi slt, %select_n3A_19, %lt3A_24 : i32
    %ne3A_26 = arith.xori %lt3A_23, %lt3A_25 : i1
    %and3A_27 = arith.andi %ne3A_26, %ne3A_22 : i1
    %add3A = arith.addi %rem3A_20, %select_n3A_19 : i32
    %select_n3A_28 = arith.select %and3A_27, %add3A, %rem3A_20 : i32
    %c0_i32 = arith.constant 0 : i32
    %c0_i32_29 = arith.constant 0 : i32
    return %select_n3A, %select_n3A_28, %c0_i32 : i32, i32, i32
  }
  func.func @transform_1(%arg0: i32) -> (i32, i32, i32) {
    %jit3A = arith.constant 8 : i32
    %div3A = arith.divsi %arg0, %jit3A : i32
    %sign3A = arith.constant 0 : i32
    %sign3A_0 = arith.cmpi sgt, %arg0, %sign3A : i32
    %sign3A_1 = arith.extui %sign3A_0 : i1 to i32
    %sign3A_2 = arith.constant 0 : i32
    %sign3A_3 = arith.cmpi slt, %arg0, %sign3A_2 : i32
    %sign3A_4 = arith.extui %sign3A_3 : i1 to i32
    %sign3A_5 = arith.subi %sign3A_1, %sign3A_4 : i32
    %sign3A_6 = arith.constant 0 : i32
    %sign3A_7 = arith.cmpi sgt, %jit3A, %sign3A_6 : i32
    %sign3A_8 = arith.extui %sign3A_7 : i1 to i32
    %sign3A_9 = arith.constant 0 : i32
    %sign3A_10 = arith.cmpi slt, %jit3A, %sign3A_9 : i32
    %sign3A_11 = arith.extui %sign3A_10 : i1 to i32
    %sign3A_12 = arith.subi %sign3A_8, %sign3A_11 : i32
    %ne3A = arith.cmpi ne, %sign3A_5, %sign3A_12 : i32
    %rem3A = arith.remsi %arg0, %jit3A : i32
    %ne3A_13 = arith.constant 0 : i32
    %ne3A_14 = arith.cmpi ne, %rem3A, %ne3A_13 : i32
    %and3A = arith.andi %ne3A, %ne3A_14 : i1
    %sub3A = arith.constant 1 : i32
    %sub3A_15 = arith.subi %div3A, %sub3A : i32
    %select_n3A = arith.select %and3A, %sub3A_15, %div3A : i32
    %jit3A_16 = arith.constant 8 : i32
    %eq3A = arith.constant 0 : i32
    %eq3A_17 = arith.cmpi eq, %jit3A_16, %eq3A : i32
    %jit3A_18 = arith.constant 1 : i32
    %select_n3A_19 = arith.select %eq3A_17, %jit3A_18, %jit3A_16 : i32
    %rem3A_20 = arith.remsi %arg0, %select_n3A_19 : i32
    %ne3A_21 = arith.constant 0 : i32
    %ne3A_22 = arith.cmpi ne, %rem3A_20, %ne3A_21 : i32
    %lt3A = arith.constant 0 : i32
    %lt3A_23 = arith.cmpi slt, %rem3A_20, %lt3A : i32
    %lt3A_24 = arith.constant 0 : i32
    %lt3A_25 = arith.cmpi slt, %select_n3A_19, %lt3A_24 : i32
    %ne3A_26 = arith.xori %lt3A_23, %lt3A_25 : i1
    %and3A_27 = arith.andi %ne3A_26, %ne3A_22 : i1
    %add3A = arith.addi %rem3A_20, %select_n3A_19 : i32
    %select_n3A_28 = arith.select %and3A_27, %add3A, %rem3A_20 : i32
    %c0_i32 = arith.constant 0 : i32
    %c0_i32_29 = arith.constant 0 : i32
    return %select_n3A, %select_n3A_28, %c0_i32 : i32, i32, i32
  }
  func.func @transform_2(%arg0: i32) -> (i32, i32) {
    %c0_i32 = arith.constant 0 : i32
    %c0_i32_0 = arith.constant 0 : i32
    %c0_i32_1 = arith.constant 0 : i32
    return %c0_i32, %c0_i32_0 : i32, i32
  }
  func.func @transform_3(%arg0: i32) -> (i32, i32) {
    %c0_i32 = arith.constant 0 : i32
    %c0_i32_0 = arith.constant 0 : i32
    %c0_i32_1 = arith.constant 0 : i32
    return %c0_i32, %c0_i32_0 : i32, i32
  }
  func.func @transform_4(%arg0: i32) -> (i32, i32, i32) {
    %jit3A = arith.constant 8 : i32
    %div3A = arith.divsi %arg0, %jit3A : i32
    %sign3A = arith.constant 0 : i32
    %sign3A_0 = arith.cmpi sgt, %arg0, %sign3A : i32
    %sign3A_1 = arith.extui %sign3A_0 : i1 to i32
    %sign3A_2 = arith.constant 0 : i32
    %sign3A_3 = arith.cmpi slt, %arg0, %sign3A_2 : i32
    %sign3A_4 = arith.extui %sign3A_3 : i1 to i32
    %sign3A_5 = arith.subi %sign3A_1, %sign3A_4 : i32
    %sign3A_6 = arith.constant 0 : i32
    %sign3A_7 = arith.cmpi sgt, %jit3A, %sign3A_6 : i32
    %sign3A_8 = arith.extui %sign3A_7 : i1 to i32
    %sign3A_9 = arith.constant 0 : i32
    %sign3A_10 = arith.cmpi slt, %jit3A, %sign3A_9 : i32
    %sign3A_11 = arith.extui %sign3A_10 : i1 to i32
    %sign3A_12 = arith.subi %sign3A_8, %sign3A_11 : i32
    %ne3A = arith.cmpi ne, %sign3A_5, %sign3A_12 : i32
    %rem3A = arith.remsi %arg0, %jit3A : i32
    %ne3A_13 = arith.constant 0 : i32
    %ne3A_14 = arith.cmpi ne, %rem3A, %ne3A_13 : i32
    %and3A = arith.andi %ne3A, %ne3A_14 : i1
    %sub3A = arith.constant 1 : i32
    %sub3A_15 = arith.subi %div3A, %sub3A : i32
    %select_n3A = arith.select %and3A, %sub3A_15, %div3A : i32
    %jit3A_16 = arith.constant 8 : i32
    %eq3A = arith.constant 0 : i32
    %eq3A_17 = arith.cmpi eq, %jit3A_16, %eq3A : i32
    %jit3A_18 = arith.constant 1 : i32
    %select_n3A_19 = arith.select %eq3A_17, %jit3A_18, %jit3A_16 : i32
    %rem3A_20 = arith.remsi %arg0, %select_n3A_19 : i32
    %ne3A_21 = arith.constant 0 : i32
    %ne3A_22 = arith.cmpi ne, %rem3A_20, %ne3A_21 : i32
    %lt3A = arith.constant 0 : i32
    %lt3A_23 = arith.cmpi slt, %rem3A_20, %lt3A : i32
    %lt3A_24 = arith.constant 0 : i32
    %lt3A_25 = arith.cmpi slt, %select_n3A_19, %lt3A_24 : i32
    %ne3A_26 = arith.xori %lt3A_23, %lt3A_25 : i1
    %and3A_27 = arith.andi %ne3A_26, %ne3A_22 : i1
    %add3A = arith.addi %rem3A_20, %select_n3A_19 : i32
    %select_n3A_28 = arith.select %and3A_27, %add3A, %rem3A_20 : i32
    %c0_i32 = arith.constant 0 : i32
    %c0_i32_29 = arith.constant 0 : i32
    return %select_n3A, %select_n3A_28, %c0_i32 : i32, i32, i32
  }
}

module attributes {stable_mosaic.version = 14 : i64} {
  func.func @_pool_body(%arg0: i32, %arg1: memref<1x1280x32xf32, #tpu.memory_space<vmem>>, %arg2: memref<1x1280x1xf32, #tpu.memory_space<vmem>>, %arg3: memref<1x32xf32, #tpu.memory_space<vmem>>, %arg4: memref<1x1280x1xi32, #tpu.memory_space<vmem>>, %arg5: memref<128x32xf32, #tpu.memory_space<vmem>>, %arg6: memref<128x1xf32, #tpu.memory_space<vmem>>) attributes {dimension_semantics = [#tpu.dimension_semantics<arbitrary>], iteration_bounds = array<i64: 16>, scalar_prefetch = 0 : i64, scratch_operands = 0 : i64, tpu.core_type = #tpu.core_type<tc>, window_params = [{transform_indices = @transform_0, window_bounds = array<i64: 1, 1280, 32>}, {transform_indices = @transform_1, window_bounds = array<i64: 1, 1280, 1>}, {pipeline_mode = #tpu.pipeline_mode<synchronous>, transform_indices = @transform_2, window_bounds = array<i64: 1, 32>}, {transform_indices = @transform_3, window_bounds = array<i64: 1, 1280, 1>}, {pipeline_mode = #tpu.pipeline_mode<synchronous>, transform_indices = @transform_4, window_bounds = array<i64: 128, 32>}, {pipeline_mode = #tpu.pipeline_mode<synchronous>, transform_indices = @transform_5, window_bounds = array<i64: 128, 1>}]} {
    %eq3A = arith.constant 0 : i32
    %eq3A_0 = arith.cmpi eq, %arg0, %eq3A : i32
    %convert_element_type3A = arith.extui %eq3A_0 : i1 to i32
    %cond3A = arith.constant 0 : i32
    %cond3A_1 = arith.cmpi ne, %convert_element_type3A, %cond3A : i32
    scf.if %cond3A_1 {
      %broadcast_in_dim3A_41 = arith.constant 0.000000e+00 : f32
      %broadcast_in_dim3A_42 = vector.broadcast %broadcast_in_dim3A_41 : f32 to vector<128x32xf32>
      %swap3A_43 = arith.constant 0 : index
      %swap3A_44 = arith.constant 0 : index
      %swap3A_45 = vector.load %arg5[%swap3A_43, %swap3A_44] : memref<128x32xf32, #tpu.memory_space<vmem>>, vector<128x32xf32>
      tpu.vector_store %arg5[%swap3A_43, %swap3A_44], %broadcast_in_dim3A_42 {strides = array<i32>} : memref<128x32xf32, #tpu.memory_space<vmem>>, vector<128x32xf32>,
      %broadcast_in_dim3A_46 = arith.constant 0.000000e+00 : f32
      %broadcast_in_dim3A_47 = vector.broadcast %broadcast_in_dim3A_46 : f32 to vector<128x1xf32>
      %swap3A_48 = arith.constant 0 : index
      %swap3A_49 = arith.constant 0 : index
      %swap3A_50 = vector.load %arg6[%swap3A_48, %swap3A_49] : memref<128x1xf32, #tpu.memory_space<vmem>>, vector<128x1xf32>
      tpu.vector_store %arg6[%swap3A_48, %swap3A_49], %broadcast_in_dim3A_47 {strides = array<i32>} : memref<128x1xf32, #tpu.memory_space<vmem>>, vector<128x1xf32>,
    } else {
    }
    %get3A = arith.constant 0 : index
    %get3A_2 = arith.constant 0 : index
    %get3A_3 = arith.constant 0 : index
    %get3A_4 = vector.load %arg2[%get3A, %get3A_2, %get3A_3] : memref<1x1280x1xf32, #tpu.memory_space<vmem>>, vector<1x1280x1xf32>
    %get3A_5 = vector.shape_cast %get3A_4 : vector<1x1280x1xf32> to vector<1280x1xf32>
    %get3A_6 = arith.constant 0 : index
    %get3A_7 = arith.constant 0 : index
    %get3A_8 = arith.constant 0 : index
    %get3A_9 = vector.load %arg1[%get3A_6, %get3A_7, %get3A_8] : memref<1x1280x32xf32, #tpu.memory_space<vmem>>, vector<1x1280x32xf32>
    %get3A_10 = vector.shape_cast %get3A_9 : vector<1x1280x32xf32> to vector<1280x32xf32>
    %mul3A = vector.broadcast %get3A_5 : vector<1280x1xf32> to vector<1280x32xf32>
    %mul3A_11 = arith.mulf %mul3A, %get3A_10 : vector<1280x32xf32>
    %get3A_12 = arith.constant 0 : index
    %get3A_13 = arith.constant 0 : index
    %get3A_14 = vector.load %arg3[%get3A_12, %get3A_13] : memref<1x32xf32, #tpu.memory_space<vmem>>, vector<1x32xf32>
    %add3A = vector.broadcast %get3A_14 : vector<1x32xf32> to vector<1280x32xf32>
    %add3A_15 = arith.addf %mul3A_11, %add3A : vector<1280x32xf32>
    %iota3A = tpu.iota {dimensions = array<i32: 1>} : vector<1x128xi32>
    %get3A_16 = arith.constant 0 : index
    %get3A_17 = arith.constant 0 : index
    %get3A_18 = arith.constant 0 : index
    %get3A_19 = vector.load %arg4[%get3A_16, %get3A_17, %get3A_18] : memref<1x1280x1xi32, #tpu.memory_space<vmem>>, vector<1x1280x1xi32>
    %get3A_20 = vector.shape_cast %get3A_19 : vector<1x1280x1xi32> to vector<1280x1xi32>
    %eq3A_21 = vector.broadcast %get3A_20 : vector<1280x1xi32> to vector<1280x128xi32>
    %eq3A_22 = vector.broadcast %iota3A : vector<1x128xi32> to vector<1280x128xi32>
    %eq3A_23 = arith.cmpi eq, %eq3A_21, %eq3A_22 : vector<1280x128xi32>
    %convert_element_type3A_24 = arith.extui %eq3A_23 : vector<1280x128xi1> to vector<1280x128xi32>
    %convert_element_type3A_25 = arith.sitofp %convert_element_type3A_24 : vector<1280x128xi32> to vector<1280x128xf32>
    %get3A_26 = arith.constant 0 : index
    %get3A_27 = arith.constant 0 : index
    %get3A_28 = vector.load %arg5[%get3A_26, %get3A_27] : memref<128x32xf32, #tpu.memory_space<vmem>>, vector<128x32xf32>
    %dot_general3A = arith.constant dense<0.000000e+00> : vector<128x32xf32>
    %dot_general3A_29 = tpu.matmul %convert_element_type3A_25, %add3A_15, %dot_general3A {dimension_numbers = #tpu.dot_dimension_numbers<[0], [0], [1], [1], [0, 1, 1, 1], [], []>, precision = #tpu.contract_precision<fp32>, transpose_lhs_hint = false} : vector<1280x128xf32>, vector<1280x32xf32>, vector<128x32xf32> -> vector<128x32xf32>
    %add3A_30 = arith.addf %get3A_28, %dot_general3A_29 : vector<128x32xf32>
    %swap3A = arith.constant 0 : index
    %swap3A_31 = arith.constant 0 : index
    %swap3A_32 = vector.load %arg5[%swap3A, %swap3A_31] : memref<128x32xf32, #tpu.memory_space<vmem>>, vector<128x32xf32>
    tpu.vector_store %arg5[%swap3A, %swap3A_31], %add3A_30 {strides = array<i32>} : memref<128x32xf32, #tpu.memory_space<vmem>>, vector<128x32xf32>,
    %get3A_33 = arith.constant 0 : index
    %get3A_34 = arith.constant 0 : index
    %get3A_35 = vector.load %arg6[%get3A_33, %get3A_34] : memref<128x1xf32, #tpu.memory_space<vmem>>, vector<128x1xf32>
    %reduce_sum3A = arith.constant dense<0.000000e+00> : vector<128xf32>
    %reduce_sum3A_36 = vector.multi_reduction <add>, %convert_element_type3A_25, %reduce_sum3A [0] : vector<1280x128xf32> to vector<128xf32>
    %broadcast_in_dim3A = vector.shape_cast %reduce_sum3A_36 : vector<128xf32> to vector<128x1xf32>
    %add3A_37 = arith.addf %get3A_35, %broadcast_in_dim3A : vector<128x1xf32>
    %swap3A_38 = arith.constant 0 : index
    %swap3A_39 = arith.constant 0 : index
    %swap3A_40 = vector.load %arg6[%swap3A_38, %swap3A_39] : memref<128x1xf32, #tpu.memory_space<vmem>>, vector<128x1xf32>
    tpu.vector_store %arg6[%swap3A_38, %swap3A_39], %add3A_37 {strides = array<i32>} : memref<128x1xf32, #tpu.memory_space<vmem>>, vector<128x1xf32>,
    return
  }
  func.func @transform_0(%arg0: i32) -> (i32, i32, i32) {
    %jit3A = arith.constant 8 : i32
    %div3A = arith.divsi %arg0, %jit3A : i32
    %sign3A = arith.constant 0 : i32
    %sign3A_0 = arith.cmpi sgt, %arg0, %sign3A : i32
    %sign3A_1 = arith.extui %sign3A_0 : i1 to i32
    %sign3A_2 = arith.constant 0 : i32
    %sign3A_3 = arith.cmpi slt, %arg0, %sign3A_2 : i32
    %sign3A_4 = arith.extui %sign3A_3 : i1 to i32
    %sign3A_5 = arith.subi %sign3A_1, %sign3A_4 : i32
    %sign3A_6 = arith.constant 0 : i32
    %sign3A_7 = arith.cmpi sgt, %jit3A, %sign3A_6 : i32
    %sign3A_8 = arith.extui %sign3A_7 : i1 to i32
    %sign3A_9 = arith.constant 0 : i32
    %sign3A_10 = arith.cmpi slt, %jit3A, %sign3A_9 : i32
    %sign3A_11 = arith.extui %sign3A_10 : i1 to i32
    %sign3A_12 = arith.subi %sign3A_8, %sign3A_11 : i32
    %ne3A = arith.cmpi ne, %sign3A_5, %sign3A_12 : i32
    %rem3A = arith.remsi %arg0, %jit3A : i32
    %ne3A_13 = arith.constant 0 : i32
    %ne3A_14 = arith.cmpi ne, %rem3A, %ne3A_13 : i32
    %and3A = arith.andi %ne3A, %ne3A_14 : i1
    %sub3A = arith.constant 1 : i32
    %sub3A_15 = arith.subi %div3A, %sub3A : i32
    %select_n3A = arith.select %and3A, %sub3A_15, %div3A : i32
    %jit3A_16 = arith.constant 8 : i32
    %eq3A = arith.constant 0 : i32
    %eq3A_17 = arith.cmpi eq, %jit3A_16, %eq3A : i32
    %jit3A_18 = arith.constant 1 : i32
    %select_n3A_19 = arith.select %eq3A_17, %jit3A_18, %jit3A_16 : i32
    %rem3A_20 = arith.remsi %arg0, %select_n3A_19 : i32
    %ne3A_21 = arith.constant 0 : i32
    %ne3A_22 = arith.cmpi ne, %rem3A_20, %ne3A_21 : i32
    %lt3A = arith.constant 0 : i32
    %lt3A_23 = arith.cmpi slt, %rem3A_20, %lt3A : i32
    %lt3A_24 = arith.constant 0 : i32
    %lt3A_25 = arith.cmpi slt, %select_n3A_19, %lt3A_24 : i32
    %ne3A_26 = arith.xori %lt3A_23, %lt3A_25 : i1
    %and3A_27 = arith.andi %ne3A_26, %ne3A_22 : i1
    %add3A = arith.addi %rem3A_20, %select_n3A_19 : i32
    %select_n3A_28 = arith.select %and3A_27, %add3A, %rem3A_20 : i32
    %c0_i32 = arith.constant 0 : i32
    %c0_i32_29 = arith.constant 0 : i32
    return %select_n3A, %select_n3A_28, %c0_i32 : i32, i32, i32
  }
  func.func @transform_1(%arg0: i32) -> (i32, i32, i32) {
    %jit3A = arith.constant 8 : i32
    %div3A = arith.divsi %arg0, %jit3A : i32
    %sign3A = arith.constant 0 : i32
    %sign3A_0 = arith.cmpi sgt, %arg0, %sign3A : i32
    %sign3A_1 = arith.extui %sign3A_0 : i1 to i32
    %sign3A_2 = arith.constant 0 : i32
    %sign3A_3 = arith.cmpi slt, %arg0, %sign3A_2 : i32
    %sign3A_4 = arith.extui %sign3A_3 : i1 to i32
    %sign3A_5 = arith.subi %sign3A_1, %sign3A_4 : i32
    %sign3A_6 = arith.constant 0 : i32
    %sign3A_7 = arith.cmpi sgt, %jit3A, %sign3A_6 : i32
    %sign3A_8 = arith.extui %sign3A_7 : i1 to i32
    %sign3A_9 = arith.constant 0 : i32
    %sign3A_10 = arith.cmpi slt, %jit3A, %sign3A_9 : i32
    %sign3A_11 = arith.extui %sign3A_10 : i1 to i32
    %sign3A_12 = arith.subi %sign3A_8, %sign3A_11 : i32
    %ne3A = arith.cmpi ne, %sign3A_5, %sign3A_12 : i32
    %rem3A = arith.remsi %arg0, %jit3A : i32
    %ne3A_13 = arith.constant 0 : i32
    %ne3A_14 = arith.cmpi ne, %rem3A, %ne3A_13 : i32
    %and3A = arith.andi %ne3A, %ne3A_14 : i1
    %sub3A = arith.constant 1 : i32
    %sub3A_15 = arith.subi %div3A, %sub3A : i32
    %select_n3A = arith.select %and3A, %sub3A_15, %div3A : i32
    %jit3A_16 = arith.constant 8 : i32
    %eq3A = arith.constant 0 : i32
    %eq3A_17 = arith.cmpi eq, %jit3A_16, %eq3A : i32
    %jit3A_18 = arith.constant 1 : i32
    %select_n3A_19 = arith.select %eq3A_17, %jit3A_18, %jit3A_16 : i32
    %rem3A_20 = arith.remsi %arg0, %select_n3A_19 : i32
    %ne3A_21 = arith.constant 0 : i32
    %ne3A_22 = arith.cmpi ne, %rem3A_20, %ne3A_21 : i32
    %lt3A = arith.constant 0 : i32
    %lt3A_23 = arith.cmpi slt, %rem3A_20, %lt3A : i32
    %lt3A_24 = arith.constant 0 : i32
    %lt3A_25 = arith.cmpi slt, %select_n3A_19, %lt3A_24 : i32
    %ne3A_26 = arith.xori %lt3A_23, %lt3A_25 : i1
    %and3A_27 = arith.andi %ne3A_26, %ne3A_22 : i1
    %add3A = arith.addi %rem3A_20, %select_n3A_19 : i32
    %select_n3A_28 = arith.select %and3A_27, %add3A, %rem3A_20 : i32
    %c0_i32 = arith.constant 0 : i32
    %c0_i32_29 = arith.constant 0 : i32
    return %select_n3A, %select_n3A_28, %c0_i32 : i32, i32, i32
  }
  func.func @transform_2(%arg0: i32) -> (i32, i32) {
    %c0_i32 = arith.constant 0 : i32
    %c0_i32_0 = arith.constant 0 : i32
    %c0_i32_1 = arith.constant 0 : i32
    return %c0_i32, %c0_i32_0 : i32, i32
  }
  func.func @transform_3(%arg0: i32) -> (i32, i32, i32) {
    %jit3A = arith.constant 8 : i32
    %div3A = arith.divsi %arg0, %jit3A : i32
    %sign3A = arith.constant 0 : i32
    %sign3A_0 = arith.cmpi sgt, %arg0, %sign3A : i32
    %sign3A_1 = arith.extui %sign3A_0 : i1 to i32
    %sign3A_2 = arith.constant 0 : i32
    %sign3A_3 = arith.cmpi slt, %arg0, %sign3A_2 : i32
    %sign3A_4 = arith.extui %sign3A_3 : i1 to i32
    %sign3A_5 = arith.subi %sign3A_1, %sign3A_4 : i32
    %sign3A_6 = arith.constant 0 : i32
    %sign3A_7 = arith.cmpi sgt, %jit3A, %sign3A_6 : i32
    %sign3A_8 = arith.extui %sign3A_7 : i1 to i32
    %sign3A_9 = arith.constant 0 : i32
    %sign3A_10 = arith.cmpi slt, %jit3A, %sign3A_9 : i32
    %sign3A_11 = arith.extui %sign3A_10 : i1 to i32
    %sign3A_12 = arith.subi %sign3A_8, %sign3A_11 : i32
    %ne3A = arith.cmpi ne, %sign3A_5, %sign3A_12 : i32
    %rem3A = arith.remsi %arg0, %jit3A : i32
    %ne3A_13 = arith.constant 0 : i32
    %ne3A_14 = arith.cmpi ne, %rem3A, %ne3A_13 : i32
    %and3A = arith.andi %ne3A, %ne3A_14 : i1
    %sub3A = arith.constant 1 : i32
    %sub3A_15 = arith.subi %div3A, %sub3A : i32
    %select_n3A = arith.select %and3A, %sub3A_15, %div3A : i32
    %jit3A_16 = arith.constant 8 : i32
    %eq3A = arith.constant 0 : i32
    %eq3A_17 = arith.cmpi eq, %jit3A_16, %eq3A : i32
    %jit3A_18 = arith.constant 1 : i32
    %select_n3A_19 = arith.select %eq3A_17, %jit3A_18, %jit3A_16 : i32
    %rem3A_20 = arith.remsi %arg0, %select_n3A_19 : i32
    %ne3A_21 = arith.constant 0 : i32
    %ne3A_22 = arith.cmpi ne, %rem3A_20, %ne3A_21 : i32
    %lt3A = arith.constant 0 : i32
    %lt3A_23 = arith.cmpi slt, %rem3A_20, %lt3A : i32
    %lt3A_24 = arith.constant 0 : i32
    %lt3A_25 = arith.cmpi slt, %select_n3A_19, %lt3A_24 : i32
    %ne3A_26 = arith.xori %lt3A_23, %lt3A_25 : i1
    %and3A_27 = arith.andi %ne3A_26, %ne3A_22 : i1
    %add3A = arith.addi %rem3A_20, %select_n3A_19 : i32
    %select_n3A_28 = arith.select %and3A_27, %add3A, %rem3A_20 : i32
    %c0_i32 = arith.constant 0 : i32
    %c0_i32_29 = arith.constant 0 : i32
    return %select_n3A, %select_n3A_28, %c0_i32 : i32, i32, i32
  }
  func.func @transform_4(%arg0: i32) -> (i32, i32) {
    %c0_i32 = arith.constant 0 : i32
    %c0_i32_0 = arith.constant 0 : i32
    %c0_i32_1 = arith.constant 0 : i32
    return %c0_i32, %c0_i32_0 : i32, i32
  }
  func.func @transform_5(%arg0: i32) -> (i32, i32) {
    %c0_i32 = arith.constant 0 : i32
    %c0_i32_0 = arith.constant 0 : i32
    %c0_i32_1 = arith.constant 0 : i32
    return %c0_i32, %c0_i32_0 : i32, i32
  }
}

module attributes {stable_mosaic.version = 14 : i64} {
  func.func @_head_body(%arg0: memref<128x32xf32, #tpu.memory_space<vmem>>, %arg1: memref<128x1xf32, #tpu.memory_space<vmem>>, %arg2: memref<64x5xf32, #tpu.memory_space<vmem>>, %arg3: memref<5x16xf32, #tpu.memory_space<vmem>>, %arg4: memref<1x16xf32, #tpu.memory_space<vmem>>, %arg5: memref<32x64xf32, #tpu.memory_space<vmem>>, %arg6: memref<32x64xf32, #tpu.memory_space<vmem>>, %arg7: memref<16x64xf32, #tpu.memory_space<vmem>>, %arg8: memref<1x64xf32, #tpu.memory_space<vmem>>, %arg9: memref<64x32xf32, #tpu.memory_space<vmem>>, %arg10: memref<1x32xf32, #tpu.memory_space<vmem>>, %arg11: memref<32x1xf32, #tpu.memory_space<vmem>>, %arg12: memref<1x1xf32, #tpu.memory_space<vmem>>, %arg13: memref<64x1xf32, #tpu.memory_space<vmem>>) attributes {dimension_semantics = [], scalar_prefetch = 0 : i64, scratch_operands = 0 : i64, tpu.core_type = #tpu.core_type<tc>} {
    %get3A = arith.constant 0 : index
    %get3A_0 = arith.constant 0 : index
    %get3A_1 = vector.load %arg0[%get3A, %get3A_0] : memref<128x32xf32, #tpu.memory_space<vmem>>, vector<128x32xf32>
    %get3A_2 = arith.constant 0 : index
    %get3A_3 = arith.constant 0 : index
    %get3A_4 = vector.load %arg1[%get3A_2, %get3A_3] : memref<128x1xf32, #tpu.memory_space<vmem>>, vector<128x1xf32>
    %max3A = arith.constant 1.000000e+00 : f32
    %max3A_5 = vector.broadcast %max3A : f32 to vector<128x1xf32>
    %max3A_6 = arith.maximumf %get3A_4, %max3A_5 : vector<128x1xf32>
    %div3A = vector.broadcast %max3A_6 : vector<128x1xf32> to vector<128x32xf32>
    %div3A_7 = arith.divf %get3A_1, %div3A : vector<128x32xf32>
    %slice3A = vector.extract_strided_slice %div3A_7 {offsets = [0, 0], sizes = [64, 32], strides = [1, 1]} : vector<128x32xf32> to vector<64x32xf32>
    %slice3A_8 = vector.extract_strided_slice %div3A_7 {offsets = [64, 0], sizes = [64, 32], strides = [1, 1]} : vector<128x32xf32> to vector<64x32xf32>
    %get3A_9 = arith.constant 0 : index
    %get3A_10 = arith.constant 0 : index
    %get3A_11 = vector.load %arg2[%get3A_9, %get3A_10] : memref<64x5xf32, #tpu.memory_space<vmem>>, vector<64x5xf32>
    %get3A_12 = arith.constant 0 : index
    %get3A_13 = arith.constant 0 : index
    %get3A_14 = vector.load %arg3[%get3A_12, %get3A_13] : memref<5x16xf32, #tpu.memory_space<vmem>>, vector<5x16xf32>
    %dot_general3A = arith.constant dense<0.000000e+00> : vector<64x16xf32>
    %dot_general3A_15 = tpu.matmul %get3A_11, %get3A_14, %dot_general3A {dimension_numbers = #tpu.dot_dimension_numbers<[1], [0], [0], [1], [0, 0, 1, 1], [], []>, precision = #tpu.contract_precision<fp32>, transpose_lhs_hint = false} : vector<64x5xf32>, vector<5x16xf32>, vector<64x16xf32> -> vector<64x16xf32>
    %get3A_16 = arith.constant 0 : index
    %get3A_17 = arith.constant 0 : index
    %get3A_18 = vector.load %arg4[%get3A_16, %get3A_17] : memref<1x16xf32, #tpu.memory_space<vmem>>, vector<1x16xf32>
    %add3A = vector.broadcast %get3A_18 : vector<1x16xf32> to vector<64x16xf32>
    %add3A_19 = arith.addf %dot_general3A_15, %add3A : vector<64x16xf32>
    %max3A_20 = arith.constant 0.000000e+00 : f32
    %max3A_21 = vector.broadcast %max3A_20 : f32 to vector<64x16xf32>
    %max3A_22 = arith.maximumf %add3A_19, %max3A_21 : vector<64x16xf32>
    %get3A_23 = arith.constant 0 : index
    %get3A_24 = arith.constant 0 : index
    %get3A_25 = vector.load %arg5[%get3A_23, %get3A_24] : memref<32x64xf32, #tpu.memory_space<vmem>>, vector<32x64xf32>
    %dot_general3A_26 = arith.constant dense<0.000000e+00> : vector<64x64xf32>
    %dot_general3A_27 = tpu.matmul %slice3A, %get3A_25, %dot_general3A_26 {dimension_numbers = #tpu.dot_dimension_numbers<[1], [0], [0], [1], [0, 0, 1, 1], [], []>, precision = #tpu.contract_precision<fp32>, transpose_lhs_hint = false} : vector<64x32xf32>, vector<32x64xf32>, vector<64x64xf32> -> vector<64x64xf32>
    %get3A_28 = arith.constant 0 : index
    %get3A_29 = arith.constant 0 : index
    %get3A_30 = vector.load %arg6[%get3A_28, %get3A_29] : memref<32x64xf32, #tpu.memory_space<vmem>>, vector<32x64xf32>
    %dot_general3A_31 = arith.constant dense<0.000000e+00> : vector<64x64xf32>
    %dot_general3A_32 = tpu.matmul %slice3A_8, %get3A_30, %dot_general3A_31 {dimension_numbers = #tpu.dot_dimension_numbers<[1], [0], [0], [1], [0, 0, 1, 1], [], []>, precision = #tpu.contract_precision<fp32>, transpose_lhs_hint = false} : vector<64x32xf32>, vector<32x64xf32>, vector<64x64xf32> -> vector<64x64xf32>
    %add3A_33 = arith.addf %dot_general3A_27, %dot_general3A_32 : vector<64x64xf32>
    %get3A_34 = arith.constant 0 : index
    %get3A_35 = arith.constant 0 : index
    %get3A_36 = vector.load %arg7[%get3A_34, %get3A_35] : memref<16x64xf32, #tpu.memory_space<vmem>>, vector<16x64xf32>
    %dot_general3A_37 = arith.constant dense<0.000000e+00> : vector<64x64xf32>
    %dot_general3A_38 = tpu.matmul %max3A_22, %get3A_36, %dot_general3A_37 {dimension_numbers = #tpu.dot_dimension_numbers<[1], [0], [0], [1], [0, 0, 1, 1], [], []>, precision = #tpu.contract_precision<fp32>, transpose_lhs_hint = false} : vector<64x16xf32>, vector<16x64xf32>, vector<64x64xf32> -> vector<64x64xf32>
    %add3A_39 = arith.addf %add3A_33, %dot_general3A_38 : vector<64x64xf32>
    %get3A_40 = arith.constant 0 : index
    %get3A_41 = arith.constant 0 : index
    %get3A_42 = vector.load %arg8[%get3A_40, %get3A_41] : memref<1x64xf32, #tpu.memory_space<vmem>>, vector<1x64xf32>
    %add3A_43 = vector.broadcast %get3A_42 : vector<1x64xf32> to vector<64x64xf32>
    %add3A_44 = arith.addf %add3A_39, %add3A_43 : vector<64x64xf32>
    %max3A_45 = arith.constant 0.000000e+00 : f32
    %max3A_46 = vector.broadcast %max3A_45 : f32 to vector<64x64xf32>
    %max3A_47 = arith.maximumf %add3A_44, %max3A_46 : vector<64x64xf32>
    %get3A_48 = arith.constant 0 : index
    %get3A_49 = arith.constant 0 : index
    %get3A_50 = vector.load %arg9[%get3A_48, %get3A_49] : memref<64x32xf32, #tpu.memory_space<vmem>>, vector<64x32xf32>
    %dot_general3A_51 = arith.constant dense<0.000000e+00> : vector<64x32xf32>
    %dot_general3A_52 = tpu.matmul %max3A_47, %get3A_50, %dot_general3A_51 {dimension_numbers = #tpu.dot_dimension_numbers<[1], [0], [0], [1], [0, 0, 1, 1], [], []>, precision = #tpu.contract_precision<fp32>, transpose_lhs_hint = false} : vector<64x64xf32>, vector<64x32xf32>, vector<64x32xf32> -> vector<64x32xf32>
    %get3A_53 = arith.constant 0 : index
    %get3A_54 = arith.constant 0 : index
    %get3A_55 = vector.load %arg10[%get3A_53, %get3A_54] : memref<1x32xf32, #tpu.memory_space<vmem>>, vector<1x32xf32>
    %add3A_56 = vector.broadcast %get3A_55 : vector<1x32xf32> to vector<64x32xf32>
    %add3A_57 = arith.addf %dot_general3A_52, %add3A_56 : vector<64x32xf32>
    %max3A_58 = arith.constant 0.000000e+00 : f32
    %max3A_59 = vector.broadcast %max3A_58 : f32 to vector<64x32xf32>
    %max3A_60 = arith.maximumf %add3A_57, %max3A_59 : vector<64x32xf32>
    %get3A_61 = arith.constant 0 : index
    %get3A_62 = arith.constant 0 : index
    %get3A_63 = vector.load %arg11[%get3A_61, %get3A_62] : memref<32x1xf32, #tpu.memory_space<vmem>>, vector<32x1xf32>
    %dot_general3A_64 = arith.constant dense<0.000000e+00> : vector<64x1xf32>
    %dot_general3A_65 = tpu.matmul %max3A_60, %get3A_63, %dot_general3A_64 {dimension_numbers = #tpu.dot_dimension_numbers<[1], [0], [0], [1], [0, 0, 1, 1], [], []>, precision = #tpu.contract_precision<fp32>, transpose_lhs_hint = false} : vector<64x32xf32>, vector<32x1xf32>, vector<64x1xf32> -> vector<64x1xf32>
    %get3A_66 = arith.constant 0 : index
    %get3A_67 = arith.constant 0 : index
    %get3A_68 = vector.load %arg12[%get3A_66, %get3A_67] : memref<1x1xf32, #tpu.memory_space<vmem>>, vector<1x1xf32>
    %add3A_69 = vector.broadcast %get3A_68 : vector<1x1xf32> to vector<64x1xf32>
    %add3A_70 = arith.addf %dot_general3A_65, %add3A_69 : vector<64x1xf32>
    %logistic3A = arith.negf %add3A_70 : vector<64x1xf32>
    %logistic3A_71 = math.exp %logistic3A : vector<64x1xf32>
    %logistic3A_72 = arith.constant 1.000000e+00 : f32
    %logistic3A_73 = vector.broadcast %logistic3A_72 : f32 to vector<64x1xf32>
    %logistic3A_74 = arith.addf %logistic3A_73, %logistic3A_71 : vector<64x1xf32>
    %logistic3A_75 = arith.divf %logistic3A_73, %logistic3A_74 : vector<64x1xf32>
    %swap3A = arith.constant 0 : index
    %swap3A_76 = arith.constant 0 : index
    %swap3A_77 = vector.load %arg13[%swap3A, %swap3A_76] : memref<64x1xf32, #tpu.memory_space<vmem>>, vector<64x1xf32>
    tpu.vector_store %arg13[%swap3A, %swap3A_76], %logistic3A_75 {strides = array<i32>} : memref<64x1xf32, #tpu.memory_space<vmem>>, vector<64x1xf32>,
    return
  }
}

</mosaic_0001>

<sc_bundles>
// kernel: kernel.12.cloned.1.call-start
scs
__scs_entry_jumppad:
0x0: {  	(pc) =	sbr.rel $0x88, $3  }
0x1: {  	(tag) =	ssettag $0x0;
	lr =	simm.s32 $0x1  }
0x2: {  	[smem:$0x3F8C] =	sst lr;
	_ =	strace $0xD0000000  }
0x3: {  	_ = 	snop  }
0x4: {  	_ = 	snop  }
0x5: {  	_ = 	snop  }
0x6: {  	_ = 	snop  }
0x7: {  	_ = 	snop  }
__scs_overlays_trampoline_lowered:
0x8: {  	[smem:$0x3F9B] =	sst s0  }
0x9: {  	[smem:$0x3F9C] =	sst s1  }
0xa: {  	[smem:$0x3F9D] =	sst s2  }
0xb: {  	[smem:$0x3F9E] =	sst s3  }
0xc: {  	[smem:$0x3F9F] =	sst s4  }
0xd: {  	[smem:$0x3FA0] =	sst s5  }
0xe: {  	[smem:$0x3FA1] =	sst s6  }
0xf: {  	[smem:$0x3FA2] =	sst s7  }
0x10: {  	[smem:$0x3FA3] =	sst s8  }
0x11: {  	[smem:$0x3FA4] =	sst s9;
	s0 =	simm.s32 @!p0 $0x0  }
0x12: {  	s1 =	sld [smem:$0x3F8A];
	s0 =	simm.s32 @p0 $0x1  }
0x13: {  	[smem:$0x3FA5] =	sst s0;
	s0 =	simm.s32 @!p1 $0x0  }
0x14: {  	s2 =	sld [smem:$0x3F89];
	s0 =	simm.s32 @p1 $0x1  }
0x15: {  	[smem:$0x3FA6] =	sst s0;
	s0 =	simm.s32 @!p2 $0x0  }
0x16: {  	s3 =	sld [smem:$0x3FDB];
	s0 =	simm.s32 @p2 $0x1  }
0x17: {  	s4 =	simm.s32 $0x1BF5;
	[smem:$0x3FA8] =	sst s0  }
0x18: {  	s0 =	sld [smem:$0x3F8B];
	_ =	swait.ge [sflag:s4], $0x0  }
0x19: {  	s7 =	sld [smem:$0x3F8C]  }
0x1a: {  	s8 =	sadd.s32 $0xFFFFE003, lr  }
0x1b: {  	s9 =	sadd.s32 $0xFFFFFEF7, lr;
	s5 =	simm.s32 $0xFFFFFFFF;
	p2 =	slt.u32 s8, $0xFFFFF086  }
0x1c: {  	p1 =	slt.u32 s9, $0xF7A;
	s5 =	simm.s32 @!p2 $0x0  }
0x1d: {  	s5 =	simm.s32 @p1 $0x1;
	p0 =	seq.s32 s7, s2  }
0x1e: {  	s7 =	smul.u32 @!p0 $0xF7A, s2;
	p2 =	seq.s32 @!p0 s5, $0x0  }
0x1f: {  	s9 =	smul.u32 $0xF7A, s1;
	s8 =	simm.s32 @!p0 $0x1BF5;
	p2 =	por !p2, p0  }
0x20: {  	[sflag:s8] =	ssyncset.s32 @!p0 $0xFFFFF086;
	s6 =	sadd.s32 @!p0 s3, s7;
	s7 =	simm.s32 @!p0 $0x108  }
0x21: {  	s3 =	sadd.s32 s3, s9;
	s6 =	sadd.s32 @!p0 $0x88, s6;
	s7 =	simm.s32 @p2 $0x1082  }
0x22: {  	[simem:s7], [sflag:s8] =	dma.local @!p0 [hbm:s6], $0xF7A  }
0x23: {  	s9 =	sor.u32 $0xD0000000, s2;
	s6 =	simm.s32 $0x108;
	_ =	swait.ge @!p0 [sflag:s8], $0x0  }
0x24: {  	s3 =	sadd.s32 $0x88, s3;
	s6 =	simm.s32 @!p1 $0x1082;
	[sflag:s4] =	ssyncset.s32 $0xFFFFF086  }
0x25: {  	[simem:s6], [sflag:s4] =	dma.local [hbm:s3], $0xF7A  }
0x26: {  	[smem:$0x3F8C] =	sst s1;
	(tag) =	ssettag s2;
	_ =	strace s9  }
0x27: {  	s1 =	sld [smem:$0x3F9C]  }
0x28: {  	s2 =	sld [smem:$0x3F9D]  }
0x29: {  	s4 =	sld [smem:$0x3F9F]  }
0x2a: {  	p0 =	seq.s32 s5, $0x0;
	s5 =	sld [smem:$0x3FA0]  }
0x2b: {  	s6 =	sld [smem:$0x3FA1]  }
0x2c: {  	s7 =	sld [smem:$0x3FA2]  }
0x2d: {  	s3 =	simm.s32 $0x108;
	s8 =	sld [smem:$0x3FA3]  }
0x2e: {  	s3 =	simm.s32 @!p0 $0x1082;
	s9 =	sld [smem:$0x3FA4]  }
0x2f: {  	lr =	sadd.s32 s0, s3;
	s0 =	sld [smem:$0x3F9B]  }
0x30: {  	s3 =	sld [smem:$0x3F9E]  }
0x31: {  	[smem:$0x3FA7] =	sst s10  }
0x32: {  	s10 =	sld [smem:$0x3FA5];
	_ =	sdelay $0x3  }
0x33: {  	p0 =	seq.s32 s10, $0x1;
	s10 =	sld [smem:$0x3FA7];
	_ =	sdelay $0x3  }
0x34: {  	[smem:$0x3FA7] =	sst s10  }
0x35: {  	s10 =	sld [smem:$0x3FA6];
	_ =	sdelay $0x3  }
0x36: {  	p1 =	seq.s32 s10, $0x1;
	s10 =	sld [smem:$0x3FA7];
	_ =	sdelay $0x3  }
0x37: {  	[smem:$0x3FA7] =	sst s10  }
0x38: {  	s10 =	sld [smem:$0x3FA8]  }
0x39: {  	_ = 	snop;
	(pc) =	sbr.ind lr, $3  }
0x3a: {  	_ = 	snop  }
0x3b: {  	_ = 	snop  }
0x3c: {  	p2 =	seq.s32 s10, $0x1;
	s10 =	sld [smem:$0x3FA7]  }
0x3d: {  	_ =	shalt  }
0x3e: {  	_ =	shalt  }
0x3f: {  	_ =	shalt  }
0x40: {  	_ =	shalt  }
0x41: {  	_ =	shalt  }
0x42: {  	_ =	shalt  }
0x43: {  	_ =	shalt  }
0x44: {  	_ =	shalt  }
0x45: {  	_ =	shalt  }
0x46: {  	_ =	shalt  }
0x47: {  	_ =	shalt  }
0x48: {  	_ =	shalt  }
0x49: {  	_ =	shalt  }
0x4a: {  	_ =	shalt  }
0x4b: {  	_ =	shalt  }
0x4c: {  	_ =	shalt  }
0x4d: {  	_ =	shalt  }
0x4e: {  	_ =	shalt  }
0x4f: {  	_ =	shalt  }
0x50: {  	_ =	shalt  }
0x51: {  	_ =	shalt  }
0x52: {  	_ =	shalt  }
0x53: {  	_ =	shalt  }
0x54: {  	_ =	shalt  }
0x55: {  	_ =	shalt  }
0x56: {  	_ =	shalt  }
0x57: {  	_ =	shalt  }
0x58: {  	_ =	shalt  }
0x59: {  	_ =	shalt  }
0x5a: {  	_ =	shalt  }
0x5b: {  	_ =	shalt  }
0x5c: {  	_ =	shalt  }
0x5d: {  	_ =	shalt  }
0x5e: {  	_ =	shalt  }
0x5f: {  	_ =	shalt  }
0x60: {  	_ =	shalt  }
0x61: {  	_ =	shalt  }
0x62: {  	_ =	shalt  }
0x63: {  	_ =	shalt  }
0x64: {  	_ =	shalt  }
0x65: {  	_ =	shalt  }
0x66: {  	_ =	shalt  }
0x67: {  	_ =	shalt  }
0x68: {  	_ =	shalt  }
0x69: {  	_ =	shalt  }
0x6a: {  	_ =	shalt  }
0x6b: {  	_ =	shalt  }
0x6c: {  	_ =	shalt  }
0x6d: {  	_ =	shalt  }
0x6e: {  	_ =	shalt  }
0x6f: {  	_ =	shalt  }
0x70: {  	_ =	shalt  }
0x71: {  	_ =	shalt  }
0x72: {  	_ =	shalt  }
0x73: {  	_ =	shalt  }
0x74: {  	_ =	shalt  }
0x75: {  	_ =	shalt  }
0x76: {  	_ =	shalt  }
0x77: {  	_ =	shalt  }
0x78: {  	_ =	shalt  }
0x79: {  	_ =	shalt  }
0x7a: {  	_ =	shalt  }
0x7b: {  	_ =	shalt  }
0x7c: {  	_ =	shalt  }
0x7d: {  	_ =	shalt  }
0x7e: {  	_ =	shalt  }
0x7f: {  	_ =	shalt  }
0x80: {  	_ =	shalt  }
0x81: {  	_ =	shalt  }
0x82: {  	_ =	shalt  }
0x83: {  	_ =	shalt  }
0x84: {  	_ =	shalt  }
0x85: {  	_ =	shalt  }
0x86: {  	_ =	shalt  }
0x87: {  	_ =	shalt  }
.Lfunc_end0:
.L_simem_size_0:
called_computation_lowered:
.L_overlay_start_0:
0x88: {  	s2 =	sld [smem:$0x3FD9]  }
0x89: {  	s3 =	sld [smem:$0x3FFE];
	_ =	sdelay $0x1  }
0x8a: {  	s1 =	srdreg.scid  }
0x8b: {  	s0 =	sand.u32 $0x1, s1  }
0x8c: {  	s16 =	sshll.u32 s0, $0xA;
	s2 =	sadd.s32 s3, s2  }
0x8d: {  	s2 =	sadd.s32 s2, s16  }
0x8e: {  	[smem:$0x3FB3] =	sst s2  }
0x8f: {  	_ = 	snop  }
0x90: {  	(tm) =	ssettm $0x1  }
0x91: {  	s17 =	sld [smem:$0x3FFB];
	_ =	sdelay $0x3  }
0x92: {  	_ =	strace s17  }
0x93: {  	s2 =	sld [smem:$0x3FFC];
	_ =	sdelay $0x3  }
0x94: {  	_ =	strace s2  }
0x95: {  	s2 =	sld [smem:$0x3FFD];
	_ =	sdelay $0x3  }
0x96: {  	_ =	strace s2  }
0x97: {  	_ =	strace $0x8FFFFFFF  }
0x98: {  	s18 =	sld [smem:$0x3FDB];
	_ =	sdelay $0x1  }
0x99: {  	s19 =	simm.s32 $_scs_section_size  }
0x9a: {  	s4 =	simm.s32 $_size__tile_overlayer_lowered;
	s5 =	simm.s32 $_tile_overlayer_lowered  }
0x9b: {  	s22 =	simm.s32 $0x1BFF;
	s21 =	sshll.u32 s5, $0x1;
	s2 =	sadd.s32 s19, s18  }
0x9c: {  	s6 =	simm.s32 $0x0;
	s20 =	sshll.u32 s4, $0x1;
	s4 =	sadd.s32 s21, s2  }
0x9d: {  	[timem:s6], [sflag:s22] =	dma.local [hbm:s4], s20  }
0x9e: {  	_ =	swait.ge [sflag:s22], s20  }
0x9f: {  	s3 =	ssub.s32 $0x0, s20;
	[sflag:s22] =	ssyncset.done $0x0  }
0xa0: {  	[sflag:s22] =	ssyncadd.s32 s3;
	_ =	sdelay $0x1  }
0xa1: {  	s23 =	simm.s32 $0x1B8B  }
0xa2: {  	_ =	swait.ge [sflag:s23], $0x1  }
0xa3: {  	[sflag:s23] =	ssyncset.done $0x0  }
0xa4: {  	s25 =	simm.s32 $0x1B8E;
	s24 =	sld [smem:$0x3FFE];
	[sflag:s23] =	ssyncadd.s32 $0xFFFFFFFF  }
0xa5: {  	s26 =	simm.s32 $execute0_lowered;
	[smem:$0x3FD2] =	sst s25  }
0xa6: {  	s4 =	sshll.u32 s26, $0x1;
	_ =	strace $0x80000046;
	[dreg:$0x1] =	wrdreg $0xFFFFFFFF  }
0xa7: {  	s28 =	simm.s32 $_size_execute0_lowered;
	s2 =	sadd.s32 s2, s4;
	[dreg:$0x0] =	wrdreg $0x0  }
0xa8: {  	s4 =	sshll.u32 s28, $0x1;
	[dreg:$0x2] =	wrdreg s2  }
0xa9: {  	[dreg:$0x3] =	wrdreg s4  }
0xaa: {  	[dreg:$0x4] =	wrdreg $0xC0  }
0xab: {  	_ =	task [dreg:s6], $0x5FFFF  }
0xac: {  	[dreg:$0x1] =	wrdreg $0xFFFFFFFF  }
0xad: {  	[dreg:$0x0] =	wrdreg $0x60  }
0xae: {  	[dreg:$0x2] =	wrdreg s24  }
0xaf: {  	[dreg:$0x3] =	wrdreg $0x58000  }
0xb0: {  	[dreg:$0x4] =	wrdreg $0x9  }
0xb1: {  	_ =	task.clear_ibuf [dreg:s6], $0x5FFFF;
	_ =	strace $0x90000046  }
0xb2: {  	s29 =	simm.s32 $0x9;
	_ =	strace $0x80000048  }
0xb3: {  	_ =	swait.ge [sflag:s29], $0x1  }
0xb4: {  	[sflag:s29] =	ssyncadd.s32 $0xFFFFFFFF  }
0xb5: {  	_ =	strace $0x90000048  }
0xb6: {  	_ =	sfence  }
0xb7: {  	s30 =	sld [smem:$0x0];
	_ =	sdelay $0x2  }
0xb8: {  	s31 =	sshll.u32 s1, $0xD;
	s1 =	sshrl.u32 s1, $0x2  }
0xb9: {  	s3 =	sand.u32 $0x4000, s31;
	s1 =	sadd.s32 s1, s30  }
0xba: {  	s0 =	sor.u32 s3, s0;
	s1 =	sshll.u32 s1, $0x11  }
0xbb: {  	s0 =	sor.u32 s1, s0  }
0xbc: {  	s0 =	sadd.s32 $0x8F2B, s0  }
0xbd: {  	[sflag:s0] =	ssyncadd.remote.s32 $0x1  }
0xbe: {  	_ =	sfence.sel $0xFFFF  }
0xbf: {  	[dreg:$0x0] =	wrdreg $0xFFFFFFFF;
	(pc) =	sbr.abs _section_cstart, $3  }
0xc0: {  	[dreg:$0x1] =	wrdreg $0xFFFFFFFF  }
0xc1: {  	_ =	task.clear_ibuf [dreg:s6], $0x2FFFF;
	_ =	strace $0x9FFFFFFF  }
0xc2: {  	(tm) =	ssettm $0x7FFFFFFF  }
0xc3: {  	_ =	shalt  }
tec
execute0_lowered:
.L_overlay_start_1:
0x0: {  	(tag) =	ssettag $0x1  }
0x1: {  	s5 =	rddreg [dreg:$0x0]  }
0x2: {  	s0 =	srdreg.scid;
	s2 =	rddreg [dreg:$0x1]  }
0x3: {  	s1 =	rddreg [dreg:$0x2];
	s4 =	sand.u32 $0x1, s0  }
0x4: {  	s3 =	simm.s32 $0x0;
	s0 =	stileid.u32;
	s6 =	smul.u32 $0x50000, s4  }
0x5: {  	s13 =	simm.s32 $0x80;
	s14 =	simm.s32 $0x1;
	s7 =	smul.u32 $0x5000, s0  }
0x6: {  	s15 =	simm.s32 $0x0;
	[smem:$0x7FF] =	sst s3;
	s29 =	smul.u32 $0x2800, s0  }
0x7: {  	s8 =	smul.u32 $0x28000, s4;
	_ =	strace $0x80000047;
	s10 =	ssub.s32 $0x2, s4  }
0x8: {  	s4 =	sadd.s32 $0x1D600, s5;
	s31 =	sshll.u32 s0, $0x6;
	s11 =	sshrl.u32 s10, $0x1  }
0x9: {  	s6 =	sadd.s32 s7, s6;
	s30 =	sshrl.u32 s29, $0x3;
	s8 =	sadd.s32 s29, s8  }
0xa: {  	s10 =	ssub.s32 s10, s11;
	s12 =	sadd.s32 s29, s2;
	s6 =	sshrl.u32 s6, $0x3  }
0xb: {  	s8 =	sshrl.u32 s8, $0x3;
	s9 =	sadd.s32 s6, s5;
	s6 =	sadd.s32 s30, s5  }
0xc: {  	s11 =	simm.s32 $0x2;
	s8 =	sadd.s32 s8, s5;
	s5 =	sadd.s32 $0x18600, s6  }
0xd: {  	s6 =	sor.u32 $0x1C02, s31;
	s7 =	sadd.s32 $0x4600, s9;
	s8 =	sadd.s32 $0x1D800, s8  }
0xe: {  	s9 =	smax.u32 s10, $0x1;
	s10 =	sshrl.u32 s12, $0x3;
	s12 =	simm.s32 $0x5000  }
.LBB2_1:
0xf: {  	[spmem:s10], [sflag:s6] =	dma.local [hbm:s5], $0x500  }
0x10: {  	_ =	swait.ge [sflag:s11], $0x500  }
0x11: {  	[sflag:s11] =	ssyncset.done $0x0  }
0x12: {  	[sflag:s11] =	ssyncadd.s32 $0xFFFFFB00  }
0x13: {  	[tilespmem:s12], [sflag:$0x2] =	stream.linear.gather [hbm4b:s4+s3], $0x800, $0x38;
	[tilespmem:$0x8000] =	vst v63  }
0x14: {  	_ =	swait.ge [sflag:s11], $0x800  }
0x15: {  	[sflag:s11] =	ssyncset.done $0x0  }
0x16: {  	[sflag:s11] =	ssyncadd.s32 $0xFFFFF800  }
0x17: {  	[tilespmem:s3], [sflag:$0x2] =	stream.linear.gather [hbm4b:s7+s3], $0x5000, $0x38;
	[tilespmem:$0x8000] =	vst v63  }
0x18: {  	_ =	swait.ge [sflag:s11], $0x5000  }
0x19: {  	[sflag:s11] =	ssyncset.done $0x0  }
0x1a: {  	p0 =	por $0x1, $0x1;
	[sflag:s11] =	ssyncadd.s32 $0xFFFFB000  }
0x1b: {  	s18 =	simm.s32 @!p0 $0x1;
	[bflag:$0x0] =	sbarrier.arrive $0xFFFF  }
0x1c: {  	[spmem:s2] =	stream.indirect.scatter.add.f32 [tilespmem:s12], [sflag:$0x1], $0x10, s3, s13, $0xb8;
	[tilespmem:$0x8000] =	vst v63  }
0x1d: {  	_ =	swait.ge @!p0 [sflag:s18], $0x800  }
0x1e: {  	s16 =	simm.s32 $0x1;
	s17 =	simm.s32 $0x0;
	[sflag:s18] =	ssyncset.done @!p0 $0x0  }
.LBB2_2:
0x1f: {  	[sflag:s18] =	ssyncadd.s32 @!p0 $0xFFFFF800  }
0x20: {  	s17 =	sadd.s32 $0x80, s17;
	s18 =	smov.u32 s16;
	s16 =	sadd.s32 $0x1, s16  }
0x21: {  	p1 =	sne.s32 s16, $0xA0  }
0x22: {  	[spmem:s2] =	stream.indirect.scatter.add.f32 [tilespmem:s12], [sflag:$0x1], $0x10, s17, s13, $0xb8;
	[tilespmem:$0x8000] =	vst v63  }
.Ltmp0:
0x23: {  	_ = 	snop;
	(pc) =	sbr.rel @p1 .LBB2_2-.Ltmp0, $4  }
0x24: {  	p0 =	slt.u32 s18, $0x8  }
0x25: {  	s18 =	simm.s32 @!p0 $0x1  }
0x26: {  	_ =	swait.ge @!p0 [sflag:s18], $0x800  }
0x27: {  	[sflag:s18] =	ssyncset.done @!p0 $0x0  }
0x28: {  	[sflag:s18] =	ssyncadd.s32 @!p0 $0xFFFFF800  }
0x29: {  	_ =	swait.ge [sflag:s14], $0x800  }
0x2a: {  	[sflag:s14] =	ssyncset.done $0x0  }
0x2b: {  	[sflag:s14] =	ssyncadd.s32 $0xFFFFF800  }
0x2c: {  	_ =	swait.ge [sflag:s14], $0x800  }
0x2d: {  	[sflag:s14] =	ssyncset.done $0x0  }
0x2e: {  	[sflag:s14] =	ssyncadd.s32 $0xFFFFF800  }
0x2f: {  	_ =	swait.ge [sflag:s14], $0x800  }
0x30: {  	[sflag:s14] =	ssyncset.done $0x0  }
0x31: {  	[sflag:s14] =	ssyncadd.s32 $0xFFFFF800  }
0x32: {  	_ =	swait.ge [sflag:s14], $0x800  }
0x33: {  	[sflag:s14] =	ssyncset.done $0x0  }
0x34: {  	[sflag:s14] =	ssyncadd.s32 $0xFFFFF800  }
0x35: {  	_ =	swait.ge [sflag:s14], $0x800  }
0x36: {  	[sflag:s14] =	ssyncset.done $0x0  }
0x37: {  	[sflag:s14] =	ssyncadd.s32 $0xFFFFF800  }
0x38: {  	_ =	swait.ge [sflag:s14], $0x800  }
0x39: {  	[sflag:s14] =	ssyncset.done $0x0  }
0x3a: {  	[sflag:s14] =	ssyncadd.s32 $0xFFFFF800  }
0x3b: {  	_ =	swait.ge [sflag:s14], $0x800  }
0x3c: {  	[sflag:s14] =	ssyncset.done $0x0  }
0x3d: {  	[sflag:s14] =	ssyncadd.s32 $0xFFFFF800  }
0x3e: {  	_ =	swait.ge [sflag:s14], $0x800  }
0x3f: {  	s15 =	sadd.s32 $0x1, s15;
	[sflag:s14] =	ssyncset.done $0x0  }
0x40: {  	p0 =	sne.s32 s15, s9;
	[sflag:s14] =	ssyncadd.s32 $0xFFFFF800  }
.Ltmp1:
0x41: {  	[bflag:$0x0] =	sbarrier.arrive $0xFFFF;
	(pc) =	sbr.rel @p0 .LBB2_1-.Ltmp1, $4  }
0x42: {  	[hbm:s8], [sflag:s6] =	dma.local [spmem:s10], $0x500  }
0x43: {  	_ =	swait.ge [sflag:s11], $0x500  }
0x44: {  	[sflag:s11] =	ssyncset.done $0x0  }
0x45: {  	[sflag:s11] =	ssyncadd.s32 $0xFFFFFB00  }
0x46: {  	_ =	sfence.sel $0x180000  }
0x47: {  	[bflag:$0x0] =	sbarrier.arrive $0xFFFF  }
0x48: {  	p0 =	sne.s32 s0, $0x0;
	_ =	strace $0x90000047  }
0x49: {  	s0 =	sadd.s32 @!p0 $0x100000, s1;
	[bflag:$0x2] =	sbarrier.arrive $0xFFFF  }
0x4a: {  	[sflag:s0] =	ssyncadd.tile.s32 @!p0 $0x1;
	_ =	shalt  }
.Lfunc_end2:
_tile_overlayer_lowered:
.L_overlay_start_2:
0x4b: {  	(tag) =	ssettag $0x2  }
0x4c: {  	s0 =	rddreg [dreg:$0x0];
	s2 =	stileid.u32  }
0x4d: {  	s1 =	rddreg [dreg:$0x1];
	p0 =	sne.s32 s2, $0x0  }
0x4e: {  	s3 =	rddreg [dreg:$0x2];
	[bflag:$0x3] =	sbarrier.arrive $0xFFFF;
	s2 =	simm.s32 @!p0 $0x1C02  }
0x4f: {  	[timem:s3], [sflag:s2] =	dma.local @!p0 [hbm:s0], s1  }
0x50: {  	s0 =	simm.s32 @!p0 $0x2  }
0x51: {  	_ =	swait.ge @!p0 [sflag:s0], s1  }
0x52: {  	s1 =	ssub.s32 @!p0 $0x0, s1;
	[sflag:s0] =	ssyncset.done @!p0 $0x0  }
0x53: {  	[sflag:s0] =	ssyncadd.s32 @!p0 s1  }
0x54: {  	[bflag:$0x3] =	sbarrier.arrive $0xFFFF  }
0x55: {  	_ =	shalt  }

// kernel: kernel.15.cloned.1.call-start
scs
__scs_entry_jumppad:
0x0: {  	(pc) =	sbr.rel $0x88, $3  }
0x1: {  	(tag) =	ssettag $0x0;
	lr =	simm.s32 $0x1  }
0x2: {  	[smem:$0x3F8C] =	sst lr;
	_ =	strace $0xD0000000  }
0x3: {  	_ = 	snop  }
0x4: {  	_ = 	snop  }
0x5: {  	_ = 	snop  }
0x6: {  	_ = 	snop  }
0x7: {  	_ = 	snop  }
__scs_overlays_trampoline_lowered:
0x8: {  	[smem:$0x3F9B] =	sst s0  }
0x9: {  	[smem:$0x3F9C] =	sst s1  }
0xa: {  	[smem:$0x3F9D] =	sst s2  }
0xb: {  	[smem:$0x3F9E] =	sst s3  }
0xc: {  	[smem:$0x3F9F] =	sst s4  }
0xd: {  	[smem:$0x3FA0] =	sst s5  }
0xe: {  	[smem:$0x3FA1] =	sst s6  }
0xf: {  	[smem:$0x3FA2] =	sst s7  }
0x10: {  	[smem:$0x3FA3] =	sst s8  }
0x11: {  	[smem:$0x3FA4] =	sst s9;
	s0 =	simm.s32 @!p0 $0x0  }
0x12: {  	s1 =	sld [smem:$0x3F8A];
	s0 =	simm.s32 @p0 $0x1  }
0x13: {  	[smem:$0x3FA5] =	sst s0;
	s0 =	simm.s32 @!p1 $0x0  }
0x14: {  	s2 =	sld [smem:$0x3F89];
	s0 =	simm.s32 @p1 $0x1  }
0x15: {  	[smem:$0x3FA6] =	sst s0;
	s0 =	simm.s32 @!p2 $0x0  }
0x16: {  	s3 =	sld [smem:$0x3FDB];
	s0 =	simm.s32 @p2 $0x1  }
0x17: {  	s4 =	simm.s32 $0x1BF5;
	[smem:$0x3FA8] =	sst s0  }
0x18: {  	s0 =	sld [smem:$0x3F8B];
	_ =	swait.ge [sflag:s4], $0x0  }
0x19: {  	s7 =	sld [smem:$0x3F8C]  }
0x1a: {  	s8 =	sadd.s32 $0xFFFFE003, lr  }
0x1b: {  	s9 =	sadd.s32 $0xFFFFFEF7, lr;
	s5 =	simm.s32 $0xFFFFFFFF;
	p2 =	slt.u32 s8, $0xFFFFF086  }
0x1c: {  	p1 =	slt.u32 s9, $0xF7A;
	s5 =	simm.s32 @!p2 $0x0  }
0x1d: {  	s5 =	simm.s32 @p1 $0x1;
	p0 =	seq.s32 s7, s2  }
0x1e: {  	s7 =	smul.u32 @!p0 $0xF7A, s2;
	p2 =	seq.s32 @!p0 s5, $0x0  }
0x1f: {  	s9 =	smul.u32 $0xF7A, s1;
	s8 =	simm.s32 @!p0 $0x1BF5;
	p2 =	por !p2, p0  }
0x20: {  	[sflag:s8] =	ssyncset.s32 @!p0 $0xFFFFF086;
	s6 =	sadd.s32 @!p0 s3, s7;
	s7 =	simm.s32 @!p0 $0x108  }
0x21: {  	s3 =	sadd.s32 s3, s9;
	s6 =	sadd.s32 @!p0 $0x88, s6;
	s7 =	simm.s32 @p2 $0x1082  }
0x22: {  	[simem:s7], [sflag:s8] =	dma.local @!p0 [hbm:s6], $0xF7A  }
0x23: {  	s9 =	sor.u32 $0xD0000000, s2;
	s6 =	simm.s32 $0x108;
	_ =	swait.ge @!p0 [sflag:s8], $0x0  }
0x24: {  	s3 =	sadd.s32 $0x88, s3;
	s6 =	simm.s32 @!p1 $0x1082;
	[sflag:s4] =	ssyncset.s32 $0xFFFFF086  }
0x25: {  	[simem:s6], [sflag:s4] =	dma.local [hbm:s3], $0xF7A  }
0x26: {  	[smem:$0x3F8C] =	sst s1;
	(tag) =	ssettag s2;
	_ =	strace s9  }
0x27: {  	s1 =	sld [smem:$0x3F9C]  }
0x28: {  	s2 =	sld [smem:$0x3F9D]  }
0x29: {  	s4 =	sld [smem:$0x3F9F]  }
0x2a: {  	p0 =	seq.s32 s5, $0x0;
	s5 =	sld [smem:$0x3FA0]  }
0x2b: {  	s6 =	sld [smem:$0x3FA1]  }
0x2c: {  	s7 =	sld [smem:$0x3FA2]  }
0x2d: {  	s3 =	simm.s32 $0x108;
	s8 =	sld [smem:$0x3FA3]  }
0x2e: {  	s3 =	simm.s32 @!p0 $0x1082;
	s9 =	sld [smem:$0x3FA4]  }
0x2f: {  	lr =	sadd.s32 s0, s3;
	s0 =	sld [smem:$0x3F9B]  }
0x30: {  	s3 =	sld [smem:$0x3F9E]  }
0x31: {  	[smem:$0x3FA7] =	sst s10  }
0x32: {  	s10 =	sld [smem:$0x3FA5];
	_ =	sdelay $0x3  }
0x33: {  	p0 =	seq.s32 s10, $0x1;
	s10 =	sld [smem:$0x3FA7];
	_ =	sdelay $0x3  }
0x34: {  	[smem:$0x3FA7] =	sst s10  }
0x35: {  	s10 =	sld [smem:$0x3FA6];
	_ =	sdelay $0x3  }
0x36: {  	p1 =	seq.s32 s10, $0x1;
	s10 =	sld [smem:$0x3FA7];
	_ =	sdelay $0x3  }
0x37: {  	[smem:$0x3FA7] =	sst s10  }
0x38: {  	s10 =	sld [smem:$0x3FA8]  }
0x39: {  	_ = 	snop;
	(pc) =	sbr.ind lr, $3  }
0x3a: {  	_ = 	snop  }
0x3b: {  	_ = 	snop  }
0x3c: {  	p2 =	seq.s32 s10, $0x1;
	s10 =	sld [smem:$0x3FA7]  }
0x3d: {  	_ =	shalt  }
0x3e: {  	_ =	shalt  }
0x3f: {  	_ =	shalt  }
0x40: {  	_ =	shalt  }
0x41: {  	_ =	shalt  }
0x42: {  	_ =	shalt  }
0x43: {  	_ =	shalt  }
0x44: {  	_ =	shalt  }
0x45: {  	_ =	shalt  }
0x46: {  	_ =	shalt  }
0x47: {  	_ =	shalt  }
0x48: {  	_ =	shalt  }
0x49: {  	_ =	shalt  }
0x4a: {  	_ =	shalt  }
0x4b: {  	_ =	shalt  }
0x4c: {  	_ =	shalt  }
0x4d: {  	_ =	shalt  }
0x4e: {  	_ =	shalt  }
0x4f: {  	_ =	shalt  }
0x50: {  	_ =	shalt  }
0x51: {  	_ =	shalt  }
0x52: {  	_ =	shalt  }
0x53: {  	_ =	shalt  }
0x54: {  	_ =	shalt  }
0x55: {  	_ =	shalt  }
0x56: {  	_ =	shalt  }
0x57: {  	_ =	shalt  }
0x58: {  	_ =	shalt  }
0x59: {  	_ =	shalt  }
0x5a: {  	_ =	shalt  }
0x5b: {  	_ =	shalt  }
0x5c: {  	_ =	shalt  }
0x5d: {  	_ =	shalt  }
0x5e: {  	_ =	shalt  }
0x5f: {  	_ =	shalt  }
0x60: {  	_ =	shalt  }
0x61: {  	_ =	shalt  }
0x62: {  	_ =	shalt  }
0x63: {  	_ =	shalt  }
0x64: {  	_ =	shalt  }
0x65: {  	_ =	shalt  }
0x66: {  	_ =	shalt  }
0x67: {  	_ =	shalt  }
0x68: {  	_ =	shalt  }
0x69: {  	_ =	shalt  }
0x6a: {  	_ =	shalt  }
0x6b: {  	_ =	shalt  }
0x6c: {  	_ =	shalt  }
0x6d: {  	_ =	shalt  }
0x6e: {  	_ =	shalt  }
0x6f: {  	_ =	shalt  }
0x70: {  	_ =	shalt  }
0x71: {  	_ =	shalt  }
0x72: {  	_ =	shalt  }
0x73: {  	_ =	shalt  }
0x74: {  	_ =	shalt  }
0x75: {  	_ =	shalt  }
0x76: {  	_ =	shalt  }
0x77: {  	_ =	shalt  }
0x78: {  	_ =	shalt  }
0x79: {  	_ =	shalt  }
0x7a: {  	_ =	shalt  }
0x7b: {  	_ =	shalt  }
0x7c: {  	_ =	shalt  }
0x7d: {  	_ =	shalt  }
0x7e: {  	_ =	shalt  }
0x7f: {  	_ =	shalt  }
0x80: {  	_ =	shalt  }
0x81: {  	_ =	shalt  }
0x82: {  	_ =	shalt  }
0x83: {  	_ =	shalt  }
0x84: {  	_ =	shalt  }
0x85: {  	_ =	shalt  }
0x86: {  	_ =	shalt  }
0x87: {  	_ =	shalt  }
.Lfunc_end0:
.L_simem_size_0:
called_computation.1_lowered:
.L_overlay_start_0:
0x88: {  	s2 =	sld [smem:$0x3FD9]  }
0x89: {  	s3 =	sld [smem:$0x3FFE];
	_ =	sdelay $0x1  }
0x8a: {  	s1 =	srdreg.scid  }
0x8b: {  	s0 =	sand.u32 $0x1, s1  }
0x8c: {  	s16 =	sshll.u32 s0, $0xA;
	s2 =	sadd.s32 s3, s2  }
0x8d: {  	s2 =	sadd.s32 s2, s16  }
0x8e: {  	[smem:$0x3FB3] =	sst s2  }
0x8f: {  	_ = 	snop  }
0x90: {  	(tm) =	ssettm $0x1  }
0x91: {  	s17 =	sld [smem:$0x3FFB];
	_ =	sdelay $0x3  }
0x92: {  	_ =	strace s17  }
0x93: {  	s2 =	sld [smem:$0x3FFC];
	_ =	sdelay $0x3  }
0x94: {  	_ =	strace s2  }
0x95: {  	s2 =	sld [smem:$0x3FFD];
	_ =	sdelay $0x3  }
0x96: {  	_ =	strace s2  }
0x97: {  	_ =	strace $0x8FFFFFFF  }
0x98: {  	s18 =	sld [smem:$0x3FDB];
	_ =	sdelay $0x1  }
0x99: {  	s19 =	simm.s32 $_scs_section_size  }
0x9a: {  	s4 =	simm.s32 $_size__tile_overlayer_lowered;
	s5 =	simm.s32 $_tile_overlayer_lowered  }
0x9b: {  	s22 =	simm.s32 $0x1BFF;
	s21 =	sshll.u32 s5, $0x1;
	s2 =	sadd.s32 s19, s18  }
0x9c: {  	s6 =	simm.s32 $0x0;
	s20 =	sshll.u32 s4, $0x1;
	s4 =	sadd.s32 s21, s2  }
0x9d: {  	[timem:s6], [sflag:s22] =	dma.local [hbm:s4], s20  }
0x9e: {  	_ =	swait.ge [sflag:s22], s20  }
0x9f: {  	s3 =	ssub.s32 $0x0, s20;
	[sflag:s22] =	ssyncset.done $0x0  }
0xa0: {  	[sflag:s22] =	ssyncadd.s32 s3;
	_ =	sdelay $0x1  }
0xa1: {  	s23 =	simm.s32 $0x1B8B  }
0xa2: {  	_ =	swait.ge [sflag:s23], $0x1  }
0xa3: {  	[sflag:s23] =	ssyncset.done $0x0  }
0xa4: {  	s25 =	simm.s32 $0x1B8E;
	s24 =	sld [smem:$0x3FFE];
	[sflag:s23] =	ssyncadd.s32 $0xFFFFFFFF  }
0xa5: {  	s26 =	simm.s32 $execute0_lowered;
	[smem:$0x3FD2] =	sst s25  }
0xa6: {  	s4 =	sshll.u32 s26, $0x1;
	_ =	strace $0x80000049;
	[dreg:$0x1] =	wrdreg $0xFFFFFFFF  }
0xa7: {  	s28 =	simm.s32 $_size_execute0_lowered;
	s2 =	sadd.s32 s2, s4;
	[dreg:$0x0] =	wrdreg $0x0  }
0xa8: {  	s4 =	sshll.u32 s28, $0x1;
	[dreg:$0x2] =	wrdreg s2  }
0xa9: {  	[dreg:$0x3] =	wrdreg s4  }
0xaa: {  	[dreg:$0x4] =	wrdreg $0xC0  }
0xab: {  	_ =	task [dreg:s6], $0x5FFFF  }
0xac: {  	[dreg:$0x1] =	wrdreg $0xFFFFFFFF  }
0xad: {  	[dreg:$0x0] =	wrdreg $0x60  }
0xae: {  	[dreg:$0x2] =	wrdreg s24  }
0xaf: {  	[dreg:$0x3] =	wrdreg $0x140000  }
0xb0: {  	[dreg:$0x4] =	wrdreg $0x9  }
0xb1: {  	_ =	task.clear_ibuf [dreg:s6], $0x5FFFF;
	_ =	strace $0x90000049  }
0xb2: {  	s29 =	simm.s32 $0x9;
	_ =	strace $0x8000004B  }
0xb3: {  	_ =	swait.ge [sflag:s29], $0x1  }
0xb4: {  	[sflag:s29] =	ssyncadd.s32 $0xFFFFFFFF  }
0xb5: {  	_ =	strace $0x9000004B  }
0xb6: {  	_ =	sfence  }
0xb7: {  	s30 =	sld [smem:$0x0];
	_ =	sdelay $0x2  }
0xb8: {  	s31 =	sshll.u32 s1, $0xD;
	s1 =	sshrl.u32 s1, $0x2  }
0xb9: {  	s3 =	sand.u32 $0x4000, s31;
	s1 =	sadd.s32 s1, s30  }
0xba: {  	s0 =	sor.u32 s3, s0;
	s1 =	sshll.u32 s1, $0x11  }
0xbb: {  	s0 =	sor.u32 s1, s0  }
0xbc: {  	s0 =	sadd.s32 $0x8F2B, s0  }
0xbd: {  	[sflag:s0] =	ssyncadd.remote.s32 $0x1  }
0xbe: {  	_ =	sfence.sel $0xFFFF  }
0xbf: {  	[dreg:$0x0] =	wrdreg $0xFFFFFFFF;
	(pc) =	sbr.abs _section_cstart, $3  }
0xc0: {  	[dreg:$0x1] =	wrdreg $0xFFFFFFFF  }
0xc1: {  	_ =	task.clear_ibuf [dreg:s6], $0x2FFFF;
	_ =	strace $0x9FFFFFFF  }
0xc2: {  	(tm) =	ssettm $0x7FFFFFFF  }
0xc3: {  	_ =	shalt  }
tec
execute0_lowered:
.L_overlay_start_1:
0x0: {  	(tag) =	ssettag $0x1  }
0x1: {  	s0 =	srdreg.scid;
	s1 =	rddreg [dreg:$0x0]  }
0x2: {  	s2 =	rddreg [dreg:$0x1];
	s9 =	stileid.u32;
	s3 =	simm.s32 $0x0  }
0x3: {  	s11 =	simm.s32 $0x5000;
	s13 =	simm.s32 $0xC;
	s14 =	simm.s32 $0xB  }
0x4: {  	s15 =	simm.s32 $0x80;
	s16 =	simm.s32 $0xA000;
	s17 =	simm.s32 $0xC000  }
0x5: {  	s19 =	simm.s32 $0xE000;
	s21 =	simm.s32 $0x10000;
	s22 =	simm.s32 $0x1  }
0x6: {  	s28 =	simm.s32 $0x6;
	s30 =	simm.s32 $0x3;
	s6 =	smul.u32 $0x5000, s9  }
0x7: {  	s18 =	simm.s32 $0x4;
	s0 =	sand.u32 $0x1, s0;
	s8 =	smul.u32 $0xA000, s9  }
0x8: {  	s29 =	simm.s32 $0x5;
	s20 =	simm.s32 $0xA;
	s4 =	smul.u32 $0xA0000, s0  }
0x9: {  	[smem:$0x7FF] =	sst s3;
	s5 =	smul.u32 $0x50000, s0;
	s0 =	ssub.s32 $0x2, s0  }
0xa: {  	s31 =	sshll.u32 s9, $0x6;
	_ =	strace $0x8000004A;
	s23 =	sshrl.u32 s0, $0x1  }
0xb: {  	s26 =	sshrl.u32 s8, $0x3;
	s12 =	sadd.s32 s8, s2;
	s7 =	sshrl.u32 s4, $0x3  }
0xc: {  	s5 =	sadd.s32 s6, s5;
	s4 =	sadd.s32 s8, s4;
	s0 =	ssub.s32 s0, s23  }
0xd: {  	s8 =	sor.u32 $0x1C0C, s31;
	s12 =	sshrl.u32 s12, $0x3;
	s23 =	simm.s32 $0x8  }
0xe: {  	s7 =	sadd.s32 s7, s1;
	s5 =	sshrl.u32 s5, $0x3;
	s4 =	sshrl.u32 s4, $0x3  }
0xf: {  	s10 =	smax.u32 s0, $0x1;
	s0 =	simm.s32 $0x7;
	s5 =	sadd.s32 s5, s1  }
0x10: {  	s1 =	sadd.s32 s4, s1;
	s6 =	sadd.s32 $0x8B800, s7;
	s24 =	sadd.s32 $0x77800, s5  }
0x11: {  	s25 =	sadd.s32 $0x4600, s5;
	s7 =	sadd.s32 s26, s6;
	s9 =	sadd.s32 $0xB3800, s1  }
0x12: {  	s1 =	simm.s32 $0x9;
	s26 =	simm.s32 $0x0;
	[dreg:$0x3] =	wrdreg s24  }
0x13: {  	[dreg:$0x4] =	wrdreg s25;
	s24 =	simm.s32 $0x12000;
	s25 =	simm.s32 $0x2  }
.LBB2_1:
0x14: {  	s4 =	rddreg [dreg:$0x3]  }
0x15: {  	[tilespmem:s3], [sflag:$0xB] =	stream.linear.gather [hbm4b:s4+s3], $0x5000, $0x38;
	[tilespmem:$0x1E000] =	vst v63  }
0x16: {  	s5 =	rddreg [dreg:$0x4]  }
0x17: {  	[tilespmem:s11], [sflag:$0xB] =	stream.linear.gather [hbm4b:s5+s3], $0x5000, $0x38;
	[tilespmem:$0x1E000] =	vst v63  }
0x18: {  	[spmem:s12], [sflag:s8] =	dma.local [hbm:s7], $0x1400  }
0x19: {  	_ =	swait.ge [sflag:s13], $0x1400  }
0x1a: {  	[sflag:s13] =	ssyncset.done $0x0  }
0x1b: {  	[sflag:s13] =	ssyncadd.s32 $0xFFFFEC00  }
0x1c: {  	_ =	swait.ge [sflag:s14], $0x5000  }
0x1d: {  	[sflag:s14] =	ssyncset.done $0x0  }
0x1e: {  	[sflag:s14] =	ssyncadd.s32 $0xFFFFB000  }
0x1f: {  	_ =	swait.ge [sflag:s14], $0x5000  }
0x20: {  	[sflag:s14] =	ssyncset.done $0x0  }
0x21: {  	[sflag:s14] =	ssyncadd.s32 $0xFFFFB000  }
0x22: {  	[bflag:$0x0] =	sbarrier.arrive $0xFFFF  }
0x23: {  	[tilespmem:s16], [sflag:$0x1] =	stream.indirect.gather [hbm4b:s6+s15], $0x40, s3, s15, $0xb8;
	[tilespmem:$0x1E000] =	vst v63  }
0x24: {  	_ = 	snop  }
0x25: {  	[tilespmem:s17], [sflag:$0x2] =	stream.indirect.gather [hbm4b:s6+s15], $0x40, s15, s15, $0xb8;
	[tilespmem:$0x1E000] =	vst v63  }
0x26: {  	s5 =	simm.s32 $0x100  }
0x27: {  	[tilespmem:s19], [sflag:$0x3] =	stream.indirect.gather [hbm4b:s6+s15], $0x40, s5, s15, $0xb8;
	[tilespmem:$0x1E000] =	vst v63  }
0x28: {  	s5 =	simm.s32 $0x180  }
0x29: {  	[tilespmem:s21], [sflag:$0x4] =	stream.indirect.gather [hbm4b:s6+s15], $0x40, s5, s15, $0xb8;
	[tilespmem:$0x1E000] =	vst v63  }
0x2a: {  	_ =	swait.ge [sflag:s22], $0x2000  }
0x2b: {  	[sflag:s22] =	ssyncset.done $0x0  }
0x2c: {  	[sflag:s22] =	ssyncadd.s32 $0xFFFFE000  }
0x2d: {  	[spmem:s2] =	stream.indirect.scatter.add.f32 [tilespmem:s16], [sflag:$0x6], $0x40, s11, s15, $0xb8;
	[tilespmem:$0x1E000] =	vst v63  }
0x2e: {  	s5 =	simm.s32 $0x200  }
0x2f: {  	[tilespmem:s24], [sflag:$0x5] =	stream.indirect.gather [hbm4b:s6+s15], $0x40, s5, s15, $0xb8;
	[tilespmem:$0x1E000] =	vst v63  }
0x30: {  	_ =	swait.ge [sflag:s25], $0x2000  }
0x31: {  	[sflag:s25] =	ssyncset.done $0x0  }
0x32: {  	s5 =	simm.s32 $0x5080;
	[sflag:s25] =	ssyncadd.s32 $0xFFFFE000  }
0x33: {  	[spmem:s2] =	stream.indirect.scatter.add.f32 [tilespmem:s17], [sflag:$0x7], $0x40, s5, s15, $0xb8;
	[tilespmem:$0x1E000] =	vst v63  }
0x34: {  	_ =	swait.ge [sflag:s28], $0x2000  }
0x35: {  	[sflag:s28] =	ssyncset.done $0x0  }
0x36: {  	s5 =	simm.s32 $0x280;
	[sflag:s28] =	ssyncadd.s32 $0xFFFFE000  }
0x37: {  	[tilespmem:s16], [sflag:$0x1] =	stream.indirect.gather [hbm4b:s6+s15], $0x40, s5, s15, $0xb8;
	[tilespmem:$0x1E000] =	vst v63  }
0x38: {  	_ =	swait.ge [sflag:s30], $0x2000  }
0x39: {  	[sflag:s30] =	ssyncset.done $0x0  }
0x3a: {  	s5 =	simm.s32 $0x5100;
	[sflag:s30] =	ssyncadd.s32 $0xFFFFE000  }
0x3b: {  	[spmem:s2] =	stream.indirect.scatter.add.f32 [tilespmem:s19], [sflag:$0x8], $0x40, s5, s15, $0xb8;
	[tilespmem:$0x1E000] =	vst v63  }
0x3c: {  	_ =	swait.ge [sflag:s0], $0x2000  }
0x3d: {  	[sflag:s0] =	ssyncset.done $0x0  }
0x3e: {  	s5 =	simm.s32 $0x300;
	[sflag:s0] =	ssyncadd.s32 $0xFFFFE000  }
0x3f: {  	[tilespmem:s17], [sflag:$0x2] =	stream.indirect.gather [hbm4b:s6+s15], $0x40, s5, s15, $0xb8;
	[tilespmem:$0x1E000] =	vst v63  }
0x40: {  	_ =	swait.ge [sflag:s18], $0x2000  }
0x41: {  	[sflag:s18] =	ssyncset.done $0x0  }
0x42: {  	s5 =	simm.s32 $0x5180;
	[sflag:s18] =	ssyncadd.s32 $0xFFFFE000  }
0x43: {  	[spmem:s2] =	stream.indirect.scatter.add.f32 [tilespmem:s21], [sflag:$0x9], $0x40, s5, s15, $0xb8;
	[tilespmem:$0x1E000] =	vst v63  }
0x44: {  	_ =	swait.ge [sflag:s23], $0x2000  }
0x45: {  	[sflag:s23] =	ssyncset.done $0x0  }
0x46: {  	s5 =	simm.s32 $0x380;
	[sflag:s23] =	ssyncadd.s32 $0xFFFFE000  }
0x47: {  	[tilespmem:s19], [sflag:$0x3] =	stream.indirect.gather [hbm4b:s6+s15], $0x40, s5, s15, $0xb8;
	[tilespmem:$0x1E000] =	vst v63  }
0x48: {  	_ =	swait.ge [sflag:s29], $0x2000  }
0x49: {  	[sflag:s29] =	ssyncset.done $0x0  }
0x4a: {  	s5 =	simm.s32 $0x5200;
	[sflag:s29] =	ssyncadd.s32 $0xFFFFE000  }
0x4b: {  	[spmem:s2] =	stream.indirect.scatter.add.f32 [tilespmem:s24], [sflag:$0xA], $0x40, s5, s15, $0xb8;
	[tilespmem:$0x1E000] =	vst v63  }
0x4c: {  	_ =	swait.ge [sflag:s1], $0x2000  }
0x4d: {  	[sflag:s1] =	ssyncset.done $0x0  }
0x4e: {  	s5 =	simm.s32 $0x400;
	[sflag:s1] =	ssyncadd.s32 $0xFFFFE000  }
0x4f: {  	[tilespmem:s21], [sflag:$0x4] =	stream.indirect.gather [hbm4b:s6+s15], $0x40, s5, s15, $0xb8;
	[tilespmem:$0x1E000] =	vst v63  }
0x50: {  	_ =	swait.ge [sflag:s22], $0x2000  }
0x51: {  	[sflag:s22] =	ssyncset.done $0x0  }
0x52: {  	s5 =	simm.s32 $0x5280;
	[sflag:s22] =	ssyncadd.s32 $0xFFFFE000  }
0x53: {  	[spmem:s2] =	stream.indirect.scatter.add.f32 [tilespmem:s16], [sflag:$0x6], $0x40, s5, s15, $0xb8;
	[tilespmem:$0x1E000] =	vst v63  }
0x54: {  	_ =	swait.ge [sflag:s20], $0x2000  }
0x55: {  	[sflag:s20] =	ssyncset.done $0x0  }
0x56: {  	s5 =	simm.s32 $0x480;
	[sflag:s20] =	ssyncadd.s32 $0xFFFFE000  }
0x57: {  	[tilespmem:s24], [sflag:$0x5] =	stream.indirect.gather [hbm4b:s6+s15], $0x40, s5, s15, $0xb8;
	[tilespmem:$0x1E000] =	vst v63  }
0x58: {  	_ =	swait.ge [sflag:s25], $0x2000  }
0x59: {  	[sflag:s25] =	ssyncset.done $0x0  }
0x5a: {  	s5 =	simm.s32 $0x5300;
	[sflag:s25] =	ssyncadd.s32 $0xFFFFE000  }
0x5b: {  	[spmem:s2] =	stream.indirect.scatter.add.f32 [tilespmem:s17], [sflag:$0x7], $0x40, s5, s15, $0xb8;
	[tilespmem:$0x1E000] =	vst v63  }
0x5c: {  	_ =	swait.ge [sflag:s28], $0x2000  }
0x5d: {  	[sflag:s28] =	ssyncset.done $0x0  }
0x5e: {  	s5 =	simm.s32 $0x500;
	[sflag:s28] =	ssyncadd.s32 $0xFFFFE000  }
0x5f: {  	[tilespmem:s16], [sflag:$0x1] =	stream.indirect.gather [hbm4b:s6+s15], $0x40, s5, s15, $0xb8;
	[tilespmem:$0x1E000] =	vst v63  }
0x60: {  	_ =	swait.ge [sflag:s30], $0x2000  }
0x61: {  	[sflag:s30] =	ssyncset.done $0x0  }
0x62: {  	s5 =	simm.s32 $0x5380;
	[sflag:s30] =	ssyncadd.s32 $0xFFFFE000  }
0x63: {  	[spmem:s2] =	stream.indirect.scatter.add.f32 [tilespmem:s19], [sflag:$0x8], $0x40, s5, s15, $0xb8;
	[tilespmem:$0x1E000] =	vst v63  }
0x64: {  	_ =	swait.ge [sflag:s0], $0x2000  }
0x65: {  	[sflag:s0] =	ssyncset.done $0x0  }
0x66: {  	s5 =	simm.s32 $0x580;
	[sflag:s0] =	ssyncadd.s32 $0xFFFFE000  }
0x67: {  	[tilespmem:s17], [sflag:$0x2] =	stream.indirect.gather [hbm4b:s6+s15], $0x40, s5, s15, $0xb8;
	[tilespmem:$0x1E000] =	vst v63  }
0x68: {  	_ =	swait.ge [sflag:s18], $0x2000  }
0x69: {  	[sflag:s18] =	ssyncset.done $0x0  }
0x6a: {  	s5 =	simm.s32 $0x5400;
	[sflag:s18] =	ssyncadd.s32 $0xFFFFE000  }
0x6b: {  	[spmem:s2] =	stream.indirect.scatter.add.f32 [tilespmem:s21], [sflag:$0x9], $0x40, s5, s15, $0xb8;
	[tilespmem:$0x1E000] =	vst v63  }
0x6c: {  	_ =	swait.ge [sflag:s23], $0x2000  }
0x6d: {  	[sflag:s23] =	ssyncset.done $0x0  }
0x6e: {  	s5 =	simm.s32 $0x600;
	[sflag:s23] =	ssyncadd.s32 $0xFFFFE000  }
0x6f: {  	[tilespmem:s19], [sflag:$0x3] =	stream.indirect.gather [hbm4b:s6+s15], $0x40, s5, s15, $0xb8;
	[tilespmem:$0x1E000] =	vst v63  }
0x70: {  	_ =	swait.ge [sflag:s29], $0x2000  }
0x71: {  	[sflag:s29] =	ssyncset.done $0x0  }
0x72: {  	s31 =	simm.s32 $0xA00;
	s4 =	simm.s32 $0x5480;
	[sflag:s29] =	ssyncadd.s32 $0xFFFFE000  }
.LBB2_2:
0x73: {  	[spmem:s2] =	stream.indirect.scatter.add.f32 [tilespmem:s24], [sflag:$0xA], $0x40, s4, s15, $0xb8;
	[tilespmem:$0x1E000] =	vst v63  }
0x74: {  	s4 =	smov.u32 s31;
	s31 =	sadd.s32 $0xA00, s31;
	_ =	swait.ge [sflag:s1], $0x2000  }
0x75: {  	s4 =	sshra.s32 s4, $0x2;
	p0 =	sne.s32 s31, $0x12C00;
	[sflag:s1] =	ssyncset.done $0x0  }
0x76: {  	s5 =	sadd.s32 $0x400, s4;
	[sflag:s1] =	ssyncadd.s32 $0xFFFFE000  }
0x77: {  	[tilespmem:s21], [sflag:$0x4] =	stream.indirect.gather [hbm4b:s6+s15], $0x40, s5, s15, $0xb8;
	[tilespmem:$0x1E000] =	vst v63  }
0x78: {  	_ =	swait.ge [sflag:s22], $0x2000  }
0x79: {  	[sflag:s22] =	ssyncset.done $0x0  }
0x7a: {  	s5 =	sadd.s32 $0x5280, s4;
	[sflag:s22] =	ssyncadd.s32 $0xFFFFE000  }
0x7b: {  	[spmem:s2] =	stream.indirect.scatter.add.f32 [tilespmem:s16], [sflag:$0x6], $0x40, s5, s15, $0xb8;
	[tilespmem:$0x1E000] =	vst v63  }
0x7c: {  	_ =	swait.ge [sflag:s20], $0x2000  }
0x7d: {  	[sflag:s20] =	ssyncset.done $0x0  }
0x7e: {  	s5 =	sadd.s32 $0x480, s4;
	[sflag:s20] =	ssyncadd.s32 $0xFFFFE000  }
0x7f: {  	[tilespmem:s24], [sflag:$0x5] =	stream.indirect.gather [hbm4b:s6+s15], $0x40, s5, s15, $0xb8;
	[tilespmem:$0x1E000] =	vst v63  }
0x80: {  	_ =	swait.ge [sflag:s25], $0x2000  }
0x81: {  	[sflag:s25] =	ssyncset.done $0x0  }
0x82: {  	s5 =	sadd.s32 $0x5300, s4;
	[sflag:s25] =	ssyncadd.s32 $0xFFFFE000  }
0x83: {  	[spmem:s2] =	stream.indirect.scatter.add.f32 [tilespmem:s17], [sflag:$0x7], $0x40, s5, s15, $0xb8;
	[tilespmem:$0x1E000] =	vst v63  }
0x84: {  	_ =	swait.ge [sflag:s28], $0x2000  }
0x85: {  	[sflag:s28] =	ssyncset.done $0x0  }
0x86: {  	s5 =	sadd.s32 $0x500, s4;
	[sflag:s28] =	ssyncadd.s32 $0xFFFFE000  }
0x87: {  	[tilespmem:s16], [sflag:$0x1] =	stream.indirect.gather [hbm4b:s6+s15], $0x40, s5, s15, $0xb8;
	[tilespmem:$0x1E000] =	vst v63  }
0x88: {  	_ =	swait.ge [sflag:s30], $0x2000  }
0x89: {  	[sflag:s30] =	ssyncset.done $0x0  }
0x8a: {  	s5 =	sadd.s32 $0x5380, s4;
	[sflag:s30] =	ssyncadd.s32 $0xFFFFE000  }
0x8b: {  	[spmem:s2] =	stream.indirect.scatter.add.f32 [tilespmem:s19], [sflag:$0x8], $0x40, s5, s15, $0xb8;
	[tilespmem:$0x1E000] =	vst v63  }
0x8c: {  	_ =	swait.ge [sflag:s0], $0x2000  }
0x8d: {  	[sflag:s0] =	ssyncset.done $0x0  }
0x8e: {  	s5 =	sadd.s32 $0x580, s4;
	[sflag:s0] =	ssyncadd.s32 $0xFFFFE000  }
0x8f: {  	[tilespmem:s17], [sflag:$0x2] =	stream.indirect.gather [hbm4b:s6+s15], $0x40, s5, s15, $0xb8;
	[tilespmem:$0x1E000] =	vst v63  }
0x90: {  	_ =	swait.ge [sflag:s18], $0x2000  }
0x91: {  	[sflag:s18] =	ssyncset.done $0x0  }
0x92: {  	s5 =	sadd.s32 $0x5400, s4;
	[sflag:s18] =	ssyncadd.s32 $0xFFFFE000  }
0x93: {  	[spmem:s2] =	stream.indirect.scatter.add.f32 [tilespmem:s21], [sflag:$0x9], $0x40, s5, s15, $0xb8;
	[tilespmem:$0x1E000] =	vst v63  }
0x94: {  	_ =	swait.ge [sflag:s23], $0x2000  }
0x95: {  	[sflag:s23] =	ssyncset.done $0x0  }
.Ltmp0:
0x96: {  	s5 =	sadd.s32 $0x600, s4;
	[sflag:s23] =	ssyncadd.s32 $0xFFFFE000;
	(pc) =	sbr.rel @p0 .LBB2_2-.Ltmp0, $4  }
0x97: {  	[tilespmem:s19], [sflag:$0x3] =	stream.indirect.gather [hbm4b:s6+s15], $0x40, s5, s15, $0xb8;
	[tilespmem:$0x1E000] =	vst v63  }
0x98: {  	_ =	swait.ge [sflag:s29], $0x2000  }
0x99: {  	[sflag:s29] =	ssyncset.done $0x0  }
0x9a: {  	s4 =	sadd.s32 $0x5480, s4;
	[sflag:s29] =	ssyncadd.s32 $0xFFFFE000  }
0x9b: {  	[spmem:s2] =	stream.indirect.scatter.add.f32 [tilespmem:s24], [sflag:$0xA], $0x40, s4, s15, $0xb8;
	[tilespmem:$0x1E000] =	vst v63  }
0x9c: {  	_ =	swait.ge [sflag:s1], $0x2000  }
0x9d: {  	s4 =	sshra.s32 s31, $0x2;
	[sflag:s1] =	ssyncset.done $0x0  }
0x9e: {  	s5 =	sadd.s32 $0x400, s4;
	[sflag:s1] =	ssyncadd.s32 $0xFFFFE000  }
0x9f: {  	[tilespmem:s21], [sflag:$0x4] =	stream.indirect.gather [hbm4b:s6+s15], $0x40, s5, s15, $0xb8;
	[tilespmem:$0x1E000] =	vst v63  }
0xa0: {  	_ =	swait.ge [sflag:s22], $0x2000  }
0xa1: {  	[sflag:s22] =	ssyncset.done $0x0  }
0xa2: {  	s31 =	sadd.s32 $0x5280, s4;
	[sflag:s22] =	ssyncadd.s32 $0xFFFFE000  }
0xa3: {  	[spmem:s2] =	stream.indirect.scatter.add.f32 [tilespmem:s16], [sflag:$0x6], $0x40, s31, s15, $0xb8;
	[tilespmem:$0x1E000] =	vst v63  }
0xa4: {  	_ =	swait.ge [sflag:s20], $0x2000  }
0xa5: {  	[sflag:s20] =	ssyncset.done $0x0  }
0xa6: {  	s31 =	simm.s32 $0x4F80;
	[sflag:s20] =	ssyncadd.s32 $0xFFFFE000  }
0xa7: {  	[tilespmem:s24], [sflag:$0x5] =	stream.indirect.gather [hbm4b:s6+s15], $0x40, s31, s15, $0xb8;
	[tilespmem:$0x1E000] =	vst v63  }
0xa8: {  	_ =	swait.ge [sflag:s25], $0x2000  }
0xa9: {  	[sflag:s25] =	ssyncset.done $0x0  }
0xaa: {  	s31 =	sadd.s32 $0x5300, s4;
	[sflag:s25] =	ssyncadd.s32 $0xFFFFE000  }
0xab: {  	[spmem:s2] =	stream.indirect.scatter.add.f32 [tilespmem:s17], [sflag:$0x7], $0x40, s31, s15, $0xb8;
	[tilespmem:$0x1E000] =	vst v63  }
0xac: {  	_ =	swait.ge [sflag:s30], $0x2000  }
0xad: {  	[sflag:s30] =	ssyncset.done $0x0  }
0xae: {  	s31 =	sadd.s32 $0x5380, s4;
	[sflag:s30] =	ssyncadd.s32 $0xFFFFE000  }
0xaf: {  	[spmem:s2] =	stream.indirect.scatter.add.f32 [tilespmem:s19], [sflag:$0x8], $0x40, s31, s15, $0xb8;
	[tilespmem:$0x1E000] =	vst v63  }
0xb0: {  	_ =	swait.ge [sflag:s18], $0x2000  }
0xb1: {  	[sflag:s18] =	ssyncset.done $0x0  }
0xb2: {  	s4 =	sadd.s32 $0x5400, s4;
	[sflag:s18] =	ssyncadd.s32 $0xFFFFE000  }
0xb3: {  	[spmem:s2] =	stream.indirect.scatter.add.f32 [tilespmem:s21], [sflag:$0x9], $0x40, s4, s15, $0xb8;
	[tilespmem:$0x1E000] =	vst v63  }
0xb4: {  	_ =	swait.ge [sflag:s29], $0x2000  }
0xb5: {  	[sflag:s29] =	ssyncset.done $0x0  }
0xb6: {  	s31 =	simm.s32 $0x9F80;
	[sflag:s29] =	ssyncadd.s32 $0xFFFFE000  }
0xb7: {  	[spmem:s2] =	stream.indirect.scatter.add.f32 [tilespmem:s24], [sflag:$0xA], $0x40, s31, s15, $0xb8;
	[tilespmem:$0x1E000] =	vst v63  }
0xb8: {  	_ =	swait.ge [sflag:s28], $0x2000  }
0xb9: {  	[sflag:s28] =	ssyncset.done $0x0  }
0xba: {  	[sflag:s28] =	ssyncadd.s32 $0xFFFFE000  }
0xbb: {  	_ =	swait.ge [sflag:s0], $0x2000  }
0xbc: {  	[sflag:s0] =	ssyncset.done $0x0  }
0xbd: {  	[sflag:s0] =	ssyncadd.s32 $0xFFFFE000  }
0xbe: {  	_ =	swait.ge [sflag:s23], $0x2000  }
0xbf: {  	[sflag:s23] =	ssyncset.done $0x0  }
0xc0: {  	[sflag:s23] =	ssyncadd.s32 $0xFFFFE000  }
0xc1: {  	_ =	swait.ge [sflag:s1], $0x2000  }
0xc2: {  	[sflag:s1] =	ssyncset.done $0x0  }
0xc3: {  	[sflag:s1] =	ssyncadd.s32 $0xFFFFE000  }
0xc4: {  	_ =	swait.ge [sflag:s20], $0x2000  }
0xc5: {  	s26 =	sadd.s32 $0x1, s26;
	[sflag:s20] =	ssyncset.done $0x0  }
0xc6: {  	p0 =	sne.s32 s26, s10;
	[sflag:s20] =	ssyncadd.s32 $0xFFFFE000  }
.Ltmp1:
0xc7: {  	[bflag:$0x0] =	sbarrier.arrive $0xFFFF;
	(pc) =	sbr.rel @p0 .LBB2_1-.Ltmp1, $4  }
0xc8: {  	[hbm:s9], [sflag:s8] =	dma.local [spmem:s12], $0x1400  }
0xc9: {  	_ =	swait.ge [sflag:s13], $0x1400  }
0xca: {  	[sflag:s13] =	ssyncset.done $0x0  }
0xcb: {  	[sflag:s13] =	ssyncadd.s32 $0xFFFFEC00  }
0xcc: {  	_ =	sfence.sel $0x180000  }
0xcd: {  	[bflag:$0x0] =	sbarrier.arrive $0xFFFF  }
0xce: {  	_ =	strace $0x9000004A  }
0xcf: {  	s0 =	stileid.u32;
	[bflag:$0x2] =	sbarrier.arrive $0xFFFF  }
0xd0: {  	p0 =	sne.s32 s0, $0x0;
	s0 =	rddreg [dreg:$0x2]  }
0xd1: {  	s0 =	sadd.s32 @!p0 $0x100000, s0  }
0xd2: {  	[sflag:s0] =	ssyncadd.tile.s32 @!p0 $0x1;
	_ =	shalt  }
.Lfunc_end2:
_tile_overlayer_lowered:
.L_overlay_start_2:
0xd3: {  	(tag) =	ssettag $0x2  }
0xd4: {  	s0 =	rddreg [dreg:$0x0];
	s2 =	stileid.u32  }
0xd5: {  	s1 =	rddreg [dreg:$0x1];
	p0 =	sne.s32 s2, $0x0  }
0xd6: {  	s3 =	rddreg [dreg:$0x2];
	[bflag:$0x3] =	sbarrier.arrive $0xFFFF;
	s2 =	simm.s32 @!p0 $0x1C0C  }
0xd7: {  	[timem:s3], [sflag:s2] =	dma.local @!p0 [hbm:s0], s1  }
0xd8: {  	s0 =	simm.s32 @!p0 $0xC  }
0xd9: {  	_ =	swait.ge @!p0 [sflag:s0], s1  }
0xda: {  	s1 =	ssub.s32 @!p0 $0x0, s1;
	[sflag:s0] =	ssyncset.done @!p0 $0x0  }
0xdb: {  	[sflag:s0] =	ssyncadd.s32 @!p0 s1  }
0xdc: {  	[bflag:$0x3] =	sbarrier.arrive $0xFFFF  }
0xdd: {  	_ =	shalt  }

// kernel: kernel.18.cloned.1.call-start
scs
__scs_entry_jumppad:
0x0: {  	(pc) =	sbr.rel $0x88, $3  }
0x1: {  	(tag) =	ssettag $0x0;
	lr =	simm.s32 $0x1  }
0x2: {  	[smem:$0x3F8C] =	sst lr;
	_ =	strace $0xD0000000  }
0x3: {  	_ = 	snop  }
0x4: {  	_ = 	snop  }
0x5: {  	_ = 	snop  }
0x6: {  	_ = 	snop  }
0x7: {  	_ = 	snop  }
__scs_overlays_trampoline_lowered:
0x8: {  	[smem:$0x3F9B] =	sst s0  }
0x9: {  	[smem:$0x3F9C] =	sst s1  }
0xa: {  	[smem:$0x3F9D] =	sst s2  }
0xb: {  	[smem:$0x3F9E] =	sst s3  }
0xc: {  	[smem:$0x3F9F] =	sst s4  }
0xd: {  	[smem:$0x3FA0] =	sst s5  }
0xe: {  	[smem:$0x3FA1] =	sst s6  }
0xf: {  	[smem:$0x3FA2] =	sst s7  }
0x10: {  	[smem:$0x3FA3] =	sst s8  }
0x11: {  	[smem:$0x3FA4] =	sst s9;
	s0 =	simm.s32 @!p0 $0x0  }
0x12: {  	s1 =	sld [smem:$0x3F8A];
	s0 =	simm.s32 @p0 $0x1  }
0x13: {  	[smem:$0x3FA5] =	sst s0;
	s0 =	simm.s32 @!p1 $0x0  }
0x14: {  	s2 =	sld [smem:$0x3F89];
	s0 =	simm.s32 @p1 $0x1  }
0x15: {  	[smem:$0x3FA6] =	sst s0;
	s0 =	simm.s32 @!p2 $0x0  }
0x16: {  	s3 =	sld [smem:$0x3FDB];
	s0 =	simm.s32 @p2 $0x1  }
0x17: {  	s4 =	simm.s32 $0x1BF5;
	[smem:$0x3FA8] =	sst s0  }
0x18: {  	s0 =	sld [smem:$0x3F8B];
	_ =	swait.ge [sflag:s4], $0x0  }
0x19: {  	s7 =	sld [smem:$0x3F8C]  }
0x1a: {  	s8 =	sadd.s32 $0xFFFFE003, lr  }
0x1b: {  	s9 =	sadd.s32 $0xFFFFFEF7, lr;
	s5 =	simm.s32 $0xFFFFFFFF;
	p2 =	slt.u32 s8, $0xFFFFF086  }
0x1c: {  	p1 =	slt.u32 s9, $0xF7A;
	s5 =	simm.s32 @!p2 $0x0  }
0x1d: {  	s5 =	simm.s32 @p1 $0x1;
	p0 =	seq.s32 s7, s2  }
0x1e: {  	s7 =	smul.u32 @!p0 $0xF7A, s2;
	p2 =	seq.s32 @!p0 s5, $0x0  }
0x1f: {  	s9 =	smul.u32 $0xF7A, s1;
	s8 =	simm.s32 @!p0 $0x1BF5;
	p2 =	por !p2, p0  }
0x20: {  	[sflag:s8] =	ssyncset.s32 @!p0 $0xFFFFF086;
	s6 =	sadd.s32 @!p0 s3, s7;
	s7 =	simm.s32 @!p0 $0x108  }
0x21: {  	s3 =	sadd.s32 s3, s9;
	s6 =	sadd.s32 @!p0 $0x88, s6;
	s7 =	simm.s32 @p2 $0x1082  }
0x22: {  	[simem:s7], [sflag:s8] =	dma.local @!p0 [hbm:s6], $0xF7A  }
0x23: {  	s9 =	sor.u32 $0xD0000000, s2;
	s6 =	simm.s32 $0x108;
	_ =	swait.ge @!p0 [sflag:s8], $0x0  }
0x24: {  	s3 =	sadd.s32 $0x88, s3;
	s6 =	simm.s32 @!p1 $0x1082;
	[sflag:s4] =	ssyncset.s32 $0xFFFFF086  }
0x25: {  	[simem:s6], [sflag:s4] =	dma.local [hbm:s3], $0xF7A  }
0x26: {  	[smem:$0x3F8C] =	sst s1;
	(tag) =	ssettag s2;
	_ =	strace s9  }
0x27: {  	s1 =	sld [smem:$0x3F9C]  }
0x28: {  	s2 =	sld [smem:$0x3F9D]  }
0x29: {  	s4 =	sld [smem:$0x3F9F]  }
0x2a: {  	p0 =	seq.s32 s5, $0x0;
	s5 =	sld [smem:$0x3FA0]  }
0x2b: {  	s6 =	sld [smem:$0x3FA1]  }
0x2c: {  	s7 =	sld [smem:$0x3FA2]  }
0x2d: {  	s3 =	simm.s32 $0x108;
	s8 =	sld [smem:$0x3FA3]  }
0x2e: {  	s3 =	simm.s32 @!p0 $0x1082;
	s9 =	sld [smem:$0x3FA4]  }
0x2f: {  	lr =	sadd.s32 s0, s3;
	s0 =	sld [smem:$0x3F9B]  }
0x30: {  	s3 =	sld [smem:$0x3F9E]  }
0x31: {  	[smem:$0x3FA7] =	sst s10  }
0x32: {  	s10 =	sld [smem:$0x3FA5];
	_ =	sdelay $0x3  }
0x33: {  	p0 =	seq.s32 s10, $0x1;
	s10 =	sld [smem:$0x3FA7];
	_ =	sdelay $0x3  }
0x34: {  	[smem:$0x3FA7] =	sst s10  }
0x35: {  	s10 =	sld [smem:$0x3FA6];
	_ =	sdelay $0x3  }
0x36: {  	p1 =	seq.s32 s10, $0x1;
	s10 =	sld [smem:$0x3FA7];
	_ =	sdelay $0x3  }
0x37: {  	[smem:$0x3FA7] =	sst s10  }
0x38: {  	s10 =	sld [smem:$0x3FA8]  }
0x39: {  	_ = 	snop;
	(pc) =	sbr.ind lr, $3  }
0x3a: {  	_ = 	snop  }
0x3b: {  	_ = 	snop  }
0x3c: {  	p2 =	seq.s32 s10, $0x1;
	s10 =	sld [smem:$0x3FA7]  }
0x3d: {  	_ =	shalt  }
0x3e: {  	_ =	shalt  }
0x3f: {  	_ =	shalt  }
0x40: {  	_ =	shalt  }
0x41: {  	_ =	shalt  }
0x42: {  	_ =	shalt  }
0x43: {  	_ =	shalt  }
0x44: {  	_ =	shalt  }
0x45: {  	_ =	shalt  }
0x46: {  	_ =	shalt  }
0x47: {  	_ =	shalt  }
0x48: {  	_ =	shalt  }
0x49: {  	_ =	shalt  }
0x4a: {  	_ =	shalt  }
0x4b: {  	_ =	shalt  }
0x4c: {  	_ =	shalt  }
0x4d: {  	_ =	shalt  }
0x4e: {  	_ =	shalt  }
0x4f: {  	_ =	shalt  }
0x50: {  	_ =	shalt  }
0x51: {  	_ =	shalt  }
0x52: {  	_ =	shalt  }
0x53: {  	_ =	shalt  }
0x54: {  	_ =	shalt  }
0x55: {  	_ =	shalt  }
0x56: {  	_ =	shalt  }
0x57: {  	_ =	shalt  }
0x58: {  	_ =	shalt  }
0x59: {  	_ =	shalt  }
0x5a: {  	_ =	shalt  }
0x5b: {  	_ =	shalt  }
0x5c: {  	_ =	shalt  }
0x5d: {  	_ =	shalt  }
0x5e: {  	_ =	shalt  }
0x5f: {  	_ =	shalt  }
0x60: {  	_ =	shalt  }
0x61: {  	_ =	shalt  }
0x62: {  	_ =	shalt  }
0x63: {  	_ =	shalt  }
0x64: {  	_ =	shalt  }
0x65: {  	_ =	shalt  }
0x66: {  	_ =	shalt  }
0x67: {  	_ =	shalt  }
0x68: {  	_ =	shalt  }
0x69: {  	_ =	shalt  }
0x6a: {  	_ =	shalt  }
0x6b: {  	_ =	shalt  }
0x6c: {  	_ =	shalt  }
0x6d: {  	_ =	shalt  }
0x6e: {  	_ =	shalt  }
0x6f: {  	_ =	shalt  }
0x70: {  	_ =	shalt  }
0x71: {  	_ =	shalt  }
0x72: {  	_ =	shalt  }
0x73: {  	_ =	shalt  }
0x74: {  	_ =	shalt  }
0x75: {  	_ =	shalt  }
0x76: {  	_ =	shalt  }
0x77: {  	_ =	shalt  }
0x78: {  	_ =	shalt  }
0x79: {  	_ =	shalt  }
0x7a: {  	_ =	shalt  }
0x7b: {  	_ =	shalt  }
0x7c: {  	_ =	shalt  }
0x7d: {  	_ =	shalt  }
0x7e: {  	_ =	shalt  }
0x7f: {  	_ =	shalt  }
0x80: {  	_ =	shalt  }
0x81: {  	_ =	shalt  }
0x82: {  	_ =	shalt  }
0x83: {  	_ =	shalt  }
0x84: {  	_ =	shalt  }
0x85: {  	_ =	shalt  }
0x86: {  	_ =	shalt  }
0x87: {  	_ =	shalt  }
.Lfunc_end0:
.L_simem_size_0:
called_computation.2_lowered:
.L_overlay_start_0:
0x88: {  	s2 =	sld [smem:$0x3FD9]  }
0x89: {  	s3 =	sld [smem:$0x3FFE];
	_ =	sdelay $0x1  }
0x8a: {  	s1 =	srdreg.scid  }
0x8b: {  	s0 =	sand.u32 $0x1, s1  }
0x8c: {  	s16 =	sshll.u32 s0, $0xA;
	s2 =	sadd.s32 s3, s2  }
0x8d: {  	s2 =	sadd.s32 s2, s16  }
0x8e: {  	[smem:$0x3FB3] =	sst s2  }
0x8f: {  	_ = 	snop  }
0x90: {  	(tm) =	ssettm $0x1  }
0x91: {  	s17 =	sld [smem:$0x3FFB];
	_ =	sdelay $0x3  }
0x92: {  	_ =	strace s17  }
0x93: {  	s2 =	sld [smem:$0x3FFC];
	_ =	sdelay $0x3  }
0x94: {  	_ =	strace s2  }
0x95: {  	s2 =	sld [smem:$0x3FFD];
	_ =	sdelay $0x3  }
0x96: {  	_ =	strace s2  }
0x97: {  	_ =	strace $0x8FFFFFFF  }
0x98: {  	s18 =	sld [smem:$0x3FDB];
	_ =	sdelay $0x1  }
0x99: {  	s19 =	simm.s32 $_scs_section_size  }
0x9a: {  	s4 =	simm.s32 $_size__tile_overlayer_lowered;
	s5 =	simm.s32 $_tile_overlayer_lowered  }
0x9b: {  	s22 =	simm.s32 $0x1BFF;
	s21 =	sshll.u32 s5, $0x1;
	s2 =	sadd.s32 s19, s18  }
0x9c: {  	s6 =	simm.s32 $0x0;
	s20 =	sshll.u32 s4, $0x1;
	s4 =	sadd.s32 s21, s2  }
0x9d: {  	[timem:s6], [sflag:s22] =	dma.local [hbm:s4], s20  }
0x9e: {  	_ =	swait.ge [sflag:s22], s20  }
0x9f: {  	s3 =	ssub.s32 $0x0, s20;
	[sflag:s22] =	ssyncset.done $0x0  }
0xa0: {  	[sflag:s22] =	ssyncadd.s32 s3;
	_ =	sdelay $0x1  }
0xa1: {  	s23 =	simm.s32 $0x1B8B  }
0xa2: {  	_ =	swait.ge [sflag:s23], $0x1  }
0xa3: {  	[sflag:s23] =	ssyncset.done $0x0  }
0xa4: {  	s25 =	simm.s32 $0x1B8E;
	s24 =	sld [smem:$0x3FFE];
	[sflag:s23] =	ssyncadd.s32 $0xFFFFFFFF  }
0xa5: {  	s26 =	simm.s32 $execute0_lowered;
	[smem:$0x3FD2] =	sst s25  }
0xa6: {  	s4 =	sshll.u32 s26, $0x1;
	_ =	strace $0x8000004C;
	[dreg:$0x1] =	wrdreg $0xFFFFFFFF  }
0xa7: {  	s28 =	simm.s32 $_size_execute0_lowered;
	s2 =	sadd.s32 s2, s4;
	[dreg:$0x0] =	wrdreg $0x0  }
0xa8: {  	s4 =	sshll.u32 s28, $0x1;
	[dreg:$0x2] =	wrdreg s2  }
0xa9: {  	[dreg:$0x3] =	wrdreg s4  }
0xaa: {  	[dreg:$0x4] =	wrdreg $0xC0  }
0xab: {  	_ =	task [dreg:s6], $0x5FFFF  }
0xac: {  	[dreg:$0x1] =	wrdreg $0xFFFFFFFF  }
0xad: {  	[dreg:$0x0] =	wrdreg $0x60  }
0xae: {  	[dreg:$0x2] =	wrdreg s24  }
0xaf: {  	[dreg:$0x3] =	wrdreg $0x140000  }
0xb0: {  	[dreg:$0x4] =	wrdreg $0x9  }
0xb1: {  	_ =	task.clear_ibuf [dreg:s6], $0x5FFFF;
	_ =	strace $0x9000004C  }
0xb2: {  	s29 =	simm.s32 $0x9;
	_ =	strace $0x8000004E  }
0xb3: {  	_ =	swait.ge [sflag:s29], $0x1  }
0xb4: {  	[sflag:s29] =	ssyncadd.s32 $0xFFFFFFFF  }
0xb5: {  	_ =	strace $0x9000004E  }
0xb6: {  	_ =	sfence  }
0xb7: {  	s30 =	sld [smem:$0x0];
	_ =	sdelay $0x2  }
0xb8: {  	s31 =	sshll.u32 s1, $0xD;
	s1 =	sshrl.u32 s1, $0x2  }
0xb9: {  	s3 =	sand.u32 $0x4000, s31;
	s1 =	sadd.s32 s1, s30  }
0xba: {  	s0 =	sor.u32 s3, s0;
	s1 =	sshll.u32 s1, $0x11  }
0xbb: {  	s0 =	sor.u32 s1, s0  }
0xbc: {  	s0 =	sadd.s32 $0x8F2B, s0  }
0xbd: {  	[sflag:s0] =	ssyncadd.remote.s32 $0x1  }
0xbe: {  	_ =	sfence.sel $0xFFFF  }
0xbf: {  	[dreg:$0x0] =	wrdreg $0xFFFFFFFF;
	(pc) =	sbr.abs _section_cstart, $3  }
0xc0: {  	[dreg:$0x1] =	wrdreg $0xFFFFFFFF  }
0xc1: {  	_ =	task.clear_ibuf [dreg:s6], $0x2FFFF;
	_ =	strace $0x9FFFFFFF  }
0xc2: {  	(tm) =	ssettm $0x7FFFFFFF  }
0xc3: {  	_ =	shalt  }
tec
execute0_lowered:
.L_overlay_start_1:
0x0: {  	(tag) =	ssettag $0x1  }
0x1: {  	s0 =	srdreg.scid;
	s1 =	rddreg [dreg:$0x0]  }
0x2: {  	s2 =	rddreg [dreg:$0x1];
	s9 =	stileid.u32;
	s3 =	simm.s32 $0x0  }
0x3: {  	s11 =	simm.s32 $0x5000;
	s13 =	simm.s32 $0xC;
	s14 =	simm.s32 $0xB  }
0x4: {  	s15 =	simm.s32 $0x80;
	s16 =	simm.s32 $0xA000;
	s17 =	simm.s32 $0xC000  }
0x5: {  	s19 =	simm.s32 $0xE000;
	s21 =	simm.s32 $0x10000;
	s22 =	simm.s32 $0x1  }
0x6: {  	s28 =	simm.s32 $0x6;
	s30 =	simm.s32 $0x3;
	s6 =	smul.u32 $0x5000, s9  }
0x7: {  	s18 =	simm.s32 $0x4;
	s0 =	sand.u32 $0x1, s0;
	s8 =	smul.u32 $0xA000, s9  }
0x8: {  	s29 =	simm.s32 $0x5;
	s20 =	simm.s32 $0xA;
	s4 =	smul.u32 $0xA0000, s0  }
0x9: {  	[smem:$0x7FF] =	sst s3;
	s5 =	smul.u32 $0x50000, s0;
	s0 =	ssub.s32 $0x2, s0  }
0xa: {  	s31 =	sshll.u32 s9, $0x6;
	_ =	strace $0x8000004D;
	s23 =	sshrl.u32 s0, $0x1  }
0xb: {  	s26 =	sshrl.u32 s8, $0x3;
	s12 =	sadd.s32 s8, s2;
	s7 =	sshrl.u32 s4, $0x3  }
0xc: {  	s5 =	sadd.s32 s6, s5;
	s4 =	sadd.s32 s8, s4;
	s0 =	ssub.s32 s0, s23  }
0xd: {  	s8 =	sor.u32 $0x1C0C, s31;
	s12 =	sshrl.u32 s12, $0x3;
	s23 =	simm.s32 $0x8  }
0xe: {  	s7 =	sadd.s32 s7, s1;
	s5 =	sshrl.u32 s5, $0x3;
	s4 =	sshrl.u32 s4, $0x3  }
0xf: {  	s10 =	smax.u32 s0, $0x1;
	s0 =	simm.s32 $0x7;
	s5 =	sadd.s32 s5, s1  }
0x10: {  	s1 =	sadd.s32 s4, s1;
	s6 =	sadd.s32 $0x8B800, s7;
	s24 =	sadd.s32 $0x77800, s5  }
0x11: {  	s25 =	sadd.s32 $0x4600, s5;
	s7 =	sadd.s32 s26, s6;
	s9 =	sadd.s32 $0xB3800, s1  }
0x12: {  	s1 =	simm.s32 $0x9;
	s26 =	simm.s32 $0x0;
	[dreg:$0x3] =	wrdreg s24  }
0x13: {  	[dreg:$0x4] =	wrdreg s25;
	s24 =	simm.s32 $0x12000;
	s25 =	simm.s32 $0x2  }
.LBB2_1:
0x14: {  	s4 =	rddreg [dreg:$0x3]  }
0x15: {  	[tilespmem:s3], [sflag:$0xB] =	stream.linear.gather [hbm4b:s4+s3], $0x5000, $0x38;
	[tilespmem:$0x1E000] =	vst v63  }
0x16: {  	s5 =	rddreg [dreg:$0x4]  }
0x17: {  	[tilespmem:s11], [sflag:$0xB] =	stream.linear.gather [hbm4b:s5+s3], $0x5000, $0x38;
	[tilespmem:$0x1E000] =	vst v63  }
0x18: {  	[spmem:s12], [sflag:s8] =	dma.local [hbm:s7], $0x1400  }
0x19: {  	_ =	swait.ge [sflag:s13], $0x1400  }
0x1a: {  	[sflag:s13] =	ssyncset.done $0x0  }
0x1b: {  	[sflag:s13] =	ssyncadd.s32 $0xFFFFEC00  }
0x1c: {  	_ =	swait.ge [sflag:s14], $0x5000  }
0x1d: {  	[sflag:s14] =	ssyncset.done $0x0  }
0x1e: {  	[sflag:s14] =	ssyncadd.s32 $0xFFFFB000  }
0x1f: {  	_ =	swait.ge [sflag:s14], $0x5000  }
0x20: {  	[sflag:s14] =	ssyncset.done $0x0  }
0x21: {  	[sflag:s14] =	ssyncadd.s32 $0xFFFFB000  }
0x22: {  	[bflag:$0x0] =	sbarrier.arrive $0xFFFF  }
0x23: {  	[tilespmem:s16], [sflag:$0x1] =	stream.indirect.gather [hbm4b:s6+s15], $0x40, s3, s15, $0xb8;
	[tilespmem:$0x1E000] =	vst v63  }
0x24: {  	_ = 	snop  }
0x25: {  	[tilespmem:s17], [sflag:$0x2] =	stream.indirect.gather [hbm4b:s6+s15], $0x40, s15, s15, $0xb8;
	[tilespmem:$0x1E000] =	vst v63  }
0x26: {  	s5 =	simm.s32 $0x100  }
0x27: {  	[tilespmem:s19], [sflag:$0x3] =	stream.indirect.gather [hbm4b:s6+s15], $0x40, s5, s15, $0xb8;
	[tilespmem:$0x1E000] =	vst v63  }
0x28: {  	s5 =	simm.s32 $0x180  }
0x29: {  	[tilespmem:s21], [sflag:$0x4] =	stream.indirect.gather [hbm4b:s6+s15], $0x40, s5, s15, $0xb8;
	[tilespmem:$0x1E000] =	vst v63  }
0x2a: {  	_ =	swait.ge [sflag:s22], $0x2000  }
0x2b: {  	[sflag:s22] =	ssyncset.done $0x0  }
0x2c: {  	[sflag:s22] =	ssyncadd.s32 $0xFFFFE000  }
0x2d: {  	[spmem:s2] =	stream.indirect.scatter.add.f32 [tilespmem:s16], [sflag:$0x6], $0x40, s11, s15, $0xb8;
	[tilespmem:$0x1E000] =	vst v63  }
0x2e: {  	s5 =	simm.s32 $0x200  }
0x2f: {  	[tilespmem:s24], [sflag:$0x5] =	stream.indirect.gather [hbm4b:s6+s15], $0x40, s5, s15, $0xb8;
	[tilespmem:$0x1E000] =	vst v63  }
0x30: {  	_ =	swait.ge [sflag:s25], $0x2000  }
0x31: {  	[sflag:s25] =	ssyncset.done $0x0  }
0x32: {  	s5 =	simm.s32 $0x5080;
	[sflag:s25] =	ssyncadd.s32 $0xFFFFE000  }
0x33: {  	[spmem:s2] =	stream.indirect.scatter.add.f32 [tilespmem:s17], [sflag:$0x7], $0x40, s5, s15, $0xb8;
	[tilespmem:$0x1E000] =	vst v63  }
0x34: {  	_ =	swait.ge [sflag:s28], $0x2000  }
0x35: {  	[sflag:s28] =	ssyncset.done $0x0  }
0x36: {  	s5 =	simm.s32 $0x280;
	[sflag:s28] =	ssyncadd.s32 $0xFFFFE000  }
0x37: {  	[tilespmem:s16], [sflag:$0x1] =	stream.indirect.gather [hbm4b:s6+s15], $0x40, s5, s15, $0xb8;
	[tilespmem:$0x1E000] =	vst v63  }
0x38: {  	_ =	swait.ge [sflag:s30], $0x2000  }
0x39: {  	[sflag:s30] =	ssyncset.done $0x0  }
0x3a: {  	s5 =	simm.s32 $0x5100;
	[sflag:s30] =	ssyncadd.s32 $0xFFFFE000  }
0x3b: {  	[spmem:s2] =	stream.indirect.scatter.add.f32 [tilespmem:s19], [sflag:$0x8], $0x40, s5, s15, $0xb8;
	[tilespmem:$0x1E000] =	vst v63  }
0x3c: {  	_ =	swait.ge [sflag:s0], $0x2000  }
0x3d: {  	[sflag:s0] =	ssyncset.done $0x0  }
0x3e: {  	s5 =	simm.s32 $0x300;
	[sflag:s0] =	ssyncadd.s32 $0xFFFFE000  }
0x3f: {  	[tilespmem:s17], [sflag:$0x2] =	stream.indirect.gather [hbm4b:s6+s15], $0x40, s5, s15, $0xb8;
	[tilespmem:$0x1E000] =	vst v63  }
0x40: {  	_ =	swait.ge [sflag:s18], $0x2000  }
0x41: {  	[sflag:s18] =	ssyncset.done $0x0  }
0x42: {  	s5 =	simm.s32 $0x5180;
	[sflag:s18] =	ssyncadd.s32 $0xFFFFE000  }
0x43: {  	[spmem:s2] =	stream.indirect.scatter.add.f32 [tilespmem:s21], [sflag:$0x9], $0x40, s5, s15, $0xb8;
	[tilespmem:$0x1E000] =	vst v63  }
0x44: {  	_ =	swait.ge [sflag:s23], $0x2000  }
0x45: {  	[sflag:s23] =	ssyncset.done $0x0  }
0x46: {  	s5 =	simm.s32 $0x380;
	[sflag:s23] =	ssyncadd.s32 $0xFFFFE000  }
0x47: {  	[tilespmem:s19], [sflag:$0x3] =	stream.indirect.gather [hbm4b:s6+s15], $0x40, s5, s15, $0xb8;
	[tilespmem:$0x1E000] =	vst v63  }
0x48: {  	_ =	swait.ge [sflag:s29], $0x2000  }
0x49: {  	[sflag:s29] =	ssyncset.done $0x0  }
0x4a: {  	s5 =	simm.s32 $0x5200;
	[sflag:s29] =	ssyncadd.s32 $0xFFFFE000  }
0x4b: {  	[spmem:s2] =	stream.indirect.scatter.add.f32 [tilespmem:s24], [sflag:$0xA], $0x40, s5, s15, $0xb8;
	[tilespmem:$0x1E000] =	vst v63  }
0x4c: {  	_ =	swait.ge [sflag:s1], $0x2000  }
0x4d: {  	[sflag:s1] =	ssyncset.done $0x0  }
0x4e: {  	s5 =	simm.s32 $0x400;
	[sflag:s1] =	ssyncadd.s32 $0xFFFFE000  }
0x4f: {  	[tilespmem:s21], [sflag:$0x4] =	stream.indirect.gather [hbm4b:s6+s15], $0x40, s5, s15, $0xb8;
	[tilespmem:$0x1E000] =	vst v63  }
0x50: {  	_ =	swait.ge [sflag:s22], $0x2000  }
0x51: {  	[sflag:s22] =	ssyncset.done $0x0  }
0x52: {  	s5 =	simm.s32 $0x5280;
	[sflag:s22] =	ssyncadd.s32 $0xFFFFE000  }
0x53: {  	[spmem:s2] =	stream.indirect.scatter.add.f32 [tilespmem:s16], [sflag:$0x6], $0x40, s5, s15, $0xb8;
	[tilespmem:$0x1E000] =	vst v63  }
0x54: {  	_ =	swait.ge [sflag:s20], $0x2000  }
0x55: {  	[sflag:s20] =	ssyncset.done $0x0  }
0x56: {  	s5 =	simm.s32 $0x480;
	[sflag:s20] =	ssyncadd.s32 $0xFFFFE000  }
0x57: {  	[tilespmem:s24], [sflag:$0x5] =	stream.indirect.gather [hbm4b:s6+s15], $0x40, s5, s15, $0xb8;
	[tilespmem:$0x1E000] =	vst v63  }
0x58: {  	_ =	swait.ge [sflag:s25], $0x2000  }
0x59: {  	[sflag:s25] =	ssyncset.done $0x0  }
0x5a: {  	s5 =	simm.s32 $0x5300;
	[sflag:s25] =	ssyncadd.s32 $0xFFFFE000  }
0x5b: {  	[spmem:s2] =	stream.indirect.scatter.add.f32 [tilespmem:s17], [sflag:$0x7], $0x40, s5, s15, $0xb8;
	[tilespmem:$0x1E000] =	vst v63  }
0x5c: {  	_ =	swait.ge [sflag:s28], $0x2000  }
0x5d: {  	[sflag:s28] =	ssyncset.done $0x0  }
0x5e: {  	s5 =	simm.s32 $0x500;
	[sflag:s28] =	ssyncadd.s32 $0xFFFFE000  }
0x5f: {  	[tilespmem:s16], [sflag:$0x1] =	stream.indirect.gather [hbm4b:s6+s15], $0x40, s5, s15, $0xb8;
	[tilespmem:$0x1E000] =	vst v63  }
0x60: {  	_ =	swait.ge [sflag:s30], $0x2000  }
0x61: {  	[sflag:s30] =	ssyncset.done $0x0  }
0x62: {  	s5 =	simm.s32 $0x5380;
	[sflag:s30] =	ssyncadd.s32 $0xFFFFE000  }
0x63: {  	[spmem:s2] =	stream.indirect.scatter.add.f32 [tilespmem:s19], [sflag:$0x8], $0x40, s5, s15, $0xb8;
	[tilespmem:$0x1E000] =	vst v63  }
0x64: {  	_ =	swait.ge [sflag:s0], $0x2000  }
0x65: {  	[sflag:s0] =	ssyncset.done $0x0  }
0x66: {  	s5 =	simm.s32 $0x580;
	[sflag:s0] =	ssyncadd.s32 $0xFFFFE000  }
0x67: {  	[tilespmem:s17], [sflag:$0x2] =	stream.indirect.gather [hbm4b:s6+s15], $0x40, s5, s15, $0xb8;
	[tilespmem:$0x1E000] =	vst v63  }
0x68: {  	_ =	swait.ge [sflag:s18], $0x2000  }
0x69: {  	[sflag:s18] =	ssyncset.done $0x0  }
0x6a: {  	s5 =	simm.s32 $0x5400;
	[sflag:s18] =	ssyncadd.s32 $0xFFFFE000  }
0x6b: {  	[spmem:s2] =	stream.indirect.scatter.add.f32 [tilespmem:s21], [sflag:$0x9], $0x40, s5, s15, $0xb8;
	[tilespmem:$0x1E000] =	vst v63  }
0x6c: {  	_ =	swait.ge [sflag:s23], $0x2000  }
0x6d: {  	[sflag:s23] =	ssyncset.done $0x0  }
0x6e: {  	s5 =	simm.s32 $0x600;
	[sflag:s23] =	ssyncadd.s32 $0xFFFFE000  }
0x6f: {  	[tilespmem:s19], [sflag:$0x3] =	stream.indirect.gather [hbm4b:s6+s15], $0x40, s5, s15, $0xb8;
	[tilespmem:$0x1E000] =	vst v63  }
0x70: {  	_ =	swait.ge [sflag:s29], $0x2000  }
0x71: {  	[sflag:s29] =	ssyncset.done $0x0  }
0x72: {  	s31 =	simm.s32 $0xA00;
	s4 =	simm.s32 $0x5480;
	[sflag:s29] =	ssyncadd.s32 $0xFFFFE000  }
.LBB2_2:
0x73: {  	[spmem:s2] =	stream.indirect.scatter.add.f32 [tilespmem:s24], [sflag:$0xA], $0x40, s4, s15, $0xb8;
	[tilespmem:$0x1E000] =	vst v63  }
0x74: {  	s4 =	smov.u32 s31;
	s31 =	sadd.s32 $0xA00, s31;
	_ =	swait.ge [sflag:s1], $0x2000  }
0x75: {  	s4 =	sshra.s32 s4, $0x2;
	p0 =	sne.s32 s31, $0x12C00;
	[sflag:s1] =	ssyncset.done $0x0  }
0x76: {  	s5 =	sadd.s32 $0x400, s4;
	[sflag:s1] =	ssyncadd.s32 $0xFFFFE000  }
0x77: {  	[tilespmem:s21], [sflag:$0x4] =	stream.indirect.gather [hbm4b:s6+s15], $0x40, s5, s15, $0xb8;
	[tilespmem:$0x1E000] =	vst v63  }
0x78: {  	_ =	swait.ge [sflag:s22], $0x2000  }
0x79: {  	[sflag:s22] =	ssyncset.done $0x0  }
0x7a: {  	s5 =	sadd.s32 $0x5280, s4;
	[sflag:s22] =	ssyncadd.s32 $0xFFFFE000  }
0x7b: {  	[spmem:s2] =	stream.indirect.scatter.add.f32 [tilespmem:s16], [sflag:$0x6], $0x40, s5, s15, $0xb8;
	[tilespmem:$0x1E000] =	vst v63  }
0x7c: {  	_ =	swait.ge [sflag:s20], $0x2000  }
0x7d: {  	[sflag:s20] =	ssyncset.done $0x0  }
0x7e: {  	s5 =	sadd.s32 $0x480, s4;
	[sflag:s20] =	ssyncadd.s32 $0xFFFFE000  }
0x7f: {  	[tilespmem:s24], [sflag:$0x5] =	stream.indirect.gather [hbm4b:s6+s15], $0x40, s5, s15, $0xb8;
	[tilespmem:$0x1E000] =	vst v63  }
0x80: {  	_ =	swait.ge [sflag:s25], $0x2000  }
0x81: {  	[sflag:s25] =	ssyncset.done $0x0  }
0x82: {  	s5 =	sadd.s32 $0x5300, s4;
	[sflag:s25] =	ssyncadd.s32 $0xFFFFE000  }
0x83: {  	[spmem:s2] =	stream.indirect.scatter.add.f32 [tilespmem:s17], [sflag:$0x7], $0x40, s5, s15, $0xb8;
	[tilespmem:$0x1E000] =	vst v63  }
0x84: {  	_ =	swait.ge [sflag:s28], $0x2000  }
0x85: {  	[sflag:s28] =	ssyncset.done $0x0  }
0x86: {  	s5 =	sadd.s32 $0x500, s4;
	[sflag:s28] =	ssyncadd.s32 $0xFFFFE000  }
0x87: {  	[tilespmem:s16], [sflag:$0x1] =	stream.indirect.gather [hbm4b:s6+s15], $0x40, s5, s15, $0xb8;
	[tilespmem:$0x1E000] =	vst v63  }
0x88: {  	_ =	swait.ge [sflag:s30], $0x2000  }
0x89: {  	[sflag:s30] =	ssyncset.done $0x0  }
0x8a: {  	s5 =	sadd.s32 $0x5380, s4;
	[sflag:s30] =	ssyncadd.s32 $0xFFFFE000  }
0x8b: {  	[spmem:s2] =	stream.indirect.scatter.add.f32 [tilespmem:s19], [sflag:$0x8], $0x40, s5, s15, $0xb8;
	[tilespmem:$0x1E000] =	vst v63  }
0x8c: {  	_ =	swait.ge [sflag:s0], $0x2000  }
0x8d: {  	[sflag:s0] =	ssyncset.done $0x0  }
0x8e: {  	s5 =	sadd.s32 $0x580, s4;
	[sflag:s0] =	ssyncadd.s32 $0xFFFFE000  }
0x8f: {  	[tilespmem:s17], [sflag:$0x2] =	stream.indirect.gather [hbm4b:s6+s15], $0x40, s5, s15, $0xb8;
	[tilespmem:$0x1E000] =	vst v63  }
0x90: {  	_ =	swait.ge [sflag:s18], $0x2000  }
0x91: {  	[sflag:s18] =	ssyncset.done $0x0  }
0x92: {  	s5 =	sadd.s32 $0x5400, s4;
	[sflag:s18] =	ssyncadd.s32 $0xFFFFE000  }
0x93: {  	[spmem:s2] =	stream.indirect.scatter.add.f32 [tilespmem:s21], [sflag:$0x9], $0x40, s5, s15, $0xb8;
	[tilespmem:$0x1E000] =	vst v63  }
0x94: {  	_ =	swait.ge [sflag:s23], $0x2000  }
0x95: {  	[sflag:s23] =	ssyncset.done $0x0  }
.Ltmp0:
0x96: {  	s5 =	sadd.s32 $0x600, s4;
	[sflag:s23] =	ssyncadd.s32 $0xFFFFE000;
	(pc) =	sbr.rel @p0 .LBB2_2-.Ltmp0, $4  }
0x97: {  	[tilespmem:s19], [sflag:$0x3] =	stream.indirect.gather [hbm4b:s6+s15], $0x40, s5, s15, $0xb8;
	[tilespmem:$0x1E000] =	vst v63  }
0x98: {  	_ =	swait.ge [sflag:s29], $0x2000  }
0x99: {  	[sflag:s29] =	ssyncset.done $0x0  }
0x9a: {  	s4 =	sadd.s32 $0x5480, s4;
	[sflag:s29] =	ssyncadd.s32 $0xFFFFE000  }
0x9b: {  	[spmem:s2] =	stream.indirect.scatter.add.f32 [tilespmem:s24], [sflag:$0xA], $0x40, s4, s15, $0xb8;
	[tilespmem:$0x1E000] =	vst v63  }
0x9c: {  	_ =	swait.ge [sflag:s1], $0x2000  }
0x9d: {  	s4 =	sshra.s32 s31, $0x2;
	[sflag:s1] =	ssyncset.done $0x0  }
0x9e: {  	s5 =	sadd.s32 $0x400, s4;
	[sflag:s1] =	ssyncadd.s32 $0xFFFFE000  }
0x9f: {  	[tilespmem:s21], [sflag:$0x4] =	stream.indirect.gather [hbm4b:s6+s15], $0x40, s5, s15, $0xb8;
	[tilespmem:$0x1E000] =	vst v63  }
0xa0: {  	_ =	swait.ge [sflag:s22], $0x2000  }
0xa1: {  	[sflag:s22] =	ssyncset.done $0x0  }
0xa2: {  	s31 =	sadd.s32 $0x5280, s4;
	[sflag:s22] =	ssyncadd.s32 $0xFFFFE000  }
0xa3: {  	[spmem:s2] =	stream.indirect.scatter.add.f32 [tilespmem:s16], [sflag:$0x6], $0x40, s31, s15, $0xb8;
	[tilespmem:$0x1E000] =	vst v63  }
0xa4: {  	_ =	swait.ge [sflag:s20], $0x2000  }
0xa5: {  	[sflag:s20] =	ssyncset.done $0x0  }
0xa6: {  	s31 =	simm.s32 $0x4F80;
	[sflag:s20] =	ssyncadd.s32 $0xFFFFE000  }
0xa7: {  	[tilespmem:s24], [sflag:$0x5] =	stream.indirect.gather [hbm4b:s6+s15], $0x40, s31, s15, $0xb8;
	[tilespmem:$0x1E000] =	vst v63  }
0xa8: {  	_ =	swait.ge [sflag:s25], $0x2000  }
0xa9: {  	[sflag:s25] =	ssyncset.done $0x0  }
0xaa: {  	s31 =	sadd.s32 $0x5300, s4;
	[sflag:s25] =	ssyncadd.s32 $0xFFFFE000  }
0xab: {  	[spmem:s2] =	stream.indirect.scatter.add.f32 [tilespmem:s17], [sflag:$0x7], $0x40, s31, s15, $0xb8;
	[tilespmem:$0x1E000] =	vst v63  }
0xac: {  	_ =	swait.ge [sflag:s30], $0x2000  }
0xad: {  	[sflag:s30] =	ssyncset.done $0x0  }
0xae: {  	s31 =	sadd.s32 $0x5380, s4;
	[sflag:s30] =	ssyncadd.s32 $0xFFFFE000  }
0xaf: {  	[spmem:s2] =	stream.indirect.scatter.add.f32 [tilespmem:s19], [sflag:$0x8], $0x40, s31, s15, $0xb8;
	[tilespmem:$0x1E000] =	vst v63  }
0xb0: {  	_ =	swait.ge [sflag:s18], $0x2000  }
0xb1: {  	[sflag:s18] =	ssyncset.done $0x0  }
0xb2: {  	s4 =	sadd.s32 $0x5400, s4;
	[sflag:s18] =	ssyncadd.s32 $0xFFFFE000  }
0xb3: {  	[spmem:s2] =	stream.indirect.scatter.add.f32 [tilespmem:s21], [sflag:$0x9], $0x40, s4, s15, $0xb8;
	[tilespmem:$0x1E000] =	vst v63  }
0xb4: {  	_ =	swait.ge [sflag:s29], $0x2000  }
0xb5: {  	[sflag:s29] =	ssyncset.done $0x0  }
0xb6: {  	s31 =	simm.s32 $0x9F80;
	[sflag:s29] =	ssyncadd.s32 $0xFFFFE000  }
0xb7: {  	[spmem:s2] =	stream.indirect.scatter.add.f32 [tilespmem:s24], [sflag:$0xA], $0x40, s31, s15, $0xb8;
	[tilespmem:$0x1E000] =	vst v63  }
0xb8: {  	_ =	swait.ge [sflag:s28], $0x2000  }
0xb9: {  	[sflag:s28] =	ssyncset.done $0x0  }
0xba: {  	[sflag:s28] =	ssyncadd.s32 $0xFFFFE000  }
0xbb: {  	_ =	swait.ge [sflag:s0], $0x2000  }
0xbc: {  	[sflag:s0] =	ssyncset.done $0x0  }
0xbd: {  	[sflag:s0] =	ssyncadd.s32 $0xFFFFE000  }
0xbe: {  	_ =	swait.ge [sflag:s23], $0x2000  }
0xbf: {  	[sflag:s23] =	ssyncset.done $0x0  }
0xc0: {  	[sflag:s23] =	ssyncadd.s32 $0xFFFFE000  }
0xc1: {  	_ =	swait.ge [sflag:s1], $0x2000  }
0xc2: {  	[sflag:s1] =	ssyncset.done $0x0  }
0xc3: {  	[sflag:s1] =	ssyncadd.s32 $0xFFFFE000  }
0xc4: {  	_ =	swait.ge [sflag:s20], $0x2000  }
0xc5: {  	s26 =	sadd.s32 $0x1, s26;
	[sflag:s20] =	ssyncset.done $0x0  }
0xc6: {  	p0 =	sne.s32 s26, s10;
	[sflag:s20] =	ssyncadd.s32 $0xFFFFE000  }
.Ltmp1:
0xc7: {  	[bflag:$0x0] =	sbarrier.arrive $0xFFFF;
	(pc) =	sbr.rel @p0 .LBB2_1-.Ltmp1, $4  }
0xc8: {  	[hbm:s9], [sflag:s8] =	dma.local [spmem:s12], $0x1400  }
0xc9: {  	_ =	swait.ge [sflag:s13], $0x1400  }
0xca: {  	[sflag:s13] =	ssyncset.done $0x0  }
0xcb: {  	[sflag:s13] =	ssyncadd.s32 $0xFFFFEC00  }
0xcc: {  	_ =	sfence.sel $0x180000  }
0xcd: {  	[bflag:$0x0] =	sbarrier.arrive $0xFFFF  }
0xce: {  	_ =	strace $0x9000004D  }
0xcf: {  	s0 =	stileid.u32;
	[bflag:$0x2] =	sbarrier.arrive $0xFFFF  }
0xd0: {  	p0 =	sne.s32 s0, $0x0;
	s0 =	rddreg [dreg:$0x2]  }
0xd1: {  	s0 =	sadd.s32 @!p0 $0x100000, s0  }
0xd2: {  	[sflag:s0] =	ssyncadd.tile.s32 @!p0 $0x1;
	_ =	shalt  }
.Lfunc_end2:
_tile_overlayer_lowered:
.L_overlay_start_2:
0xd3: {  	(tag) =	ssettag $0x2  }
0xd4: {  	s0 =	rddreg [dreg:$0x0];
	s2 =	stileid.u32  }
0xd5: {  	s1 =	rddreg [dreg:$0x1];
	p0 =	sne.s32 s2, $0x0  }
0xd6: {  	s3 =	rddreg [dreg:$0x2];
	[bflag:$0x3] =	sbarrier.arrive $0xFFFF;
	s2 =	simm.s32 @!p0 $0x1C0C  }
0xd7: {  	[timem:s3], [sflag:s2] =	dma.local @!p0 [hbm:s0], s1  }
0xd8: {  	s0 =	simm.s32 @!p0 $0xC  }
0xd9: {  	_ =	swait.ge @!p0 [sflag:s0], s1  }
0xda: {  	s1 =	ssub.s32 @!p0 $0x0, s1;
	[sflag:s0] =	ssyncset.done @!p0 $0x0  }
0xdb: {  	[sflag:s0] =	ssyncadd.s32 @!p0 s1  }
0xdc: {  	[bflag:$0x3] =	sbarrier.arrive $0xFFFF  }
0xdd: {  	_ =	shalt  }

// kernel: kernel.21.cloned.1.call-start
scs
__scs_entry_jumppad:
0x0: {  	(pc) =	sbr.rel $0x88, $3  }
0x1: {  	(tag) =	ssettag $0x0;
	lr =	simm.s32 $0x1  }
0x2: {  	[smem:$0x3F8C] =	sst lr;
	_ =	strace $0xD0000000  }
0x3: {  	_ = 	snop  }
0x4: {  	_ = 	snop  }
0x5: {  	_ = 	snop  }
0x6: {  	_ = 	snop  }
0x7: {  	_ = 	snop  }
__scs_overlays_trampoline_lowered:
0x8: {  	[smem:$0x3F9B] =	sst s0  }
0x9: {  	[smem:$0x3F9C] =	sst s1  }
0xa: {  	[smem:$0x3F9D] =	sst s2  }
0xb: {  	[smem:$0x3F9E] =	sst s3  }
0xc: {  	[smem:$0x3F9F] =	sst s4  }
0xd: {  	[smem:$0x3FA0] =	sst s5  }
0xe: {  	[smem:$0x3FA1] =	sst s6  }
0xf: {  	[smem:$0x3FA2] =	sst s7  }
0x10: {  	[smem:$0x3FA3] =	sst s8  }
0x11: {  	[smem:$0x3FA4] =	sst s9;
	s0 =	simm.s32 @!p0 $0x0  }
0x12: {  	s1 =	sld [smem:$0x3F8A];
	s0 =	simm.s32 @p0 $0x1  }
0x13: {  	[smem:$0x3FA5] =	sst s0;
	s0 =	simm.s32 @!p1 $0x0  }
0x14: {  	s2 =	sld [smem:$0x3F89];
	s0 =	simm.s32 @p1 $0x1  }
0x15: {  	[smem:$0x3FA6] =	sst s0;
	s0 =	simm.s32 @!p2 $0x0  }
0x16: {  	s3 =	sld [smem:$0x3FDB];
	s0 =	simm.s32 @p2 $0x1  }
0x17: {  	s4 =	simm.s32 $0x1BF5;
	[smem:$0x3FA8] =	sst s0  }
0x18: {  	s0 =	sld [smem:$0x3F8B];
	_ =	swait.ge [sflag:s4], $0x0  }
0x19: {  	s7 =	sld [smem:$0x3F8C]  }
0x1a: {  	s8 =	sadd.s32 $0xFFFFE003, lr  }
0x1b: {  	s9 =	sadd.s32 $0xFFFFFEF7, lr;
	s5 =	simm.s32 $0xFFFFFFFF;
	p2 =	slt.u32 s8, $0xFFFFF086  }
0x1c: {  	p1 =	slt.u32 s9, $0xF7A;
	s5 =	simm.s32 @!p2 $0x0  }
0x1d: {  	s5 =	simm.s32 @p1 $0x1;
	p0 =	seq.s32 s7, s2  }
0x1e: {  	s7 =	smul.u32 @!p0 $0xF7A, s2;
	p2 =	seq.s32 @!p0 s5, $0x0  }
0x1f: {  	s9 =	smul.u32 $0xF7A, s1;
	s8 =	simm.s32 @!p0 $0x1BF5;
	p2 =	por !p2, p0  }
0x20: {  	[sflag:s8] =	ssyncset.s32 @!p0 $0xFFFFF086;
	s6 =	sadd.s32 @!p0 s3, s7;
	s7 =	simm.s32 @!p0 $0x108  }
0x21: {  	s3 =	sadd.s32 s3, s9;
	s6 =	sadd.s32 @!p0 $0x88, s6;
	s7 =	simm.s32 @p2 $0x1082  }
0x22: {  	[simem:s7], [sflag:s8] =	dma.local @!p0 [hbm:s6], $0xF7A  }
0x23: {  	s9 =	sor.u32 $0xD0000000, s2;
	s6 =	simm.s32 $0x108;
	_ =	swait.ge @!p0 [sflag:s8], $0x0  }
0x24: {  	s3 =	sadd.s32 $0x88, s3;
	s6 =	simm.s32 @!p1 $0x1082;
	[sflag:s4] =	ssyncset.s32 $0xFFFFF086  }
0x25: {  	[simem:s6], [sflag:s4] =	dma.local [hbm:s3], $0xF7A  }
0x26: {  	[smem:$0x3F8C] =	sst s1;
	(tag) =	ssettag s2;
	_ =	strace s9  }
0x27: {  	s1 =	sld [smem:$0x3F9C]  }
0x28: {  	s2 =	sld [smem:$0x3F9D]  }
0x29: {  	s4 =	sld [smem:$0x3F9F]  }
0x2a: {  	p0 =	seq.s32 s5, $0x0;
	s5 =	sld [smem:$0x3FA0]  }
0x2b: {  	s6 =	sld [smem:$0x3FA1]  }
0x2c: {  	s7 =	sld [smem:$0x3FA2]  }
0x2d: {  	s3 =	simm.s32 $0x108;
	s8 =	sld [smem:$0x3FA3]  }
0x2e: {  	s3 =	simm.s32 @!p0 $0x1082;
	s9 =	sld [smem:$0x3FA4]  }
0x2f: {  	lr =	sadd.s32 s0, s3;
	s0 =	sld [smem:$0x3F9B]  }
0x30: {  	s3 =	sld [smem:$0x3F9E]  }
0x31: {  	[smem:$0x3FA7] =	sst s10  }
0x32: {  	s10 =	sld [smem:$0x3FA5];
	_ =	sdelay $0x3  }
0x33: {  	p0 =	seq.s32 s10, $0x1;
	s10 =	sld [smem:$0x3FA7];
	_ =	sdelay $0x3  }
0x34: {  	[smem:$0x3FA7] =	sst s10  }
0x35: {  	s10 =	sld [smem:$0x3FA6];
	_ =	sdelay $0x3  }
0x36: {  	p1 =	seq.s32 s10, $0x1;
	s10 =	sld [smem:$0x3FA7];
	_ =	sdelay $0x3  }
0x37: {  	[smem:$0x3FA7] =	sst s10  }
0x38: {  	s10 =	sld [smem:$0x3FA8]  }
0x39: {  	_ = 	snop;
	(pc) =	sbr.ind lr, $3  }
0x3a: {  	_ = 	snop  }
0x3b: {  	_ = 	snop  }
0x3c: {  	p2 =	seq.s32 s10, $0x1;
	s10 =	sld [smem:$0x3FA7]  }
0x3d: {  	_ =	shalt  }
0x3e: {  	_ =	shalt  }
0x3f: {  	_ =	shalt  }
0x40: {  	_ =	shalt  }
0x41: {  	_ =	shalt  }
0x42: {  	_ =	shalt  }
0x43: {  	_ =	shalt  }
0x44: {  	_ =	shalt  }
0x45: {  	_ =	shalt  }
0x46: {  	_ =	shalt  }
0x47: {  	_ =	shalt  }
0x48: {  	_ =	shalt  }
0x49: {  	_ =	shalt  }
0x4a: {  	_ =	shalt  }
0x4b: {  	_ =	shalt  }
0x4c: {  	_ =	shalt  }
0x4d: {  	_ =	shalt  }
0x4e: {  	_ =	shalt  }
0x4f: {  	_ =	shalt  }
0x50: {  	_ =	shalt  }
0x51: {  	_ =	shalt  }
0x52: {  	_ =	shalt  }
0x53: {  	_ =	shalt  }
0x54: {  	_ =	shalt  }
0x55: {  	_ =	shalt  }
0x56: {  	_ =	shalt  }
0x57: {  	_ =	shalt  }
0x58: {  	_ =	shalt  }
0x59: {  	_ =	shalt  }
0x5a: {  	_ =	shalt  }
0x5b: {  	_ =	shalt  }
0x5c: {  	_ =	shalt  }
0x5d: {  	_ =	shalt  }
0x5e: {  	_ =	shalt  }
0x5f: {  	_ =	shalt  }
0x60: {  	_ =	shalt  }
0x61: {  	_ =	shalt  }
0x62: {  	_ =	shalt  }
0x63: {  	_ =	shalt  }
0x64: {  	_ =	shalt  }
0x65: {  	_ =	shalt  }
0x66: {  	_ =	shalt  }
0x67: {  	_ =	shalt  }
0x68: {  	_ =	shalt  }
0x69: {  	_ =	shalt  }
0x6a: {  	_ =	shalt  }
0x6b: {  	_ =	shalt  }
0x6c: {  	_ =	shalt  }
0x6d: {  	_ =	shalt  }
0x6e: {  	_ =	shalt  }
0x6f: {  	_ =	shalt  }
0x70: {  	_ =	shalt  }
0x71: {  	_ =	shalt  }
0x72: {  	_ =	shalt  }
0x73: {  	_ =	shalt  }
0x74: {  	_ =	shalt  }
0x75: {  	_ =	shalt  }
0x76: {  	_ =	shalt  }
0x77: {  	_ =	shalt  }
0x78: {  	_ =	shalt  }
0x79: {  	_ =	shalt  }
0x7a: {  	_ =	shalt  }
0x7b: {  	_ =	shalt  }
0x7c: {  	_ =	shalt  }
0x7d: {  	_ =	shalt  }
0x7e: {  	_ =	shalt  }
0x7f: {  	_ =	shalt  }
0x80: {  	_ =	shalt  }
0x81: {  	_ =	shalt  }
0x82: {  	_ =	shalt  }
0x83: {  	_ =	shalt  }
0x84: {  	_ =	shalt  }
0x85: {  	_ =	shalt  }
0x86: {  	_ =	shalt  }
0x87: {  	_ =	shalt  }
.Lfunc_end0:
.L_simem_size_0:
called_computation.3_lowered:
.L_overlay_start_0:
0x88: {  	s2 =	sld [smem:$0x3FD9]  }
0x89: {  	s3 =	sld [smem:$0x3FFE];
	_ =	sdelay $0x1  }
0x8a: {  	s1 =	srdreg.scid  }
0x8b: {  	s0 =	sand.u32 $0x1, s1  }
0x8c: {  	s16 =	sshll.u32 s0, $0xA;
	s2 =	sadd.s32 s3, s2  }
0x8d: {  	s2 =	sadd.s32 s2, s16  }
0x8e: {  	[smem:$0x3FB3] =	sst s2  }
0x8f: {  	_ = 	snop  }
0x90: {  	(tm) =	ssettm $0x1  }
0x91: {  	s17 =	sld [smem:$0x3FFB];
	_ =	sdelay $0x3  }
0x92: {  	_ =	strace s17  }
0x93: {  	s2 =	sld [smem:$0x3FFC];
	_ =	sdelay $0x3  }
0x94: {  	_ =	strace s2  }
0x95: {  	s2 =	sld [smem:$0x3FFD];
	_ =	sdelay $0x3  }
0x96: {  	_ =	strace s2  }
0x97: {  	_ =	strace $0x8FFFFFFF  }
0x98: {  	s18 =	sld [smem:$0x3FDB];
	_ =	sdelay $0x1  }
0x99: {  	s19 =	simm.s32 $_scs_section_size  }
0x9a: {  	s4 =	simm.s32 $_size__tile_overlayer_lowered;
	s5 =	simm.s32 $_tile_overlayer_lowered  }
0x9b: {  	s22 =	simm.s32 $0x1BFF;
	s21 =	sshll.u32 s5, $0x1;
	s2 =	sadd.s32 s19, s18  }
0x9c: {  	s6 =	simm.s32 $0x0;
	s20 =	sshll.u32 s4, $0x1;
	s4 =	sadd.s32 s21, s2  }
0x9d: {  	[timem:s6], [sflag:s22] =	dma.local [hbm:s4], s20  }
0x9e: {  	_ =	swait.ge [sflag:s22], s20  }
0x9f: {  	s3 =	ssub.s32 $0x0, s20;
	[sflag:s22] =	ssyncset.done $0x0  }
0xa0: {  	[sflag:s22] =	ssyncadd.s32 s3;
	_ =	sdelay $0x1  }
0xa1: {  	s23 =	simm.s32 $0x1B8B  }
0xa2: {  	_ =	swait.ge [sflag:s23], $0x1  }
0xa3: {  	[sflag:s23] =	ssyncset.done $0x0  }
0xa4: {  	s25 =	simm.s32 $0x1B8E;
	s24 =	sld [smem:$0x3FFE];
	[sflag:s23] =	ssyncadd.s32 $0xFFFFFFFF  }
0xa5: {  	s26 =	simm.s32 $execute0_lowered;
	[smem:$0x3FD2] =	sst s25  }
0xa6: {  	s4 =	sshll.u32 s26, $0x1;
	_ =	strace $0x8000004F;
	[dreg:$0x1] =	wrdreg $0xFFFFFFFF  }
0xa7: {  	s28 =	simm.s32 $_size_execute0_lowered;
	s2 =	sadd.s32 s2, s4;
	[dreg:$0x0] =	wrdreg $0x0  }
0xa8: {  	s4 =	sshll.u32 s28, $0x1;
	[dreg:$0x2] =	wrdreg s2  }
0xa9: {  	[dreg:$0x3] =	wrdreg s4  }
0xaa: {  	[dreg:$0x4] =	wrdreg $0xC0  }
0xab: {  	_ =	task [dreg:s6], $0x5FFFF  }
0xac: {  	[dreg:$0x1] =	wrdreg $0xFFFFFFFF  }
0xad: {  	[dreg:$0x0] =	wrdreg $0x60  }
0xae: {  	[dreg:$0x2] =	wrdreg s24  }
0xaf: {  	[dreg:$0x3] =	wrdreg $0xF0000  }
0xb0: {  	[dreg:$0x4] =	wrdreg $0x9  }
0xb1: {  	_ =	task.clear_ibuf [dreg:s6], $0x5FFFF;
	_ =	strace $0x9000004F  }
0xb2: {  	s29 =	simm.s32 $0x9;
	_ =	strace $0x80000051  }
0xb3: {  	_ =	swait.ge [sflag:s29], $0x1  }
0xb4: {  	[sflag:s29] =	ssyncadd.s32 $0xFFFFFFFF  }
0xb5: {  	_ =	strace $0x90000051  }
0xb6: {  	_ =	sfence  }
0xb7: {  	s30 =	sld [smem:$0x0];
	_ =	sdelay $0x2  }
0xb8: {  	s31 =	sshll.u32 s1, $0xD;
	s1 =	sshrl.u32 s1, $0x2  }
0xb9: {  	s3 =	sand.u32 $0x4000, s31;
	s1 =	sadd.s32 s1, s30  }
0xba: {  	s0 =	sor.u32 s3, s0;
	s1 =	sshll.u32 s1, $0x11  }
0xbb: {  	s0 =	sor.u32 s1, s0  }
0xbc: {  	s0 =	sadd.s32 $0x8F2B, s0  }
0xbd: {  	[sflag:s0] =	ssyncadd.remote.s32 $0x1  }
0xbe: {  	_ =	sfence.sel $0xFFFF  }
0xbf: {  	[dreg:$0x0] =	wrdreg $0xFFFFFFFF;
	(pc) =	sbr.abs _section_cstart, $3  }
0xc0: {  	[dreg:$0x1] =	wrdreg $0xFFFFFFFF  }
0xc1: {  	_ =	task.clear_ibuf [dreg:s6], $0x2FFFF;
	_ =	strace $0x9FFFFFFF  }
0xc2: {  	(tm) =	ssettm $0x7FFFFFFF  }
0xc3: {  	_ =	shalt  }
tec
execute0_lowered:
.L_overlay_start_1:
0x0: {  	(tag) =	ssettag $0x1  }
0x1: {  	s0 =	srdreg.scid  }
0x2: {  	s1 =	rddreg [dreg:$0x0];
	s8 =	stileid.u32  }
0x3: {  	s2 =	rddreg [dreg:$0x1];
	s3 =	simm.s32 $0x0;
	s11 =	simm.s32 $0x5000  }
0x4: {  	s13 =	simm.s32 $0xC;
	s14 =	simm.s32 $0xB;
	s15 =	simm.s32 $0x80  }
0x5: {  	s16 =	simm.s32 $0xA000;
	s17 =	simm.s32 $0xB000;
	s19 =	simm.s32 $0xC000  }
0x6: {  	s21 =	simm.s32 $0xD000;
	s28 =	simm.s32 $0x6;
	s30 =	simm.s32 $0x3  }
0x7: {  	s18 =	simm.s32 $0x4;
	s29 =	simm.s32 $0x5;
	s20 =	simm.s32 $0xA  }
0x8: {  	s0 =	sand.u32 $0x1, s0;
	s7 =	smul.u32 $0x5000, s8;
	[smem:$0x7FF] =	sst s3  }
0x9: {  	s31 =	sshll.u32 s8, $0x6;
	s4 =	smul.u32 $0x50000, s0;
	s0 =	ssub.s32 $0x2, s0  }
0xa: {  	_ =	strace $0x80000050;
	s8 =	sor.u32 $0x1C0C, s31;
	s22 =	sshrl.u32 s0, $0x1  }
0xb: {  	s25 =	sshrl.u32 s7, $0x3;
	s26 =	sadd.s32 s7, s2;
	s5 =	sadd.s32 s7, s4  }
0xc: {  	s4 =	sshrl.u32 s4, $0x3;
	s0 =	ssub.s32 s0, s22;
	s12 =	sshrl.u32 s26, $0x3  }
0xd: {  	s22 =	simm.s32 $0x1;
	s26 =	simm.s32 $0x0;
	s5 =	sshrl.u32 s5, $0x3  }
0xe: {  	s10 =	smax.u32 s0, $0x1;
	s0 =	simm.s32 $0x9;
	s9 =	sadd.s32 s5, s1  }
0xf: {  	s1 =	sadd.s32 s4, s1;
	s23 =	sadd.s32 $0x77800, s9;
	s24 =	sadd.s32 $0x4600, s9  }
0x10: {  	s6 =	sadd.s32 $0x8B800, s1;
	s9 =	sadd.s32 $0x9F800, s9;
	[dreg:$0x3] =	wrdreg s23  }
0x11: {  	s1 =	simm.s32 $0x7;
	[dreg:$0x4] =	wrdreg s24;
	s7 =	sadd.s32 s25, s6  }
0x12: {  	s24 =	simm.s32 $0xE000;
	s25 =	simm.s32 $0x2;
	s23 =	simm.s32 $0x8  }
.LBB2_1:
0x13: {  	s4 =	rddreg [dreg:$0x3]  }
0x14: {  	[tilespmem:s3], [sflag:$0xB] =	stream.linear.gather [hbm4b:s4+s3], $0x5000, $0x38;
	[tilespmem:$0x14000] =	vst v63  }
0x15: {  	s5 =	rddreg [dreg:$0x4]  }
0x16: {  	[tilespmem:s11], [sflag:$0xB] =	stream.linear.gather [hbm4b:s5+s3], $0x5000, $0x38;
	[tilespmem:$0x14000] =	vst v63  }
0x17: {  	[spmem:s12], [sflag:s8] =	dma.local [hbm:s7], $0xA00  }
0x18: {  	_ =	swait.ge [sflag:s13], $0xA00  }
0x19: {  	[sflag:s13] =	ssyncset.done $0x0  }
0x1a: {  	[sflag:s13] =	ssyncadd.s32 $0xFFFFF600  }
0x1b: {  	_ =	swait.ge [sflag:s14], $0x5000  }
0x1c: {  	[sflag:s14] =	ssyncset.done $0x0  }
0x1d: {  	[sflag:s14] =	ssyncadd.s32 $0xFFFFB000  }
0x1e: {  	_ =	swait.ge [sflag:s14], $0x5000  }
0x1f: {  	[sflag:s14] =	ssyncset.done $0x0  }
0x20: {  	[sflag:s14] =	ssyncadd.s32 $0xFFFFB000  }
0x21: {  	[bflag:$0x0] =	sbarrier.arrive $0xFFFF  }
0x22: {  	[tilespmem:s16], [sflag:$0x1] =	stream.indirect.gather [hbm4b:s6+s15], $0x20, s3, s15, $0xb8;
	[tilespmem:$0x14000] =	vst v63  }
0x23: {  	_ = 	snop  }
0x24: {  	[tilespmem:s17], [sflag:$0x2] =	stream.indirect.gather [hbm4b:s6+s15], $0x20, s15, s15, $0xb8;
	[tilespmem:$0x14000] =	vst v63  }
0x25: {  	s5 =	simm.s32 $0x100  }
0x26: {  	[tilespmem:s19], [sflag:$0x3] =	stream.indirect.gather [hbm4b:s6+s15], $0x20, s5, s15, $0xb8;
	[tilespmem:$0x14000] =	vst v63  }
0x27: {  	s5 =	simm.s32 $0x180  }
0x28: {  	[tilespmem:s21], [sflag:$0x4] =	stream.indirect.gather [hbm4b:s6+s15], $0x20, s5, s15, $0xb8;
	[tilespmem:$0x14000] =	vst v63  }
0x29: {  	_ =	swait.ge [sflag:s22], $0x1000  }
0x2a: {  	[sflag:s22] =	ssyncset.done $0x0  }
0x2b: {  	[sflag:s22] =	ssyncadd.s32 $0xFFFFF000  }
0x2c: {  	[spmem:s2] =	stream.indirect.scatter.add.f32 [tilespmem:s16], [sflag:$0x6], $0x20, s11, s15, $0xb8;
	[tilespmem:$0x14000] =	vst v63  }
0x2d: {  	s5 =	simm.s32 $0x200  }
0x2e: {  	[tilespmem:s24], [sflag:$0x5] =	stream.indirect.gather [hbm4b:s6+s15], $0x20, s5, s15, $0xb8;
	[tilespmem:$0x14000] =	vst v63  }
0x2f: {  	_ =	swait.ge [sflag:s25], $0x1000  }
0x30: {  	[sflag:s25] =	ssyncset.done $0x0  }
0x31: {  	s5 =	simm.s32 $0x5080;
	[sflag:s25] =	ssyncadd.s32 $0xFFFFF000  }
0x32: {  	[spmem:s2] =	stream.indirect.scatter.add.f32 [tilespmem:s17], [sflag:$0x7], $0x20, s5, s15, $0xb8;
	[tilespmem:$0x14000] =	vst v63  }
0x33: {  	_ =	swait.ge [sflag:s28], $0x1000  }
0x34: {  	[sflag:s28] =	ssyncset.done $0x0  }
0x35: {  	s5 =	simm.s32 $0x280;
	[sflag:s28] =	ssyncadd.s32 $0xFFFFF000  }
0x36: {  	[tilespmem:s16], [sflag:$0x1] =	stream.indirect.gather [hbm4b:s6+s15], $0x20, s5, s15, $0xb8;
	[tilespmem:$0x14000] =	vst v63  }
0x37: {  	_ =	swait.ge [sflag:s30], $0x1000  }
0x38: {  	[sflag:s30] =	ssyncset.done $0x0  }
0x39: {  	s5 =	simm.s32 $0x5100;
	[sflag:s30] =	ssyncadd.s32 $0xFFFFF000  }
0x3a: {  	[spmem:s2] =	stream.indirect.scatter.add.f32 [tilespmem:s19], [sflag:$0x8], $0x20, s5, s15, $0xb8;
	[tilespmem:$0x14000] =	vst v63  }
0x3b: {  	_ =	swait.ge [sflag:s1], $0x1000  }
0x3c: {  	[sflag:s1] =	ssyncset.done $0x0  }
0x3d: {  	s5 =	simm.s32 $0x300;
	[sflag:s1] =	ssyncadd.s32 $0xFFFFF000  }
0x3e: {  	[tilespmem:s17], [sflag:$0x2] =	stream.indirect.gather [hbm4b:s6+s15], $0x20, s5, s15, $0xb8;
	[tilespmem:$0x14000] =	vst v63  }
0x3f: {  	_ =	swait.ge [sflag:s18], $0x1000  }
0x40: {  	[sflag:s18] =	ssyncset.done $0x0  }
0x41: {  	s5 =	simm.s32 $0x5180;
	[sflag:s18] =	ssyncadd.s32 $0xFFFFF000  }
0x42: {  	[spmem:s2] =	stream.indirect.scatter.add.f32 [tilespmem:s21], [sflag:$0x9], $0x20, s5, s15, $0xb8;
	[tilespmem:$0x14000] =	vst v63  }
0x43: {  	_ =	swait.ge [sflag:s23], $0x1000  }
0x44: {  	[sflag:s23] =	ssyncset.done $0x0  }
0x45: {  	s5 =	simm.s32 $0x380;
	[sflag:s23] =	ssyncadd.s32 $0xFFFFF000  }
0x46: {  	[tilespmem:s19], [sflag:$0x3] =	stream.indirect.gather [hbm4b:s6+s15], $0x20, s5, s15, $0xb8;
	[tilespmem:$0x14000] =	vst v63  }
0x47: {  	_ =	swait.ge [sflag:s29], $0x1000  }
0x48: {  	[sflag:s29] =	ssyncset.done $0x0  }
0x49: {  	s5 =	simm.s32 $0x5200;
	[sflag:s29] =	ssyncadd.s32 $0xFFFFF000  }
0x4a: {  	[spmem:s2] =	stream.indirect.scatter.add.f32 [tilespmem:s24], [sflag:$0xA], $0x20, s5, s15, $0xb8;
	[tilespmem:$0x14000] =	vst v63  }
0x4b: {  	_ =	swait.ge [sflag:s0], $0x1000  }
0x4c: {  	[sflag:s0] =	ssyncset.done $0x0  }
0x4d: {  	s5 =	simm.s32 $0x400;
	[sflag:s0] =	ssyncadd.s32 $0xFFFFF000  }
0x4e: {  	[tilespmem:s21], [sflag:$0x4] =	stream.indirect.gather [hbm4b:s6+s15], $0x20, s5, s15, $0xb8;
	[tilespmem:$0x14000] =	vst v63  }
0x4f: {  	_ =	swait.ge [sflag:s22], $0x1000  }
0x50: {  	[sflag:s22] =	ssyncset.done $0x0  }
0x51: {  	s5 =	simm.s32 $0x5280;
	[sflag:s22] =	ssyncadd.s32 $0xFFFFF000  }
0x52: {  	[spmem:s2] =	stream.indirect.scatter.add.f32 [tilespmem:s16], [sflag:$0x6], $0x20, s5, s15, $0xb8;
	[tilespmem:$0x14000] =	vst v63  }
0x53: {  	_ =	swait.ge [sflag:s20], $0x1000  }
0x54: {  	[sflag:s20] =	ssyncset.done $0x0  }
0x55: {  	s5 =	simm.s32 $0x480;
	[sflag:s20] =	ssyncadd.s32 $0xFFFFF000  }
0x56: {  	[tilespmem:s24], [sflag:$0x5] =	stream.indirect.gather [hbm4b:s6+s15], $0x20, s5, s15, $0xb8;
	[tilespmem:$0x14000] =	vst v63  }
0x57: {  	_ =	swait.ge [sflag:s25], $0x1000  }
0x58: {  	[sflag:s25] =	ssyncset.done $0x0  }
0x59: {  	s5 =	simm.s32 $0x5300;
	[sflag:s25] =	ssyncadd.s32 $0xFFFFF000  }
0x5a: {  	[spmem:s2] =	stream.indirect.scatter.add.f32 [tilespmem:s17], [sflag:$0x7], $0x20, s5, s15, $0xb8;
	[tilespmem:$0x14000] =	vst v63  }
0x5b: {  	_ =	swait.ge [sflag:s28], $0x1000  }
0x5c: {  	[sflag:s28] =	ssyncset.done $0x0  }
0x5d: {  	s5 =	simm.s32 $0x500;
	[sflag:s28] =	ssyncadd.s32 $0xFFFFF000  }
0x5e: {  	[tilespmem:s16], [sflag:$0x1] =	stream.indirect.gather [hbm4b:s6+s15], $0x20, s5, s15, $0xb8;
	[tilespmem:$0x14000] =	vst v63  }
0x5f: {  	_ =	swait.ge [sflag:s30], $0x1000  }
0x60: {  	[sflag:s30] =	ssyncset.done $0x0  }
0x61: {  	s5 =	simm.s32 $0x5380;
	[sflag:s30] =	ssyncadd.s32 $0xFFFFF000  }
0x62: {  	[spmem:s2] =	stream.indirect.scatter.add.f32 [tilespmem:s19], [sflag:$0x8], $0x20, s5, s15, $0xb8;
	[tilespmem:$0x14000] =	vst v63  }
0x63: {  	_ =	swait.ge [sflag:s1], $0x1000  }
0x64: {  	[sflag:s1] =	ssyncset.done $0x0  }
0x65: {  	s5 =	simm.s32 $0x580;
	[sflag:s1] =	ssyncadd.s32 $0xFFFFF000  }
0x66: {  	[tilespmem:s17], [sflag:$0x2] =	stream.indirect.gather [hbm4b:s6+s15], $0x20, s5, s15, $0xb8;
	[tilespmem:$0x14000] =	vst v63  }
0x67: {  	_ =	swait.ge [sflag:s18], $0x1000  }
0x68: {  	[sflag:s18] =	ssyncset.done $0x0  }
0x69: {  	s5 =	simm.s32 $0x5400;
	[sflag:s18] =	ssyncadd.s32 $0xFFFFF000  }
0x6a: {  	[spmem:s2] =	stream.indirect.scatter.add.f32 [tilespmem:s21], [sflag:$0x9], $0x20, s5, s15, $0xb8;
	[tilespmem:$0x14000] =	vst v63  }
0x6b: {  	_ =	swait.ge [sflag:s23], $0x1000  }
0x6c: {  	[sflag:s23] =	ssyncset.done $0x0  }
0x6d: {  	s5 =	simm.s32 $0x600;
	[sflag:s23] =	ssyncadd.s32 $0xFFFFF000  }
0x6e: {  	[tilespmem:s19], [sflag:$0x3] =	stream.indirect.gather [hbm4b:s6+s15], $0x20, s5, s15, $0xb8;
	[tilespmem:$0x14000] =	vst v63  }
0x6f: {  	_ =	swait.ge [sflag:s29], $0x1000  }
0x70: {  	[sflag:s29] =	ssyncset.done $0x0  }
0x71: {  	s31 =	simm.s32 $0xA00;
	s4 =	simm.s32 $0x5480;
	[sflag:s29] =	ssyncadd.s32 $0xFFFFF000  }
.LBB2_2:
0x72: {  	[spmem:s2] =	stream.indirect.scatter.add.f32 [tilespmem:s24], [sflag:$0xA], $0x20, s4, s15, $0xb8;
	[tilespmem:$0x14000] =	vst v63  }
0x73: {  	s4 =	smov.u32 s31;
	s31 =	sadd.s32 $0xA00, s31;
	_ =	swait.ge [sflag:s0], $0x1000  }
0x74: {  	s4 =	sshra.s32 s4, $0x2;
	p0 =	sne.s32 s31, $0x12C00;
	[sflag:s0] =	ssyncset.done $0x0  }
0x75: {  	s5 =	sadd.s32 $0x400, s4;
	[sflag:s0] =	ssyncadd.s32 $0xFFFFF000  }
0x76: {  	[tilespmem:s21], [sflag:$0x4] =	stream.indirect.gather [hbm4b:s6+s15], $0x20, s5, s15, $0xb8;
	[tilespmem:$0x14000] =	vst v63  }
0x77: {  	_ =	swait.ge [sflag:s22], $0x1000  }
0x78: {  	[sflag:s22] =	ssyncset.done $0x0  }
0x79: {  	s5 =	sadd.s32 $0x5280, s4;
	[sflag:s22] =	ssyncadd.s32 $0xFFFFF000  }
0x7a: {  	[spmem:s2] =	stream.indirect.scatter.add.f32 [tilespmem:s16], [sflag:$0x6], $0x20, s5, s15, $0xb8;
	[tilespmem:$0x14000] =	vst v63  }
0x7b: {  	_ =	swait.ge [sflag:s20], $0x1000  }
0x7c: {  	[sflag:s20] =	ssyncset.done $0x0  }
0x7d: {  	s5 =	sadd.s32 $0x480, s4;
	[sflag:s20] =	ssyncadd.s32 $0xFFFFF000  }
0x7e: {  	[tilespmem:s24], [sflag:$0x5] =	stream.indirect.gather [hbm4b:s6+s15], $0x20, s5, s15, $0xb8;
	[tilespmem:$0x14000] =	vst v63  }
0x7f: {  	_ =	swait.ge [sflag:s25], $0x1000  }
0x80: {  	[sflag:s25] =	ssyncset.done $0x0  }
0x81: {  	s5 =	sadd.s32 $0x5300, s4;
	[sflag:s25] =	ssyncadd.s32 $0xFFFFF000  }
0x82: {  	[spmem:s2] =	stream.indirect.scatter.add.f32 [tilespmem:s17], [sflag:$0x7], $0x20, s5, s15, $0xb8;
	[tilespmem:$0x14000] =	vst v63  }
0x83: {  	_ =	swait.ge [sflag:s28], $0x1000  }
0x84: {  	[sflag:s28] =	ssyncset.done $0x0  }
0x85: {  	s5 =	sadd.s32 $0x500, s4;
	[sflag:s28] =	ssyncadd.s32 $0xFFFFF000  }
0x86: {  	[tilespmem:s16], [sflag:$0x1] =	stream.indirect.gather [hbm4b:s6+s15], $0x20, s5, s15, $0xb8;
	[tilespmem:$0x14000] =	vst v63  }
0x87: {  	_ =	swait.ge [sflag:s30], $0x1000  }
0x88: {  	[sflag:s30] =	ssyncset.done $0x0  }
0x89: {  	s5 =	sadd.s32 $0x5380, s4;
	[sflag:s30] =	ssyncadd.s32 $0xFFFFF000  }
0x8a: {  	[spmem:s2] =	stream.indirect.scatter.add.f32 [tilespmem:s19], [sflag:$0x8], $0x20, s5, s15, $0xb8;
	[tilespmem:$0x14000] =	vst v63  }
0x8b: {  	_ =	swait.ge [sflag:s1], $0x1000  }
0x8c: {  	[sflag:s1] =	ssyncset.done $0x0  }
0x8d: {  	s5 =	sadd.s32 $0x580, s4;
	[sflag:s1] =	ssyncadd.s32 $0xFFFFF000  }
0x8e: {  	[tilespmem:s17], [sflag:$0x2] =	stream.indirect.gather [hbm4b:s6+s15], $0x20, s5, s15, $0xb8;
	[tilespmem:$0x14000] =	vst v63  }
0x8f: {  	_ =	swait.ge [sflag:s18], $0x1000  }
0x90: {  	[sflag:s18] =	ssyncset.done $0x0  }
0x91: {  	s5 =	sadd.s32 $0x5400, s4;
	[sflag:s18] =	ssyncadd.s32 $0xFFFFF000  }
0x92: {  	[spmem:s2] =	stream.indirect.scatter.add.f32 [tilespmem:s21], [sflag:$0x9], $0x20, s5, s15, $0xb8;
	[tilespmem:$0x14000] =	vst v63  }
0x93: {  	_ =	swait.ge [sflag:s23], $0x1000  }
0x94: {  	[sflag:s23] =	ssyncset.done $0x0  }
.Ltmp0:
0x95: {  	s5 =	sadd.s32 $0x600, s4;
	[sflag:s23] =	ssyncadd.s32 $0xFFFFF000;
	(pc) =	sbr.rel @p0 .LBB2_2-.Ltmp0, $4  }
0x96: {  	[tilespmem:s19], [sflag:$0x3] =	stream.indirect.gather [hbm4b:s6+s15], $0x20, s5, s15, $0xb8;
	[tilespmem:$0x14000] =	vst v63  }
0x97: {  	_ =	swait.ge [sflag:s29], $0x1000  }
0x98: {  	[sflag:s29] =	ssyncset.done $0x0  }
0x99: {  	s4 =	sadd.s32 $0x5480, s4;
	[sflag:s29] =	ssyncadd.s32 $0xFFFFF000  }
0x9a: {  	[spmem:s2] =	stream.indirect.scatter.add.f32 [tilespmem:s24], [sflag:$0xA], $0x20, s4, s15, $0xb8;
	[tilespmem:$0x14000] =	vst v63  }
0x9b: {  	_ =	swait.ge [sflag:s0], $0x1000  }
0x9c: {  	s4 =	sshra.s32 s31, $0x2;
	[sflag:s0] =	ssyncset.done $0x0  }
0x9d: {  	s5 =	sadd.s32 $0x400, s4;
	[sflag:s0] =	ssyncadd.s32 $0xFFFFF000  }
0x9e: {  	[tilespmem:s21], [sflag:$0x4] =	stream.indirect.gather [hbm4b:s6+s15], $0x20, s5, s15, $0xb8;
	[tilespmem:$0x14000] =	vst v63  }
0x9f: {  	_ =	swait.ge [sflag:s22], $0x1000  }
0xa0: {  	[sflag:s22] =	ssyncset.done $0x0  }
0xa1: {  	s31 =	sadd.s32 $0x5280, s4;
	[sflag:s22] =	ssyncadd.s32 $0xFFFFF000  }
0xa2: {  	[spmem:s2] =	stream.indirect.scatter.add.f32 [tilespmem:s16], [sflag:$0x6], $0x20, s31, s15, $0xb8;
	[tilespmem:$0x14000] =	vst v63  }
0xa3: {  	_ =	swait.ge [sflag:s20], $0x1000  }
0xa4: {  	[sflag:s20] =	ssyncset.done $0x0  }
0xa5: {  	s31 =	simm.s32 $0x4F80;
	[sflag:s20] =	ssyncadd.s32 $0xFFFFF000  }
0xa6: {  	[tilespmem:s24], [sflag:$0x5] =	stream.indirect.gather [hbm4b:s6+s15], $0x20, s31, s15, $0xb8;
	[tilespmem:$0x14000] =	vst v63  }
0xa7: {  	_ =	swait.ge [sflag:s25], $0x1000  }
0xa8: {  	[sflag:s25] =	ssyncset.done $0x0  }
0xa9: {  	s31 =	sadd.s32 $0x5300, s4;
	[sflag:s25] =	ssyncadd.s32 $0xFFFFF000  }
0xaa: {  	[spmem:s2] =	stream.indirect.scatter.add.f32 [tilespmem:s17], [sflag:$0x7], $0x20, s31, s15, $0xb8;
	[tilespmem:$0x14000] =	vst v63  }
0xab: {  	_ =	swait.ge [sflag:s30], $0x1000  }
0xac: {  	[sflag:s30] =	ssyncset.done $0x0  }
0xad: {  	s31 =	sadd.s32 $0x5380, s4;
	[sflag:s30] =	ssyncadd.s32 $0xFFFFF000  }
0xae: {  	[spmem:s2] =	stream.indirect.scatter.add.f32 [tilespmem:s19], [sflag:$0x8], $0x20, s31, s15, $0xb8;
	[tilespmem:$0x14000] =	vst v63  }
0xaf: {  	_ =	swait.ge [sflag:s18], $0x1000  }
0xb0: {  	[sflag:s18] =	ssyncset.done $0x0  }
0xb1: {  	s4 =	sadd.s32 $0x5400, s4;
	[sflag:s18] =	ssyncadd.s32 $0xFFFFF000  }
0xb2: {  	[spmem:s2] =	stream.indirect.scatter.add.f32 [tilespmem:s21], [sflag:$0x9], $0x20, s4, s15, $0xb8;
	[tilespmem:$0x14000] =	vst v63  }
0xb3: {  	_ =	swait.ge [sflag:s29], $0x1000  }
0xb4: {  	[sflag:s29] =	ssyncset.done $0x0  }
0xb5: {  	s31 =	simm.s32 $0x9F80;
	[sflag:s29] =	ssyncadd.s32 $0xFFFFF000  }
0xb6: {  	[spmem:s2] =	stream.indirect.scatter.add.f32 [tilespmem:s24], [sflag:$0xA], $0x20, s31, s15, $0xb8;
	[tilespmem:$0x14000] =	vst v63  }
0xb7: {  	_ =	swait.ge [sflag:s28], $0x1000  }
0xb8: {  	[sflag:s28] =	ssyncset.done $0x0  }
0xb9: {  	[sflag:s28] =	ssyncadd.s32 $0xFFFFF000  }
0xba: {  	_ =	swait.ge [sflag:s1], $0x1000  }
0xbb: {  	[sflag:s1] =	ssyncset.done $0x0  }
0xbc: {  	[sflag:s1] =	ssyncadd.s32 $0xFFFFF000  }
0xbd: {  	_ =	swait.ge [sflag:s23], $0x1000  }
0xbe: {  	[sflag:s23] =	ssyncset.done $0x0  }
0xbf: {  	[sflag:s23] =	ssyncadd.s32 $0xFFFFF000  }
0xc0: {  	_ =	swait.ge [sflag:s0], $0x1000  }
0xc1: {  	[sflag:s0] =	ssyncset.done $0x0  }
0xc2: {  	[sflag:s0] =	ssyncadd.s32 $0xFFFFF000  }
0xc3: {  	_ =	swait.ge [sflag:s20], $0x1000  }
0xc4: {  	s26 =	sadd.s32 $0x1, s26;
	[sflag:s20] =	ssyncset.done $0x0  }
0xc5: {  	p0 =	sne.s32 s26, s10;
	[sflag:s20] =	ssyncadd.s32 $0xFFFFF000  }
.Ltmp1:
0xc6: {  	[bflag:$0x0] =	sbarrier.arrive $0xFFFF;
	(pc) =	sbr.rel @p0 .LBB2_1-.Ltmp1, $4  }
0xc7: {  	[hbm:s9], [sflag:s8] =	dma.local [spmem:s12], $0xA00  }
0xc8: {  	_ =	swait.ge [sflag:s13], $0xA00  }
0xc9: {  	[sflag:s13] =	ssyncset.done $0x0  }
0xca: {  	[sflag:s13] =	ssyncadd.s32 $0xFFFFF600  }
0xcb: {  	_ =	sfence.sel $0x180000  }
0xcc: {  	[bflag:$0x0] =	sbarrier.arrive $0xFFFF  }
0xcd: {  	_ =	strace $0x90000050  }
0xce: {  	s0 =	stileid.u32;
	[bflag:$0x2] =	sbarrier.arrive $0xFFFF  }
0xcf: {  	p0 =	sne.s32 s0, $0x0;
	s0 =	rddreg [dreg:$0x2]  }
0xd0: {  	s0 =	sadd.s32 @!p0 $0x100000, s0  }
0xd1: {  	[sflag:s0] =	ssyncadd.tile.s32 @!p0 $0x1;
	_ =	shalt  }
.Lfunc_end2:
_tile_overlayer_lowered:
.L_overlay_start_2:
0xd2: {  	(tag) =	ssettag $0x2  }
0xd3: {  	s0 =	rddreg [dreg:$0x0];
	s2 =	stileid.u32  }
0xd4: {  	s1 =	rddreg [dreg:$0x1];
	p0 =	sne.s32 s2, $0x0  }
0xd5: {  	s3 =	rddreg [dreg:$0x2];
	[bflag:$0x3] =	sbarrier.arrive $0xFFFF;
	s2 =	simm.s32 @!p0 $0x1C0C  }
0xd6: {  	[timem:s3], [sflag:s2] =	dma.local @!p0 [hbm:s0], s1  }
0xd7: {  	s0 =	simm.s32 @!p0 $0xC  }
0xd8: {  	_ =	swait.ge @!p0 [sflag:s0], s1  }
0xd9: {  	s1 =	ssub.s32 @!p0 $0x0, s1;
	[sflag:s0] =	ssyncset.done @!p0 $0x0  }
0xda: {  	[sflag:s0] =	ssyncadd.s32 @!p0 s1  }
0xdb: {  	[bflag:$0x3] =	sbarrier.arrive $0xFFFF  }
0xdc: {  	_ =	shalt  }

</sc_bundles>
